<compile_context>
chip_gen: v7x
topology: tpu7x:2x2x1
jax: 0.10.2.dev20260603
libtpu: 0.0.44.dev20260713+nightly
codegen_flags: <defaults>
</compile_context>

<pallas_src>
import functools

import jax
import jax.numpy as jnp
from jax import lax
from jax.experimental import pallas as pl
from jax.experimental.pallas import tpu as pltpu
from jax.experimental.pallas import tpu_sc as plsc

_NC = 2
_NS = 16
_NW = _NC * _NS

_LN2 = 0.6931471805599453


def _vlog(x):
    bits = lax.bitcast_convert_type(x, jnp.int32)
    e = (bits >> 23) - 127
    m = lax.bitcast_convert_type((bits & 0x7FFFFF) | 0x3F800000, jnp.float32)
    t = (m - 1.0) / (m + 1.0)
    t2 = t * t
    p = 2.0 * t * (1.0 + t2 * (1.0 / 3.0 + t2 * (0.2 + t2 * (1.0 / 7.0))))
    return e.astype(jnp.float32) * _LN2 + p


def _make_sc_kernel(B, C, D, V):
    assert B % _NW == 0 and D % 16 == 0 and 16 < C <= 32
    bpw = B // _NW
    CB = 8
    ROWS = CB * C
    H = ROWS // 2
    nchunks = bpw // CB
    npairs = nchunks // 2
    assert bpw % CB == 0 and ROWS % 2 == 0 and H <= 128 and H % 8 == 0
    assert nchunks % 2 == 0
    KD = D // 16

    mesh = plsc.VectorSubcoreMesh(core_axis_name="c", subcore_axis_name="s",
                                  num_cores=_NC, num_subcores=_NS)

    @functools.partial(
        pl.kernel,
        out_type=jax.ShapeDtypeStruct((B * C,), jnp.float32),
        mesh=mesh,
        compiler_params=pltpu.CompilerParams(needs_layout_passes=False),
        scratch_types=[
            pltpu.VMEM((bpw,), jnp.int32),
            pltpu.VMEM((H,), jnp.int32),
            pltpu.VMEM((H,), jnp.int32),
            pltpu.VMEM((H,), jnp.int32),
            pltpu.VMEM((H,), jnp.int32),
            pltpu.VMEM((bpw, D), jnp.float32),
            pltpu.VMEM((ROWS, D), jnp.float32),
            pltpu.VMEM((ROWS, D), jnp.float32),
            pltpu.VMEM((bpw * C,), jnp.float32),
            pltpu.VMEM((16 * 21 + 16,), jnp.float32),
            pltpu.SemaphoreType.DMA,
            pltpu.SemaphoreType.DMA,
            pltpu.SemaphoreType.DMA,
            pltpu.SemaphoreType.DMA,
            pltpu.SemaphoreType.DMA,
        ],
    )
    def sc_kernel(cen_hbm, ctx_hbm, w_in, w_out, out_hbm,
                  cenidx, ia_lo, ia_hi, ib_lo, ib_hi, cen_rows, ctx_a, ctx_b,
                  out_local, stg, sem_a, sem_b, sem_ia, sem_ib, sem_c):
        wid = lax.axis_index("s") * _NC + lax.axis_index("c")
        base = wid * bpw

        pltpu.sync_copy(cen_hbm.at[pl.ds(base, bpw)], cenidx)
        cen_copy = pltpu.async_copy(w_in.at[cenidx], cen_rows, sem_c)

        def idx_copy(ch, lo, hi, sem):
            off = base * C + ch * ROWS
            pltpu.async_copy(ctx_hbm.at[pl.ds(off, H)], lo, sem)
            pltpu.async_copy(ctx_hbm.at[pl.ds(off + H, H)], hi, sem)

        def wait_idx(lo, hi, sem):
            pltpu.make_async_copy(ctx_hbm.at[pl.ds(0, H)], lo, sem).wait()
            pltpu.make_async_copy(ctx_hbm.at[pl.ds(0, H)], hi, sem).wait()

        def start_gather(lo, hi, buf, sem):
            pltpu.async_copy(w_out.at[lo], buf.at[pl.ds(0, H)], sem)
            pltpu.async_copy(w_out.at[hi], buf.at[pl.ds(H, H)], sem)

        def wait_gather(lo, buf, sem):
            pltpu.make_async_copy(w_out.at[lo], buf.at[pl.ds(0, H)], sem).wait()
            pltpu.make_async_copy(w_out.at[lo], buf.at[pl.ds(H, H)], sem).wait()

        lane = lax.iota(jnp.int32, 16)
        lane_masks = [lane == c for c in range(16)]
        low_half = lane < 8

        def _tree(p):
            while len(p) > 1:
                q = [p[i] + p[i + 1] for i in range(0, len(p) - 1, 2)]
                if len(p) % 2:
                    q.append(p[-1])
                p = q
            return p[0]

        def compute_chunk(buf, ch, half):
            @pl.loop(0, CB)
            def _b(b):
                bb = ch * CB + b
                cen = [cen_rows[bb, pl.ds(k * 16, 16)] for k in range(KD)]
                x0 = jnp.full((16,), 0.0, jnp.float32)
                x1 = jnp.full((16,), 0.0, jnp.float32)
                for c in range(0, C, 2):
                    r = b * C + c
                    pa = _tree([buf[r, pl.ds(k * 16, 16)] * cen[k]
                                for k in range(KD)])
                    pb = _tree([buf[r + 1, pl.ds(k * 16, 16)] * cen[k]
                                for k in range(KD)])
                    ra = pa + lax.rev(pa, (0,))
                    rb = pb + lax.rev(pb, (0,))
                    sc = plsc.cumsum(jnp.where(low_half, ra, rb))
                    da = sc[7]
                    db = sc[15] - da
                    if c < 16:
                        x0 = jnp.where(lane_masks[c], da, x0)
                    else:
                        x1 = jnp.where(lane_masks[c - 16], da, x1)
                    if c + 1 < 16:
                        x0 = jnp.where(lane_masks[c + 1], db, x0)
                    else:
                        x1 = jnp.where(lane_masks[c + 1 - 16], db, x1)
                s0 = (half * CB + b) * 21
                stg[pl.ds(s0, 16)] = x0
                stg[pl.ds(s0 + 16, 16)] = x1

        lane21 = lane * 21

        def softmax_pair(p):
            vs = [plsc.load_gather(stg, [lane21 + c]) for c in range(C)]
            s = _tree([jnp.exp(v) for v in vs])
            ln_s = _vlog(s)
            pos = (p * 16 + lane) * C
            for c in range(C):
                plsc.store_scatter(out_local, [pos + c], vs[c] - ln_s)

        pltpu.sync_copy(ctx_hbm.at[pl.ds(base * C, H)], ia_lo)
        pltpu.sync_copy(ctx_hbm.at[pl.ds(base * C + H, H)], ia_hi)
        start_gather(ia_lo, ia_hi, ctx_a, sem_a)
        idx_copy(1, ib_lo, ib_hi, sem_ib)
        cen_copy.wait()

        @pl.loop(0, npairs)
        def _p(p):
            ch0 = p * 2
            not_last = p < npairs - 1

            wait_idx(ib_lo, ib_hi, sem_ib)
            start_gather(ib_lo, ib_hi, ctx_b, sem_b)

            wait_gather(ia_lo, ctx_a, sem_a)

            @pl.when(not_last)
            def _():
                idx_copy(ch0 + 2, ia_lo, ia_hi, sem_ia)

            compute_chunk(ctx_a, ch0, 0)

            @pl.when(not_last)
            def _():
                wait_idx(ia_lo, ia_hi, sem_ia)
                start_gather(ia_lo, ia_hi, ctx_a, sem_a)

            wait_gather(ib_lo, ctx_b, sem_b)

            @pl.when(not_last)
            def _():
                idx_copy(ch0 + 3, ib_lo, ib_hi, sem_ib)

            compute_chunk(ctx_b, ch0 + 1, 1)
            softmax_pair(p)

        pltpu.sync_copy(out_local.at[pl.ds(0, bpw * C)],
                        out_hbm.at[pl.ds(base * C, bpw * C)])

    return sc_kernel


def kernel(center, context, W_in, W_out):
    B, C = context.shape
    V, D = W_in.shape
    cen = center.astype(jnp.int32)
    ctx_flat = context.astype(jnp.int32).reshape(-1)
    out_flat = _make_sc_kernel(B, C, D, V)(cen, ctx_flat, W_in, W_out)
    return out_flat.reshape(B, C)

# --- scband reference (transcript-rebuilt; emitter-appended) ---
"""Pipeline reference for scband-skip-gram-54133767799498 (READ-ONLY COPY).

The authoritative reference and input builder live on the scoring server;
editing this copy changes nothing except your own understanding.
"""

import jax, jax.numpy as jnp
import numpy as np

VOCAB = 100000
DIM = 128
BATCH = 4096
CTX = 20

def setup_inputs(seed: int = 0) -> dict:
    key = jax.random.key(seed)
    k1, k2, k3, k4 = jax.random.split(key, 4)
    center = jax.random.randint(k1, (BATCH,), 0, VOCAB, dtype=jnp.int64 if jax.config.jax_enable_x64 else jnp.int32)
    context = jax.random.randint(k2, (BATCH, CTX), 0, VOCAB, dtype=jnp.int64 if jax.config.jax_enable_x64 else jnp.int32)
    bound = 0.5 / DIM
    W_in = jnp.concatenate([
        jnp.zeros((1, DIM), dtype=jnp.float32),
        jax.random.uniform(k3, (VOCAB - 1, DIM), minval=-bound, maxval=bound, dtype=jnp.float32),
    ], axis=0)
    W_out = jnp.concatenate([
        jnp.zeros((1, DIM), dtype=jnp.float32),
        jax.random.uniform(k4, (VOCAB - 1, DIM), minval=-bound, maxval=bound, dtype=jnp.float32),
    ], axis=0)
    return {"center": center, "context": context, "W_in": W_in, "W_out": W_out}

def reference(center, context, W_in, W_out):
    # center: [B], context: [B, C]
    context_size = context.shape[1]
    center_vectors = jnp.take(W_in, center, axis=0)          # [B, D]
    context_vectors = jnp.take(W_out, context, axis=0)       # [B, C, D]
    # torch.bmm([B,C,D], [B,D,1]).squeeze() -> [B, C]
    predictions = jnp.einsum('bcd,bd->bc', context_vectors, center_vectors)
    predictions = jax.nn.softmax(predictions, axis=1)
    predictions = jnp.log(predictions).reshape(-1, context_size)
    return predictions

if __name__ == "__main__":
    import jax
    _d = setup_inputs()
    print(jax.jit(kernel)(*tuple(_d.values())))

</pallas_src>

<mosaic_0001>
#map = affine_map<(d0, d1) -> (0)>
#map1 = affine_map<(d0, d1) -> (0, 0)>
module attributes {stable_mosaic.version = 14 : i64} {
  func.func @sc_kernel(%arg0: i32, %arg1: i32, %arg2: memref<4096xi32, #tpu.memory_space<hbm>>, %arg3: memref<81920xi32, #tpu.memory_space<hbm>>, %arg4: memref<100000x128xf32, #tpu.memory_space<hbm>>, %arg5: memref<100000x128xf32, #tpu.memory_space<hbm>>, %arg6: memref<81920xf32, #tpu.memory_space<hbm>>, %arg7: memref<128xi32, #tpu.memory_space<vmem>>, %arg8: memref<80xi32, #tpu.memory_space<vmem>>, %arg9: memref<80xi32, #tpu.memory_space<vmem>>, %arg10: memref<80xi32, #tpu.memory_space<vmem>>, %arg11: memref<80xi32, #tpu.memory_space<vmem>>, %arg12: memref<128x128xf32, #tpu.memory_space<vmem>>, %arg13: memref<160x128xf32, #tpu.memory_space<vmem>>, %arg14: memref<160x128xf32, #tpu.memory_space<vmem>>, %arg15: memref<2560xf32, #tpu.memory_space<vmem>>, %arg16: memref<352xf32, #tpu.memory_space<vmem>>, %arg17: memref<!tpu.dma_semaphore, #tpu.memory_space<semaphore_mem>>, %arg18: memref<!tpu.dma_semaphore, #tpu.memory_space<semaphore_mem>>, %arg19: memref<!tpu.dma_semaphore, #tpu.memory_space<semaphore_mem>>, %arg20: memref<!tpu.dma_semaphore, #tpu.memory_space<semaphore_mem>>, %arg21: memref<!tpu.dma_semaphore, #tpu.memory_space<semaphore_mem>>) attributes {dimension_semantics = [#tpu.dimension_semantics<core_parallel>, #tpu.dimension_semantics<subcore_parallel>], iteration_bounds = array<i64: 2, 16>, scalar_prefetch = 0 : i64, scratch_operands = 15 : i64, tpu.core_type = #tpu.core_type<sc_vector_subcore>, window_params = [{transform_indices = #map}, {transform_indices = #map}, {transform_indices = #map1}, {transform_indices = #map1}, {transform_indices = #map}]} {
    %mul3A = arith.constant 2 : i32
    %mul3A_0 = arith.muli %arg1, %mul3A : i32
    %add3A = arith.addi %mul3A_0, %arg0 : i32
    %mul3A_1 = arith.constant 128 : i32
    %mul3A_2 = arith.muli %add3A, %mul3A_1 : i32
    "tpu.region"() ({
      %run_scoped3A = tpu.sem_alloc : memref<!tpu.dma_semaphore, #tpu.memory_space<semaphore_mem>>
      %dma_start3A_93 = tpu.memref_slice %arg2[%mul3A_2] : memref<4096xi32, #tpu.memory_space<hbm>> -> memref<128xi32, #tpu.memory_space<hbm>>
      %dma_start3A_94 = tpu.memref_slice %arg2[%mul3A_2] : memref<4096xi32, #tpu.memory_space<hbm>> -> memref<128xi32, #tpu.memory_space<hbm>>
      tpu.enqueue_dma source(%dma_start3A_94 : memref<128xi32, #tpu.memory_space<hbm>>) target(%arg7 : memref<128xi32, #tpu.memory_space<vmem>>) target_semaphore(%run_scoped3A : memref<!tpu.dma_semaphore, #tpu.memory_space<semaphore_mem>>)
      %dma_wait3A_95 = tpu.memref_slice %arg2[%mul3A_2] : memref<4096xi32, #tpu.memory_space<hbm>> -> memref<128xi32, #tpu.memory_space<hbm>>
      %dma_wait3A_96 = tpu.memref_slice %arg2[%mul3A_2] : memref<4096xi32, #tpu.memory_space<hbm>> -> memref<128xi32, #tpu.memory_space<hbm>>
      tpu.wait_dma2 semaphore(%run_scoped3A : memref<!tpu.dma_semaphore, #tpu.memory_space<semaphore_mem>>) src(%dma_wait3A_96 : memref<128xi32, #tpu.memory_space<hbm>>) dst(%arg7 : memref<128xi32, #tpu.memory_space<vmem>>)
      tpu.yield
    }) : () -> ()
    %dma_start3A = arith.constant 0 : i32
    %dma_start3A_3 = arith.constant 0 : i32
    %dma_start3A_4 = tpu.memref_slice %arg4[%dma_start3A, %dma_start3A_3] : memref<100000x128xf32, #tpu.memory_space<hbm>> -> memref<100000x128xf32, #tpu.memory_space<hbm>>
    tpu.enqueue_indirect_dma source(%dma_start3A_4 : memref<100000x128xf32, #tpu.memory_space<hbm>>) target(%arg12 : memref<128x128xf32, #tpu.memory_space<vmem>>) offsets(%arg7 : memref<128xi32, #tpu.memory_space<vmem>>) semaphore(%arg21 : memref<!tpu.dma_semaphore, #tpu.memory_space<semaphore_mem>>)
    %iota3A = tpu.iota {dimensions = array<i32: 0>} : vector<16xi32>
    %eq3A = arith.constant 0 : i32
    %eq3A_5 = vector.broadcast %eq3A : i32 to vector<16xi32>
    %eq3A_6 = arith.cmpi eq, %iota3A, %eq3A_5 : vector<16xi32>
    %eq3A_7 = arith.constant 1 : i32
    %eq3A_8 = vector.broadcast %eq3A_7 : i32 to vector<16xi32>
    %eq3A_9 = arith.cmpi eq, %iota3A, %eq3A_8 : vector<16xi32>
    %eq3A_10 = arith.constant 2 : i32
    %eq3A_11 = vector.broadcast %eq3A_10 : i32 to vector<16xi32>
    %eq3A_12 = arith.cmpi eq, %iota3A, %eq3A_11 : vector<16xi32>
    %eq3A_13 = arith.constant 3 : i32
    %eq3A_14 = vector.broadcast %eq3A_13 : i32 to vector<16xi32>
    %eq3A_15 = arith.cmpi eq, %iota3A, %eq3A_14 : vector<16xi32>
    %eq3A_16 = arith.constant 4 : i32
    %eq3A_17 = vector.broadcast %eq3A_16 : i32 to vector<16xi32>
    %eq3A_18 = arith.cmpi eq, %iota3A, %eq3A_17 : vector<16xi32>
    %eq3A_19 = arith.constant 5 : i32
    %eq3A_20 = vector.broadcast %eq3A_19 : i32 to vector<16xi32>
    %eq3A_21 = arith.cmpi eq, %iota3A, %eq3A_20 : vector<16xi32>
    %eq3A_22 = arith.constant 6 : i32
    %eq3A_23 = vector.broadcast %eq3A_22 : i32 to vector<16xi32>
    %eq3A_24 = arith.cmpi eq, %iota3A, %eq3A_23 : vector<16xi32>
    %eq3A_25 = arith.constant 7 : i32
    %eq3A_26 = vector.broadcast %eq3A_25 : i32 to vector<16xi32>
    %eq3A_27 = arith.cmpi eq, %iota3A, %eq3A_26 : vector<16xi32>
    %eq3A_28 = arith.constant 8 : i32
    %eq3A_29 = vector.broadcast %eq3A_28 : i32 to vector<16xi32>
    %eq3A_30 = arith.cmpi eq, %iota3A, %eq3A_29 : vector<16xi32>
    %eq3A_31 = arith.constant 9 : i32
    %eq3A_32 = vector.broadcast %eq3A_31 : i32 to vector<16xi32>
    %eq3A_33 = arith.cmpi eq, %iota3A, %eq3A_32 : vector<16xi32>
    %eq3A_34 = arith.constant 10 : i32
    %eq3A_35 = vector.broadcast %eq3A_34 : i32 to vector<16xi32>
    %eq3A_36 = arith.cmpi eq, %iota3A, %eq3A_35 : vector<16xi32>
    %eq3A_37 = arith.constant 11 : i32
    %eq3A_38 = vector.broadcast %eq3A_37 : i32 to vector<16xi32>
    %eq3A_39 = arith.cmpi eq, %iota3A, %eq3A_38 : vector<16xi32>
    %eq3A_40 = arith.constant 12 : i32
    %eq3A_41 = vector.broadcast %eq3A_40 : i32 to vector<16xi32>
    %eq3A_42 = arith.cmpi eq, %iota3A, %eq3A_41 : vector<16xi32>
    %eq3A_43 = arith.constant 13 : i32
    %eq3A_44 = vector.broadcast %eq3A_43 : i32 to vector<16xi32>
    %eq3A_45 = arith.cmpi eq, %iota3A, %eq3A_44 : vector<16xi32>
    %eq3A_46 = arith.constant 14 : i32
    %eq3A_47 = vector.broadcast %eq3A_46 : i32 to vector<16xi32>
    %eq3A_48 = arith.cmpi eq, %iota3A, %eq3A_47 : vector<16xi32>
    %eq3A_49 = arith.constant 15 : i32
    %eq3A_50 = vector.broadcast %eq3A_49 : i32 to vector<16xi32>
    %eq3A_51 = arith.cmpi eq, %iota3A, %eq3A_50 : vector<16xi32>
    %lt3A = arith.constant 8 : i32
    %lt3A_52 = vector.broadcast %lt3A : i32 to vector<16xi32>
    %lt3A_53 = arith.cmpi slt, %iota3A, %lt3A_52 : vector<16xi32>
    %mul3A_54 = arith.constant 21 : i32
    %mul3A_55 = vector.broadcast %mul3A_54 : i32 to vector<16xi32>
    %mul3A_56 = arith.muli %iota3A, %mul3A_55 : vector<16xi32>
    %mul3A_57 = arith.constant 20 : i32
    %mul3A_58 = arith.muli %mul3A_2, %mul3A_57 : i32
    "tpu.region"() ({
      %run_scoped3A = tpu.sem_alloc : memref<!tpu.dma_semaphore, #tpu.memory_space<semaphore_mem>>
      %dma_start3A_93 = tpu.memref_slice %arg3[%mul3A_58] : memref<81920xi32, #tpu.memory_space<hbm>> -> memref<80xi32, #tpu.memory_space<hbm>>
      %dma_start3A_94 = tpu.memref_slice %arg3[%mul3A_58] : memref<81920xi32, #tpu.memory_space<hbm>> -> memref<80xi32, #tpu.memory_space<hbm>>
      tpu.enqueue_dma source(%dma_start3A_94 : memref<80xi32, #tpu.memory_space<hbm>>) target(%arg8 : memref<80xi32, #tpu.memory_space<vmem>>) target_semaphore(%run_scoped3A : memref<!tpu.dma_semaphore, #tpu.memory_space<semaphore_mem>>)
      %dma_wait3A_95 = tpu.memref_slice %arg3[%mul3A_58] : memref<81920xi32, #tpu.memory_space<hbm>> -> memref<80xi32, #tpu.memory_space<hbm>>
      %dma_wait3A_96 = tpu.memref_slice %arg3[%mul3A_58] : memref<81920xi32, #tpu.memory_space<hbm>> -> memref<80xi32, #tpu.memory_space<hbm>>
      tpu.wait_dma2 semaphore(%run_scoped3A : memref<!tpu.dma_semaphore, #tpu.memory_space<semaphore_mem>>) src(%dma_wait3A_96 : memref<80xi32, #tpu.memory_space<hbm>>) dst(%arg8 : memref<80xi32, #tpu.memory_space<vmem>>)
      tpu.yield
    }) : () -> ()
    %mul3A_59 = arith.constant 20 : i32
    %mul3A_60 = arith.muli %mul3A_2, %mul3A_59 : i32
    %add3A_61 = arith.constant 80 : i32
    %add3A_62 = arith.addi %mul3A_60, %add3A_61 : i32
    "tpu.region"() ({
      %run_scoped3A = tpu.sem_alloc : memref<!tpu.dma_semaphore, #tpu.memory_space<semaphore_mem>>
      %dma_start3A_93 = tpu.memref_slice %arg3[%add3A_62] : memref<81920xi32, #tpu.memory_space<hbm>> -> memref<80xi32, #tpu.memory_space<hbm>>
      %dma_start3A_94 = tpu.memref_slice %arg3[%add3A_62] : memref<81920xi32, #tpu.memory_space<hbm>> -> memref<80xi32, #tpu.memory_space<hbm>>
      tpu.enqueue_dma source(%dma_start3A_94 : memref<80xi32, #tpu.memory_space<hbm>>) target(%arg9 : memref<80xi32, #tpu.memory_space<vmem>>) target_semaphore(%run_scoped3A : memref<!tpu.dma_semaphore, #tpu.memory_space<semaphore_mem>>)
      %dma_wait3A_95 = tpu.memref_slice %arg3[%add3A_62] : memref<81920xi32, #tpu.memory_space<hbm>> -> memref<80xi32, #tpu.memory_space<hbm>>
      %dma_wait3A_96 = tpu.memref_slice %arg3[%add3A_62] : memref<81920xi32, #tpu.memory_space<hbm>> -> memref<80xi32, #tpu.memory_space<hbm>>
      tpu.wait_dma2 semaphore(%run_scoped3A : memref<!tpu.dma_semaphore, #tpu.memory_space<semaphore_mem>>) src(%dma_wait3A_96 : memref<80xi32, #tpu.memory_space<hbm>>) dst(%arg9 : memref<80xi32, #tpu.memory_space<vmem>>)
      tpu.yield
    }) : () -> ()
    %dma_start3A_63 = arith.constant 0 : i32
    %dma_start3A_64 = arith.constant 0 : i32
    %dma_start3A_65 = tpu.memref_slice %arg13[%dma_start3A_63, %dma_start3A_64] : memref<160x128xf32, #tpu.memory_space<vmem>> -> memref<80x128xf32, #tpu.memory_space<vmem>>
    %dma_start3A_66 = arith.constant 0 : i32
    %dma_start3A_67 = arith.constant 0 : i32
    %dma_start3A_68 = tpu.memref_slice %arg5[%dma_start3A_66, %dma_start3A_67] : memref<100000x128xf32, #tpu.memory_space<hbm>> -> memref<100000x128xf32, #tpu.memory_space<hbm>>
    tpu.enqueue_indirect_dma source(%dma_start3A_68 : memref<100000x128xf32, #tpu.memory_space<hbm>>) target(%dma_start3A_65 : memref<80x128xf32, #tpu.memory_space<vmem>>) offsets(%arg8 : memref<80xi32, #tpu.memory_space<vmem>>) semaphore(%arg17 : memref<!tpu.dma_semaphore, #tpu.memory_space<semaphore_mem>>)
    %dma_start3A_69 = arith.constant 80 : i32
    %dma_start3A_70 = arith.constant 0 : i32
    %dma_start3A_71 = tpu.memref_slice %arg13[%dma_start3A_69, %dma_start3A_70] : memref<160x128xf32, #tpu.memory_space<vmem>> -> memref<80x128xf32, #tpu.memory_space<vmem>>
    %dma_start3A_72 = arith.constant 0 : i32
    %dma_start3A_73 = arith.constant 0 : i32
    %dma_start3A_74 = tpu.memref_slice %arg5[%dma_start3A_72, %dma_start3A_73] : memref<100000x128xf32, #tpu.memory_space<hbm>> -> memref<100000x128xf32, #tpu.memory_space<hbm>>
    tpu.enqueue_indirect_dma source(%dma_start3A_74 : memref<100000x128xf32, #tpu.memory_space<hbm>>) target(%dma_start3A_71 : memref<80x128xf32, #tpu.memory_space<vmem>>) offsets(%arg9 : memref<80xi32, #tpu.memory_space<vmem>>) semaphore(%arg17 : memref<!tpu.dma_semaphore, #tpu.memory_space<semaphore_mem>>)
    %mul3A_75 = arith.constant 20 : i32
    %mul3A_76 = arith.muli %mul3A_2, %mul3A_75 : i32
    %add3A_77 = arith.constant 160 : i32
    %add3A_78 = arith.addi %mul3A_76, %add3A_77 : i32
    %dma_start3A_79 = tpu.memref_slice %arg3[%add3A_78] : memref<81920xi32, #tpu.memory_space<hbm>> -> memref<80xi32, #tpu.memory_space<hbm>>
    %dma_start3A_80 = tpu.memref_slice %arg3[%add3A_78] : memref<81920xi32, #tpu.memory_space<hbm>> -> memref<80xi32, #tpu.memory_space<hbm>>
    tpu.enqueue_dma source(%dma_start3A_80 : memref<80xi32, #tpu.memory_space<hbm>>) target(%arg10 : memref<80xi32, #tpu.memory_space<vmem>>) target_semaphore(%arg20 : memref<!tpu.dma_semaphore, #tpu.memory_space<semaphore_mem>>)
    %add3A_81 = arith.constant 80 : i32
    %add3A_82 = arith.addi %add3A_78, %add3A_81 : i32
    %dma_start3A_83 = tpu.memref_slice %arg3[%add3A_82] : memref<81920xi32, #tpu.memory_space<hbm>> -> memref<80xi32, #tpu.memory_space<hbm>>
    %dma_start3A_84 = tpu.memref_slice %arg3[%add3A_82] : memref<81920xi32, #tpu.memory_space<hbm>> -> memref<80xi32, #tpu.memory_space<hbm>>
    tpu.enqueue_dma source(%dma_start3A_84 : memref<80xi32, #tpu.memory_space<hbm>>) target(%arg11 : memref<80xi32, #tpu.memory_space<vmem>>) target_semaphore(%arg20 : memref<!tpu.dma_semaphore, #tpu.memory_space<semaphore_mem>>)
    %dma_wait3A = arith.constant 0 : i32
    %dma_wait3A_85 = arith.constant 0 : i32
    %dma_wait3A_86 = tpu.memref_slice %arg4[%dma_wait3A, %dma_wait3A_85] : memref<100000x128xf32, #tpu.memory_space<hbm>> -> memref<100000x128xf32, #tpu.memory_space<hbm>>
    tpu.wait_indirect_dma semaphore(%arg21 : memref<!tpu.dma_semaphore, #tpu.memory_space<semaphore_mem>>) src(%dma_wait3A_86 : memref<100000x128xf32, #tpu.memory_space<hbm>>) dst(%arg12 : memref<128x128xf32, #tpu.memory_space<vmem>>)
    %scan3A = arith.constant 0 : i32
    %scan3A_87 = arith.constant 8 : i32
    %scan3A_88 = arith.addi %scan3A, %scan3A_87 : i32
    %scan3A_89 = arith.constant 1 : i32
    scf.for %scan3A_93 = %scan3A to %scan3A_88 step %scan3A_89  : i32 {
      %mul3A_94 = arith.constant 1 : i32
      %mul3A_95 = arith.muli %scan3A_93, %mul3A_94 : i32
      %add3A_96 = arith.constant 0 : i32
      %add3A_97 = arith.addi %add3A_96, %mul3A_95 : i32
      %mul3A_98 = arith.constant 2 : i32
      %mul3A_99 = arith.muli %add3A_97, %mul3A_98 : i32
      %lt3A_100 = arith.constant 7 : i32
      %lt3A_101 = arith.cmpi slt, %add3A_97, %lt3A_100 : i32
      %dma_wait3A_102 = arith.constant 0 : i32
      %dma_wait3A_103 = tpu.memref_slice %arg3[%dma_wait3A_102] : memref<81920xi32, #tpu.memory_space<hbm>> -> memref<80xi32, #tpu.memory_space<hbm>>
      %dma_wait3A_104 = arith.constant 0 : i32
      %dma_wait3A_105 = tpu.memref_slice %arg3[%dma_wait3A_104] : memref<81920xi32, #tpu.memory_space<hbm>> -> memref<80xi32, #tpu.memory_space<hbm>>
      tpu.wait_dma2 semaphore(%arg20 : memref<!tpu.dma_semaphore, #tpu.memory_space<semaphore_mem>>) src(%dma_wait3A_105 : memref<80xi32, #tpu.memory_space<hbm>>) dst(%arg10 : memref<80xi32, #tpu.memory_space<vmem>>)
      %dma_wait3A_106 = arith.constant 0 : i32
      %dma_wait3A_107 = tpu.memref_slice %arg3[%dma_wait3A_106] : memref<81920xi32, #tpu.memory_space<hbm>> -> memref<80xi32, #tpu.memory_space<hbm>>
      %dma_wait3A_108 = arith.constant 0 : i32
      %dma_wait3A_109 = tpu.memref_slice %arg3[%dma_wait3A_108] : memref<81920xi32, #tpu.memory_space<hbm>> -> memref<80xi32, #tpu.memory_space<hbm>>
      tpu.wait_dma2 semaphore(%arg20 : memref<!tpu.dma_semaphore, #tpu.memory_space<semaphore_mem>>) src(%dma_wait3A_109 : memref<80xi32, #tpu.memory_space<hbm>>) dst(%arg11 : memref<80xi32, #tpu.memory_space<vmem>>)
      %dma_start3A_110 = arith.constant 0 : i32
      %dma_start3A_111 = arith.constant 0 : i32
      %dma_start3A_112 = tpu.memref_slice %arg14[%dma_start3A_110, %dma_start3A_111] : memref<160x128xf32, #tpu.memory_space<vmem>> -> memref<80x128xf32, #tpu.memory_space<vmem>>
      %dma_start3A_113 = arith.constant 0 : i32
      %dma_start3A_114 = arith.constant 0 : i32
      %dma_start3A_115 = tpu.memref_slice %arg5[%dma_start3A_113, %dma_start3A_114] : memref<100000x128xf32, #tpu.memory_space<hbm>> -> memref<100000x128xf32, #tpu.memory_space<hbm>>
      tpu.enqueue_indirect_dma source(%dma_start3A_115 : memref<100000x128xf32, #tpu.memory_space<hbm>>) target(%dma_start3A_112 : memref<80x128xf32, #tpu.memory_space<vmem>>) offsets(%arg10 : memref<80xi32, #tpu.memory_space<vmem>>) semaphore(%arg18 : memref<!tpu.dma_semaphore, #tpu.memory_space<semaphore_mem>>)
      %dma_start3A_116 = arith.constant 80 : i32
      %dma_start3A_117 = arith.constant 0 : i32
      %dma_start3A_118 = tpu.memref_slice %arg14[%dma_start3A_116, %dma_start3A_117] : memref<160x128xf32, #tpu.memory_space<vmem>> -> memref<80x128xf32, #tpu.memory_space<vmem>>
      %dma_start3A_119 = arith.constant 0 : i32
      %dma_start3A_120 = arith.constant 0 : i32
      %dma_start3A_121 = tpu.memref_slice %arg5[%dma_start3A_119, %dma_start3A_120] : memref<100000x128xf32, #tpu.memory_space<hbm>> -> memref<100000x128xf32, #tpu.memory_space<hbm>>
      tpu.enqueue_indirect_dma source(%dma_start3A_121 : memref<100000x128xf32, #tpu.memory_space<hbm>>) target(%dma_start3A_118 : memref<80x128xf32, #tpu.memory_space<vmem>>) offsets(%arg11 : memref<80xi32, #tpu.memory_space<vmem>>) semaphore(%arg18 : memref<!tpu.dma_semaphore, #tpu.memory_space<semaphore_mem>>)
      %dma_wait3A_122 = arith.constant 0 : i32
      %dma_wait3A_123 = arith.constant 0 : i32
      %dma_wait3A_124 = tpu.memref_slice %arg13[%dma_wait3A_122, %dma_wait3A_123] : memref<160x128xf32, #tpu.memory_space<vmem>> -> memref<80x128xf32, #tpu.memory_space<vmem>>
      %dma_wait3A_125 = arith.constant 0 : i32
      %dma_wait3A_126 = arith.constant 0 : i32
      %dma_wait3A_127 = tpu.memref_slice %arg5[%dma_wait3A_125, %dma_wait3A_126] : memref<100000x128xf32, #tpu.memory_space<hbm>> -> memref<100000x128xf32, #tpu.memory_space<hbm>>
      tpu.wait_indirect_dma semaphore(%arg17 : memref<!tpu.dma_semaphore, #tpu.memory_space<semaphore_mem>>) src(%dma_wait3A_127 : memref<100000x128xf32, #tpu.memory_space<hbm>>) dst(%dma_wait3A_124 : memref<80x128xf32, #tpu.memory_space<vmem>>)
      %dma_wait3A_128 = arith.constant 80 : i32
      %dma_wait3A_129 = arith.constant 0 : i32
      %dma_wait3A_130 = tpu.memref_slice %arg13[%dma_wait3A_128, %dma_wait3A_129] : memref<160x128xf32, #tpu.memory_space<vmem>> -> memref<80x128xf32, #tpu.memory_space<vmem>>
      %dma_wait3A_131 = arith.constant 0 : i32
      %dma_wait3A_132 = arith.constant 0 : i32
      %dma_wait3A_133 = tpu.memref_slice %arg5[%dma_wait3A_131, %dma_wait3A_132] : memref<100000x128xf32, #tpu.memory_space<hbm>> -> memref<100000x128xf32, #tpu.memory_space<hbm>>
      tpu.wait_indirect_dma semaphore(%arg17 : memref<!tpu.dma_semaphore, #tpu.memory_space<semaphore_mem>>) src(%dma_wait3A_133 : memref<100000x128xf32, #tpu.memory_space<hbm>>) dst(%dma_wait3A_130 : memref<80x128xf32, #tpu.memory_space<vmem>>)
      %convert_element_type3A = arith.extui %lt3A_101 : i1 to i32
      %cond3A = arith.constant 0 : i32
      %cond3A_134 = arith.cmpi ne, %convert_element_type3A, %cond3A : i32
      scf.if %cond3A_134 {
        %add3A_408 = arith.constant 2 : i32
        %add3A_409 = arith.addi %mul3A_99, %add3A_408 : i32
        %mul3A_410 = arith.constant 20 : i32
        %mul3A_411 = arith.muli %mul3A_2, %mul3A_410 : i32
        %mul3A_412 = arith.constant 160 : i32
        %mul3A_413 = arith.muli %add3A_409, %mul3A_412 : i32
        %add3A_414 = arith.addi %mul3A_411, %mul3A_413 : i32
        %dma_start3A_415 = tpu.memref_slice %arg3[%add3A_414] : memref<81920xi32, #tpu.memory_space<hbm>> -> memref<80xi32, #tpu.memory_space<hbm>>
        %dma_start3A_416 = tpu.memref_slice %arg3[%add3A_414] : memref<81920xi32, #tpu.memory_space<hbm>> -> memref<80xi32, #tpu.memory_space<hbm>>
        tpu.enqueue_dma source(%dma_start3A_416 : memref<80xi32, #tpu.memory_space<hbm>>) target(%arg8 : memref<80xi32, #tpu.memory_space<vmem>>) target_semaphore(%arg19 : memref<!tpu.dma_semaphore, #tpu.memory_space<semaphore_mem>>)
        %add3A_417 = arith.constant 80 : i32
        %add3A_418 = arith.addi %add3A_414, %add3A_417 : i32
        %dma_start3A_419 = tpu.memref_slice %arg3[%add3A_418] : memref<81920xi32, #tpu.memory_space<hbm>> -> memref<80xi32, #tpu.memory_space<hbm>>
        %dma_start3A_420 = tpu.memref_slice %arg3[%add3A_418] : memref<81920xi32, #tpu.memory_space<hbm>> -> memref<80xi32, #tpu.memory_space<hbm>>
        tpu.enqueue_dma source(%dma_start3A_420 : memref<80xi32, #tpu.memory_space<hbm>>) target(%arg9 : memref<80xi32, #tpu.memory_space<vmem>>) target_semaphore(%arg19 : memref<!tpu.dma_semaphore, #tpu.memory_space<semaphore_mem>>)
      } else {
      }
      %scan3A_135 = arith.constant 0 : i32
      %scan3A_136 = arith.constant 8 : i32
      %scan3A_137 = arith.addi %scan3A_135, %scan3A_136 : i32
      %scan3A_138 = arith.constant 1 : i32
      scf.for %scan3A_408 = %scan3A_135 to %scan3A_137 step %scan3A_138  : i32 {
        %mul3A_409 = arith.constant 1 : i32
        %mul3A_410 = arith.muli %scan3A_408, %mul3A_409 : i32
        %add3A_411 = arith.constant 0 : i32
        %add3A_412 = arith.addi %add3A_411, %mul3A_410 : i32
        %mul3A_413 = arith.constant 8 : i32
        %mul3A_414 = arith.muli %mul3A_99, %mul3A_413 : i32
        %add3A_415 = arith.addi %mul3A_414, %add3A_412 : i32
        %get3A = arith.index_cast %add3A_415 : i32 to index
        %get3A_416 = arith.constant 0 : index
        %get3A_417 = tpu.vector_load %arg12[%get3A, %get3A_416] {strides = array<i32>} : memref<128x128xf32, #tpu.memory_space<vmem>>, vector<16xf32>,
        %get3A_418 = arith.index_cast %add3A_415 : i32 to index
        %get3A_419 = arith.constant 16 : index
        %get3A_420 = tpu.vector_load %arg12[%get3A_418, %get3A_419] {strides = array<i32>} : memref<128x128xf32, #tpu.memory_space<vmem>>, vector<16xf32>,
        %get3A_421 = arith.index_cast %add3A_415 : i32 to index
        %get3A_422 = arith.constant 32 : index
        %get3A_423 = tpu.vector_load %arg12[%get3A_421, %get3A_422] {strides = array<i32>} : memref<128x128xf32, #tpu.memory_space<vmem>>, vector<16xf32>,
        %get3A_424 = arith.index_cast %add3A_415 : i32 to index
        %get3A_425 = arith.constant 48 : index
        %get3A_426 = tpu.vector_load %arg12[%get3A_424, %get3A_425] {strides = array<i32>} : memref<128x128xf32, #tpu.memory_space<vmem>>, vector<16xf32>,
        %get3A_427 = arith.index_cast %add3A_415 : i32 to index
        %get3A_428 = arith.constant 64 : index
        %get3A_429 = tpu.vector_load %arg12[%get3A_427, %get3A_428] {strides = array<i32>} : memref<128x128xf32, #tpu.memory_space<vmem>>, vector<16xf32>,
        %get3A_430 = arith.index_cast %add3A_415 : i32 to index
        %get3A_431 = arith.constant 80 : index
        %get3A_432 = tpu.vector_load %arg12[%get3A_430, %get3A_431] {strides = array<i32>} : memref<128x128xf32, #tpu.memory_space<vmem>>, vector<16xf32>,
        %get3A_433 = arith.index_cast %add3A_415 : i32 to index
        %get3A_434 = arith.constant 96 : index
        %get3A_435 = tpu.vector_load %arg12[%get3A_433, %get3A_434] {strides = array<i32>} : memref<128x128xf32, #tpu.memory_space<vmem>>, vector<16xf32>,
        %get3A_436 = arith.index_cast %add3A_415 : i32 to index
        %get3A_437 = arith.constant 112 : index
        %get3A_438 = tpu.vector_load %arg12[%get3A_436, %get3A_437] {strides = array<i32>} : memref<128x128xf32, #tpu.memory_space<vmem>>, vector<16xf32>,
        %broadcast_in_dim3A = arith.constant 0.000000e+00 : f32
        %broadcast_in_dim3A_439 = vector.broadcast %broadcast_in_dim3A : f32 to vector<16xf32>
        %broadcast_in_dim3A_440 = arith.constant 0.000000e+00 : f32
        %broadcast_in_dim3A_441 = vector.broadcast %broadcast_in_dim3A_440 : f32 to vector<16xf32>
        %mul3A_442 = arith.constant 20 : i32
        %mul3A_443 = arith.muli %add3A_412, %mul3A_442 : i32
        %add3A_444 = arith.constant 0 : i32
        %add3A_445 = arith.addi %mul3A_443, %add3A_444 : i32
        %get3A_446 = arith.index_cast %add3A_445 : i32 to index
        %get3A_447 = arith.constant 0 : index
        %get3A_448 = tpu.vector_load %arg13[%get3A_446, %get3A_447] {strides = array<i32>} : memref<160x128xf32, #tpu.memory_space<vmem>>, vector<16xf32>,
        %mul3A_449 = arith.mulf %get3A_448, %get3A_417 : vector<16xf32>
        %get3A_450 = arith.index_cast %add3A_445 : i32 to index
        %get3A_451 = arith.constant 16 : index
        %get3A_452 = tpu.vector_load %arg13[%get3A_450, %get3A_451] {strides = array<i32>} : memref<160x128xf32, #tpu.memory_space<vmem>>, vector<16xf32>,
        %mul3A_453 = arith.mulf %get3A_452, %get3A_420 : vector<16xf32>
        %get3A_454 = arith.index_cast %add3A_445 : i32 to index
        %get3A_455 = arith.constant 32 : index
        %get3A_456 = tpu.vector_load %arg13[%get3A_454, %get3A_455] {strides = array<i32>} : memref<160x128xf32, #tpu.memory_space<vmem>>, vector<16xf32>,
        %mul3A_457 = arith.mulf %get3A_456, %get3A_423 : vector<16xf32>
        %get3A_458 = arith.index_cast %add3A_445 : i32 to index
        %get3A_459 = arith.constant 48 : index
        %get3A_460 = tpu.vector_load %arg13[%get3A_458, %get3A_459] {strides = array<i32>} : memref<160x128xf32, #tpu.memory_space<vmem>>, vector<16xf32>,
        %mul3A_461 = arith.mulf %get3A_460, %get3A_426 : vector<16xf32>
        %get3A_462 = arith.index_cast %add3A_445 : i32 to index
        %get3A_463 = arith.constant 64 : index
        %get3A_464 = tpu.vector_load %arg13[%get3A_462, %get3A_463] {strides = array<i32>} : memref<160x128xf32, #tpu.memory_space<vmem>>, vector<16xf32>,
        %mul3A_465 = arith.mulf %get3A_464, %get3A_429 : vector<16xf32>
        %get3A_466 = arith.index_cast %add3A_445 : i32 to index
        %get3A_467 = arith.constant 80 : index
        %get3A_468 = tpu.vector_load %arg13[%get3A_466, %get3A_467] {strides = array<i32>} : memref<160x128xf32, #tpu.memory_space<vmem>>, vector<16xf32>,
        %mul3A_469 = arith.mulf %get3A_468, %get3A_432 : vector<16xf32>
        %get3A_470 = arith.index_cast %add3A_445 : i32 to index
        %get3A_471 = arith.constant 96 : index
        %get3A_472 = tpu.vector_load %arg13[%get3A_470, %get3A_471] {strides = array<i32>} : memref<160x128xf32, #tpu.memory_space<vmem>>, vector<16xf32>,
        %mul3A_473 = arith.mulf %get3A_472, %get3A_435 : vector<16xf32>
        %get3A_474 = arith.index_cast %add3A_445 : i32 to index
        %get3A_475 = arith.constant 112 : index
        %get3A_476 = tpu.vector_load %arg13[%get3A_474, %get3A_475] {strides = array<i32>} : memref<160x128xf32, #tpu.memory_space<vmem>>, vector<16xf32>,
        %mul3A_477 = arith.mulf %get3A_476, %get3A_438 : vector<16xf32>
        %add3A_478 = arith.addf %mul3A_449, %mul3A_453 : vector<16xf32>
        %add3A_479 = arith.addf %mul3A_457, %mul3A_461 : vector<16xf32>
        %add3A_480 = arith.addf %mul3A_465, %mul3A_469 : vector<16xf32>
        %add3A_481 = arith.addf %mul3A_473, %mul3A_477 : vector<16xf32>
        %add3A_482 = arith.addf %add3A_478, %add3A_479 : vector<16xf32>
        %add3A_483 = arith.addf %add3A_480, %add3A_481 : vector<16xf32>
        %add3A_484 = arith.addf %add3A_482, %add3A_483 : vector<16xf32>
        %add3A_485 = arith.constant 1 : i32
        %add3A_486 = arith.addi %add3A_445, %add3A_485 : i32
        %get3A_487 = arith.index_cast %add3A_486 : i32 to index
        %get3A_488 = arith.constant 0 : index
        %get3A_489 = tpu.vector_load %arg13[%get3A_487, %get3A_488] {strides = array<i32>} : memref<160x128xf32, #tpu.memory_space<vmem>>, vector<16xf32>,
        %mul3A_490 = arith.mulf %get3A_489, %get3A_417 : vector<16xf32>
        %add3A_491 = arith.constant 1 : i32
        %add3A_492 = arith.addi %add3A_445, %add3A_491 : i32
        %get3A_493 = arith.index_cast %add3A_492 : i32 to index
        %get3A_494 = arith.constant 16 : index
        %get3A_495 = tpu.vector_load %arg13[%get3A_493, %get3A_494] {strides = array<i32>} : memref<160x128xf32, #tpu.memory_space<vmem>>, vector<16xf32>,
        %mul3A_496 = arith.mulf %get3A_495, %get3A_420 : vector<16xf32>
        %add3A_497 = arith.constant 1 : i32
        %add3A_498 = arith.addi %add3A_445, %add3A_497 : i32
        %get3A_499 = arith.index_cast %add3A_498 : i32 to index
        %get3A_500 = arith.constant 32 : index
        %get3A_501 = tpu.vector_load %arg13[%get3A_499, %get3A_500] {strides = array<i32>} : memref<160x128xf32, #tpu.memory_space<vmem>>, vector<16xf32>,
        %mul3A_502 = arith.mulf %get3A_501, %get3A_423 : vector<16xf32>
        %add3A_503 = arith.constant 1 : i32
        %add3A_504 = arith.addi %add3A_445, %add3A_503 : i32
        %get3A_505 = arith.index_cast %add3A_504 : i32 to index
        %get3A_506 = arith.constant 48 : index
        %get3A_507 = tpu.vector_load %arg13[%get3A_505, %get3A_506] {strides = array<i32>} : memref<160x128xf32, #tpu.memory_space<vmem>>, vector<16xf32>,
        %mul3A_508 = arith.mulf %get3A_507, %get3A_426 : vector<16xf32>
        %add3A_509 = arith.constant 1 : i32
        %add3A_510 = arith.addi %add3A_445, %add3A_509 : i32
        %get3A_511 = arith.index_cast %add3A_510 : i32 to index
        %get3A_512 = arith.constant 64 : index
        %get3A_513 = tpu.vector_load %arg13[%get3A_511, %get3A_512] {strides = array<i32>} : memref<160x128xf32, #tpu.memory_space<vmem>>, vector<16xf32>,
        %mul3A_514 = arith.mulf %get3A_513, %get3A_429 : vector<16xf32>
        %add3A_515 = arith.constant 1 : i32
        %add3A_516 = arith.addi %add3A_445, %add3A_515 : i32
        %get3A_517 = arith.index_cast %add3A_516 : i32 to index
        %get3A_518 = arith.constant 80 : index
        %get3A_519 = tpu.vector_load %arg13[%get3A_517, %get3A_518] {strides = array<i32>} : memref<160x128xf32, #tpu.memory_space<vmem>>, vector<16xf32>,
        %mul3A_520 = arith.mulf %get3A_519, %get3A_432 : vector<16xf32>
        %add3A_521 = arith.constant 1 : i32
        %add3A_522 = arith.addi %add3A_445, %add3A_521 : i32
        %get3A_523 = arith.index_cast %add3A_522 : i32 to index
        %get3A_524 = arith.constant 96 : index
        %get3A_525 = tpu.vector_load %arg13[%get3A_523, %get3A_524] {strides = array<i32>} : memref<160x128xf32, #tpu.memory_space<vmem>>, vector<16xf32>,
        %mul3A_526 = arith.mulf %get3A_525, %get3A_435 : vector<16xf32>
        %add3A_527 = arith.constant 1 : i32
        %add3A_528 = arith.addi %add3A_445, %add3A_527 : i32
        %get3A_529 = arith.index_cast %add3A_528 : i32 to index
        %get3A_530 = arith.constant 112 : index
        %get3A_531 = tpu.vector_load %arg13[%get3A_529, %get3A_530] {strides = array<i32>} : memref<160x128xf32, #tpu.memory_space<vmem>>, vector<16xf32>,
        %mul3A_532 = arith.mulf %get3A_531, %get3A_438 : vector<16xf32>
        %add3A_533 = arith.addf %mul3A_490, %mul3A_496 : vector<16xf32>
        %add3A_534 = arith.addf %mul3A_502, %mul3A_508 : vector<16xf32>
        %add3A_535 = arith.addf %mul3A_514, %mul3A_520 : vector<16xf32>
        %add3A_536 = arith.addf %mul3A_526, %mul3A_532 : vector<16xf32>
        %add3A_537 = arith.addf %add3A_533, %add3A_534 : vector<16xf32>
        %add3A_538 = arith.addf %add3A_535, %add3A_536 : vector<16xf32>
        %add3A_539 = arith.addf %add3A_537, %add3A_538 : vector<16xf32>
        %rev3A = arith.constant 15 : i32
        %rev3A_540 = vector.broadcast %rev3A : i32 to vector<16xi32>
        %rev3A_541 = tpu.iota {dimensions = array<i32: 0>} : vector<16xi32>
        %rev3A_542 = arith.subi %rev3A_540, %rev3A_541 : vector<16xi32>
        %rev3A_543 = tpu.dynamic_gather %add3A_484[%rev3A_542] in [0] : vector<16xf32>, vector<16xi32> -> vector<16xf32>
        %add3A_544 = arith.addf %add3A_484, %rev3A_543 : vector<16xf32>
        %rev3A_545 = arith.constant 15 : i32
        %rev3A_546 = vector.broadcast %rev3A_545 : i32 to vector<16xi32>
        %rev3A_547 = tpu.iota {dimensions = array<i32: 0>} : vector<16xi32>
        %rev3A_548 = arith.subi %rev3A_546, %rev3A_547 : vector<16xi32>
        %rev3A_549 = tpu.dynamic_gather %add3A_539[%rev3A_548] in [0] : vector<16xf32>, vector<16xi32> -> vector<16xf32>
        %add3A_550 = arith.addf %add3A_539, %rev3A_549 : vector<16xf32>
        %select_n3A = arith.select %lt3A_53, %add3A_544, %add3A_550 : vector<16xi1>, vector<16xf32>
        %broadcast_in_dim3A_551 = arith.constant true
        %broadcast_in_dim3A_552 = vector.broadcast %broadcast_in_dim3A_551 : i1 to vector<16xi1>
        %masked_cumsum3A = tpu.scan <sum>, %select_n3A masked %broadcast_in_dim3A_552 : vector<16xf32>, vector<16xi1> -> vector<16xf32>
        %slice3A = vector.extract_strided_slice %masked_cumsum3A {offsets = [7], sizes = [1], strides = [1]} : vector<16xf32> to vector<1xf32>
        %squeeze3A = vector.extract %slice3A[0] : f32 from vector<1xf32>
        %slice3A_553 = vector.extract_strided_slice %masked_cumsum3A {offsets = [15], sizes = [1], strides = [1]} : vector<16xf32> to vector<1xf32>
        %squeeze3A_554 = vector.extract %slice3A_553[0] : f32 from vector<1xf32>
        %sub3A_555 = arith.subf %squeeze3A_554, %squeeze3A : f32
        %broadcast_in_dim3A_556 = vector.broadcast %squeeze3A : f32 to vector<16xf32>
        %select_n3A_557 = arith.select %eq3A_6, %broadcast_in_dim3A_556, %broadcast_in_dim3A_439 : vector<16xi1>, vector<16xf32>
        %broadcast_in_dim3A_558 = vector.broadcast %sub3A_555 : f32 to vector<16xf32>
        %select_n3A_559 = arith.select %eq3A_9, %broadcast_in_dim3A_558, %select_n3A_557 : vector<16xi1>, vector<16xf32>
        %mul3A_560 = arith.constant 20 : i32
        %mul3A_561 = arith.muli %add3A_412, %mul3A_560 : i32
        %add3A_562 = arith.constant 2 : i32
        %add3A_563 = arith.addi %mul3A_561, %add3A_562 : i32
        %get3A_564 = arith.index_cast %add3A_563 : i32 to index
        %get3A_565 = arith.constant 0 : index
        %get3A_566 = tpu.vector_load %arg13[%get3A_564, %get3A_565] {strides = array<i32>} : memref<160x128xf32, #tpu.memory_space<vmem>>, vector<16xf32>,
        %mul3A_567 = arith.mulf %get3A_566, %get3A_417 : vector<16xf32>
        %get3A_568 = arith.index_cast %add3A_563 : i32 to index
        %get3A_569 = arith.constant 16 : index
        %get3A_570 = tpu.vector_load %arg13[%get3A_568, %get3A_569] {strides = array<i32>} : memref<160x128xf32, #tpu.memory_space<vmem>>, vector<16xf32>,
        %mul3A_571 = arith.mulf %get3A_570, %get3A_420 : vector<16xf32>
        %get3A_572 = arith.index_cast %add3A_563 : i32 to index
        %get3A_573 = arith.constant 32 : index
        %get3A_574 = tpu.vector_load %arg13[%get3A_572, %get3A_573] {strides = array<i32>} : memref<160x128xf32, #tpu.memory_space<vmem>>, vector<16xf32>,
        %mul3A_575 = arith.mulf %get3A_574, %get3A_423 : vector<16xf32>
        %get3A_576 = arith.index_cast %add3A_563 : i32 to index
        %get3A_577 = arith.constant 48 : index
        %get3A_578 = tpu.vector_load %arg13[%get3A_576, %get3A_577] {strides = array<i32>} : memref<160x128xf32, #tpu.memory_space<vmem>>, vector<16xf32>,
        %mul3A_579 = arith.mulf %get3A_578, %get3A_426 : vector<16xf32>
        %get3A_580 = arith.index_cast %add3A_563 : i32 to index
        %get3A_581 = arith.constant 64 : index
        %get3A_582 = tpu.vector_load %arg13[%get3A_580, %get3A_581] {strides = array<i32>} : memref<160x128xf32, #tpu.memory_space<vmem>>, vector<16xf32>,
        %mul3A_583 = arith.mulf %get3A_582, %get3A_429 : vector<16xf32>
        %get3A_584 = arith.index_cast %add3A_563 : i32 to index
        %get3A_585 = arith.constant 80 : index
        %get3A_586 = tpu.vector_load %arg13[%get3A_584, %get3A_585] {strides = array<i32>} : memref<160x128xf32, #tpu.memory_space<vmem>>, vector<16xf32>,
        %mul3A_587 = arith.mulf %get3A_586, %get3A_432 : vector<16xf32>
        %get3A_588 = arith.index_cast %add3A_563 : i32 to index
        %get3A_589 = arith.constant 96 : index
        %get3A_590 = tpu.vector_load %arg13[%get3A_588, %get3A_589] {strides = array<i32>} : memref<160x128xf32, #tpu.memory_space<vmem>>, vector<16xf32>,
        %mul3A_591 = arith.mulf %get3A_590, %get3A_435 : vector<16xf32>
        %get3A_592 = arith.index_cast %add3A_563 : i32 to index
        %get3A_593 = arith.constant 112 : index
        %get3A_594 = tpu.vector_load %arg13[%get3A_592, %get3A_593] {strides = array<i32>} : memref<160x128xf32, #tpu.memory_space<vmem>>, vector<16xf32>,
        %mul3A_595 = arith.mulf %get3A_594, %get3A_438 : vector<16xf32>
        %add3A_596 = arith.addf %mul3A_567, %mul3A_571 : vector<16xf32>
        %add3A_597 = arith.addf %mul3A_575, %mul3A_579 : vector<16xf32>
        %add3A_598 = arith.addf %mul3A_583, %mul3A_587 : vector<16xf32>
        %add3A_599 = arith.addf %mul3A_591, %mul3A_595 : vector<16xf32>
        %add3A_600 = arith.addf %add3A_596, %add3A_597 : vector<16xf32>
        %add3A_601 = arith.addf %add3A_598, %add3A_599 : vector<16xf32>
        %add3A_602 = arith.addf %add3A_600, %add3A_601 : vector<16xf32>
        %add3A_603 = arith.constant 1 : i32
        %add3A_604 = arith.addi %add3A_563, %add3A_603 : i32
        %get3A_605 = arith.index_cast %add3A_604 : i32 to index
        %get3A_606 = arith.constant 0 : index
        %get3A_607 = tpu.vector_load %arg13[%get3A_605, %get3A_606] {strides = array<i32>} : memref<160x128xf32, #tpu.memory_space<vmem>>, vector<16xf32>,
        %mul3A_608 = arith.mulf %get3A_607, %get3A_417 : vector<16xf32>
        %add3A_609 = arith.constant 1 : i32
        %add3A_610 = arith.addi %add3A_563, %add3A_609 : i32
        %get3A_611 = arith.index_cast %add3A_610 : i32 to index
        %get3A_612 = arith.constant 16 : index
        %get3A_613 = tpu.vector_load %arg13[%get3A_611, %get3A_612] {strides = array<i32>} : memref<160x128xf32, #tpu.memory_space<vmem>>, vector<16xf32>,
        %mul3A_614 = arith.mulf %get3A_613, %get3A_420 : vector<16xf32>
        %add3A_615 = arith.constant 1 : i32
        %add3A_616 = arith.addi %add3A_563, %add3A_615 : i32
        %get3A_617 = arith.index_cast %add3A_616 : i32 to index
        %get3A_618 = arith.constant 32 : index
        %get3A_619 = tpu.vector_load %arg13[%get3A_617, %get3A_618] {strides = array<i32>} : memref<160x128xf32, #tpu.memory_space<vmem>>, vector<16xf32>,
        %mul3A_620 = arith.mulf %get3A_619, %get3A_423 : vector<16xf32>
        %add3A_621 = arith.constant 1 : i32
        %add3A_622 = arith.addi %add3A_563, %add3A_621 : i32
        %get3A_623 = arith.index_cast %add3A_622 : i32 to index
        %get3A_624 = arith.constant 48 : index
        %get3A_625 = tpu.vector_load %arg13[%get3A_623, %get3A_624] {strides = array<i32>} : memref<160x128xf32, #tpu.memory_space<vmem>>, vector<16xf32>,
        %mul3A_626 = arith.mulf %get3A_625, %get3A_426 : vector<16xf32>
        %add3A_627 = arith.constant 1 : i32
        %add3A_628 = arith.addi %add3A_563, %add3A_627 : i32
        %get3A_629 = arith.index_cast %add3A_628 : i32 to index
        %get3A_630 = arith.constant 64 : index
        %get3A_631 = tpu.vector_load %arg13[%get3A_629, %get3A_630] {strides = array<i32>} : memref<160x128xf32, #tpu.memory_space<vmem>>, vector<16xf32>,
        %mul3A_632 = arith.mulf %get3A_631, %get3A_429 : vector<16xf32>
        %add3A_633 = arith.constant 1 : i32
        %add3A_634 = arith.addi %add3A_563, %add3A_633 : i32
        %get3A_635 = arith.index_cast %add3A_634 : i32 to index
        %get3A_636 = arith.constant 80 : index
        %get3A_637 = tpu.vector_load %arg13[%get3A_635, %get3A_636] {strides = array<i32>} : memref<160x128xf32, #tpu.memory_space<vmem>>, vector<16xf32>,
        %mul3A_638 = arith.mulf %get3A_637, %get3A_432 : vector<16xf32>
        %add3A_639 = arith.constant 1 : i32
        %add3A_640 = arith.addi %add3A_563, %add3A_639 : i32
        %get3A_641 = arith.index_cast %add3A_640 : i32 to index
        %get3A_642 = arith.constant 96 : index
        %get3A_643 = tpu.vector_load %arg13[%get3A_641, %get3A_642] {strides = array<i32>} : memref<160x128xf32, #tpu.memory_space<vmem>>, vector<16xf32>,
        %mul3A_644 = arith.mulf %get3A_643, %get3A_435 : vector<16xf32>
        %add3A_645 = arith.constant 1 : i32
        %add3A_646 = arith.addi %add3A_563, %add3A_645 : i32
        %get3A_647 = arith.index_cast %add3A_646 : i32 to index
        %get3A_648 = arith.constant 112 : index
        %get3A_649 = tpu.vector_load %arg13[%get3A_647, %get3A_648] {strides = array<i32>} : memref<160x128xf32, #tpu.memory_space<vmem>>, vector<16xf32>,
        %mul3A_650 = arith.mulf %get3A_649, %get3A_438 : vector<16xf32>
        %add3A_651 = arith.addf %mul3A_608, %mul3A_614 : vector<16xf32>
        %add3A_652 = arith.addf %mul3A_620, %mul3A_626 : vector<16xf32>
        %add3A_653 = arith.addf %mul3A_632, %mul3A_638 : vector<16xf32>
        %add3A_654 = arith.addf %mul3A_644, %mul3A_650 : vector<16xf32>
        %add3A_655 = arith.addf %add3A_651, %add3A_652 : vector<16xf32>
        %add3A_656 = arith.addf %add3A_653, %add3A_654 : vector<16xf32>
        %add3A_657 = arith.addf %add3A_655, %add3A_656 : vector<16xf32>
        %rev3A_658 = arith.constant 15 : i32
        %rev3A_659 = vector.broadcast %rev3A_658 : i32 to vector<16xi32>
        %rev3A_660 = tpu.iota {dimensions = array<i32: 0>} : vector<16xi32>
        %rev3A_661 = arith.subi %rev3A_659, %rev3A_660 : vector<16xi32>
        %rev3A_662 = tpu.dynamic_gather %add3A_602[%rev3A_661] in [0] : vector<16xf32>, vector<16xi32> -> vector<16xf32>
        %add3A_663 = arith.addf %add3A_602, %rev3A_662 : vector<16xf32>
        %rev3A_664 = arith.constant 15 : i32
        %rev3A_665 = vector.broadcast %rev3A_664 : i32 to vector<16xi32>
        %rev3A_666 = tpu.iota {dimensions = array<i32: 0>} : vector<16xi32>
        %rev3A_667 = arith.subi %rev3A_665, %rev3A_666 : vector<16xi32>
        %rev3A_668 = tpu.dynamic_gather %add3A_657[%rev3A_667] in [0] : vector<16xf32>, vector<16xi32> -> vector<16xf32>
        %add3A_669 = arith.addf %add3A_657, %rev3A_668 : vector<16xf32>
        %select_n3A_670 = arith.select %lt3A_53, %add3A_663, %add3A_669 : vector<16xi1>, vector<16xf32>
        %broadcast_in_dim3A_671 = arith.constant true
        %broadcast_in_dim3A_672 = vector.broadcast %broadcast_in_dim3A_671 : i1 to vector<16xi1>
        %masked_cumsum3A_673 = tpu.scan <sum>, %select_n3A_670 masked %broadcast_in_dim3A_672 : vector<16xf32>, vector<16xi1> -> vector<16xf32>
        %slice3A_674 = vector.extract_strided_slice %masked_cumsum3A_673 {offsets = [7], sizes = [1], strides = [1]} : vector<16xf32> to vector<1xf32>
        %squeeze3A_675 = vector.extract %slice3A_674[0] : f32 from vector<1xf32>
        %slice3A_676 = vector.extract_strided_slice %masked_cumsum3A_673 {offsets = [15], sizes = [1], strides = [1]} : vector<16xf32> to vector<1xf32>
        %squeeze3A_677 = vector.extract %slice3A_676[0] : f32 from vector<1xf32>
        %sub3A_678 = arith.subf %squeeze3A_677, %squeeze3A_675 : f32
        %broadcast_in_dim3A_679 = vector.broadcast %squeeze3A_675 : f32 to vector<16xf32>
        %select_n3A_680 = arith.select %eq3A_12, %broadcast_in_dim3A_679, %select_n3A_559 : vector<16xi1>, vector<16xf32>
        %broadcast_in_dim3A_681 = vector.broadcast %sub3A_678 : f32 to vector<16xf32>
        %select_n3A_682 = arith.select %eq3A_15, %broadcast_in_dim3A_681, %select_n3A_680 : vector<16xi1>, vector<16xf32>
        %mul3A_683 = arith.constant 20 : i32
        %mul3A_684 = arith.muli %add3A_412, %mul3A_683 : i32
        %add3A_685 = arith.constant 4 : i32
        %add3A_686 = arith.addi %mul3A_684, %add3A_685 : i32
        %get3A_687 = arith.index_cast %add3A_686 : i32 to index
        %get3A_688 = arith.constant 0 : index
        %get3A_689 = tpu.vector_load %arg13[%get3A_687, %get3A_688] {strides = array<i32>} : memref<160x128xf32, #tpu.memory_space<vmem>>, vector<16xf32>,
        %mul3A_690 = arith.mulf %get3A_689, %get3A_417 : vector<16xf32>
        %get3A_691 = arith.index_cast %add3A_686 : i32 to index
        %get3A_692 = arith.constant 16 : index
        %get3A_693 = tpu.vector_load %arg13[%get3A_691, %get3A_692] {strides = array<i32>} : memref<160x128xf32, #tpu.memory_space<vmem>>, vector<16xf32>,
        %mul3A_694 = arith.mulf %get3A_693, %get3A_420 : vector<16xf32>
        %get3A_695 = arith.index_cast %add3A_686 : i32 to index
        %get3A_696 = arith.constant 32 : index
        %get3A_697 = tpu.vector_load %arg13[%get3A_695, %get3A_696] {strides = array<i32>} : memref<160x128xf32, #tpu.memory_space<vmem>>, vector<16xf32>,
        %mul3A_698 = arith.mulf %get3A_697, %get3A_423 : vector<16xf32>
        %get3A_699 = arith.index_cast %add3A_686 : i32 to index
        %get3A_700 = arith.constant 48 : index
        %get3A_701 = tpu.vector_load %arg13[%get3A_699, %get3A_700] {strides = array<i32>} : memref<160x128xf32, #tpu.memory_space<vmem>>, vector<16xf32>,
        %mul3A_702 = arith.mulf %get3A_701, %get3A_426 : vector<16xf32>
        %get3A_703 = arith.index_cast %add3A_686 : i32 to index
        %get3A_704 = arith.constant 64 : index
        %get3A_705 = tpu.vector_load %arg13[%get3A_703, %get3A_704] {strides = array<i32>} : memref<160x128xf32, #tpu.memory_space<vmem>>, vector<16xf32>,
        %mul3A_706 = arith.mulf %get3A_705, %get3A_429 : vector<16xf32>
        %get3A_707 = arith.index_cast %add3A_686 : i32 to index
        %get3A_708 = arith.constant 80 : index
        %get3A_709 = tpu.vector_load %arg13[%get3A_707, %get3A_708] {strides = array<i32>} : memref<160x128xf32, #tpu.memory_space<vmem>>, vector<16xf32>,
        %mul3A_710 = arith.mulf %get3A_709, %get3A_432 : vector<16xf32>
        %get3A_711 = arith.index_cast %add3A_686 : i32 to index
        %get3A_712 = arith.constant 96 : index
        %get3A_713 = tpu.vector_load %arg13[%get3A_711, %get3A_712] {strides = array<i32>} : memref<160x128xf32, #tpu.memory_space<vmem>>, vector<16xf32>,
        %mul3A_714 = arith.mulf %get3A_713, %get3A_435 : vector<16xf32>
        %get3A_715 = arith.index_cast %add3A_686 : i32 to index
        %get3A_716 = arith.constant 112 : index
        %get3A_717 = tpu.vector_load %arg13[%get3A_715, %get3A_716] {strides = array<i32>} : memref<160x128xf32, #tpu.memory_space<vmem>>, vector<16xf32>,
        %mul3A_718 = arith.mulf %get3A_717, %get3A_438 : vector<16xf32>
        %add3A_719 = arith.addf %mul3A_690, %mul3A_694 : vector<16xf32>
        %add3A_720 = arith.addf %mul3A_698, %mul3A_702 : vector<16xf32>
        %add3A_721 = arith.addf %mul3A_706, %mul3A_710 : vector<16xf32>
        %add3A_722 = arith.addf %mul3A_714, %mul3A_718 : vector<16xf32>
        %add3A_723 = arith.addf %add3A_719, %add3A_720 : vector<16xf32>
        %add3A_724 = arith.addf %add3A_721, %add3A_722 : vector<16xf32>
        %add3A_725 = arith.addf %add3A_723, %add3A_724 : vector<16xf32>
        %add3A_726 = arith.constant 1 : i32
        %add3A_727 = arith.addi %add3A_686, %add3A_726 : i32
        %get3A_728 = arith.index_cast %add3A_727 : i32 to index
        %get3A_729 = arith.constant 0 : index
        %get3A_730 = tpu.vector_load %arg13[%get3A_728, %get3A_729] {strides = array<i32>} : memref<160x128xf32, #tpu.memory_space<vmem>>, vector<16xf32>,
        %mul3A_731 = arith.mulf %get3A_730, %get3A_417 : vector<16xf32>
        %add3A_732 = arith.constant 1 : i32
        %add3A_733 = arith.addi %add3A_686, %add3A_732 : i32
        %get3A_734 = arith.index_cast %add3A_733 : i32 to index
        %get3A_735 = arith.constant 16 : index
        %get3A_736 = tpu.vector_load %arg13[%get3A_734, %get3A_735] {strides = array<i32>} : memref<160x128xf32, #tpu.memory_space<vmem>>, vector<16xf32>,
        %mul3A_737 = arith.mulf %get3A_736, %get3A_420 : vector<16xf32>
        %add3A_738 = arith.constant 1 : i32
        %add3A_739 = arith.addi %add3A_686, %add3A_738 : i32
        %get3A_740 = arith.index_cast %add3A_739 : i32 to index
        %get3A_741 = arith.constant 32 : index
        %get3A_742 = tpu.vector_load %arg13[%get3A_740, %get3A_741] {strides = array<i32>} : memref<160x128xf32, #tpu.memory_space<vmem>>, vector<16xf32>,
        %mul3A_743 = arith.mulf %get3A_742, %get3A_423 : vector<16xf32>
        %add3A_744 = arith.constant 1 : i32
        %add3A_745 = arith.addi %add3A_686, %add3A_744 : i32
        %get3A_746 = arith.index_cast %add3A_745 : i32 to index
        %get3A_747 = arith.constant 48 : index
        %get3A_748 = tpu.vector_load %arg13[%get3A_746, %get3A_747] {strides = array<i32>} : memref<160x128xf32, #tpu.memory_space<vmem>>, vector<16xf32>,
        %mul3A_749 = arith.mulf %get3A_748, %get3A_426 : vector<16xf32>
        %add3A_750 = arith.constant 1 : i32
        %add3A_751 = arith.addi %add3A_686, %add3A_750 : i32
        %get3A_752 = arith.index_cast %add3A_751 : i32 to index
        %get3A_753 = arith.constant 64 : index
        %get3A_754 = tpu.vector_load %arg13[%get3A_752, %get3A_753] {strides = array<i32>} : memref<160x128xf32, #tpu.memory_space<vmem>>, vector<16xf32>,
        %mul3A_755 = arith.mulf %get3A_754, %get3A_429 : vector<16xf32>
        %add3A_756 = arith.constant 1 : i32
        %add3A_757 = arith.addi %add3A_686, %add3A_756 : i32
        %get3A_758 = arith.index_cast %add3A_757 : i32 to index
        %get3A_759 = arith.constant 80 : index
        %get3A_760 = tpu.vector_load %arg13[%get3A_758, %get3A_759] {strides = array<i32>} : memref<160x128xf32, #tpu.memory_space<vmem>>, vector<16xf32>,
        %mul3A_761 = arith.mulf %get3A_760, %get3A_432 : vector<16xf32>
        %add3A_762 = arith.constant 1 : i32
        %add3A_763 = arith.addi %add3A_686, %add3A_762 : i32
        %get3A_764 = arith.index_cast %add3A_763 : i32 to index
        %get3A_765 = arith.constant 96 : index
        %get3A_766 = tpu.vector_load %arg13[%get3A_764, %get3A_765] {strides = array<i32>} : memref<160x128xf32, #tpu.memory_space<vmem>>, vector<16xf32>,
        %mul3A_767 = arith.mulf %get3A_766, %get3A_435 : vector<16xf32>
        %add3A_768 = arith.constant 1 : i32
        %add3A_769 = arith.addi %add3A_686, %add3A_768 : i32
        %get3A_770 = arith.index_cast %add3A_769 : i32 to index
        %get3A_771 = arith.constant 112 : index
        %get3A_772 = tpu.vector_load %arg13[%get3A_770, %get3A_771] {strides = array<i32>} : memref<160x128xf32, #tpu.memory_space<vmem>>, vector<16xf32>,
        %mul3A_773 = arith.mulf %get3A_772, %get3A_438 : vector<16xf32>
        %add3A_774 = arith.addf %mul3A_731, %mul3A_737 : vector<16xf32>
        %add3A_775 = arith.addf %mul3A_743, %mul3A_749 : vector<16xf32>
        %add3A_776 = arith.addf %mul3A_755, %mul3A_761 : vector<16xf32>
        %add3A_777 = arith.addf %mul3A_767, %mul3A_773 : vector<16xf32>
        %add3A_778 = arith.addf %add3A_774, %add3A_775 : vector<16xf32>
        %add3A_779 = arith.addf %add3A_776, %add3A_777 : vector<16xf32>
        %add3A_780 = arith.addf %add3A_778, %add3A_779 : vector<16xf32>
        %rev3A_781 = arith.constant 15 : i32
        %rev3A_782 = vector.broadcast %rev3A_781 : i32 to vector<16xi32>
        %rev3A_783 = tpu.iota {dimensions = array<i32: 0>} : vector<16xi32>
        %rev3A_784 = arith.subi %rev3A_782, %rev3A_783 : vector<16xi32>
        %rev3A_785 = tpu.dynamic_gather %add3A_725[%rev3A_784] in [0] : vector<16xf32>, vector<16xi32> -> vector<16xf32>
        %add3A_786 = arith.addf %add3A_725, %rev3A_785 : vector<16xf32>
        %rev3A_787 = arith.constant 15 : i32
        %rev3A_788 = vector.broadcast %rev3A_787 : i32 to vector<16xi32>
        %rev3A_789 = tpu.iota {dimensions = array<i32: 0>} : vector<16xi32>
        %rev3A_790 = arith.subi %rev3A_788, %rev3A_789 : vector<16xi32>
        %rev3A_791 = tpu.dynamic_gather %add3A_780[%rev3A_790] in [0] : vector<16xf32>, vector<16xi32> -> vector<16xf32>
        %add3A_792 = arith.addf %add3A_780, %rev3A_791 : vector<16xf32>
        %select_n3A_793 = arith.select %lt3A_53, %add3A_786, %add3A_792 : vector<16xi1>, vector<16xf32>
        %broadcast_in_dim3A_794 = arith.constant true
        %broadcast_in_dim3A_795 = vector.broadcast %broadcast_in_dim3A_794 : i1 to vector<16xi1>
        %masked_cumsum3A_796 = tpu.scan <sum>, %select_n3A_793 masked %broadcast_in_dim3A_795 : vector<16xf32>, vector<16xi1> -> vector<16xf32>
        %slice3A_797 = vector.extract_strided_slice %masked_cumsum3A_796 {offsets = [7], sizes = [1], strides = [1]} : vector<16xf32> to vector<1xf32>
        %squeeze3A_798 = vector.extract %slice3A_797[0] : f32 from vector<1xf32>
        %slice3A_799 = vector.extract_strided_slice %masked_cumsum3A_796 {offsets = [15], sizes = [1], strides = [1]} : vector<16xf32> to vector<1xf32>
        %squeeze3A_800 = vector.extract %slice3A_799[0] : f32 from vector<1xf32>
        %sub3A_801 = arith.subf %squeeze3A_800, %squeeze3A_798 : f32
        %broadcast_in_dim3A_802 = vector.broadcast %squeeze3A_798 : f32 to vector<16xf32>
        %select_n3A_803 = arith.select %eq3A_18, %broadcast_in_dim3A_802, %select_n3A_682 : vector<16xi1>, vector<16xf32>
        %broadcast_in_dim3A_804 = vector.broadcast %sub3A_801 : f32 to vector<16xf32>
        %select_n3A_805 = arith.select %eq3A_21, %broadcast_in_dim3A_804, %select_n3A_803 : vector<16xi1>, vector<16xf32>
        %mul3A_806 = arith.constant 20 : i32
        %mul3A_807 = arith.muli %add3A_412, %mul3A_806 : i32
        %add3A_808 = arith.constant 6 : i32
        %add3A_809 = arith.addi %mul3A_807, %add3A_808 : i32
        %get3A_810 = arith.index_cast %add3A_809 : i32 to index
        %get3A_811 = arith.constant 0 : index
        %get3A_812 = tpu.vector_load %arg13[%get3A_810, %get3A_811] {strides = array<i32>} : memref<160x128xf32, #tpu.memory_space<vmem>>, vector<16xf32>,
        %mul3A_813 = arith.mulf %get3A_812, %get3A_417 : vector<16xf32>
        %get3A_814 = arith.index_cast %add3A_809 : i32 to index
        %get3A_815 = arith.constant 16 : index
        %get3A_816 = tpu.vector_load %arg13[%get3A_814, %get3A_815] {strides = array<i32>} : memref<160x128xf32, #tpu.memory_space<vmem>>, vector<16xf32>,
        %mul3A_817 = arith.mulf %get3A_816, %get3A_420 : vector<16xf32>
        %get3A_818 = arith.index_cast %add3A_809 : i32 to index
        %get3A_819 = arith.constant 32 : index
        %get3A_820 = tpu.vector_load %arg13[%get3A_818, %get3A_819] {strides = array<i32>} : memref<160x128xf32, #tpu.memory_space<vmem>>, vector<16xf32>,
        %mul3A_821 = arith.mulf %get3A_820, %get3A_423 : vector<16xf32>
        %get3A_822 = arith.index_cast %add3A_809 : i32 to index
        %get3A_823 = arith.constant 48 : index
        %get3A_824 = tpu.vector_load %arg13[%get3A_822, %get3A_823] {strides = array<i32>} : memref<160x128xf32, #tpu.memory_space<vmem>>, vector<16xf32>,
        %mul3A_825 = arith.mulf %get3A_824, %get3A_426 : vector<16xf32>
        %get3A_826 = arith.index_cast %add3A_809 : i32 to index
        %get3A_827 = arith.constant 64 : index
        %get3A_828 = tpu.vector_load %arg13[%get3A_826, %get3A_827] {strides = array<i32>} : memref<160x128xf32, #tpu.memory_space<vmem>>, vector<16xf32>,
        %mul3A_829 = arith.mulf %get3A_828, %get3A_429 : vector<16xf32>
        %get3A_830 = arith.index_cast %add3A_809 : i32 to index
        %get3A_831 = arith.constant 80 : index
        %get3A_832 = tpu.vector_load %arg13[%get3A_830, %get3A_831] {strides = array<i32>} : memref<160x128xf32, #tpu.memory_space<vmem>>, vector<16xf32>,
        %mul3A_833 = arith.mulf %get3A_832, %get3A_432 : vector<16xf32>
        %get3A_834 = arith.index_cast %add3A_809 : i32 to index
        %get3A_835 = arith.constant 96 : index
        %get3A_836 = tpu.vector_load %arg13[%get3A_834, %get3A_835] {strides = array<i32>} : memref<160x128xf32, #tpu.memory_space<vmem>>, vector<16xf32>,
        %mul3A_837 = arith.mulf %get3A_836, %get3A_435 : vector<16xf32>
        %get3A_838 = arith.index_cast %add3A_809 : i32 to index
        %get3A_839 = arith.constant 112 : index
        %get3A_840 = tpu.vector_load %arg13[%get3A_838, %get3A_839] {strides = array<i32>} : memref<160x128xf32, #tpu.memory_space<vmem>>, vector<16xf32>,
        %mul3A_841 = arith.mulf %get3A_840, %get3A_438 : vector<16xf32>
        %add3A_842 = arith.addf %mul3A_813, %mul3A_817 : vector<16xf32>
        %add3A_843 = arith.addf %mul3A_821, %mul3A_825 : vector<16xf32>
        %add3A_844 = arith.addf %mul3A_829, %mul3A_833 : vector<16xf32>
        %add3A_845 = arith.addf %mul3A_837, %mul3A_841 : vector<16xf32>
        %add3A_846 = arith.addf %add3A_842, %add3A_843 : vector<16xf32>
        %add3A_847 = arith.addf %add3A_844, %add3A_845 : vector<16xf32>
        %add3A_848 = arith.addf %add3A_846, %add3A_847 : vector<16xf32>
        %add3A_849 = arith.constant 1 : i32
        %add3A_850 = arith.addi %add3A_809, %add3A_849 : i32
        %get3A_851 = arith.index_cast %add3A_850 : i32 to index
        %get3A_852 = arith.constant 0 : index
        %get3A_853 = tpu.vector_load %arg13[%get3A_851, %get3A_852] {strides = array<i32>} : memref<160x128xf32, #tpu.memory_space<vmem>>, vector<16xf32>,
        %mul3A_854 = arith.mulf %get3A_853, %get3A_417 : vector<16xf32>
        %add3A_855 = arith.constant 1 : i32
        %add3A_856 = arith.addi %add3A_809, %add3A_855 : i32
        %get3A_857 = arith.index_cast %add3A_856 : i32 to index
        %get3A_858 = arith.constant 16 : index
        %get3A_859 = tpu.vector_load %arg13[%get3A_857, %get3A_858] {strides = array<i32>} : memref<160x128xf32, #tpu.memory_space<vmem>>, vector<16xf32>,
        %mul3A_860 = arith.mulf %get3A_859, %get3A_420 : vector<16xf32>
        %add3A_861 = arith.constant 1 : i32
        %add3A_862 = arith.addi %add3A_809, %add3A_861 : i32
        %get3A_863 = arith.index_cast %add3A_862 : i32 to index
        %get3A_864 = arith.constant 32 : index
        %get3A_865 = tpu.vector_load %arg13[%get3A_863, %get3A_864] {strides = array<i32>} : memref<160x128xf32, #tpu.memory_space<vmem>>, vector<16xf32>,
        %mul3A_866 = arith.mulf %get3A_865, %get3A_423 : vector<16xf32>
        %add3A_867 = arith.constant 1 : i32
        %add3A_868 = arith.addi %add3A_809, %add3A_867 : i32
        %get3A_869 = arith.index_cast %add3A_868 : i32 to index
        %get3A_870 = arith.constant 48 : index
        %get3A_871 = tpu.vector_load %arg13[%get3A_869, %get3A_870] {strides = array<i32>} : memref<160x128xf32, #tpu.memory_space<vmem>>, vector<16xf32>,
        %mul3A_872 = arith.mulf %get3A_871, %get3A_426 : vector<16xf32>
        %add3A_873 = arith.constant 1 : i32
        %add3A_874 = arith.addi %add3A_809, %add3A_873 : i32
        %get3A_875 = arith.index_cast %add3A_874 : i32 to index
        %get3A_876 = arith.constant 64 : index
        %get3A_877 = tpu.vector_load %arg13[%get3A_875, %get3A_876] {strides = array<i32>} : memref<160x128xf32, #tpu.memory_space<vmem>>, vector<16xf32>,
        %mul3A_878 = arith.mulf %get3A_877, %get3A_429 : vector<16xf32>
        %add3A_879 = arith.constant 1 : i32
        %add3A_880 = arith.addi %add3A_809, %add3A_879 : i32
        %get3A_881 = arith.index_cast %add3A_880 : i32 to index
        %get3A_882 = arith.constant 80 : index
        %get3A_883 = tpu.vector_load %arg13[%get3A_881, %get3A_882] {strides = array<i32>} : memref<160x128xf32, #tpu.memory_space<vmem>>, vector<16xf32>,
        %mul3A_884 = arith.mulf %get3A_883, %get3A_432 : vector<16xf32>
        %add3A_885 = arith.constant 1 : i32
        %add3A_886 = arith.addi %add3A_809, %add3A_885 : i32
        %get3A_887 = arith.index_cast %add3A_886 : i32 to index
        %get3A_888 = arith.constant 96 : index
        %get3A_889 = tpu.vector_load %arg13[%get3A_887, %get3A_888] {strides = array<i32>} : memref<160x128xf32, #tpu.memory_space<vmem>>, vector<16xf32>,
        %mul3A_890 = arith.mulf %get3A_889, %get3A_435 : vector<16xf32>
        %add3A_891 = arith.constant 1 : i32
        %add3A_892 = arith.addi %add3A_809, %add3A_891 : i32
        %get3A_893 = arith.index_cast %add3A_892 : i32 to index
        %get3A_894 = arith.constant 112 : index
        %get3A_895 = tpu.vector_load %arg13[%get3A_893, %get3A_894] {strides = array<i32>} : memref<160x128xf32, #tpu.memory_space<vmem>>, vector<16xf32>,
        %mul3A_896 = arith.mulf %get3A_895, %get3A_438 : vector<16xf32>
        %add3A_897 = arith.addf %mul3A_854, %mul3A_860 : vector<16xf32>
        %add3A_898 = arith.addf %mul3A_866, %mul3A_872 : vector<16xf32>
        %add3A_899 = arith.addf %mul3A_878, %mul3A_884 : vector<16xf32>
        %add3A_900 = arith.addf %mul3A_890, %mul3A_896 : vector<16xf32>
        %add3A_901 = arith.addf %add3A_897, %add3A_898 : vector<16xf32>
        %add3A_902 = arith.addf %add3A_899, %add3A_900 : vector<16xf32>
        %add3A_903 = arith.addf %add3A_901, %add3A_902 : vector<16xf32>
        %rev3A_904 = arith.constant 15 : i32
        %rev3A_905 = vector.broadcast %rev3A_904 : i32 to vector<16xi32>
        %rev3A_906 = tpu.iota {dimensions = array<i32: 0>} : vector<16xi32>
        %rev3A_907 = arith.subi %rev3A_905, %rev3A_906 : vector<16xi32>
        %rev3A_908 = tpu.dynamic_gather %add3A_848[%rev3A_907] in [0] : vector<16xf32>, vector<16xi32> -> vector<16xf32>
        %add3A_909 = arith.addf %add3A_848, %rev3A_908 : vector<16xf32>
        %rev3A_910 = arith.constant 15 : i32
        %rev3A_911 = vector.broadcast %rev3A_910 : i32 to vector<16xi32>
        %rev3A_912 = tpu.iota {dimensions = array<i32: 0>} : vector<16xi32>
        %rev3A_913 = arith.subi %rev3A_911, %rev3A_912 : vector<16xi32>
        %rev3A_914 = tpu.dynamic_gather %add3A_903[%rev3A_913] in [0] : vector<16xf32>, vector<16xi32> -> vector<16xf32>
        %add3A_915 = arith.addf %add3A_903, %rev3A_914 : vector<16xf32>
        %select_n3A_916 = arith.select %lt3A_53, %add3A_909, %add3A_915 : vector<16xi1>, vector<16xf32>
        %broadcast_in_dim3A_917 = arith.constant true
        %broadcast_in_dim3A_918 = vector.broadcast %broadcast_in_dim3A_917 : i1 to vector<16xi1>
        %masked_cumsum3A_919 = tpu.scan <sum>, %select_n3A_916 masked %broadcast_in_dim3A_918 : vector<16xf32>, vector<16xi1> -> vector<16xf32>
        %slice3A_920 = vector.extract_strided_slice %masked_cumsum3A_919 {offsets = [7], sizes = [1], strides = [1]} : vector<16xf32> to vector<1xf32>
        %squeeze3A_921 = vector.extract %slice3A_920[0] : f32 from vector<1xf32>
        %slice3A_922 = vector.extract_strided_slice %masked_cumsum3A_919 {offsets = [15], sizes = [1], strides = [1]} : vector<16xf32> to vector<1xf32>
        %squeeze3A_923 = vector.extract %slice3A_922[0] : f32 from vector<1xf32>
        %sub3A_924 = arith.subf %squeeze3A_923, %squeeze3A_921 : f32
        %broadcast_in_dim3A_925 = vector.broadcast %squeeze3A_921 : f32 to vector<16xf32>
        %select_n3A_926 = arith.select %eq3A_24, %broadcast_in_dim3A_925, %select_n3A_805 : vector<16xi1>, vector<16xf32>
        %broadcast_in_dim3A_927 = vector.broadcast %sub3A_924 : f32 to vector<16xf32>
        %select_n3A_928 = arith.select %eq3A_27, %broadcast_in_dim3A_927, %select_n3A_926 : vector<16xi1>, vector<16xf32>
        %mul3A_929 = arith.constant 20 : i32
        %mul3A_930 = arith.muli %add3A_412, %mul3A_929 : i32
        %add3A_931 = arith.constant 8 : i32
        %add3A_932 = arith.addi %mul3A_930, %add3A_931 : i32
        %get3A_933 = arith.index_cast %add3A_932 : i32 to index
        %get3A_934 = arith.constant 0 : index
        %get3A_935 = tpu.vector_load %arg13[%get3A_933, %get3A_934] {strides = array<i32>} : memref<160x128xf32, #tpu.memory_space<vmem>>, vector<16xf32>,
        %mul3A_936 = arith.mulf %get3A_935, %get3A_417 : vector<16xf32>
        %get3A_937 = arith.index_cast %add3A_932 : i32 to index
        %get3A_938 = arith.constant 16 : index
        %get3A_939 = tpu.vector_load %arg13[%get3A_937, %get3A_938] {strides = array<i32>} : memref<160x128xf32, #tpu.memory_space<vmem>>, vector<16xf32>,
        %mul3A_940 = arith.mulf %get3A_939, %get3A_420 : vector<16xf32>
        %get3A_941 = arith.index_cast %add3A_932 : i32 to index
        %get3A_942 = arith.constant 32 : index
        %get3A_943 = tpu.vector_load %arg13[%get3A_941, %get3A_942] {strides = array<i32>} : memref<160x128xf32, #tpu.memory_space<vmem>>, vector<16xf32>,
        %mul3A_944 = arith.mulf %get3A_943, %get3A_423 : vector<16xf32>
        %get3A_945 = arith.index_cast %add3A_932 : i32 to index
        %get3A_946 = arith.constant 48 : index
        %get3A_947 = tpu.vector_load %arg13[%get3A_945, %get3A_946] {strides = array<i32>} : memref<160x128xf32, #tpu.memory_space<vmem>>, vector<16xf32>,
        %mul3A_948 = arith.mulf %get3A_947, %get3A_426 : vector<16xf32>
        %get3A_949 = arith.index_cast %add3A_932 : i32 to index
        %get3A_950 = arith.constant 64 : index
        %get3A_951 = tpu.vector_load %arg13[%get3A_949, %get3A_950] {strides = array<i32>} : memref<160x128xf32, #tpu.memory_space<vmem>>, vector<16xf32>,
        %mul3A_952 = arith.mulf %get3A_951, %get3A_429 : vector<16xf32>
        %get3A_953 = arith.index_cast %add3A_932 : i32 to index
        %get3A_954 = arith.constant 80 : index
        %get3A_955 = tpu.vector_load %arg13[%get3A_953, %get3A_954] {strides = array<i32>} : memref<160x128xf32, #tpu.memory_space<vmem>>, vector<16xf32>,
        %mul3A_956 = arith.mulf %get3A_955, %get3A_432 : vector<16xf32>
        %get3A_957 = arith.index_cast %add3A_932 : i32 to index
        %get3A_958 = arith.constant 96 : index
        %get3A_959 = tpu.vector_load %arg13[%get3A_957, %get3A_958] {strides = array<i32>} : memref<160x128xf32, #tpu.memory_space<vmem>>, vector<16xf32>,
        %mul3A_960 = arith.mulf %get3A_959, %get3A_435 : vector<16xf32>
        %get3A_961 = arith.index_cast %add3A_932 : i32 to index
        %get3A_962 = arith.constant 112 : index
        %get3A_963 = tpu.vector_load %arg13[%get3A_961, %get3A_962] {strides = array<i32>} : memref<160x128xf32, #tpu.memory_space<vmem>>, vector<16xf32>,
        %mul3A_964 = arith.mulf %get3A_963, %get3A_438 : vector<16xf32>
        %add3A_965 = arith.addf %mul3A_936, %mul3A_940 : vector<16xf32>
        %add3A_966 = arith.addf %mul3A_944, %mul3A_948 : vector<16xf32>
        %add3A_967 = arith.addf %mul3A_952, %mul3A_956 : vector<16xf32>
        %add3A_968 = arith.addf %mul3A_960, %mul3A_964 : vector<16xf32>
        %add3A_969 = arith.addf %add3A_965, %add3A_966 : vector<16xf32>
        %add3A_970 = arith.addf %add3A_967, %add3A_968 : vector<16xf32>
        %add3A_971 = arith.addf %add3A_969, %add3A_970 : vector<16xf32>
        %add3A_972 = arith.constant 1 : i32
        %add3A_973 = arith.addi %add3A_932, %add3A_972 : i32
        %get3A_974 = arith.index_cast %add3A_973 : i32 to index
        %get3A_975 = arith.constant 0 : index
        %get3A_976 = tpu.vector_load %arg13[%get3A_974, %get3A_975] {strides = array<i32>} : memref<160x128xf32, #tpu.memory_space<vmem>>, vector<16xf32>,
        %mul3A_977 = arith.mulf %get3A_976, %get3A_417 : vector<16xf32>
        %add3A_978 = arith.constant 1 : i32
        %add3A_979 = arith.addi %add3A_932, %add3A_978 : i32
        %get3A_980 = arith.index_cast %add3A_979 : i32 to index
        %get3A_981 = arith.constant 16 : index
        %get3A_982 = tpu.vector_load %arg13[%get3A_980, %get3A_981] {strides = array<i32>} : memref<160x128xf32, #tpu.memory_space<vmem>>, vector<16xf32>,
        %mul3A_983 = arith.mulf %get3A_982, %get3A_420 : vector<16xf32>
        %add3A_984 = arith.constant 1 : i32
        %add3A_985 = arith.addi %add3A_932, %add3A_984 : i32
        %get3A_986 = arith.index_cast %add3A_985 : i32 to index
        %get3A_987 = arith.constant 32 : index
        %get3A_988 = tpu.vector_load %arg13[%get3A_986, %get3A_987] {strides = array<i32>} : memref<160x128xf32, #tpu.memory_space<vmem>>, vector<16xf32>,
        %mul3A_989 = arith.mulf %get3A_988, %get3A_423 : vector<16xf32>
        %add3A_990 = arith.constant 1 : i32
        %add3A_991 = arith.addi %add3A_932, %add3A_990 : i32
        %get3A_992 = arith.index_cast %add3A_991 : i32 to index
        %get3A_993 = arith.constant 48 : index
        %get3A_994 = tpu.vector_load %arg13[%get3A_992, %get3A_993] {strides = array<i32>} : memref<160x128xf32, #tpu.memory_space<vmem>>, vector<16xf32>,
        %mul3A_995 = arith.mulf %get3A_994, %get3A_426 : vector<16xf32>
        %add3A_996 = arith.constant 1 : i32
        %add3A_997 = arith.addi %add3A_932, %add3A_996 : i32
        %get3A_998 = arith.index_cast %add3A_997 : i32 to index
        %get3A_999 = arith.constant 64 : index
        %get3A_1000 = tpu.vector_load %arg13[%get3A_998, %get3A_999] {strides = array<i32>} : memref<160x128xf32, #tpu.memory_space<vmem>>, vector<16xf32>,
        %mul3A_1001 = arith.mulf %get3A_1000, %get3A_429 : vector<16xf32>
        %add3A_1002 = arith.constant 1 : i32
        %add3A_1003 = arith.addi %add3A_932, %add3A_1002 : i32
        %get3A_1004 = arith.index_cast %add3A_1003 : i32 to index
        %get3A_1005 = arith.constant 80 : index
        %get3A_1006 = tpu.vector_load %arg13[%get3A_1004, %get3A_1005] {strides = array<i32>} : memref<160x128xf32, #tpu.memory_space<vmem>>, vector<16xf32>,
        %mul3A_1007 = arith.mulf %get3A_1006, %get3A_432 : vector<16xf32>
        %add3A_1008 = arith.constant 1 : i32
        %add3A_1009 = arith.addi %add3A_932, %add3A_1008 : i32
        %get3A_1010 = arith.index_cast %add3A_1009 : i32 to index
        %get3A_1011 = arith.constant 96 : index
        %get3A_1012 = tpu.vector_load %arg13[%get3A_1010, %get3A_1011] {strides = array<i32>} : memref<160x128xf32, #tpu.memory_space<vmem>>, vector<16xf32>,
        %mul3A_1013 = arith.mulf %get3A_1012, %get3A_435 : vector<16xf32>
        %add3A_1014 = arith.constant 1 : i32
        %add3A_1015 = arith.addi %add3A_932, %add3A_1014 : i32
        %get3A_1016 = arith.index_cast %add3A_1015 : i32 to index
        %get3A_1017 = arith.constant 112 : index
        %get3A_1018 = tpu.vector_load %arg13[%get3A_1016, %get3A_1017] {strides = array<i32>} : memref<160x128xf32, #tpu.memory_space<vmem>>, vector<16xf32>,
        %mul3A_1019 = arith.mulf %get3A_1018, %get3A_438 : vector<16xf32>
        %add3A_1020 = arith.addf %mul3A_977, %mul3A_983 : vector<16xf32>
        %add3A_1021 = arith.addf %mul3A_989, %mul3A_995 : vector<16xf32>
        %add3A_1022 = arith.addf %mul3A_1001, %mul3A_1007 : vector<16xf32>
        %add3A_1023 = arith.addf %mul3A_1013, %mul3A_1019 : vector<16xf32>
        %add3A_1024 = arith.addf %add3A_1020, %add3A_1021 : vector<16xf32>
        %add3A_1025 = arith.addf %add3A_1022, %add3A_1023 : vector<16xf32>
        %add3A_1026 = arith.addf %add3A_1024, %add3A_1025 : vector<16xf32>
        %rev3A_1027 = arith.constant 15 : i32
        %rev3A_1028 = vector.broadcast %rev3A_1027 : i32 to vector<16xi32>
        %rev3A_1029 = tpu.iota {dimensions = array<i32: 0>} : vector<16xi32>
        %rev3A_1030 = arith.subi %rev3A_1028, %rev3A_1029 : vector<16xi32>
        %rev3A_1031 = tpu.dynamic_gather %add3A_971[%rev3A_1030] in [0] : vector<16xf32>, vector<16xi32> -> vector<16xf32>
        %add3A_1032 = arith.addf %add3A_971, %rev3A_1031 : vector<16xf32>
        %rev3A_1033 = arith.constant 15 : i32
        %rev3A_1034 = vector.broadcast %rev3A_1033 : i32 to vector<16xi32>
        %rev3A_1035 = tpu.iota {dimensions = array<i32: 0>} : vector<16xi32>
        %rev3A_1036 = arith.subi %rev3A_1034, %rev3A_1035 : vector<16xi32>
        %rev3A_1037 = tpu.dynamic_gather %add3A_1026[%rev3A_1036] in [0] : vector<16xf32>, vector<16xi32> -> vector<16xf32>
        %add3A_1038 = arith.addf %add3A_1026, %rev3A_1037 : vector<16xf32>
        %select_n3A_1039 = arith.select %lt3A_53, %add3A_1032, %add3A_1038 : vector<16xi1>, vector<16xf32>
        %broadcast_in_dim3A_1040 = arith.constant true
        %broadcast_in_dim3A_1041 = vector.broadcast %broadcast_in_dim3A_1040 : i1 to vector<16xi1>
        %masked_cumsum3A_1042 = tpu.scan <sum>, %select_n3A_1039 masked %broadcast_in_dim3A_1041 : vector<16xf32>, vector<16xi1> -> vector<16xf32>
        %slice3A_1043 = vector.extract_strided_slice %masked_cumsum3A_1042 {offsets = [7], sizes = [1], strides = [1]} : vector<16xf32> to vector<1xf32>
        %squeeze3A_1044 = vector.extract %slice3A_1043[0] : f32 from vector<1xf32>
        %slice3A_1045 = vector.extract_strided_slice %masked_cumsum3A_1042 {offsets = [15], sizes = [1], strides = [1]} : vector<16xf32> to vector<1xf32>
        %squeeze3A_1046 = vector.extract %slice3A_1045[0] : f32 from vector<1xf32>
        %sub3A_1047 = arith.subf %squeeze3A_1046, %squeeze3A_1044 : f32
        %broadcast_in_dim3A_1048 = vector.broadcast %squeeze3A_1044 : f32 to vector<16xf32>
        %select_n3A_1049 = arith.select %eq3A_30, %broadcast_in_dim3A_1048, %select_n3A_928 : vector<16xi1>, vector<16xf32>
        %broadcast_in_dim3A_1050 = vector.broadcast %sub3A_1047 : f32 to vector<16xf32>
        %select_n3A_1051 = arith.select %eq3A_33, %broadcast_in_dim3A_1050, %select_n3A_1049 : vector<16xi1>, vector<16xf32>
        %mul3A_1052 = arith.constant 20 : i32
        %mul3A_1053 = arith.muli %add3A_412, %mul3A_1052 : i32
        %add3A_1054 = arith.constant 10 : i32
        %add3A_1055 = arith.addi %mul3A_1053, %add3A_1054 : i32
        %get3A_1056 = arith.index_cast %add3A_1055 : i32 to index
        %get3A_1057 = arith.constant 0 : index
        %get3A_1058 = tpu.vector_load %arg13[%get3A_1056, %get3A_1057] {strides = array<i32>} : memref<160x128xf32, #tpu.memory_space<vmem>>, vector<16xf32>,
        %mul3A_1059 = arith.mulf %get3A_1058, %get3A_417 : vector<16xf32>
        %get3A_1060 = arith.index_cast %add3A_1055 : i32 to index
        %get3A_1061 = arith.constant 16 : index
        %get3A_1062 = tpu.vector_load %arg13[%get3A_1060, %get3A_1061] {strides = array<i32>} : memref<160x128xf32, #tpu.memory_space<vmem>>, vector<16xf32>,
        %mul3A_1063 = arith.mulf %get3A_1062, %get3A_420 : vector<16xf32>
        %get3A_1064 = arith.index_cast %add3A_1055 : i32 to index
        %get3A_1065 = arith.constant 32 : index
        %get3A_1066 = tpu.vector_load %arg13[%get3A_1064, %get3A_1065] {strides = array<i32>} : memref<160x128xf32, #tpu.memory_space<vmem>>, vector<16xf32>,
        %mul3A_1067 = arith.mulf %get3A_1066, %get3A_423 : vector<16xf32>
        %get3A_1068 = arith.index_cast %add3A_1055 : i32 to index
        %get3A_1069 = arith.constant 48 : index
        %get3A_1070 = tpu.vector_load %arg13[%get3A_1068, %get3A_1069] {strides = array<i32>} : memref<160x128xf32, #tpu.memory_space<vmem>>, vector<16xf32>,
        %mul3A_1071 = arith.mulf %get3A_1070, %get3A_426 : vector<16xf32>
        %get3A_1072 = arith.index_cast %add3A_1055 : i32 to index
        %get3A_1073 = arith.constant 64 : index
        %get3A_1074 = tpu.vector_load %arg13[%get3A_1072, %get3A_1073] {strides = array<i32>} : memref<160x128xf32, #tpu.memory_space<vmem>>, vector<16xf32>,
        %mul3A_1075 = arith.mulf %get3A_1074, %get3A_429 : vector<16xf32>
        %get3A_1076 = arith.index_cast %add3A_1055 : i32 to index
        %get3A_1077 = arith.constant 80 : index
        %get3A_1078 = tpu.vector_load %arg13[%get3A_1076, %get3A_1077] {strides = array<i32>} : memref<160x128xf32, #tpu.memory_space<vmem>>, vector<16xf32>,
        %mul3A_1079 = arith.mulf %get3A_1078, %get3A_432 : vector<16xf32>
        %get3A_1080 = arith.index_cast %add3A_1055 : i32 to index
        %get3A_1081 = arith.constant 96 : index
        %get3A_1082 = tpu.vector_load %arg13[%get3A_1080, %get3A_1081] {strides = array<i32>} : memref<160x128xf32, #tpu.memory_space<vmem>>, vector<16xf32>,
        %mul3A_1083 = arith.mulf %get3A_1082, %get3A_435 : vector<16xf32>
        %get3A_1084 = arith.index_cast %add3A_1055 : i32 to index
        %get3A_1085 = arith.constant 112 : index
        %get3A_1086 = tpu.vector_load %arg13[%get3A_1084, %get3A_1085] {strides = array<i32>} : memref<160x128xf32, #tpu.memory_space<vmem>>, vector<16xf32>,
        %mul3A_1087 = arith.mulf %get3A_1086, %get3A_438 : vector<16xf32>
        %add3A_1088 = arith.addf %mul3A_1059, %mul3A_1063 : vector<16xf32>
        %add3A_1089 = arith.addf %mul3A_1067, %mul3A_1071 : vector<16xf32>
        %add3A_1090 = arith.addf %mul3A_1075, %mul3A_1079 : vector<16xf32>
        %add3A_1091 = arith.addf %mul3A_1083, %mul3A_1087 : vector<16xf32>
        %add3A_1092 = arith.addf %add3A_1088, %add3A_1089 : vector<16xf32>
        %add3A_1093 = arith.addf %add3A_1090, %add3A_1091 : vector<16xf32>
        %add3A_1094 = arith.addf %add3A_1092, %add3A_1093 : vector<16xf32>
        %add3A_1095 = arith.constant 1 : i32
        %add3A_1096 = arith.addi %add3A_1055, %add3A_1095 : i32
        %get3A_1097 = arith.index_cast %add3A_1096 : i32 to index
        %get3A_1098 = arith.constant 0 : index
        %get3A_1099 = tpu.vector_load %arg13[%get3A_1097, %get3A_1098] {strides = array<i32>} : memref<160x128xf32, #tpu.memory_space<vmem>>, vector<16xf32>,
        %mul3A_1100 = arith.mulf %get3A_1099, %get3A_417 : vector<16xf32>
        %add3A_1101 = arith.constant 1 : i32
        %add3A_1102 = arith.addi %add3A_1055, %add3A_1101 : i32
        %get3A_1103 = arith.index_cast %add3A_1102 : i32 to index
        %get3A_1104 = arith.constant 16 : index
        %get3A_1105 = tpu.vector_load %arg13[%get3A_1103, %get3A_1104] {strides = array<i32>} : memref<160x128xf32, #tpu.memory_space<vmem>>, vector<16xf32>,
        %mul3A_1106 = arith.mulf %get3A_1105, %get3A_420 : vector<16xf32>
        %add3A_1107 = arith.constant 1 : i32
        %add3A_1108 = arith.addi %add3A_1055, %add3A_1107 : i32
        %get3A_1109 = arith.index_cast %add3A_1108 : i32 to index
        %get3A_1110 = arith.constant 32 : index
        %get3A_1111 = tpu.vector_load %arg13[%get3A_1109, %get3A_1110] {strides = array<i32>} : memref<160x128xf32, #tpu.memory_space<vmem>>, vector<16xf32>,
        %mul3A_1112 = arith.mulf %get3A_1111, %get3A_423 : vector<16xf32>
        %add3A_1113 = arith.constant 1 : i32
        %add3A_1114 = arith.addi %add3A_1055, %add3A_1113 : i32
        %get3A_1115 = arith.index_cast %add3A_1114 : i32 to index
        %get3A_1116 = arith.constant 48 : index
        %get3A_1117 = tpu.vector_load %arg13[%get3A_1115, %get3A_1116] {strides = array<i32>} : memref<160x128xf32, #tpu.memory_space<vmem>>, vector<16xf32>,
        %mul3A_1118 = arith.mulf %get3A_1117, %get3A_426 : vector<16xf32>
        %add3A_1119 = arith.constant 1 : i32
        %add3A_1120 = arith.addi %add3A_1055, %add3A_1119 : i32
        %get3A_1121 = arith.index_cast %add3A_1120 : i32 to index
        %get3A_1122 = arith.constant 64 : index
        %get3A_1123 = tpu.vector_load %arg13[%get3A_1121, %get3A_1122] {strides = array<i32>} : memref<160x128xf32, #tpu.memory_space<vmem>>, vector<16xf32>,
        %mul3A_1124 = arith.mulf %get3A_1123, %get3A_429 : vector<16xf32>
        %add3A_1125 = arith.constant 1 : i32
        %add3A_1126 = arith.addi %add3A_1055, %add3A_1125 : i32
        %get3A_1127 = arith.index_cast %add3A_1126 : i32 to index
        %get3A_1128 = arith.constant 80 : index
        %get3A_1129 = tpu.vector_load %arg13[%get3A_1127, %get3A_1128] {strides = array<i32>} : memref<160x128xf32, #tpu.memory_space<vmem>>, vector<16xf32>,
        %mul3A_1130 = arith.mulf %get3A_1129, %get3A_432 : vector<16xf32>
        %add3A_1131 = arith.constant 1 : i32
        %add3A_1132 = arith.addi %add3A_1055, %add3A_1131 : i32
        %get3A_1133 = arith.index_cast %add3A_1132 : i32 to index
        %get3A_1134 = arith.constant 96 : index
        %get3A_1135 = tpu.vector_load %arg13[%get3A_1133, %get3A_1134] {strides = array<i32>} : memref<160x128xf32, #tpu.memory_space<vmem>>, vector<16xf32>,
        %mul3A_1136 = arith.mulf %get3A_1135, %get3A_435 : vector<16xf32>
        %add3A_1137 = arith.constant 1 : i32
        %add3A_1138 = arith.addi %add3A_1055, %add3A_1137 : i32
        %get3A_1139 = arith.index_cast %add3A_1138 : i32 to index
        %get3A_1140 = arith.constant 112 : index
        %get3A_1141 = tpu.vector_load %arg13[%get3A_1139, %get3A_1140] {strides = array<i32>} : memref<160x128xf32, #tpu.memory_space<vmem>>, vector<16xf32>,
        %mul3A_1142 = arith.mulf %get3A_1141, %get3A_438 : vector<16xf32>
        %add3A_1143 = arith.addf %mul3A_1100, %mul3A_1106 : vector<16xf32>
        %add3A_1144 = arith.addf %mul3A_1112, %mul3A_1118 : vector<16xf32>
        %add3A_1145 = arith.addf %mul3A_1124, %mul3A_1130 : vector<16xf32>
        %add3A_1146 = arith.addf %mul3A_1136, %mul3A_1142 : vector<16xf32>
        %add3A_1147 = arith.addf %add3A_1143, %add3A_1144 : vector<16xf32>
        %add3A_1148 = arith.addf %add3A_1145, %add3A_1146 : vector<16xf32>
        %add3A_1149 = arith.addf %add3A_1147, %add3A_1148 : vector<16xf32>
        %rev3A_1150 = arith.constant 15 : i32
        %rev3A_1151 = vector.broadcast %rev3A_1150 : i32 to vector<16xi32>
        %rev3A_1152 = tpu.iota {dimensions = array<i32: 0>} : vector<16xi32>
        %rev3A_1153 = arith.subi %rev3A_1151, %rev3A_1152 : vector<16xi32>
        %rev3A_1154 = tpu.dynamic_gather %add3A_1094[%rev3A_1153] in [0] : vector<16xf32>, vector<16xi32> -> vector<16xf32>
        %add3A_1155 = arith.addf %add3A_1094, %rev3A_1154 : vector<16xf32>
        %rev3A_1156 = arith.constant 15 : i32
        %rev3A_1157 = vector.broadcast %rev3A_1156 : i32 to vector<16xi32>
        %rev3A_1158 = tpu.iota {dimensions = array<i32: 0>} : vector<16xi32>
        %rev3A_1159 = arith.subi %rev3A_1157, %rev3A_1158 : vector<16xi32>
        %rev3A_1160 = tpu.dynamic_gather %add3A_1149[%rev3A_1159] in [0] : vector<16xf32>, vector<16xi32> -> vector<16xf32>
        %add3A_1161 = arith.addf %add3A_1149, %rev3A_1160 : vector<16xf32>
        %select_n3A_1162 = arith.select %lt3A_53, %add3A_1155, %add3A_1161 : vector<16xi1>, vector<16xf32>
        %broadcast_in_dim3A_1163 = arith.constant true
        %broadcast_in_dim3A_1164 = vector.broadcast %broadcast_in_dim3A_1163 : i1 to vector<16xi1>
        %masked_cumsum3A_1165 = tpu.scan <sum>, %select_n3A_1162 masked %broadcast_in_dim3A_1164 : vector<16xf32>, vector<16xi1> -> vector<16xf32>
        %slice3A_1166 = vector.extract_strided_slice %masked_cumsum3A_1165 {offsets = [7], sizes = [1], strides = [1]} : vector<16xf32> to vector<1xf32>
        %squeeze3A_1167 = vector.extract %slice3A_1166[0] : f32 from vector<1xf32>
        %slice3A_1168 = vector.extract_strided_slice %masked_cumsum3A_1165 {offsets = [15], sizes = [1], strides = [1]} : vector<16xf32> to vector<1xf32>
        %squeeze3A_1169 = vector.extract %slice3A_1168[0] : f32 from vector<1xf32>
        %sub3A_1170 = arith.subf %squeeze3A_1169, %squeeze3A_1167 : f32
        %broadcast_in_dim3A_1171 = vector.broadcast %squeeze3A_1167 : f32 to vector<16xf32>
        %select_n3A_1172 = arith.select %eq3A_36, %broadcast_in_dim3A_1171, %select_n3A_1051 : vector<16xi1>, vector<16xf32>
        %broadcast_in_dim3A_1173 = vector.broadcast %sub3A_1170 : f32 to vector<16xf32>
        %select_n3A_1174 = arith.select %eq3A_39, %broadcast_in_dim3A_1173, %select_n3A_1172 : vector<16xi1>, vector<16xf32>
        %mul3A_1175 = arith.constant 20 : i32
        %mul3A_1176 = arith.muli %add3A_412, %mul3A_1175 : i32
        %add3A_1177 = arith.constant 12 : i32
        %add3A_1178 = arith.addi %mul3A_1176, %add3A_1177 : i32
        %get3A_1179 = arith.index_cast %add3A_1178 : i32 to index
        %get3A_1180 = arith.constant 0 : index
        %get3A_1181 = tpu.vector_load %arg13[%get3A_1179, %get3A_1180] {strides = array<i32>} : memref<160x128xf32, #tpu.memory_space<vmem>>, vector<16xf32>,
        %mul3A_1182 = arith.mulf %get3A_1181, %get3A_417 : vector<16xf32>
        %get3A_1183 = arith.index_cast %add3A_1178 : i32 to index
        %get3A_1184 = arith.constant 16 : index
        %get3A_1185 = tpu.vector_load %arg13[%get3A_1183, %get3A_1184] {strides = array<i32>} : memref<160x128xf32, #tpu.memory_space<vmem>>, vector<16xf32>,
        %mul3A_1186 = arith.mulf %get3A_1185, %get3A_420 : vector<16xf32>
        %get3A_1187 = arith.index_cast %add3A_1178 : i32 to index
        %get3A_1188 = arith.constant 32 : index
        %get3A_1189 = tpu.vector_load %arg13[%get3A_1187, %get3A_1188] {strides = array<i32>} : memref<160x128xf32, #tpu.memory_space<vmem>>, vector<16xf32>,
        %mul3A_1190 = arith.mulf %get3A_1189, %get3A_423 : vector<16xf32>
        %get3A_1191 = arith.index_cast %add3A_1178 : i32 to index
        %get3A_1192 = arith.constant 48 : index
        %get3A_1193 = tpu.vector_load %arg13[%get3A_1191, %get3A_1192] {strides = array<i32>} : memref<160x128xf32, #tpu.memory_space<vmem>>, vector<16xf32>,
        %mul3A_1194 = arith.mulf %get3A_1193, %get3A_426 : vector<16xf32>
        %get3A_1195 = arith.index_cast %add3A_1178 : i32 to index
        %get3A_1196 = arith.constant 64 : index
        %get3A_1197 = tpu.vector_load %arg13[%get3A_1195, %get3A_1196] {strides = array<i32>} : memref<160x128xf32, #tpu.memory_space<vmem>>, vector<16xf32>,
        %mul3A_1198 = arith.mulf %get3A_1197, %get3A_429 : vector<16xf32>
        %get3A_1199 = arith.index_cast %add3A_1178 : i32 to index
        %get3A_1200 = arith.constant 80 : index
        %get3A_1201 = tpu.vector_load %arg13[%get3A_1199, %get3A_1200] {strides = array<i32>} : memref<160x128xf32, #tpu.memory_space<vmem>>, vector<16xf32>,
        %mul3A_1202 = arith.mulf %get3A_1201, %get3A_432 : vector<16xf32>
        %get3A_1203 = arith.index_cast %add3A_1178 : i32 to index
        %get3A_1204 = arith.constant 96 : index
        %get3A_1205 = tpu.vector_load %arg13[%get3A_1203, %get3A_1204] {strides = array<i32>} : memref<160x128xf32, #tpu.memory_space<vmem>>, vector<16xf32>,
        %mul3A_1206 = arith.mulf %get3A_1205, %get3A_435 : vector<16xf32>
        %get3A_1207 = arith.index_cast %add3A_1178 : i32 to index
        %get3A_1208 = arith.constant 112 : index
        %get3A_1209 = tpu.vector_load %arg13[%get3A_1207, %get3A_1208] {strides = array<i32>} : memref<160x128xf32, #tpu.memory_space<vmem>>, vector<16xf32>,
        %mul3A_1210 = arith.mulf %get3A_1209, %get3A_438 : vector<16xf32>
        %add3A_1211 = arith.addf %mul3A_1182, %mul3A_1186 : vector<16xf32>
        %add3A_1212 = arith.addf %mul3A_1190, %mul3A_1194 : vector<16xf32>
        %add3A_1213 = arith.addf %mul3A_1198, %mul3A_1202 : vector<16xf32>
        %add3A_1214 = arith.addf %mul3A_1206, %mul3A_1210 : vector<16xf32>
        %add3A_1215 = arith.addf %add3A_1211, %add3A_1212 : vector<16xf32>
        %add3A_1216 = arith.addf %add3A_1213, %add3A_1214 : vector<16xf32>
        %add3A_1217 = arith.addf %add3A_1215, %add3A_1216 : vector<16xf32>
        %add3A_1218 = arith.constant 1 : i32
        %add3A_1219 = arith.addi %add3A_1178, %add3A_1218 : i32
        %get3A_1220 = arith.index_cast %add3A_1219 : i32 to index
        %get3A_1221 = arith.constant 0 : index
        %get3A_1222 = tpu.vector_load %arg13[%get3A_1220, %get3A_1221] {strides = array<i32>} : memref<160x128xf32, #tpu.memory_space<vmem>>, vector<16xf32>,
        %mul3A_1223 = arith.mulf %get3A_1222, %get3A_417 : vector<16xf32>
        %add3A_1224 = arith.constant 1 : i32
        %add3A_1225 = arith.addi %add3A_1178, %add3A_1224 : i32
        %get3A_1226 = arith.index_cast %add3A_1225 : i32 to index
        %get3A_1227 = arith.constant 16 : index
        %get3A_1228 = tpu.vector_load %arg13[%get3A_1226, %get3A_1227] {strides = array<i32>} : memref<160x128xf32, #tpu.memory_space<vmem>>, vector<16xf32>,
        %mul3A_1229 = arith.mulf %get3A_1228, %get3A_420 : vector<16xf32>
        %add3A_1230 = arith.constant 1 : i32
        %add3A_1231 = arith.addi %add3A_1178, %add3A_1230 : i32
        %get3A_1232 = arith.index_cast %add3A_1231 : i32 to index
        %get3A_1233 = arith.constant 32 : index
        %get3A_1234 = tpu.vector_load %arg13[%get3A_1232, %get3A_1233] {strides = array<i32>} : memref<160x128xf32, #tpu.memory_space<vmem>>, vector<16xf32>,
        %mul3A_1235 = arith.mulf %get3A_1234, %get3A_423 : vector<16xf32>
        %add3A_1236 = arith.constant 1 : i32
        %add3A_1237 = arith.addi %add3A_1178, %add3A_1236 : i32
        %get3A_1238 = arith.index_cast %add3A_1237 : i32 to index
        %get3A_1239 = arith.constant 48 : index
        %get3A_1240 = tpu.vector_load %arg13[%get3A_1238, %get3A_1239] {strides = array<i32>} : memref<160x128xf32, #tpu.memory_space<vmem>>, vector<16xf32>,
        %mul3A_1241 = arith.mulf %get3A_1240, %get3A_426 : vector<16xf32>
        %add3A_1242 = arith.constant 1 : i32
        %add3A_1243 = arith.addi %add3A_1178, %add3A_1242 : i32
        %get3A_1244 = arith.index_cast %add3A_1243 : i32 to index
        %get3A_1245 = arith.constant 64 : index
        %get3A_1246 = tpu.vector_load %arg13[%get3A_1244, %get3A_1245] {strides = array<i32>} : memref<160x128xf32, #tpu.memory_space<vmem>>, vector<16xf32>,
        %mul3A_1247 = arith.mulf %get3A_1246, %get3A_429 : vector<16xf32>
        %add3A_1248 = arith.constant 1 : i32
        %add3A_1249 = arith.addi %add3A_1178, %add3A_1248 : i32
        %get3A_1250 = arith.index_cast %add3A_1249 : i32 to index
        %get3A_1251 = arith.constant 80 : index
        %get3A_1252 = tpu.vector_load %arg13[%get3A_1250, %get3A_1251] {strides = array<i32>} : memref<160x128xf32, #tpu.memory_space<vmem>>, vector<16xf32>,
        %mul3A_1253 = arith.mulf %get3A_1252, %get3A_432 : vector<16xf32>
        %add3A_1254 = arith.constant 1 : i32
        %add3A_1255 = arith.addi %add3A_1178, %add3A_1254 : i32
        %get3A_1256 = arith.index_cast %add3A_1255 : i32 to index
        %get3A_1257 = arith.constant 96 : index
        %get3A_1258 = tpu.vector_load %arg13[%get3A_1256, %get3A_1257] {strides = array<i32>} : memref<160x128xf32, #tpu.memory_space<vmem>>, vector<16xf32>,
        %mul3A_1259 = arith.mulf %get3A_1258, %get3A_435 : vector<16xf32>
        %add3A_1260 = arith.constant 1 : i32
        %add3A_1261 = arith.addi %add3A_1178, %add3A_1260 : i32
        %get3A_1262 = arith.index_cast %add3A_1261 : i32 to index
        %get3A_1263 = arith.constant 112 : index
        %get3A_1264 = tpu.vector_load %arg13[%get3A_1262, %get3A_1263] {strides = array<i32>} : memref<160x128xf32, #tpu.memory_space<vmem>>, vector<16xf32>,
        %mul3A_1265 = arith.mulf %get3A_1264, %get3A_438 : vector<16xf32>
        %add3A_1266 = arith.addf %mul3A_1223, %mul3A_1229 : vector<16xf32>
        %add3A_1267 = arith.addf %mul3A_1235, %mul3A_1241 : vector<16xf32>
        %add3A_1268 = arith.addf %mul3A_1247, %mul3A_1253 : vector<16xf32>
        %add3A_1269 = arith.addf %mul3A_1259, %mul3A_1265 : vector<16xf32>
        %add3A_1270 = arith.addf %add3A_1266, %add3A_1267 : vector<16xf32>
        %add3A_1271 = arith.addf %add3A_1268, %add3A_1269 : vector<16xf32>
        %add3A_1272 = arith.addf %add3A_1270, %add3A_1271 : vector<16xf32>
        %rev3A_1273 = arith.constant 15 : i32
        %rev3A_1274 = vector.broadcast %rev3A_1273 : i32 to vector<16xi32>
        %rev3A_1275 = tpu.iota {dimensions = array<i32: 0>} : vector<16xi32>
        %rev3A_1276 = arith.subi %rev3A_1274, %rev3A_1275 : vector<16xi32>
        %rev3A_1277 = tpu.dynamic_gather %add3A_1217[%rev3A_1276] in [0] : vector<16xf32>, vector<16xi32> -> vector<16xf32>
        %add3A_1278 = arith.addf %add3A_1217, %rev3A_1277 : vector<16xf32>
        %rev3A_1279 = arith.constant 15 : i32
        %rev3A_1280 = vector.broadcast %rev3A_1279 : i32 to vector<16xi32>
        %rev3A_1281 = tpu.iota {dimensions = array<i32: 0>} : vector<16xi32>
        %rev3A_1282 = arith.subi %rev3A_1280, %rev3A_1281 : vector<16xi32>
        %rev3A_1283 = tpu.dynamic_gather %add3A_1272[%rev3A_1282] in [0] : vector<16xf32>, vector<16xi32> -> vector<16xf32>
        %add3A_1284 = arith.addf %add3A_1272, %rev3A_1283 : vector<16xf32>
        %select_n3A_1285 = arith.select %lt3A_53, %add3A_1278, %add3A_1284 : vector<16xi1>, vector<16xf32>
        %broadcast_in_dim3A_1286 = arith.constant true
        %broadcast_in_dim3A_1287 = vector.broadcast %broadcast_in_dim3A_1286 : i1 to vector<16xi1>
        %masked_cumsum3A_1288 = tpu.scan <sum>, %select_n3A_1285 masked %broadcast_in_dim3A_1287 : vector<16xf32>, vector<16xi1> -> vector<16xf32>
        %slice3A_1289 = vector.extract_strided_slice %masked_cumsum3A_1288 {offsets = [7], sizes = [1], strides = [1]} : vector<16xf32> to vector<1xf32>
        %squeeze3A_1290 = vector.extract %slice3A_1289[0] : f32 from vector<1xf32>
        %slice3A_1291 = vector.extract_strided_slice %masked_cumsum3A_1288 {offsets = [15], sizes = [1], strides = [1]} : vector<16xf32> to vector<1xf32>
        %squeeze3A_1292 = vector.extract %slice3A_1291[0] : f32 from vector<1xf32>
        %sub3A_1293 = arith.subf %squeeze3A_1292, %squeeze3A_1290 : f32
        %broadcast_in_dim3A_1294 = vector.broadcast %squeeze3A_1290 : f32 to vector<16xf32>
        %select_n3A_1295 = arith.select %eq3A_42, %broadcast_in_dim3A_1294, %select_n3A_1174 : vector<16xi1>, vector<16xf32>
        %broadcast_in_dim3A_1296 = vector.broadcast %sub3A_1293 : f32 to vector<16xf32>
        %select_n3A_1297 = arith.select %eq3A_45, %broadcast_in_dim3A_1296, %select_n3A_1295 : vector<16xi1>, vector<16xf32>
        %mul3A_1298 = arith.constant 20 : i32
        %mul3A_1299 = arith.muli %add3A_412, %mul3A_1298 : i32
        %add3A_1300 = arith.constant 14 : i32
        %add3A_1301 = arith.addi %mul3A_1299, %add3A_1300 : i32
        %get3A_1302 = arith.index_cast %add3A_1301 : i32 to index
        %get3A_1303 = arith.constant 0 : index
        %get3A_1304 = tpu.vector_load %arg13[%get3A_1302, %get3A_1303] {strides = array<i32>} : memref<160x128xf32, #tpu.memory_space<vmem>>, vector<16xf32>,
        %mul3A_1305 = arith.mulf %get3A_1304, %get3A_417 : vector<16xf32>
        %get3A_1306 = arith.index_cast %add3A_1301 : i32 to index
        %get3A_1307 = arith.constant 16 : index
        %get3A_1308 = tpu.vector_load %arg13[%get3A_1306, %get3A_1307] {strides = array<i32>} : memref<160x128xf32, #tpu.memory_space<vmem>>, vector<16xf32>,
        %mul3A_1309 = arith.mulf %get3A_1308, %get3A_420 : vector<16xf32>
        %get3A_1310 = arith.index_cast %add3A_1301 : i32 to index
        %get3A_1311 = arith.constant 32 : index
        %get3A_1312 = tpu.vector_load %arg13[%get3A_1310, %get3A_1311] {strides = array<i32>} : memref<160x128xf32, #tpu.memory_space<vmem>>, vector<16xf32>,
        %mul3A_1313 = arith.mulf %get3A_1312, %get3A_423 : vector<16xf32>
        %get3A_1314 = arith.index_cast %add3A_1301 : i32 to index
        %get3A_1315 = arith.constant 48 : index
        %get3A_1316 = tpu.vector_load %arg13[%get3A_1314, %get3A_1315] {strides = array<i32>} : memref<160x128xf32, #tpu.memory_space<vmem>>, vector<16xf32>,
        %mul3A_1317 = arith.mulf %get3A_1316, %get3A_426 : vector<16xf32>
        %get3A_1318 = arith.index_cast %add3A_1301 : i32 to index
        %get3A_1319 = arith.constant 64 : index
        %get3A_1320 = tpu.vector_load %arg13[%get3A_1318, %get3A_1319] {strides = array<i32>} : memref<160x128xf32, #tpu.memory_space<vmem>>, vector<16xf32>,
        %mul3A_1321 = arith.mulf %get3A_1320, %get3A_429 : vector<16xf32>
        %get3A_1322 = arith.index_cast %add3A_1301 : i32 to index
        %get3A_1323 = arith.constant 80 : index
        %get3A_1324 = tpu.vector_load %arg13[%get3A_1322, %get3A_1323] {strides = array<i32>} : memref<160x128xf32, #tpu.memory_space<vmem>>, vector<16xf32>,
        %mul3A_1325 = arith.mulf %get3A_1324, %get3A_432 : vector<16xf32>
        %get3A_1326 = arith.index_cast %add3A_1301 : i32 to index
        %get3A_1327 = arith.constant 96 : index
        %get3A_1328 = tpu.vector_load %arg13[%get3A_1326, %get3A_1327] {strides = array<i32>} : memref<160x128xf32, #tpu.memory_space<vmem>>, vector<16xf32>,
        %mul3A_1329 = arith.mulf %get3A_1328, %get3A_435 : vector<16xf32>
        %get3A_1330 = arith.index_cast %add3A_1301 : i32 to index
        %get3A_1331 = arith.constant 112 : index
        %get3A_1332 = tpu.vector_load %arg13[%get3A_1330, %get3A_1331] {strides = array<i32>} : memref<160x128xf32, #tpu.memory_space<vmem>>, vector<16xf32>,
        %mul3A_1333 = arith.mulf %get3A_1332, %get3A_438 : vector<16xf32>
        %add3A_1334 = arith.addf %mul3A_1305, %mul3A_1309 : vector<16xf32>
        %add3A_1335 = arith.addf %mul3A_1313, %mul3A_1317 : vector<16xf32>
        %add3A_1336 = arith.addf %mul3A_1321, %mul3A_1325 : vector<16xf32>
        %add3A_1337 = arith.addf %mul3A_1329, %mul3A_1333 : vector<16xf32>
        %add3A_1338 = arith.addf %add3A_1334, %add3A_1335 : vector<16xf32>
        %add3A_1339 = arith.addf %add3A_1336, %add3A_1337 : vector<16xf32>
        %add3A_1340 = arith.addf %add3A_1338, %add3A_1339 : vector<16xf32>
        %add3A_1341 = arith.constant 1 : i32
        %add3A_1342 = arith.addi %add3A_1301, %add3A_1341 : i32
        %get3A_1343 = arith.index_cast %add3A_1342 : i32 to index
        %get3A_1344 = arith.constant 0 : index
        %get3A_1345 = tpu.vector_load %arg13[%get3A_1343, %get3A_1344] {strides = array<i32>} : memref<160x128xf32, #tpu.memory_space<vmem>>, vector<16xf32>,
        %mul3A_1346 = arith.mulf %get3A_1345, %get3A_417 : vector<16xf32>
        %add3A_1347 = arith.constant 1 : i32
        %add3A_1348 = arith.addi %add3A_1301, %add3A_1347 : i32
        %get3A_1349 = arith.index_cast %add3A_1348 : i32 to index
        %get3A_1350 = arith.constant 16 : index
        %get3A_1351 = tpu.vector_load %arg13[%get3A_1349, %get3A_1350] {strides = array<i32>} : memref<160x128xf32, #tpu.memory_space<vmem>>, vector<16xf32>,
        %mul3A_1352 = arith.mulf %get3A_1351, %get3A_420 : vector<16xf32>
        %add3A_1353 = arith.constant 1 : i32
        %add3A_1354 = arith.addi %add3A_1301, %add3A_1353 : i32
        %get3A_1355 = arith.index_cast %add3A_1354 : i32 to index
        %get3A_1356 = arith.constant 32 : index
        %get3A_1357 = tpu.vector_load %arg13[%get3A_1355, %get3A_1356] {strides = array<i32>} : memref<160x128xf32, #tpu.memory_space<vmem>>, vector<16xf32>,
        %mul3A_1358 = arith.mulf %get3A_1357, %get3A_423 : vector<16xf32>
        %add3A_1359 = arith.constant 1 : i32
        %add3A_1360 = arith.addi %add3A_1301, %add3A_1359 : i32
        %get3A_1361 = arith.index_cast %add3A_1360 : i32 to index
        %get3A_1362 = arith.constant 48 : index
        %get3A_1363 = tpu.vector_load %arg13[%get3A_1361, %get3A_1362] {strides = array<i32>} : memref<160x128xf32, #tpu.memory_space<vmem>>, vector<16xf32>,
        %mul3A_1364 = arith.mulf %get3A_1363, %get3A_426 : vector<16xf32>
        %add3A_1365 = arith.constant 1 : i32
        %add3A_1366 = arith.addi %add3A_1301, %add3A_1365 : i32
        %get3A_1367 = arith.index_cast %add3A_1366 : i32 to index
        %get3A_1368 = arith.constant 64 : index
        %get3A_1369 = tpu.vector_load %arg13[%get3A_1367, %get3A_1368] {strides = array<i32>} : memref<160x128xf32, #tpu.memory_space<vmem>>, vector<16xf32>,
        %mul3A_1370 = arith.mulf %get3A_1369, %get3A_429 : vector<16xf32>
        %add3A_1371 = arith.constant 1 : i32
        %add3A_1372 = arith.addi %add3A_1301, %add3A_1371 : i32
        %get3A_1373 = arith.index_cast %add3A_1372 : i32 to index
        %get3A_1374 = arith.constant 80 : index
        %get3A_1375 = tpu.vector_load %arg13[%get3A_1373, %get3A_1374] {strides = array<i32>} : memref<160x128xf32, #tpu.memory_space<vmem>>, vector<16xf32>,
        %mul3A_1376 = arith.mulf %get3A_1375, %get3A_432 : vector<16xf32>
        %add3A_1377 = arith.constant 1 : i32
        %add3A_1378 = arith.addi %add3A_1301, %add3A_1377 : i32
        %get3A_1379 = arith.index_cast %add3A_1378 : i32 to index
        %get3A_1380 = arith.constant 96 : index
        %get3A_1381 = tpu.vector_load %arg13[%get3A_1379, %get3A_1380] {strides = array<i32>} : memref<160x128xf32, #tpu.memory_space<vmem>>, vector<16xf32>,
        %mul3A_1382 = arith.mulf %get3A_1381, %get3A_435 : vector<16xf32>
        %add3A_1383 = arith.constant 1 : i32
        %add3A_1384 = arith.addi %add3A_1301, %add3A_1383 : i32
        %get3A_1385 = arith.index_cast %add3A_1384 : i32 to index
        %get3A_1386 = arith.constant 112 : index
        %get3A_1387 = tpu.vector_load %arg13[%get3A_1385, %get3A_1386] {strides = array<i32>} : memref<160x128xf32, #tpu.memory_space<vmem>>, vector<16xf32>,
        %mul3A_1388 = arith.mulf %get3A_1387, %get3A_438 : vector<16xf32>
        %add3A_1389 = arith.addf %mul3A_1346, %mul3A_1352 : vector<16xf32>
        %add3A_1390 = arith.addf %mul3A_1358, %mul3A_1364 : vector<16xf32>
        %add3A_1391 = arith.addf %mul3A_1370, %mul3A_1376 : vector<16xf32>
        %add3A_1392 = arith.addf %mul3A_1382, %mul3A_1388 : vector<16xf32>
        %add3A_1393 = arith.addf %add3A_1389, %add3A_1390 : vector<16xf32>
        %add3A_1394 = arith.addf %add3A_1391, %add3A_1392 : vector<16xf32>
        %add3A_1395 = arith.addf %add3A_1393, %add3A_1394 : vector<16xf32>
        %rev3A_1396 = arith.constant 15 : i32
        %rev3A_1397 = vector.broadcast %rev3A_1396 : i32 to vector<16xi32>
        %rev3A_1398 = tpu.iota {dimensions = array<i32: 0>} : vector<16xi32>
        %rev3A_1399 = arith.subi %rev3A_1397, %rev3A_1398 : vector<16xi32>
        %rev3A_1400 = tpu.dynamic_gather %add3A_1340[%rev3A_1399] in [0] : vector<16xf32>, vector<16xi32> -> vector<16xf32>
        %add3A_1401 = arith.addf %add3A_1340, %rev3A_1400 : vector<16xf32>
        %rev3A_1402 = arith.constant 15 : i32
        %rev3A_1403 = vector.broadcast %rev3A_1402 : i32 to vector<16xi32>
        %rev3A_1404 = tpu.iota {dimensions = array<i32: 0>} : vector<16xi32>
        %rev3A_1405 = arith.subi %rev3A_1403, %rev3A_1404 : vector<16xi32>
        %rev3A_1406 = tpu.dynamic_gather %add3A_1395[%rev3A_1405] in [0] : vector<16xf32>, vector<16xi32> -> vector<16xf32>
        %add3A_1407 = arith.addf %add3A_1395, %rev3A_1406 : vector<16xf32>
        %select_n3A_1408 = arith.select %lt3A_53, %add3A_1401, %add3A_1407 : vector<16xi1>, vector<16xf32>
        %broadcast_in_dim3A_1409 = arith.constant true
        %broadcast_in_dim3A_1410 = vector.broadcast %broadcast_in_dim3A_1409 : i1 to vector<16xi1>
        %masked_cumsum3A_1411 = tpu.scan <sum>, %select_n3A_1408 masked %broadcast_in_dim3A_1410 : vector<16xf32>, vector<16xi1> -> vector<16xf32>
        %slice3A_1412 = vector.extract_strided_slice %masked_cumsum3A_1411 {offsets = [7], sizes = [1], strides = [1]} : vector<16xf32> to vector<1xf32>
        %squeeze3A_1413 = vector.extract %slice3A_1412[0] : f32 from vector<1xf32>
        %slice3A_1414 = vector.extract_strided_slice %masked_cumsum3A_1411 {offsets = [15], sizes = [1], strides = [1]} : vector<16xf32> to vector<1xf32>
        %squeeze3A_1415 = vector.extract %slice3A_1414[0] : f32 from vector<1xf32>
        %sub3A_1416 = arith.subf %squeeze3A_1415, %squeeze3A_1413 : f32
        %broadcast_in_dim3A_1417 = vector.broadcast %squeeze3A_1413 : f32 to vector<16xf32>
        %select_n3A_1418 = arith.select %eq3A_48, %broadcast_in_dim3A_1417, %select_n3A_1297 : vector<16xi1>, vector<16xf32>
        %broadcast_in_dim3A_1419 = vector.broadcast %sub3A_1416 : f32 to vector<16xf32>
        %select_n3A_1420 = arith.select %eq3A_51, %broadcast_in_dim3A_1419, %select_n3A_1418 : vector<16xi1>, vector<16xf32>
        %mul3A_1421 = arith.constant 20 : i32
        %mul3A_1422 = arith.muli %add3A_412, %mul3A_1421 : i32
        %add3A_1423 = arith.constant 16 : i32
        %add3A_1424 = arith.addi %mul3A_1422, %add3A_1423 : i32
        %get3A_1425 = arith.index_cast %add3A_1424 : i32 to index
        %get3A_1426 = arith.constant 0 : index
        %get3A_1427 = tpu.vector_load %arg13[%get3A_1425, %get3A_1426] {strides = array<i32>} : memref<160x128xf32, #tpu.memory_space<vmem>>, vector<16xf32>,
        %mul3A_1428 = arith.mulf %get3A_1427, %get3A_417 : vector<16xf32>
        %get3A_1429 = arith.index_cast %add3A_1424 : i32 to index
        %get3A_1430 = arith.constant 16 : index
        %get3A_1431 = tpu.vector_load %arg13[%get3A_1429, %get3A_1430] {strides = array<i32>} : memref<160x128xf32, #tpu.memory_space<vmem>>, vector<16xf32>,
        %mul3A_1432 = arith.mulf %get3A_1431, %get3A_420 : vector<16xf32>
        %get3A_1433 = arith.index_cast %add3A_1424 : i32 to index
        %get3A_1434 = arith.constant 32 : index
        %get3A_1435 = tpu.vector_load %arg13[%get3A_1433, %get3A_1434] {strides = array<i32>} : memref<160x128xf32, #tpu.memory_space<vmem>>, vector<16xf32>,
        %mul3A_1436 = arith.mulf %get3A_1435, %get3A_423 : vector<16xf32>
        %get3A_1437 = arith.index_cast %add3A_1424 : i32 to index
        %get3A_1438 = arith.constant 48 : index
        %get3A_1439 = tpu.vector_load %arg13[%get3A_1437, %get3A_1438] {strides = array<i32>} : memref<160x128xf32, #tpu.memory_space<vmem>>, vector<16xf32>,
        %mul3A_1440 = arith.mulf %get3A_1439, %get3A_426 : vector<16xf32>
        %get3A_1441 = arith.index_cast %add3A_1424 : i32 to index
        %get3A_1442 = arith.constant 64 : index
        %get3A_1443 = tpu.vector_load %arg13[%get3A_1441, %get3A_1442] {strides = array<i32>} : memref<160x128xf32, #tpu.memory_space<vmem>>, vector<16xf32>,
        %mul3A_1444 = arith.mulf %get3A_1443, %get3A_429 : vector<16xf32>
        %get3A_1445 = arith.index_cast %add3A_1424 : i32 to index
        %get3A_1446 = arith.constant 80 : index
        %get3A_1447 = tpu.vector_load %arg13[%get3A_1445, %get3A_1446] {strides = array<i32>} : memref<160x128xf32, #tpu.memory_space<vmem>>, vector<16xf32>,
        %mul3A_1448 = arith.mulf %get3A_1447, %get3A_432 : vector<16xf32>
        %get3A_1449 = arith.index_cast %add3A_1424 : i32 to index
        %get3A_1450 = arith.constant 96 : index
        %get3A_1451 = tpu.vector_load %arg13[%get3A_1449, %get3A_1450] {strides = array<i32>} : memref<160x128xf32, #tpu.memory_space<vmem>>, vector<16xf32>,
        %mul3A_1452 = arith.mulf %get3A_1451, %get3A_435 : vector<16xf32>
        %get3A_1453 = arith.index_cast %add3A_1424 : i32 to index
        %get3A_1454 = arith.constant 112 : index
        %get3A_1455 = tpu.vector_load %arg13[%get3A_1453, %get3A_1454] {strides = array<i32>} : memref<160x128xf32, #tpu.memory_space<vmem>>, vector<16xf32>,
        %mul3A_1456 = arith.mulf %get3A_1455, %get3A_438 : vector<16xf32>
        %add3A_1457 = arith.addf %mul3A_1428, %mul3A_1432 : vector<16xf32>
        %add3A_1458 = arith.addf %mul3A_1436, %mul3A_1440 : vector<16xf32>
        %add3A_1459 = arith.addf %mul3A_1444, %mul3A_1448 : vector<16xf32>
        %add3A_1460 = arith.addf %mul3A_1452, %mul3A_1456 : vector<16xf32>
        %add3A_1461 = arith.addf %add3A_1457, %add3A_1458 : vector<16xf32>
        %add3A_1462 = arith.addf %add3A_1459, %add3A_1460 : vector<16xf32>
        %add3A_1463 = arith.addf %add3A_1461, %add3A_1462 : vector<16xf32>
        %add3A_1464 = arith.constant 1 : i32
        %add3A_1465 = arith.addi %add3A_1424, %add3A_1464 : i32
        %get3A_1466 = arith.index_cast %add3A_1465 : i32 to index
        %get3A_1467 = arith.constant 0 : index
        %get3A_1468 = tpu.vector_load %arg13[%get3A_1466, %get3A_1467] {strides = array<i32>} : memref<160x128xf32, #tpu.memory_space<vmem>>, vector<16xf32>,
        %mul3A_1469 = arith.mulf %get3A_1468, %get3A_417 : vector<16xf32>
        %add3A_1470 = arith.constant 1 : i32
        %add3A_1471 = arith.addi %add3A_1424, %add3A_1470 : i32
        %get3A_1472 = arith.index_cast %add3A_1471 : i32 to index
        %get3A_1473 = arith.constant 16 : index
        %get3A_1474 = tpu.vector_load %arg13[%get3A_1472, %get3A_1473] {strides = array<i32>} : memref<160x128xf32, #tpu.memory_space<vmem>>, vector<16xf32>,
        %mul3A_1475 = arith.mulf %get3A_1474, %get3A_420 : vector<16xf32>
        %add3A_1476 = arith.constant 1 : i32
        %add3A_1477 = arith.addi %add3A_1424, %add3A_1476 : i32
        %get3A_1478 = arith.index_cast %add3A_1477 : i32 to index
        %get3A_1479 = arith.constant 32 : index
        %get3A_1480 = tpu.vector_load %arg13[%get3A_1478, %get3A_1479] {strides = array<i32>} : memref<160x128xf32, #tpu.memory_space<vmem>>, vector<16xf32>,
        %mul3A_1481 = arith.mulf %get3A_1480, %get3A_423 : vector<16xf32>
        %add3A_1482 = arith.constant 1 : i32
        %add3A_1483 = arith.addi %add3A_1424, %add3A_1482 : i32
        %get3A_1484 = arith.index_cast %add3A_1483 : i32 to index
        %get3A_1485 = arith.constant 48 : index
        %get3A_1486 = tpu.vector_load %arg13[%get3A_1484, %get3A_1485] {strides = array<i32>} : memref<160x128xf32, #tpu.memory_space<vmem>>, vector<16xf32>,
        %mul3A_1487 = arith.mulf %get3A_1486, %get3A_426 : vector<16xf32>
        %add3A_1488 = arith.constant 1 : i32
        %add3A_1489 = arith.addi %add3A_1424, %add3A_1488 : i32
        %get3A_1490 = arith.index_cast %add3A_1489 : i32 to index
        %get3A_1491 = arith.constant 64 : index
        %get3A_1492 = tpu.vector_load %arg13[%get3A_1490, %get3A_1491] {strides = array<i32>} : memref<160x128xf32, #tpu.memory_space<vmem>>, vector<16xf32>,
        %mul3A_1493 = arith.mulf %get3A_1492, %get3A_429 : vector<16xf32>
        %add3A_1494 = arith.constant 1 : i32
        %add3A_1495 = arith.addi %add3A_1424, %add3A_1494 : i32
        %get3A_1496 = arith.index_cast %add3A_1495 : i32 to index
        %get3A_1497 = arith.constant 80 : index
        %get3A_1498 = tpu.vector_load %arg13[%get3A_1496, %get3A_1497] {strides = array<i32>} : memref<160x128xf32, #tpu.memory_space<vmem>>, vector<16xf32>,
        %mul3A_1499 = arith.mulf %get3A_1498, %get3A_432 : vector<16xf32>
        %add3A_1500 = arith.constant 1 : i32
        %add3A_1501 = arith.addi %add3A_1424, %add3A_1500 : i32
        %get3A_1502 = arith.index_cast %add3A_1501 : i32 to index
        %get3A_1503 = arith.constant 96 : index
        %get3A_1504 = tpu.vector_load %arg13[%get3A_1502, %get3A_1503] {strides = array<i32>} : memref<160x128xf32, #tpu.memory_space<vmem>>, vector<16xf32>,
        %mul3A_1505 = arith.mulf %get3A_1504, %get3A_435 : vector<16xf32>
        %add3A_1506 = arith.constant 1 : i32
        %add3A_1507 = arith.addi %add3A_1424, %add3A_1506 : i32
        %get3A_1508 = arith.index_cast %add3A_1507 : i32 to index
        %get3A_1509 = arith.constant 112 : index
        %get3A_1510 = tpu.vector_load %arg13[%get3A_1508, %get3A_1509] {strides = array<i32>} : memref<160x128xf32, #tpu.memory_space<vmem>>, vector<16xf32>,
        %mul3A_1511 = arith.mulf %get3A_1510, %get3A_438 : vector<16xf32>
        %add3A_1512 = arith.addf %mul3A_1469, %mul3A_1475 : vector<16xf32>
        %add3A_1513 = arith.addf %mul3A_1481, %mul3A_1487 : vector<16xf32>
        %add3A_1514 = arith.addf %mul3A_1493, %mul3A_1499 : vector<16xf32>
        %add3A_1515 = arith.addf %mul3A_1505, %mul3A_1511 : vector<16xf32>
        %add3A_1516 = arith.addf %add3A_1512, %add3A_1513 : vector<16xf32>
        %add3A_1517 = arith.addf %add3A_1514, %add3A_1515 : vector<16xf32>
        %add3A_1518 = arith.addf %add3A_1516, %add3A_1517 : vector<16xf32>
        %rev3A_1519 = arith.constant 15 : i32
        %rev3A_1520 = vector.broadcast %rev3A_1519 : i32 to vector<16xi32>
        %rev3A_1521 = tpu.iota {dimensions = array<i32: 0>} : vector<16xi32>
        %rev3A_1522 = arith.subi %rev3A_1520, %rev3A_1521 : vector<16xi32>
        %rev3A_1523 = tpu.dynamic_gather %add3A_1463[%rev3A_1522] in [0] : vector<16xf32>, vector<16xi32> -> vector<16xf32>
        %add3A_1524 = arith.addf %add3A_1463, %rev3A_1523 : vector<16xf32>
        %rev3A_1525 = arith.constant 15 : i32
        %rev3A_1526 = vector.broadcast %rev3A_1525 : i32 to vector<16xi32>
        %rev3A_1527 = tpu.iota {dimensions = array<i32: 0>} : vector<16xi32>
        %rev3A_1528 = arith.subi %rev3A_1526, %rev3A_1527 : vector<16xi32>
        %rev3A_1529 = tpu.dynamic_gather %add3A_1518[%rev3A_1528] in [0] : vector<16xf32>, vector<16xi32> -> vector<16xf32>
        %add3A_1530 = arith.addf %add3A_1518, %rev3A_1529 : vector<16xf32>
        %select_n3A_1531 = arith.select %lt3A_53, %add3A_1524, %add3A_1530 : vector<16xi1>, vector<16xf32>
        %broadcast_in_dim3A_1532 = arith.constant true
        %broadcast_in_dim3A_1533 = vector.broadcast %broadcast_in_dim3A_1532 : i1 to vector<16xi1>
        %masked_cumsum3A_1534 = tpu.scan <sum>, %select_n3A_1531 masked %broadcast_in_dim3A_1533 : vector<16xf32>, vector<16xi1> -> vector<16xf32>
        %slice3A_1535 = vector.extract_strided_slice %masked_cumsum3A_1534 {offsets = [7], sizes = [1], strides = [1]} : vector<16xf32> to vector<1xf32>
        %squeeze3A_1536 = vector.extract %slice3A_1535[0] : f32 from vector<1xf32>
        %slice3A_1537 = vector.extract_strided_slice %masked_cumsum3A_1534 {offsets = [15], sizes = [1], strides = [1]} : vector<16xf32> to vector<1xf32>
        %squeeze3A_1538 = vector.extract %slice3A_1537[0] : f32 from vector<1xf32>
        %sub3A_1539 = arith.subf %squeeze3A_1538, %squeeze3A_1536 : f32
        %broadcast_in_dim3A_1540 = vector.broadcast %squeeze3A_1536 : f32 to vector<16xf32>
        %select_n3A_1541 = arith.select %eq3A_6, %broadcast_in_dim3A_1540, %broadcast_in_dim3A_441 : vector<16xi1>, vector<16xf32>
        %broadcast_in_dim3A_1542 = vector.broadcast %sub3A_1539 : f32 to vector<16xf32>
        %select_n3A_1543 = arith.select %eq3A_9, %broadcast_in_dim3A_1542, %select_n3A_1541 : vector<16xi1>, vector<16xf32>
        %mul3A_1544 = arith.constant 20 : i32
        %mul3A_1545 = arith.muli %add3A_412, %mul3A_1544 : i32
        %add3A_1546 = arith.constant 18 : i32
        %add3A_1547 = arith.addi %mul3A_1545, %add3A_1546 : i32
        %get3A_1548 = arith.index_cast %add3A_1547 : i32 to index
        %get3A_1549 = arith.constant 0 : index
        %get3A_1550 = tpu.vector_load %arg13[%get3A_1548, %get3A_1549] {strides = array<i32>} : memref<160x128xf32, #tpu.memory_space<vmem>>, vector<16xf32>,
        %mul3A_1551 = arith.mulf %get3A_1550, %get3A_417 : vector<16xf32>
        %get3A_1552 = arith.index_cast %add3A_1547 : i32 to index
        %get3A_1553 = arith.constant 16 : index
        %get3A_1554 = tpu.vector_load %arg13[%get3A_1552, %get3A_1553] {strides = array<i32>} : memref<160x128xf32, #tpu.memory_space<vmem>>, vector<16xf32>,
        %mul3A_1555 = arith.mulf %get3A_1554, %get3A_420 : vector<16xf32>
        %get3A_1556 = arith.index_cast %add3A_1547 : i32 to index
        %get3A_1557 = arith.constant 32 : index
        %get3A_1558 = tpu.vector_load %arg13[%get3A_1556, %get3A_1557] {strides = array<i32>} : memref<160x128xf32, #tpu.memory_space<vmem>>, vector<16xf32>,
        %mul3A_1559 = arith.mulf %get3A_1558, %get3A_423 : vector<16xf32>
        %get3A_1560 = arith.index_cast %add3A_1547 : i32 to index
        %get3A_1561 = arith.constant 48 : index
        %get3A_1562 = tpu.vector_load %arg13[%get3A_1560, %get3A_1561] {strides = array<i32>} : memref<160x128xf32, #tpu.memory_space<vmem>>, vector<16xf32>,
        %mul3A_1563 = arith.mulf %get3A_1562, %get3A_426 : vector<16xf32>
        %get3A_1564 = arith.index_cast %add3A_1547 : i32 to index
        %get3A_1565 = arith.constant 64 : index
        %get3A_1566 = tpu.vector_load %arg13[%get3A_1564, %get3A_1565] {strides = array<i32>} : memref<160x128xf32, #tpu.memory_space<vmem>>, vector<16xf32>,
        %mul3A_1567 = arith.mulf %get3A_1566, %get3A_429 : vector<16xf32>
        %get3A_1568 = arith.index_cast %add3A_1547 : i32 to index
        %get3A_1569 = arith.constant 80 : index
        %get3A_1570 = tpu.vector_load %arg13[%get3A_1568, %get3A_1569] {strides = array<i32>} : memref<160x128xf32, #tpu.memory_space<vmem>>, vector<16xf32>,
        %mul3A_1571 = arith.mulf %get3A_1570, %get3A_432 : vector<16xf32>
        %get3A_1572 = arith.index_cast %add3A_1547 : i32 to index
        %get3A_1573 = arith.constant 96 : index
        %get3A_1574 = tpu.vector_load %arg13[%get3A_1572, %get3A_1573] {strides = array<i32>} : memref<160x128xf32, #tpu.memory_space<vmem>>, vector<16xf32>,
        %mul3A_1575 = arith.mulf %get3A_1574, %get3A_435 : vector<16xf32>
        %get3A_1576 = arith.index_cast %add3A_1547 : i32 to index
        %get3A_1577 = arith.constant 112 : index
        %get3A_1578 = tpu.vector_load %arg13[%get3A_1576, %get3A_1577] {strides = array<i32>} : memref<160x128xf32, #tpu.memory_space<vmem>>, vector<16xf32>,
        %mul3A_1579 = arith.mulf %get3A_1578, %get3A_438 : vector<16xf32>
        %add3A_1580 = arith.addf %mul3A_1551, %mul3A_1555 : vector<16xf32>
        %add3A_1581 = arith.addf %mul3A_1559, %mul3A_1563 : vector<16xf32>
        %add3A_1582 = arith.addf %mul3A_1567, %mul3A_1571 : vector<16xf32>
        %add3A_1583 = arith.addf %mul3A_1575, %mul3A_1579 : vector<16xf32>
        %add3A_1584 = arith.addf %add3A_1580, %add3A_1581 : vector<16xf32>
        %add3A_1585 = arith.addf %add3A_1582, %add3A_1583 : vector<16xf32>
        %add3A_1586 = arith.addf %add3A_1584, %add3A_1585 : vector<16xf32>
        %add3A_1587 = arith.constant 1 : i32
        %add3A_1588 = arith.addi %add3A_1547, %add3A_1587 : i32
        %get3A_1589 = arith.index_cast %add3A_1588 : i32 to index
        %get3A_1590 = arith.constant 0 : index
        %get3A_1591 = tpu.vector_load %arg13[%get3A_1589, %get3A_1590] {strides = array<i32>} : memref<160x128xf32, #tpu.memory_space<vmem>>, vector<16xf32>,
        %mul3A_1592 = arith.mulf %get3A_1591, %get3A_417 : vector<16xf32>
        %add3A_1593 = arith.constant 1 : i32
        %add3A_1594 = arith.addi %add3A_1547, %add3A_1593 : i32
        %get3A_1595 = arith.index_cast %add3A_1594 : i32 to index
        %get3A_1596 = arith.constant 16 : index
        %get3A_1597 = tpu.vector_load %arg13[%get3A_1595, %get3A_1596] {strides = array<i32>} : memref<160x128xf32, #tpu.memory_space<vmem>>, vector<16xf32>,
        %mul3A_1598 = arith.mulf %get3A_1597, %get3A_420 : vector<16xf32>
        %add3A_1599 = arith.constant 1 : i32
        %add3A_1600 = arith.addi %add3A_1547, %add3A_1599 : i32
        %get3A_1601 = arith.index_cast %add3A_1600 : i32 to index
        %get3A_1602 = arith.constant 32 : index
        %get3A_1603 = tpu.vector_load %arg13[%get3A_1601, %get3A_1602] {strides = array<i32>} : memref<160x128xf32, #tpu.memory_space<vmem>>, vector<16xf32>,
        %mul3A_1604 = arith.mulf %get3A_1603, %get3A_423 : vector<16xf32>
        %add3A_1605 = arith.constant 1 : i32
        %add3A_1606 = arith.addi %add3A_1547, %add3A_1605 : i32
        %get3A_1607 = arith.index_cast %add3A_1606 : i32 to index
        %get3A_1608 = arith.constant 48 : index
        %get3A_1609 = tpu.vector_load %arg13[%get3A_1607, %get3A_1608] {strides = array<i32>} : memref<160x128xf32, #tpu.memory_space<vmem>>, vector<16xf32>,
        %mul3A_1610 = arith.mulf %get3A_1609, %get3A_426 : vector<16xf32>
        %add3A_1611 = arith.constant 1 : i32
        %add3A_1612 = arith.addi %add3A_1547, %add3A_1611 : i32
        %get3A_1613 = arith.index_cast %add3A_1612 : i32 to index
        %get3A_1614 = arith.constant 64 : index
        %get3A_1615 = tpu.vector_load %arg13[%get3A_1613, %get3A_1614] {strides = array<i32>} : memref<160x128xf32, #tpu.memory_space<vmem>>, vector<16xf32>,
        %mul3A_1616 = arith.mulf %get3A_1615, %get3A_429 : vector<16xf32>
        %add3A_1617 = arith.constant 1 : i32
        %add3A_1618 = arith.addi %add3A_1547, %add3A_1617 : i32
        %get3A_1619 = arith.index_cast %add3A_1618 : i32 to index
        %get3A_1620 = arith.constant 80 : index
        %get3A_1621 = tpu.vector_load %arg13[%get3A_1619, %get3A_1620] {strides = array<i32>} : memref<160x128xf32, #tpu.memory_space<vmem>>, vector<16xf32>,
        %mul3A_1622 = arith.mulf %get3A_1621, %get3A_432 : vector<16xf32>
        %add3A_1623 = arith.constant 1 : i32
        %add3A_1624 = arith.addi %add3A_1547, %add3A_1623 : i32
        %get3A_1625 = arith.index_cast %add3A_1624 : i32 to index
        %get3A_1626 = arith.constant 96 : index
        %get3A_1627 = tpu.vector_load %arg13[%get3A_1625, %get3A_1626] {strides = array<i32>} : memref<160x128xf32, #tpu.memory_space<vmem>>, vector<16xf32>,
        %mul3A_1628 = arith.mulf %get3A_1627, %get3A_435 : vector<16xf32>
        %add3A_1629 = arith.constant 1 : i32
        %add3A_1630 = arith.addi %add3A_1547, %add3A_1629 : i32
        %get3A_1631 = arith.index_cast %add3A_1630 : i32 to index
        %get3A_1632 = arith.constant 112 : index
        %get3A_1633 = tpu.vector_load %arg13[%get3A_1631, %get3A_1632] {strides = array<i32>} : memref<160x128xf32, #tpu.memory_space<vmem>>, vector<16xf32>,
        %mul3A_1634 = arith.mulf %get3A_1633, %get3A_438 : vector<16xf32>
        %add3A_1635 = arith.addf %mul3A_1592, %mul3A_1598 : vector<16xf32>
        %add3A_1636 = arith.addf %mul3A_1604, %mul3A_1610 : vector<16xf32>
        %add3A_1637 = arith.addf %mul3A_1616, %mul3A_1622 : vector<16xf32>
        %add3A_1638 = arith.addf %mul3A_1628, %mul3A_1634 : vector<16xf32>
        %add3A_1639 = arith.addf %add3A_1635, %add3A_1636 : vector<16xf32>
        %add3A_1640 = arith.addf %add3A_1637, %add3A_1638 : vector<16xf32>
        %add3A_1641 = arith.addf %add3A_1639, %add3A_1640 : vector<16xf32>
        %rev3A_1642 = arith.constant 15 : i32
        %rev3A_1643 = vector.broadcast %rev3A_1642 : i32 to vector<16xi32>
        %rev3A_1644 = tpu.iota {dimensions = array<i32: 0>} : vector<16xi32>
        %rev3A_1645 = arith.subi %rev3A_1643, %rev3A_1644 : vector<16xi32>
        %rev3A_1646 = tpu.dynamic_gather %add3A_1586[%rev3A_1645] in [0] : vector<16xf32>, vector<16xi32> -> vector<16xf32>
        %add3A_1647 = arith.addf %add3A_1586, %rev3A_1646 : vector<16xf32>
        %rev3A_1648 = arith.constant 15 : i32
        %rev3A_1649 = vector.broadcast %rev3A_1648 : i32 to vector<16xi32>
        %rev3A_1650 = tpu.iota {dimensions = array<i32: 0>} : vector<16xi32>
        %rev3A_1651 = arith.subi %rev3A_1649, %rev3A_1650 : vector<16xi32>
        %rev3A_1652 = tpu.dynamic_gather %add3A_1641[%rev3A_1651] in [0] : vector<16xf32>, vector<16xi32> -> vector<16xf32>
        %add3A_1653 = arith.addf %add3A_1641, %rev3A_1652 : vector<16xf32>
        %select_n3A_1654 = arith.select %lt3A_53, %add3A_1647, %add3A_1653 : vector<16xi1>, vector<16xf32>
        %broadcast_in_dim3A_1655 = arith.constant true
        %broadcast_in_dim3A_1656 = vector.broadcast %broadcast_in_dim3A_1655 : i1 to vector<16xi1>
        %masked_cumsum3A_1657 = tpu.scan <sum>, %select_n3A_1654 masked %broadcast_in_dim3A_1656 : vector<16xf32>, vector<16xi1> -> vector<16xf32>
        %slice3A_1658 = vector.extract_strided_slice %masked_cumsum3A_1657 {offsets = [7], sizes = [1], strides = [1]} : vector<16xf32> to vector<1xf32>
        %squeeze3A_1659 = vector.extract %slice3A_1658[0] : f32 from vector<1xf32>
        %slice3A_1660 = vector.extract_strided_slice %masked_cumsum3A_1657 {offsets = [15], sizes = [1], strides = [1]} : vector<16xf32> to vector<1xf32>
        %squeeze3A_1661 = vector.extract %slice3A_1660[0] : f32 from vector<1xf32>
        %sub3A_1662 = arith.subf %squeeze3A_1661, %squeeze3A_1659 : f32
        %broadcast_in_dim3A_1663 = vector.broadcast %squeeze3A_1659 : f32 to vector<16xf32>
        %select_n3A_1664 = arith.select %eq3A_12, %broadcast_in_dim3A_1663, %select_n3A_1543 : vector<16xi1>, vector<16xf32>
        %broadcast_in_dim3A_1665 = vector.broadcast %sub3A_1662 : f32 to vector<16xf32>
        %select_n3A_1666 = arith.select %eq3A_15, %broadcast_in_dim3A_1665, %select_n3A_1664 : vector<16xi1>, vector<16xf32>
        %add3A_1667 = arith.constant 0 : i32
        %add3A_1668 = arith.addi %add3A_1667, %add3A_412 : i32
        %mul3A_1669 = arith.constant 21 : i32
        %mul3A_1670 = arith.muli %add3A_1668, %mul3A_1669 : i32
        %swap3A = arith.index_cast %mul3A_1670 : i32 to index
        %swap3A_1671 = tpu.vector_load %arg16[%swap3A] {strides = array<i32>} : memref<352xf32, #tpu.memory_space<vmem>>, vector<16xf32>,
        tpu.vector_store %arg16[%swap3A], %select_n3A_1420 {strides = array<i32>} : memref<352xf32, #tpu.memory_space<vmem>>, vector<16xf32>,
        %add3A_1672 = arith.constant 16 : i32
        %add3A_1673 = arith.addi %mul3A_1670, %add3A_1672 : i32
        %swap3A_1674 = arith.index_cast %add3A_1673 : i32 to index
        %swap3A_1675 = tpu.vector_load %arg16[%swap3A_1674] {strides = array<i32>} : memref<352xf32, #tpu.memory_space<vmem>>, vector<16xf32>,
        tpu.vector_store %arg16[%swap3A_1674], %select_n3A_1666 {strides = array<i32>} : memref<352xf32, #tpu.memory_space<vmem>>, vector<16xf32>,
      }
      %scan3A_139 = arith.constant 8 : i32
      %convert_element_type3A_140 = arith.extui %lt3A_101 : i1 to i32
      %cond3A_141 = arith.constant 0 : i32
      %cond3A_142 = arith.cmpi ne, %convert_element_type3A_140, %cond3A_141 : i32
      scf.if %cond3A_142 {
        %dma_wait3A_408 = arith.constant 0 : i32
        %dma_wait3A_409 = tpu.memref_slice %arg3[%dma_wait3A_408] : memref<81920xi32, #tpu.memory_space<hbm>> -> memref<80xi32, #tpu.memory_space<hbm>>
        %dma_wait3A_410 = arith.constant 0 : i32
        %dma_wait3A_411 = tpu.memref_slice %arg3[%dma_wait3A_410] : memref<81920xi32, #tpu.memory_space<hbm>> -> memref<80xi32, #tpu.memory_space<hbm>>
        tpu.wait_dma2 semaphore(%arg19 : memref<!tpu.dma_semaphore, #tpu.memory_space<semaphore_mem>>) src(%dma_wait3A_411 : memref<80xi32, #tpu.memory_space<hbm>>) dst(%arg8 : memref<80xi32, #tpu.memory_space<vmem>>)
        %dma_wait3A_412 = arith.constant 0 : i32
        %dma_wait3A_413 = tpu.memref_slice %arg3[%dma_wait3A_412] : memref<81920xi32, #tpu.memory_space<hbm>> -> memref<80xi32, #tpu.memory_space<hbm>>
        %dma_wait3A_414 = arith.constant 0 : i32
        %dma_wait3A_415 = tpu.memref_slice %arg3[%dma_wait3A_414] : memref<81920xi32, #tpu.memory_space<hbm>> -> memref<80xi32, #tpu.memory_space<hbm>>
        tpu.wait_dma2 semaphore(%arg19 : memref<!tpu.dma_semaphore, #tpu.memory_space<semaphore_mem>>) src(%dma_wait3A_415 : memref<80xi32, #tpu.memory_space<hbm>>) dst(%arg9 : memref<80xi32, #tpu.memory_space<vmem>>)
        %dma_start3A_416 = arith.constant 0 : i32
        %dma_start3A_417 = arith.constant 0 : i32
        %dma_start3A_418 = tpu.memref_slice %arg13[%dma_start3A_416, %dma_start3A_417] : memref<160x128xf32, #tpu.memory_space<vmem>> -> memref<80x128xf32, #tpu.memory_space<vmem>>
        %dma_start3A_419 = arith.constant 0 : i32
        %dma_start3A_420 = arith.constant 0 : i32
        %dma_start3A_421 = tpu.memref_slice %arg5[%dma_start3A_419, %dma_start3A_420] : memref<100000x128xf32, #tpu.memory_space<hbm>> -> memref<100000x128xf32, #tpu.memory_space<hbm>>
        tpu.enqueue_indirect_dma source(%dma_start3A_421 : memref<100000x128xf32, #tpu.memory_space<hbm>>) target(%dma_start3A_418 : memref<80x128xf32, #tpu.memory_space<vmem>>) offsets(%arg8 : memref<80xi32, #tpu.memory_space<vmem>>) semaphore(%arg17 : memref<!tpu.dma_semaphore, #tpu.memory_space<semaphore_mem>>)
        %dma_start3A_422 = arith.constant 80 : i32
        %dma_start3A_423 = arith.constant 0 : i32
        %dma_start3A_424 = tpu.memref_slice %arg13[%dma_start3A_422, %dma_start3A_423] : memref<160x128xf32, #tpu.memory_space<vmem>> -> memref<80x128xf32, #tpu.memory_space<vmem>>
        %dma_start3A_425 = arith.constant 0 : i32
        %dma_start3A_426 = arith.constant 0 : i32
        %dma_start3A_427 = tpu.memref_slice %arg5[%dma_start3A_425, %dma_start3A_426] : memref<100000x128xf32, #tpu.memory_space<hbm>> -> memref<100000x128xf32, #tpu.memory_space<hbm>>
        tpu.enqueue_indirect_dma source(%dma_start3A_427 : memref<100000x128xf32, #tpu.memory_space<hbm>>) target(%dma_start3A_424 : memref<80x128xf32, #tpu.memory_space<vmem>>) offsets(%arg9 : memref<80xi32, #tpu.memory_space<vmem>>) semaphore(%arg17 : memref<!tpu.dma_semaphore, #tpu.memory_space<semaphore_mem>>)
      } else {
      }
      %dma_wait3A_143 = arith.constant 0 : i32
      %dma_wait3A_144 = arith.constant 0 : i32
      %dma_wait3A_145 = tpu.memref_slice %arg14[%dma_wait3A_143, %dma_wait3A_144] : memref<160x128xf32, #tpu.memory_space<vmem>> -> memref<80x128xf32, #tpu.memory_space<vmem>>
      %dma_wait3A_146 = arith.constant 0 : i32
      %dma_wait3A_147 = arith.constant 0 : i32
      %dma_wait3A_148 = tpu.memref_slice %arg5[%dma_wait3A_146, %dma_wait3A_147] : memref<100000x128xf32, #tpu.memory_space<hbm>> -> memref<100000x128xf32, #tpu.memory_space<hbm>>
      tpu.wait_indirect_dma semaphore(%arg18 : memref<!tpu.dma_semaphore, #tpu.memory_space<semaphore_mem>>) src(%dma_wait3A_148 : memref<100000x128xf32, #tpu.memory_space<hbm>>) dst(%dma_wait3A_145 : memref<80x128xf32, #tpu.memory_space<vmem>>)
      %dma_wait3A_149 = arith.constant 80 : i32
      %dma_wait3A_150 = arith.constant 0 : i32
      %dma_wait3A_151 = tpu.memref_slice %arg14[%dma_wait3A_149, %dma_wait3A_150] : memref<160x128xf32, #tpu.memory_space<vmem>> -> memref<80x128xf32, #tpu.memory_space<vmem>>
      %dma_wait3A_152 = arith.constant 0 : i32
      %dma_wait3A_153 = arith.constant 0 : i32
      %dma_wait3A_154 = tpu.memref_slice %arg5[%dma_wait3A_152, %dma_wait3A_153] : memref<100000x128xf32, #tpu.memory_space<hbm>> -> memref<100000x128xf32, #tpu.memory_space<hbm>>
      tpu.wait_indirect_dma semaphore(%arg18 : memref<!tpu.dma_semaphore, #tpu.memory_space<semaphore_mem>>) src(%dma_wait3A_154 : memref<100000x128xf32, #tpu.memory_space<hbm>>) dst(%dma_wait3A_151 : memref<80x128xf32, #tpu.memory_space<vmem>>)
      %convert_element_type3A_155 = arith.extui %lt3A_101 : i1 to i32
      %cond3A_156 = arith.constant 0 : i32
      %cond3A_157 = arith.cmpi ne, %convert_element_type3A_155, %cond3A_156 : i32
      scf.if %cond3A_157 {
        %add3A_408 = arith.constant 3 : i32
        %add3A_409 = arith.addi %mul3A_99, %add3A_408 : i32
        %mul3A_410 = arith.constant 20 : i32
        %mul3A_411 = arith.muli %mul3A_2, %mul3A_410 : i32
        %mul3A_412 = arith.constant 160 : i32
        %mul3A_413 = arith.muli %add3A_409, %mul3A_412 : i32
        %add3A_414 = arith.addi %mul3A_411, %mul3A_413 : i32
        %dma_start3A_415 = tpu.memref_slice %arg3[%add3A_414] : memref<81920xi32, #tpu.memory_space<hbm>> -> memref<80xi32, #tpu.memory_space<hbm>>
        %dma_start3A_416 = tpu.memref_slice %arg3[%add3A_414] : memref<81920xi32, #tpu.memory_space<hbm>> -> memref<80xi32, #tpu.memory_space<hbm>>
        tpu.enqueue_dma source(%dma_start3A_416 : memref<80xi32, #tpu.memory_space<hbm>>) target(%arg10 : memref<80xi32, #tpu.memory_space<vmem>>) target_semaphore(%arg20 : memref<!tpu.dma_semaphore, #tpu.memory_space<semaphore_mem>>)
        %add3A_417 = arith.constant 80 : i32
        %add3A_418 = arith.addi %add3A_414, %add3A_417 : i32
        %dma_start3A_419 = tpu.memref_slice %arg3[%add3A_418] : memref<81920xi32, #tpu.memory_space<hbm>> -> memref<80xi32, #tpu.memory_space<hbm>>
        %dma_start3A_420 = tpu.memref_slice %arg3[%add3A_418] : memref<81920xi32, #tpu.memory_space<hbm>> -> memref<80xi32, #tpu.memory_space<hbm>>
        tpu.enqueue_dma source(%dma_start3A_420 : memref<80xi32, #tpu.memory_space<hbm>>) target(%arg11 : memref<80xi32, #tpu.memory_space<vmem>>) target_semaphore(%arg20 : memref<!tpu.dma_semaphore, #tpu.memory_space<semaphore_mem>>)
      } else {
      }
      %add3A_158 = arith.constant 1 : i32
      %add3A_159 = arith.addi %mul3A_99, %add3A_158 : i32
      %scan3A_160 = arith.constant 0 : i32
      %scan3A_161 = arith.constant 8 : i32
      %scan3A_162 = arith.addi %scan3A_160, %scan3A_161 : i32
      %scan3A_163 = arith.constant 1 : i32
      scf.for %scan3A_408 = %scan3A_160 to %scan3A_162 step %scan3A_163  : i32 {
        %mul3A_409 = arith.constant 1 : i32
        %mul3A_410 = arith.muli %scan3A_408, %mul3A_409 : i32
        %add3A_411 = arith.constant 0 : i32
        %add3A_412 = arith.addi %add3A_411, %mul3A_410 : i32
        %mul3A_413 = arith.constant 8 : i32
        %mul3A_414 = arith.muli %add3A_159, %mul3A_413 : i32
        %add3A_415 = arith.addi %mul3A_414, %add3A_412 : i32
        %get3A = arith.index_cast %add3A_415 : i32 to index
        %get3A_416 = arith.constant 0 : index
        %get3A_417 = tpu.vector_load %arg12[%get3A, %get3A_416] {strides = array<i32>} : memref<128x128xf32, #tpu.memory_space<vmem>>, vector<16xf32>,
        %get3A_418 = arith.index_cast %add3A_415 : i32 to index
        %get3A_419 = arith.constant 16 : index
        %get3A_420 = tpu.vector_load %arg12[%get3A_418, %get3A_419] {strides = array<i32>} : memref<128x128xf32, #tpu.memory_space<vmem>>, vector<16xf32>,
        %get3A_421 = arith.index_cast %add3A_415 : i32 to index
        %get3A_422 = arith.constant 32 : index
        %get3A_423 = tpu.vector_load %arg12[%get3A_421, %get3A_422] {strides = array<i32>} : memref<128x128xf32, #tpu.memory_space<vmem>>, vector<16xf32>,
        %get3A_424 = arith.index_cast %add3A_415 : i32 to index
        %get3A_425 = arith.constant 48 : index
        %get3A_426 = tpu.vector_load %arg12[%get3A_424, %get3A_425] {strides = array<i32>} : memref<128x128xf32, #tpu.memory_space<vmem>>, vector<16xf32>,
        %get3A_427 = arith.index_cast %add3A_415 : i32 to index
        %get3A_428 = arith.constant 64 : index
        %get3A_429 = tpu.vector_load %arg12[%get3A_427, %get3A_428] {strides = array<i32>} : memref<128x128xf32, #tpu.memory_space<vmem>>, vector<16xf32>,
        %get3A_430 = arith.index_cast %add3A_415 : i32 to index
        %get3A_431 = arith.constant 80 : index
        %get3A_432 = tpu.vector_load %arg12[%get3A_430, %get3A_431] {strides = array<i32>} : memref<128x128xf32, #tpu.memory_space<vmem>>, vector<16xf32>,
        %get3A_433 = arith.index_cast %add3A_415 : i32 to index
        %get3A_434 = arith.constant 96 : index
        %get3A_435 = tpu.vector_load %arg12[%get3A_433, %get3A_434] {strides = array<i32>} : memref<128x128xf32, #tpu.memory_space<vmem>>, vector<16xf32>,
        %get3A_436 = arith.index_cast %add3A_415 : i32 to index
        %get3A_437 = arith.constant 112 : index
        %get3A_438 = tpu.vector_load %arg12[%get3A_436, %get3A_437] {strides = array<i32>} : memref<128x128xf32, #tpu.memory_space<vmem>>, vector<16xf32>,
        %broadcast_in_dim3A = arith.constant 0.000000e+00 : f32
        %broadcast_in_dim3A_439 = vector.broadcast %broadcast_in_dim3A : f32 to vector<16xf32>
        %broadcast_in_dim3A_440 = arith.constant 0.000000e+00 : f32
        %broadcast_in_dim3A_441 = vector.broadcast %broadcast_in_dim3A_440 : f32 to vector<16xf32>
        %mul3A_442 = arith.constant 20 : i32
        %mul3A_443 = arith.muli %add3A_412, %mul3A_442 : i32
        %add3A_444 = arith.constant 0 : i32
        %add3A_445 = arith.addi %mul3A_443, %add3A_444 : i32
        %get3A_446 = arith.index_cast %add3A_445 : i32 to index
        %get3A_447 = arith.constant 0 : index
        %get3A_448 = tpu.vector_load %arg14[%get3A_446, %get3A_447] {strides = array<i32>} : memref<160x128xf32, #tpu.memory_space<vmem>>, vector<16xf32>,
        %mul3A_449 = arith.mulf %get3A_448, %get3A_417 : vector<16xf32>
        %get3A_450 = arith.index_cast %add3A_445 : i32 to index
        %get3A_451 = arith.constant 16 : index
        %get3A_452 = tpu.vector_load %arg14[%get3A_450, %get3A_451] {strides = array<i32>} : memref<160x128xf32, #tpu.memory_space<vmem>>, vector<16xf32>,
        %mul3A_453 = arith.mulf %get3A_452, %get3A_420 : vector<16xf32>
        %get3A_454 = arith.index_cast %add3A_445 : i32 to index
        %get3A_455 = arith.constant 32 : index
        %get3A_456 = tpu.vector_load %arg14[%get3A_454, %get3A_455] {strides = array<i32>} : memref<160x128xf32, #tpu.memory_space<vmem>>, vector<16xf32>,
        %mul3A_457 = arith.mulf %get3A_456, %get3A_423 : vector<16xf32>
        %get3A_458 = arith.index_cast %add3A_445 : i32 to index
        %get3A_459 = arith.constant 48 : index
        %get3A_460 = tpu.vector_load %arg14[%get3A_458, %get3A_459] {strides = array<i32>} : memref<160x128xf32, #tpu.memory_space<vmem>>, vector<16xf32>,
        %mul3A_461 = arith.mulf %get3A_460, %get3A_426 : vector<16xf32>
        %get3A_462 = arith.index_cast %add3A_445 : i32 to index
        %get3A_463 = arith.constant 64 : index
        %get3A_464 = tpu.vector_load %arg14[%get3A_462, %get3A_463] {strides = array<i32>} : memref<160x128xf32, #tpu.memory_space<vmem>>, vector<16xf32>,
        %mul3A_465 = arith.mulf %get3A_464, %get3A_429 : vector<16xf32>
        %get3A_466 = arith.index_cast %add3A_445 : i32 to index
        %get3A_467 = arith.constant 80 : index
        %get3A_468 = tpu.vector_load %arg14[%get3A_466, %get3A_467] {strides = array<i32>} : memref<160x128xf32, #tpu.memory_space<vmem>>, vector<16xf32>,
        %mul3A_469 = arith.mulf %get3A_468, %get3A_432 : vector<16xf32>
        %get3A_470 = arith.index_cast %add3A_445 : i32 to index
        %get3A_471 = arith.constant 96 : index
        %get3A_472 = tpu.vector_load %arg14[%get3A_470, %get3A_471] {strides = array<i32>} : memref<160x128xf32, #tpu.memory_space<vmem>>, vector<16xf32>,
        %mul3A_473 = arith.mulf %get3A_472, %get3A_435 : vector<16xf32>
        %get3A_474 = arith.index_cast %add3A_445 : i32 to index
        %get3A_475 = arith.constant 112 : index
        %get3A_476 = tpu.vector_load %arg14[%get3A_474, %get3A_475] {strides = array<i32>} : memref<160x128xf32, #tpu.memory_space<vmem>>, vector<16xf32>,
        %mul3A_477 = arith.mulf %get3A_476, %get3A_438 : vector<16xf32>
        %add3A_478 = arith.addf %mul3A_449, %mul3A_453 : vector<16xf32>
        %add3A_479 = arith.addf %mul3A_457, %mul3A_461 : vector<16xf32>
        %add3A_480 = arith.addf %mul3A_465, %mul3A_469 : vector<16xf32>
        %add3A_481 = arith.addf %mul3A_473, %mul3A_477 : vector<16xf32>
        %add3A_482 = arith.addf %add3A_478, %add3A_479 : vector<16xf32>
        %add3A_483 = arith.addf %add3A_480, %add3A_481 : vector<16xf32>
        %add3A_484 = arith.addf %add3A_482, %add3A_483 : vector<16xf32>
        %add3A_485 = arith.constant 1 : i32
        %add3A_486 = arith.addi %add3A_445, %add3A_485 : i32
        %get3A_487 = arith.index_cast %add3A_486 : i32 to index
        %get3A_488 = arith.constant 0 : index
        %get3A_489 = tpu.vector_load %arg14[%get3A_487, %get3A_488] {strides = array<i32>} : memref<160x128xf32, #tpu.memory_space<vmem>>, vector<16xf32>,
        %mul3A_490 = arith.mulf %get3A_489, %get3A_417 : vector<16xf32>
        %add3A_491 = arith.constant 1 : i32
        %add3A_492 = arith.addi %add3A_445, %add3A_491 : i32
        %get3A_493 = arith.index_cast %add3A_492 : i32 to index
        %get3A_494 = arith.constant 16 : index
        %get3A_495 = tpu.vector_load %arg14[%get3A_493, %get3A_494] {strides = array<i32>} : memref<160x128xf32, #tpu.memory_space<vmem>>, vector<16xf32>,
        %mul3A_496 = arith.mulf %get3A_495, %get3A_420 : vector<16xf32>
        %add3A_497 = arith.constant 1 : i32
        %add3A_498 = arith.addi %add3A_445, %add3A_497 : i32
        %get3A_499 = arith.index_cast %add3A_498 : i32 to index
        %get3A_500 = arith.constant 32 : index
        %get3A_501 = tpu.vector_load %arg14[%get3A_499, %get3A_500] {strides = array<i32>} : memref<160x128xf32, #tpu.memory_space<vmem>>, vector<16xf32>,
        %mul3A_502 = arith.mulf %get3A_501, %get3A_423 : vector<16xf32>
        %add3A_503 = arith.constant 1 : i32
        %add3A_504 = arith.addi %add3A_445, %add3A_503 : i32
        %get3A_505 = arith.index_cast %add3A_504 : i32 to index
        %get3A_506 = arith.constant 48 : index
        %get3A_507 = tpu.vector_load %arg14[%get3A_505, %get3A_506] {strides = array<i32>} : memref<160x128xf32, #tpu.memory_space<vmem>>, vector<16xf32>,
        %mul3A_508 = arith.mulf %get3A_507, %get3A_426 : vector<16xf32>
        %add3A_509 = arith.constant 1 : i32
        %add3A_510 = arith.addi %add3A_445, %add3A_509 : i32
        %get3A_511 = arith.index_cast %add3A_510 : i32 to index
        %get3A_512 = arith.constant 64 : index
        %get3A_513 = tpu.vector_load %arg14[%get3A_511, %get3A_512] {strides = array<i32>} : memref<160x128xf32, #tpu.memory_space<vmem>>, vector<16xf32>,
        %mul3A_514 = arith.mulf %get3A_513, %get3A_429 : vector<16xf32>
        %add3A_515 = arith.constant 1 : i32
        %add3A_516 = arith.addi %add3A_445, %add3A_515 : i32
        %get3A_517 = arith.index_cast %add3A_516 : i32 to index
        %get3A_518 = arith.constant 80 : index
        %get3A_519 = tpu.vector_load %arg14[%get3A_517, %get3A_518] {strides = array<i32>} : memref<160x128xf32, #tpu.memory_space<vmem>>, vector<16xf32>,
        %mul3A_520 = arith.mulf %get3A_519, %get3A_432 : vector<16xf32>
        %add3A_521 = arith.constant 1 : i32
        %add3A_522 = arith.addi %add3A_445, %add3A_521 : i32
        %get3A_523 = arith.index_cast %add3A_522 : i32 to index
        %get3A_524 = arith.constant 96 : index
        %get3A_525 = tpu.vector_load %arg14[%get3A_523, %get3A_524] {strides = array<i32>} : memref<160x128xf32, #tpu.memory_space<vmem>>, vector<16xf32>,
        %mul3A_526 = arith.mulf %get3A_525, %get3A_435 : vector<16xf32>
        %add3A_527 = arith.constant 1 : i32
        %add3A_528 = arith.addi %add3A_445, %add3A_527 : i32
        %get3A_529 = arith.index_cast %add3A_528 : i32 to index
        %get3A_530 = arith.constant 112 : index
        %get3A_531 = tpu.vector_load %arg14[%get3A_529, %get3A_530] {strides = array<i32>} : memref<160x128xf32, #tpu.memory_space<vmem>>, vector<16xf32>,
        %mul3A_532 = arith.mulf %get3A_531, %get3A_438 : vector<16xf32>
        %add3A_533 = arith.addf %mul3A_490, %mul3A_496 : vector<16xf32>
        %add3A_534 = arith.addf %mul3A_502, %mul3A_508 : vector<16xf32>
        %add3A_535 = arith.addf %mul3A_514, %mul3A_520 : vector<16xf32>
        %add3A_536 = arith.addf %mul3A_526, %mul3A_532 : vector<16xf32>
        %add3A_537 = arith.addf %add3A_533, %add3A_534 : vector<16xf32>
        %add3A_538 = arith.addf %add3A_535, %add3A_536 : vector<16xf32>
        %add3A_539 = arith.addf %add3A_537, %add3A_538 : vector<16xf32>
        %rev3A = arith.constant 15 : i32
        %rev3A_540 = vector.broadcast %rev3A : i32 to vector<16xi32>
        %rev3A_541 = tpu.iota {dimensions = array<i32: 0>} : vector<16xi32>
        %rev3A_542 = arith.subi %rev3A_540, %rev3A_541 : vector<16xi32>
        %rev3A_543 = tpu.dynamic_gather %add3A_484[%rev3A_542] in [0] : vector<16xf32>, vector<16xi32> -> vector<16xf32>
        %add3A_544 = arith.addf %add3A_484, %rev3A_543 : vector<16xf32>
        %rev3A_545 = arith.constant 15 : i32
        %rev3A_546 = vector.broadcast %rev3A_545 : i32 to vector<16xi32>
        %rev3A_547 = tpu.iota {dimensions = array<i32: 0>} : vector<16xi32>
        %rev3A_548 = arith.subi %rev3A_546, %rev3A_547 : vector<16xi32>
        %rev3A_549 = tpu.dynamic_gather %add3A_539[%rev3A_548] in [0] : vector<16xf32>, vector<16xi32> -> vector<16xf32>
        %add3A_550 = arith.addf %add3A_539, %rev3A_549 : vector<16xf32>
        %select_n3A = arith.select %lt3A_53, %add3A_544, %add3A_550 : vector<16xi1>, vector<16xf32>
        %broadcast_in_dim3A_551 = arith.constant true
        %broadcast_in_dim3A_552 = vector.broadcast %broadcast_in_dim3A_551 : i1 to vector<16xi1>
        %masked_cumsum3A = tpu.scan <sum>, %select_n3A masked %broadcast_in_dim3A_552 : vector<16xf32>, vector<16xi1> -> vector<16xf32>
        %slice3A = vector.extract_strided_slice %masked_cumsum3A {offsets = [7], sizes = [1], strides = [1]} : vector<16xf32> to vector<1xf32>
        %squeeze3A = vector.extract %slice3A[0] : f32 from vector<1xf32>
        %slice3A_553 = vector.extract_strided_slice %masked_cumsum3A {offsets = [15], sizes = [1], strides = [1]} : vector<16xf32> to vector<1xf32>
        %squeeze3A_554 = vector.extract %slice3A_553[0] : f32 from vector<1xf32>
        %sub3A_555 = arith.subf %squeeze3A_554, %squeeze3A : f32
        %broadcast_in_dim3A_556 = vector.broadcast %squeeze3A : f32 to vector<16xf32>
        %select_n3A_557 = arith.select %eq3A_6, %broadcast_in_dim3A_556, %broadcast_in_dim3A_439 : vector<16xi1>, vector<16xf32>
        %broadcast_in_dim3A_558 = vector.broadcast %sub3A_555 : f32 to vector<16xf32>
        %select_n3A_559 = arith.select %eq3A_9, %broadcast_in_dim3A_558, %select_n3A_557 : vector<16xi1>, vector<16xf32>
        %mul3A_560 = arith.constant 20 : i32
        %mul3A_561 = arith.muli %add3A_412, %mul3A_560 : i32
        %add3A_562 = arith.constant 2 : i32
        %add3A_563 = arith.addi %mul3A_561, %add3A_562 : i32
        %get3A_564 = arith.index_cast %add3A_563 : i32 to index
        %get3A_565 = arith.constant 0 : index
        %get3A_566 = tpu.vector_load %arg14[%get3A_564, %get3A_565] {strides = array<i32>} : memref<160x128xf32, #tpu.memory_space<vmem>>, vector<16xf32>,
        %mul3A_567 = arith.mulf %get3A_566, %get3A_417 : vector<16xf32>
        %get3A_568 = arith.index_cast %add3A_563 : i32 to index
        %get3A_569 = arith.constant 16 : index
        %get3A_570 = tpu.vector_load %arg14[%get3A_568, %get3A_569] {strides = array<i32>} : memref<160x128xf32, #tpu.memory_space<vmem>>, vector<16xf32>,
        %mul3A_571 = arith.mulf %get3A_570, %get3A_420 : vector<16xf32>
        %get3A_572 = arith.index_cast %add3A_563 : i32 to index
        %get3A_573 = arith.constant 32 : index
        %get3A_574 = tpu.vector_load %arg14[%get3A_572, %get3A_573] {strides = array<i32>} : memref<160x128xf32, #tpu.memory_space<vmem>>, vector<16xf32>,
        %mul3A_575 = arith.mulf %get3A_574, %get3A_423 : vector<16xf32>
        %get3A_576 = arith.index_cast %add3A_563 : i32 to index
        %get3A_577 = arith.constant 48 : index
        %get3A_578 = tpu.vector_load %arg14[%get3A_576, %get3A_577] {strides = array<i32>} : memref<160x128xf32, #tpu.memory_space<vmem>>, vector<16xf32>,
        %mul3A_579 = arith.mulf %get3A_578, %get3A_426 : vector<16xf32>
        %get3A_580 = arith.index_cast %add3A_563 : i32 to index
        %get3A_581 = arith.constant 64 : index
        %get3A_582 = tpu.vector_load %arg14[%get3A_580, %get3A_581] {strides = array<i32>} : memref<160x128xf32, #tpu.memory_space<vmem>>, vector<16xf32>,
        %mul3A_583 = arith.mulf %get3A_582, %get3A_429 : vector<16xf32>
        %get3A_584 = arith.index_cast %add3A_563 : i32 to index
        %get3A_585 = arith.constant 80 : index
        %get3A_586 = tpu.vector_load %arg14[%get3A_584, %get3A_585] {strides = array<i32>} : memref<160x128xf32, #tpu.memory_space<vmem>>, vector<16xf32>,
        %mul3A_587 = arith.mulf %get3A_586, %get3A_432 : vector<16xf32>
        %get3A_588 = arith.index_cast %add3A_563 : i32 to index
        %get3A_589 = arith.constant 96 : index
        %get3A_590 = tpu.vector_load %arg14[%get3A_588, %get3A_589] {strides = array<i32>} : memref<160x128xf32, #tpu.memory_space<vmem>>, vector<16xf32>,
        %mul3A_591 = arith.mulf %get3A_590, %get3A_435 : vector<16xf32>
        %get3A_592 = arith.index_cast %add3A_563 : i32 to index
        %get3A_593 = arith.constant 112 : index
        %get3A_594 = tpu.vector_load %arg14[%get3A_592, %get3A_593] {strides = array<i32>} : memref<160x128xf32, #tpu.memory_space<vmem>>, vector<16xf32>,
        %mul3A_595 = arith.mulf %get3A_594, %get3A_438 : vector<16xf32>
        %add3A_596 = arith.addf %mul3A_567, %mul3A_571 : vector<16xf32>
        %add3A_597 = arith.addf %mul3A_575, %mul3A_579 : vector<16xf32>
        %add3A_598 = arith.addf %mul3A_583, %mul3A_587 : vector<16xf32>
        %add3A_599 = arith.addf %mul3A_591, %mul3A_595 : vector<16xf32>
        %add3A_600 = arith.addf %add3A_596, %add3A_597 : vector<16xf32>
        %add3A_601 = arith.addf %add3A_598, %add3A_599 : vector<16xf32>
        %add3A_602 = arith.addf %add3A_600, %add3A_601 : vector<16xf32>
        %add3A_603 = arith.constant 1 : i32
        %add3A_604 = arith.addi %add3A_563, %add3A_603 : i32
        %get3A_605 = arith.index_cast %add3A_604 : i32 to index
        %get3A_606 = arith.constant 0 : index
        %get3A_607 = tpu.vector_load %arg14[%get3A_605, %get3A_606] {strides = array<i32>} : memref<160x128xf32, #tpu.memory_space<vmem>>, vector<16xf32>,
        %mul3A_608 = arith.mulf %get3A_607, %get3A_417 : vector<16xf32>
        %add3A_609 = arith.constant 1 : i32
        %add3A_610 = arith.addi %add3A_563, %add3A_609 : i32
        %get3A_611 = arith.index_cast %add3A_610 : i32 to index
        %get3A_612 = arith.constant 16 : index
        %get3A_613 = tpu.vector_load %arg14[%get3A_611, %get3A_612] {strides = array<i32>} : memref<160x128xf32, #tpu.memory_space<vmem>>, vector<16xf32>,
        %mul3A_614 = arith.mulf %get3A_613, %get3A_420 : vector<16xf32>
        %add3A_615 = arith.constant 1 : i32
        %add3A_616 = arith.addi %add3A_563, %add3A_615 : i32
        %get3A_617 = arith.index_cast %add3A_616 : i32 to index
        %get3A_618 = arith.constant 32 : index
        %get3A_619 = tpu.vector_load %arg14[%get3A_617, %get3A_618] {strides = array<i32>} : memref<160x128xf32, #tpu.memory_space<vmem>>, vector<16xf32>,
        %mul3A_620 = arith.mulf %get3A_619, %get3A_423 : vector<16xf32>
        %add3A_621 = arith.constant 1 : i32
        %add3A_622 = arith.addi %add3A_563, %add3A_621 : i32
        %get3A_623 = arith.index_cast %add3A_622 : i32 to index
        %get3A_624 = arith.constant 48 : index
        %get3A_625 = tpu.vector_load %arg14[%get3A_623, %get3A_624] {strides = array<i32>} : memref<160x128xf32, #tpu.memory_space<vmem>>, vector<16xf32>,
        %mul3A_626 = arith.mulf %get3A_625, %get3A_426 : vector<16xf32>
        %add3A_627 = arith.constant 1 : i32
        %add3A_628 = arith.addi %add3A_563, %add3A_627 : i32
        %get3A_629 = arith.index_cast %add3A_628 : i32 to index
        %get3A_630 = arith.constant 64 : index
        %get3A_631 = tpu.vector_load %arg14[%get3A_629, %get3A_630] {strides = array<i32>} : memref<160x128xf32, #tpu.memory_space<vmem>>, vector<16xf32>,
        %mul3A_632 = arith.mulf %get3A_631, %get3A_429 : vector<16xf32>
        %add3A_633 = arith.constant 1 : i32
        %add3A_634 = arith.addi %add3A_563, %add3A_633 : i32
        %get3A_635 = arith.index_cast %add3A_634 : i32 to index
        %get3A_636 = arith.constant 80 : index
        %get3A_637 = tpu.vector_load %arg14[%get3A_635, %get3A_636] {strides = array<i32>} : memref<160x128xf32, #tpu.memory_space<vmem>>, vector<16xf32>,
        %mul3A_638 = arith.mulf %get3A_637, %get3A_432 : vector<16xf32>
        %add3A_639 = arith.constant 1 : i32
        %add3A_640 = arith.addi %add3A_563, %add3A_639 : i32
        %get3A_641 = arith.index_cast %add3A_640 : i32 to index
        %get3A_642 = arith.constant 96 : index
        %get3A_643 = tpu.vector_load %arg14[%get3A_641, %get3A_642] {strides = array<i32>} : memref<160x128xf32, #tpu.memory_space<vmem>>, vector<16xf32>,
        %mul3A_644 = arith.mulf %get3A_643, %get3A_435 : vector<16xf32>
        %add3A_645 = arith.constant 1 : i32
        %add3A_646 = arith.addi %add3A_563, %add3A_645 : i32
        %get3A_647 = arith.index_cast %add3A_646 : i32 to index
        %get3A_648 = arith.constant 112 : index
        %get3A_649 = tpu.vector_load %arg14[%get3A_647, %get3A_648] {strides = array<i32>} : memref<160x128xf32, #tpu.memory_space<vmem>>, vector<16xf32>,
        %mul3A_650 = arith.mulf %get3A_649, %get3A_438 : vector<16xf32>
        %add3A_651 = arith.addf %mul3A_608, %mul3A_614 : vector<16xf32>
        %add3A_652 = arith.addf %mul3A_620, %mul3A_626 : vector<16xf32>
        %add3A_653 = arith.addf %mul3A_632, %mul3A_638 : vector<16xf32>
        %add3A_654 = arith.addf %mul3A_644, %mul3A_650 : vector<16xf32>
        %add3A_655 = arith.addf %add3A_651, %add3A_652 : vector<16xf32>
        %add3A_656 = arith.addf %add3A_653, %add3A_654 : vector<16xf32>
        %add3A_657 = arith.addf %add3A_655, %add3A_656 : vector<16xf32>
        %rev3A_658 = arith.constant 15 : i32
        %rev3A_659 = vector.broadcast %rev3A_658 : i32 to vector<16xi32>
        %rev3A_660 = tpu.iota {dimensions = array<i32: 0>} : vector<16xi32>
        %rev3A_661 = arith.subi %rev3A_659, %rev3A_660 : vector<16xi32>
        %rev3A_662 = tpu.dynamic_gather %add3A_602[%rev3A_661] in [0] : vector<16xf32>, vector<16xi32> -> vector<16xf32>
        %add3A_663 = arith.addf %add3A_602, %rev3A_662 : vector<16xf32>
        %rev3A_664 = arith.constant 15 : i32
        %rev3A_665 = vector.broadcast %rev3A_664 : i32 to vector<16xi32>
        %rev3A_666 = tpu.iota {dimensions = array<i32: 0>} : vector<16xi32>
        %rev3A_667 = arith.subi %rev3A_665, %rev3A_666 : vector<16xi32>
        %rev3A_668 = tpu.dynamic_gather %add3A_657[%rev3A_667] in [0] : vector<16xf32>, vector<16xi32> -> vector<16xf32>
        %add3A_669 = arith.addf %add3A_657, %rev3A_668 : vector<16xf32>
        %select_n3A_670 = arith.select %lt3A_53, %add3A_663, %add3A_669 : vector<16xi1>, vector<16xf32>
        %broadcast_in_dim3A_671 = arith.constant true
        %broadcast_in_dim3A_672 = vector.broadcast %broadcast_in_dim3A_671 : i1 to vector<16xi1>
        %masked_cumsum3A_673 = tpu.scan <sum>, %select_n3A_670 masked %broadcast_in_dim3A_672 : vector<16xf32>, vector<16xi1> -> vector<16xf32>
        %slice3A_674 = vector.extract_strided_slice %masked_cumsum3A_673 {offsets = [7], sizes = [1], strides = [1]} : vector<16xf32> to vector<1xf32>
        %squeeze3A_675 = vector.extract %slice3A_674[0] : f32 from vector<1xf32>
        %slice3A_676 = vector.extract_strided_slice %masked_cumsum3A_673 {offsets = [15], sizes = [1], strides = [1]} : vector<16xf32> to vector<1xf32>
        %squeeze3A_677 = vector.extract %slice3A_676[0] : f32 from vector<1xf32>
        %sub3A_678 = arith.subf %squeeze3A_677, %squeeze3A_675 : f32
        %broadcast_in_dim3A_679 = vector.broadcast %squeeze3A_675 : f32 to vector<16xf32>
        %select_n3A_680 = arith.select %eq3A_12, %broadcast_in_dim3A_679, %select_n3A_559 : vector<16xi1>, vector<16xf32>
        %broadcast_in_dim3A_681 = vector.broadcast %sub3A_678 : f32 to vector<16xf32>
        %select_n3A_682 = arith.select %eq3A_15, %broadcast_in_dim3A_681, %select_n3A_680 : vector<16xi1>, vector<16xf32>
        %mul3A_683 = arith.constant 20 : i32
        %mul3A_684 = arith.muli %add3A_412, %mul3A_683 : i32
        %add3A_685 = arith.constant 4 : i32
        %add3A_686 = arith.addi %mul3A_684, %add3A_685 : i32
        %get3A_687 = arith.index_cast %add3A_686 : i32 to index
        %get3A_688 = arith.constant 0 : index
        %get3A_689 = tpu.vector_load %arg14[%get3A_687, %get3A_688] {strides = array<i32>} : memref<160x128xf32, #tpu.memory_space<vmem>>, vector<16xf32>,
        %mul3A_690 = arith.mulf %get3A_689, %get3A_417 : vector<16xf32>
        %get3A_691 = arith.index_cast %add3A_686 : i32 to index
        %get3A_692 = arith.constant 16 : index
        %get3A_693 = tpu.vector_load %arg14[%get3A_691, %get3A_692] {strides = array<i32>} : memref<160x128xf32, #tpu.memory_space<vmem>>, vector<16xf32>,
        %mul3A_694 = arith.mulf %get3A_693, %get3A_420 : vector<16xf32>
        %get3A_695 = arith.index_cast %add3A_686 : i32 to index
        %get3A_696 = arith.constant 32 : index
        %get3A_697 = tpu.vector_load %arg14[%get3A_695, %get3A_696] {strides = array<i32>} : memref<160x128xf32, #tpu.memory_space<vmem>>, vector<16xf32>,
        %mul3A_698 = arith.mulf %get3A_697, %get3A_423 : vector<16xf32>
        %get3A_699 = arith.index_cast %add3A_686 : i32 to index
        %get3A_700 = arith.constant 48 : index
        %get3A_701 = tpu.vector_load %arg14[%get3A_699, %get3A_700] {strides = array<i32>} : memref<160x128xf32, #tpu.memory_space<vmem>>, vector<16xf32>,
        %mul3A_702 = arith.mulf %get3A_701, %get3A_426 : vector<16xf32>
        %get3A_703 = arith.index_cast %add3A_686 : i32 to index
        %get3A_704 = arith.constant 64 : index
        %get3A_705 = tpu.vector_load %arg14[%get3A_703, %get3A_704] {strides = array<i32>} : memref<160x128xf32, #tpu.memory_space<vmem>>, vector<16xf32>,
        %mul3A_706 = arith.mulf %get3A_705, %get3A_429 : vector<16xf32>
        %get3A_707 = arith.index_cast %add3A_686 : i32 to index
        %get3A_708 = arith.constant 80 : index
        %get3A_709 = tpu.vector_load %arg14[%get3A_707, %get3A_708] {strides = array<i32>} : memref<160x128xf32, #tpu.memory_space<vmem>>, vector<16xf32>,
        %mul3A_710 = arith.mulf %get3A_709, %get3A_432 : vector<16xf32>
        %get3A_711 = arith.index_cast %add3A_686 : i32 to index
        %get3A_712 = arith.constant 96 : index
        %get3A_713 = tpu.vector_load %arg14[%get3A_711, %get3A_712] {strides = array<i32>} : memref<160x128xf32, #tpu.memory_space<vmem>>, vector<16xf32>,
        %mul3A_714 = arith.mulf %get3A_713, %get3A_435 : vector<16xf32>
        %get3A_715 = arith.index_cast %add3A_686 : i32 to index
        %get3A_716 = arith.constant 112 : index
        %get3A_717 = tpu.vector_load %arg14[%get3A_715, %get3A_716] {strides = array<i32>} : memref<160x128xf32, #tpu.memory_space<vmem>>, vector<16xf32>,
        %mul3A_718 = arith.mulf %get3A_717, %get3A_438 : vector<16xf32>
        %add3A_719 = arith.addf %mul3A_690, %mul3A_694 : vector<16xf32>
        %add3A_720 = arith.addf %mul3A_698, %mul3A_702 : vector<16xf32>
        %add3A_721 = arith.addf %mul3A_706, %mul3A_710 : vector<16xf32>
        %add3A_722 = arith.addf %mul3A_714, %mul3A_718 : vector<16xf32>
        %add3A_723 = arith.addf %add3A_719, %add3A_720 : vector<16xf32>
        %add3A_724 = arith.addf %add3A_721, %add3A_722 : vector<16xf32>
        %add3A_725 = arith.addf %add3A_723, %add3A_724 : vector<16xf32>
        %add3A_726 = arith.constant 1 : i32
        %add3A_727 = arith.addi %add3A_686, %add3A_726 : i32
        %get3A_728 = arith.index_cast %add3A_727 : i32 to index
        %get3A_729 = arith.constant 0 : index
        %get3A_730 = tpu.vector_load %arg14[%get3A_728, %get3A_729] {strides = array<i32>} : memref<160x128xf32, #tpu.memory_space<vmem>>, vector<16xf32>,
        %mul3A_731 = arith.mulf %get3A_730, %get3A_417 : vector<16xf32>
        %add3A_732 = arith.constant 1 : i32
        %add3A_733 = arith.addi %add3A_686, %add3A_732 : i32
        %get3A_734 = arith.index_cast %add3A_733 : i32 to index
        %get3A_735 = arith.constant 16 : index
        %get3A_736 = tpu.vector_load %arg14[%get3A_734, %get3A_735] {strides = array<i32>} : memref<160x128xf32, #tpu.memory_space<vmem>>, vector<16xf32>,
        %mul3A_737 = arith.mulf %get3A_736, %get3A_420 : vector<16xf32>
        %add3A_738 = arith.constant 1 : i32
        %add3A_739 = arith.addi %add3A_686, %add3A_738 : i32
        %get3A_740 = arith.index_cast %add3A_739 : i32 to index
        %get3A_741 = arith.constant 32 : index
        %get3A_742 = tpu.vector_load %arg14[%get3A_740, %get3A_741] {strides = array<i32>} : memref<160x128xf32, #tpu.memory_space<vmem>>, vector<16xf32>,
        %mul3A_743 = arith.mulf %get3A_742, %get3A_423 : vector<16xf32>
        %add3A_744 = arith.constant 1 : i32
        %add3A_745 = arith.addi %add3A_686, %add3A_744 : i32
        %get3A_746 = arith.index_cast %add3A_745 : i32 to index
        %get3A_747 = arith.constant 48 : index
        %get3A_748 = tpu.vector_load %arg14[%get3A_746, %get3A_747] {strides = array<i32>} : memref<160x128xf32, #tpu.memory_space<vmem>>, vector<16xf32>,
        %mul3A_749 = arith.mulf %get3A_748, %get3A_426 : vector<16xf32>
        %add3A_750 = arith.constant 1 : i32
        %add3A_751 = arith.addi %add3A_686, %add3A_750 : i32
        %get3A_752 = arith.index_cast %add3A_751 : i32 to index
        %get3A_753 = arith.constant 64 : index
        %get3A_754 = tpu.vector_load %arg14[%get3A_752, %get3A_753] {strides = array<i32>} : memref<160x128xf32, #tpu.memory_space<vmem>>, vector<16xf32>,
        %mul3A_755 = arith.mulf %get3A_754, %get3A_429 : vector<16xf32>
        %add3A_756 = arith.constant 1 : i32
        %add3A_757 = arith.addi %add3A_686, %add3A_756 : i32
        %get3A_758 = arith.index_cast %add3A_757 : i32 to index
        %get3A_759 = arith.constant 80 : index
        %get3A_760 = tpu.vector_load %arg14[%get3A_758, %get3A_759] {strides = array<i32>} : memref<160x128xf32, #tpu.memory_space<vmem>>, vector<16xf32>,
        %mul3A_761 = arith.mulf %get3A_760, %get3A_432 : vector<16xf32>
        %add3A_762 = arith.constant 1 : i32
        %add3A_763 = arith.addi %add3A_686, %add3A_762 : i32
        %get3A_764 = arith.index_cast %add3A_763 : i32 to index
        %get3A_765 = arith.constant 96 : index
        %get3A_766 = tpu.vector_load %arg14[%get3A_764, %get3A_765] {strides = array<i32>} : memref<160x128xf32, #tpu.memory_space<vmem>>, vector<16xf32>,
        %mul3A_767 = arith.mulf %get3A_766, %get3A_435 : vector<16xf32>
        %add3A_768 = arith.constant 1 : i32
        %add3A_769 = arith.addi %add3A_686, %add3A_768 : i32
        %get3A_770 = arith.index_cast %add3A_769 : i32 to index
        %get3A_771 = arith.constant 112 : index
        %get3A_772 = tpu.vector_load %arg14[%get3A_770, %get3A_771] {strides = array<i32>} : memref<160x128xf32, #tpu.memory_space<vmem>>, vector<16xf32>,
        %mul3A_773 = arith.mulf %get3A_772, %get3A_438 : vector<16xf32>
        %add3A_774 = arith.addf %mul3A_731, %mul3A_737 : vector<16xf32>
        %add3A_775 = arith.addf %mul3A_743, %mul3A_749 : vector<16xf32>
        %add3A_776 = arith.addf %mul3A_755, %mul3A_761 : vector<16xf32>
        %add3A_777 = arith.addf %mul3A_767, %mul3A_773 : vector<16xf32>
        %add3A_778 = arith.addf %add3A_774, %add3A_775 : vector<16xf32>
        %add3A_779 = arith.addf %add3A_776, %add3A_777 : vector<16xf32>
        %add3A_780 = arith.addf %add3A_778, %add3A_779 : vector<16xf32>
        %rev3A_781 = arith.constant 15 : i32
        %rev3A_782 = vector.broadcast %rev3A_781 : i32 to vector<16xi32>
        %rev3A_783 = tpu.iota {dimensions = array<i32: 0>} : vector<16xi32>
        %rev3A_784 = arith.subi %rev3A_782, %rev3A_783 : vector<16xi32>
        %rev3A_785 = tpu.dynamic_gather %add3A_725[%rev3A_784] in [0] : vector<16xf32>, vector<16xi32> -> vector<16xf32>
        %add3A_786 = arith.addf %add3A_725, %rev3A_785 : vector<16xf32>
        %rev3A_787 = arith.constant 15 : i32
        %rev3A_788 = vector.broadcast %rev3A_787 : i32 to vector<16xi32>
        %rev3A_789 = tpu.iota {dimensions = array<i32: 0>} : vector<16xi32>
        %rev3A_790 = arith.subi %rev3A_788, %rev3A_789 : vector<16xi32>
        %rev3A_791 = tpu.dynamic_gather %add3A_780[%rev3A_790] in [0] : vector<16xf32>, vector<16xi32> -> vector<16xf32>
        %add3A_792 = arith.addf %add3A_780, %rev3A_791 : vector<16xf32>
        %select_n3A_793 = arith.select %lt3A_53, %add3A_786, %add3A_792 : vector<16xi1>, vector<16xf32>
        %broadcast_in_dim3A_794 = arith.constant true
        %broadcast_in_dim3A_795 = vector.broadcast %broadcast_in_dim3A_794 : i1 to vector<16xi1>
        %masked_cumsum3A_796 = tpu.scan <sum>, %select_n3A_793 masked %broadcast_in_dim3A_795 : vector<16xf32>, vector<16xi1> -> vector<16xf32>
        %slice3A_797 = vector.extract_strided_slice %masked_cumsum3A_796 {offsets = [7], sizes = [1], strides = [1]} : vector<16xf32> to vector<1xf32>
        %squeeze3A_798 = vector.extract %slice3A_797[0] : f32 from vector<1xf32>
        %slice3A_799 = vector.extract_strided_slice %masked_cumsum3A_796 {offsets = [15], sizes = [1], strides = [1]} : vector<16xf32> to vector<1xf32>
        %squeeze3A_800 = vector.extract %slice3A_799[0] : f32 from vector<1xf32>
        %sub3A_801 = arith.subf %squeeze3A_800, %squeeze3A_798 : f32
        %broadcast_in_dim3A_802 = vector.broadcast %squeeze3A_798 : f32 to vector<16xf32>
        %select_n3A_803 = arith.select %eq3A_18, %broadcast_in_dim3A_802, %select_n3A_682 : vector<16xi1>, vector<16xf32>
        %broadcast_in_dim3A_804 = vector.broadcast %sub3A_801 : f32 to vector<16xf32>
        %select_n3A_805 = arith.select %eq3A_21, %broadcast_in_dim3A_804, %select_n3A_803 : vector<16xi1>, vector<16xf32>
        %mul3A_806 = arith.constant 20 : i32
        %mul3A_807 = arith.muli %add3A_412, %mul3A_806 : i32
        %add3A_808 = arith.constant 6 : i32
        %add3A_809 = arith.addi %mul3A_807, %add3A_808 : i32
        %get3A_810 = arith.index_cast %add3A_809 : i32 to index
        %get3A_811 = arith.constant 0 : index
        %get3A_812 = tpu.vector_load %arg14[%get3A_810, %get3A_811] {strides = array<i32>} : memref<160x128xf32, #tpu.memory_space<vmem>>, vector<16xf32>,
        %mul3A_813 = arith.mulf %get3A_812, %get3A_417 : vector<16xf32>
        %get3A_814 = arith.index_cast %add3A_809 : i32 to index
        %get3A_815 = arith.constant 16 : index
        %get3A_816 = tpu.vector_load %arg14[%get3A_814, %get3A_815] {strides = array<i32>} : memref<160x128xf32, #tpu.memory_space<vmem>>, vector<16xf32>,
        %mul3A_817 = arith.mulf %get3A_816, %get3A_420 : vector<16xf32>
        %get3A_818 = arith.index_cast %add3A_809 : i32 to index
        %get3A_819 = arith.constant 32 : index
        %get3A_820 = tpu.vector_load %arg14[%get3A_818, %get3A_819] {strides = array<i32>} : memref<160x128xf32, #tpu.memory_space<vmem>>, vector<16xf32>,
        %mul3A_821 = arith.mulf %get3A_820, %get3A_423 : vector<16xf32>
        %get3A_822 = arith.index_cast %add3A_809 : i32 to index
        %get3A_823 = arith.constant 48 : index
        %get3A_824 = tpu.vector_load %arg14[%get3A_822, %get3A_823] {strides = array<i32>} : memref<160x128xf32, #tpu.memory_space<vmem>>, vector<16xf32>,
        %mul3A_825 = arith.mulf %get3A_824, %get3A_426 : vector<16xf32>
        %get3A_826 = arith.index_cast %add3A_809 : i32 to index
        %get3A_827 = arith.constant 64 : index
        %get3A_828 = tpu.vector_load %arg14[%get3A_826, %get3A_827] {strides = array<i32>} : memref<160x128xf32, #tpu.memory_space<vmem>>, vector<16xf32>,
        %mul3A_829 = arith.mulf %get3A_828, %get3A_429 : vector<16xf32>
        %get3A_830 = arith.index_cast %add3A_809 : i32 to index
        %get3A_831 = arith.constant 80 : index
        %get3A_832 = tpu.vector_load %arg14[%get3A_830, %get3A_831] {strides = array<i32>} : memref<160x128xf32, #tpu.memory_space<vmem>>, vector<16xf32>,
        %mul3A_833 = arith.mulf %get3A_832, %get3A_432 : vector<16xf32>
        %get3A_834 = arith.index_cast %add3A_809 : i32 to index
        %get3A_835 = arith.constant 96 : index
        %get3A_836 = tpu.vector_load %arg14[%get3A_834, %get3A_835] {strides = array<i32>} : memref<160x128xf32, #tpu.memory_space<vmem>>, vector<16xf32>,
        %mul3A_837 = arith.mulf %get3A_836, %get3A_435 : vector<16xf32>
        %get3A_838 = arith.index_cast %add3A_809 : i32 to index
        %get3A_839 = arith.constant 112 : index
        %get3A_840 = tpu.vector_load %arg14[%get3A_838, %get3A_839] {strides = array<i32>} : memref<160x128xf32, #tpu.memory_space<vmem>>, vector<16xf32>,
        %mul3A_841 = arith.mulf %get3A_840, %get3A_438 : vector<16xf32>
        %add3A_842 = arith.addf %mul3A_813, %mul3A_817 : vector<16xf32>
        %add3A_843 = arith.addf %mul3A_821, %mul3A_825 : vector<16xf32>
        %add3A_844 = arith.addf %mul3A_829, %mul3A_833 : vector<16xf32>
        %add3A_845 = arith.addf %mul3A_837, %mul3A_841 : vector<16xf32>
        %add3A_846 = arith.addf %add3A_842, %add3A_843 : vector<16xf32>
        %add3A_847 = arith.addf %add3A_844, %add3A_845 : vector<16xf32>
        %add3A_848 = arith.addf %add3A_846, %add3A_847 : vector<16xf32>
        %add3A_849 = arith.constant 1 : i32
        %add3A_850 = arith.addi %add3A_809, %add3A_849 : i32
        %get3A_851 = arith.index_cast %add3A_850 : i32 to index
        %get3A_852 = arith.constant 0 : index
        %get3A_853 = tpu.vector_load %arg14[%get3A_851, %get3A_852] {strides = array<i32>} : memref<160x128xf32, #tpu.memory_space<vmem>>, vector<16xf32>,
        %mul3A_854 = arith.mulf %get3A_853, %get3A_417 : vector<16xf32>
        %add3A_855 = arith.constant 1 : i32
        %add3A_856 = arith.addi %add3A_809, %add3A_855 : i32
        %get3A_857 = arith.index_cast %add3A_856 : i32 to index
        %get3A_858 = arith.constant 16 : index
        %get3A_859 = tpu.vector_load %arg14[%get3A_857, %get3A_858] {strides = array<i32>} : memref<160x128xf32, #tpu.memory_space<vmem>>, vector<16xf32>,
        %mul3A_860 = arith.mulf %get3A_859, %get3A_420 : vector<16xf32>
        %add3A_861 = arith.constant 1 : i32
        %add3A_862 = arith.addi %add3A_809, %add3A_861 : i32
        %get3A_863 = arith.index_cast %add3A_862 : i32 to index
        %get3A_864 = arith.constant 32 : index
        %get3A_865 = tpu.vector_load %arg14[%get3A_863, %get3A_864] {strides = array<i32>} : memref<160x128xf32, #tpu.memory_space<vmem>>, vector<16xf32>,
        %mul3A_866 = arith.mulf %get3A_865, %get3A_423 : vector<16xf32>
        %add3A_867 = arith.constant 1 : i32
        %add3A_868 = arith.addi %add3A_809, %add3A_867 : i32
        %get3A_869 = arith.index_cast %add3A_868 : i32 to index
        %get3A_870 = arith.constant 48 : index
        %get3A_871 = tpu.vector_load %arg14[%get3A_869, %get3A_870] {strides = array<i32>} : memref<160x128xf32, #tpu.memory_space<vmem>>, vector<16xf32>,
        %mul3A_872 = arith.mulf %get3A_871, %get3A_426 : vector<16xf32>
        %add3A_873 = arith.constant 1 : i32
        %add3A_874 = arith.addi %add3A_809, %add3A_873 : i32
        %get3A_875 = arith.index_cast %add3A_874 : i32 to index
        %get3A_876 = arith.constant 64 : index
        %get3A_877 = tpu.vector_load %arg14[%get3A_875, %get3A_876] {strides = array<i32>} : memref<160x128xf32, #tpu.memory_space<vmem>>, vector<16xf32>,
        %mul3A_878 = arith.mulf %get3A_877, %get3A_429 : vector<16xf32>
        %add3A_879 = arith.constant 1 : i32
        %add3A_880 = arith.addi %add3A_809, %add3A_879 : i32
        %get3A_881 = arith.index_cast %add3A_880 : i32 to index
        %get3A_882 = arith.constant 80 : index
        %get3A_883 = tpu.vector_load %arg14[%get3A_881, %get3A_882] {strides = array<i32>} : memref<160x128xf32, #tpu.memory_space<vmem>>, vector<16xf32>,
        %mul3A_884 = arith.mulf %get3A_883, %get3A_432 : vector<16xf32>
        %add3A_885 = arith.constant 1 : i32
        %add3A_886 = arith.addi %add3A_809, %add3A_885 : i32
        %get3A_887 = arith.index_cast %add3A_886 : i32 to index
        %get3A_888 = arith.constant 96 : index
        %get3A_889 = tpu.vector_load %arg14[%get3A_887, %get3A_888] {strides = array<i32>} : memref<160x128xf32, #tpu.memory_space<vmem>>, vector<16xf32>,
        %mul3A_890 = arith.mulf %get3A_889, %get3A_435 : vector<16xf32>
        %add3A_891 = arith.constant 1 : i32
        %add3A_892 = arith.addi %add3A_809, %add3A_891 : i32
        %get3A_893 = arith.index_cast %add3A_892 : i32 to index
        %get3A_894 = arith.constant 112 : index
        %get3A_895 = tpu.vector_load %arg14[%get3A_893, %get3A_894] {strides = array<i32>} : memref<160x128xf32, #tpu.memory_space<vmem>>, vector<16xf32>,
        %mul3A_896 = arith.mulf %get3A_895, %get3A_438 : vector<16xf32>
        %add3A_897 = arith.addf %mul3A_854, %mul3A_860 : vector<16xf32>
        %add3A_898 = arith.addf %mul3A_866, %mul3A_872 : vector<16xf32>
        %add3A_899 = arith.addf %mul3A_878, %mul3A_884 : vector<16xf32>
        %add3A_900 = arith.addf %mul3A_890, %mul3A_896 : vector<16xf32>
        %add3A_901 = arith.addf %add3A_897, %add3A_898 : vector<16xf32>
        %add3A_902 = arith.addf %add3A_899, %add3A_900 : vector<16xf32>
        %add3A_903 = arith.addf %add3A_901, %add3A_902 : vector<16xf32>
        %rev3A_904 = arith.constant 15 : i32
        %rev3A_905 = vector.broadcast %rev3A_904 : i32 to vector<16xi32>
        %rev3A_906 = tpu.iota {dimensions = array<i32: 0>} : vector<16xi32>
        %rev3A_907 = arith.subi %rev3A_905, %rev3A_906 : vector<16xi32>
        %rev3A_908 = tpu.dynamic_gather %add3A_848[%rev3A_907] in [0] : vector<16xf32>, vector<16xi32> -> vector<16xf32>
        %add3A_909 = arith.addf %add3A_848, %rev3A_908 : vector<16xf32>
        %rev3A_910 = arith.constant 15 : i32
        %rev3A_911 = vector.broadcast %rev3A_910 : i32 to vector<16xi32>
        %rev3A_912 = tpu.iota {dimensions = array<i32: 0>} : vector<16xi32>
        %rev3A_913 = arith.subi %rev3A_911, %rev3A_912 : vector<16xi32>
        %rev3A_914 = tpu.dynamic_gather %add3A_903[%rev3A_913] in [0] : vector<16xf32>, vector<16xi32> -> vector<16xf32>
        %add3A_915 = arith.addf %add3A_903, %rev3A_914 : vector<16xf32>
        %select_n3A_916 = arith.select %lt3A_53, %add3A_909, %add3A_915 : vector<16xi1>, vector<16xf32>
        %broadcast_in_dim3A_917 = arith.constant true
        %broadcast_in_dim3A_918 = vector.broadcast %broadcast_in_dim3A_917 : i1 to vector<16xi1>
        %masked_cumsum3A_919 = tpu.scan <sum>, %select_n3A_916 masked %broadcast_in_dim3A_918 : vector<16xf32>, vector<16xi1> -> vector<16xf32>
        %slice3A_920 = vector.extract_strided_slice %masked_cumsum3A_919 {offsets = [7], sizes = [1], strides = [1]} : vector<16xf32> to vector<1xf32>
        %squeeze3A_921 = vector.extract %slice3A_920[0] : f32 from vector<1xf32>
        %slice3A_922 = vector.extract_strided_slice %masked_cumsum3A_919 {offsets = [15], sizes = [1], strides = [1]} : vector<16xf32> to vector<1xf32>
        %squeeze3A_923 = vector.extract %slice3A_922[0] : f32 from vector<1xf32>
        %sub3A_924 = arith.subf %squeeze3A_923, %squeeze3A_921 : f32
        %broadcast_in_dim3A_925 = vector.broadcast %squeeze3A_921 : f32 to vector<16xf32>
        %select_n3A_926 = arith.select %eq3A_24, %broadcast_in_dim3A_925, %select_n3A_805 : vector<16xi1>, vector<16xf32>
        %broadcast_in_dim3A_927 = vector.broadcast %sub3A_924 : f32 to vector<16xf32>
        %select_n3A_928 = arith.select %eq3A_27, %broadcast_in_dim3A_927, %select_n3A_926 : vector<16xi1>, vector<16xf32>
        %mul3A_929 = arith.constant 20 : i32
        %mul3A_930 = arith.muli %add3A_412, %mul3A_929 : i32
        %add3A_931 = arith.constant 8 : i32
        %add3A_932 = arith.addi %mul3A_930, %add3A_931 : i32
        %get3A_933 = arith.index_cast %add3A_932 : i32 to index
        %get3A_934 = arith.constant 0 : index
        %get3A_935 = tpu.vector_load %arg14[%get3A_933, %get3A_934] {strides = array<i32>} : memref<160x128xf32, #tpu.memory_space<vmem>>, vector<16xf32>,
        %mul3A_936 = arith.mulf %get3A_935, %get3A_417 : vector<16xf32>
        %get3A_937 = arith.index_cast %add3A_932 : i32 to index
        %get3A_938 = arith.constant 16 : index
        %get3A_939 = tpu.vector_load %arg14[%get3A_937, %get3A_938] {strides = array<i32>} : memref<160x128xf32, #tpu.memory_space<vmem>>, vector<16xf32>,
        %mul3A_940 = arith.mulf %get3A_939, %get3A_420 : vector<16xf32>
        %get3A_941 = arith.index_cast %add3A_932 : i32 to index
        %get3A_942 = arith.constant 32 : index
        %get3A_943 = tpu.vector_load %arg14[%get3A_941, %get3A_942] {strides = array<i32>} : memref<160x128xf32, #tpu.memory_space<vmem>>, vector<16xf32>,
        %mul3A_944 = arith.mulf %get3A_943, %get3A_423 : vector<16xf32>
        %get3A_945 = arith.index_cast %add3A_932 : i32 to index
        %get3A_946 = arith.constant 48 : index
        %get3A_947 = tpu.vector_load %arg14[%get3A_945, %get3A_946] {strides = array<i32>} : memref<160x128xf32, #tpu.memory_space<vmem>>, vector<16xf32>,
        %mul3A_948 = arith.mulf %get3A_947, %get3A_426 : vector<16xf32>
        %get3A_949 = arith.index_cast %add3A_932 : i32 to index
        %get3A_950 = arith.constant 64 : index
        %get3A_951 = tpu.vector_load %arg14[%get3A_949, %get3A_950] {strides = array<i32>} : memref<160x128xf32, #tpu.memory_space<vmem>>, vector<16xf32>,
        %mul3A_952 = arith.mulf %get3A_951, %get3A_429 : vector<16xf32>
        %get3A_953 = arith.index_cast %add3A_932 : i32 to index
        %get3A_954 = arith.constant 80 : index
        %get3A_955 = tpu.vector_load %arg14[%get3A_953, %get3A_954] {strides = array<i32>} : memref<160x128xf32, #tpu.memory_space<vmem>>, vector<16xf32>,
        %mul3A_956 = arith.mulf %get3A_955, %get3A_432 : vector<16xf32>
        %get3A_957 = arith.index_cast %add3A_932 : i32 to index
        %get3A_958 = arith.constant 96 : index
        %get3A_959 = tpu.vector_load %arg14[%get3A_957, %get3A_958] {strides = array<i32>} : memref<160x128xf32, #tpu.memory_space<vmem>>, vector<16xf32>,
        %mul3A_960 = arith.mulf %get3A_959, %get3A_435 : vector<16xf32>
        %get3A_961 = arith.index_cast %add3A_932 : i32 to index
        %get3A_962 = arith.constant 112 : index
        %get3A_963 = tpu.vector_load %arg14[%get3A_961, %get3A_962] {strides = array<i32>} : memref<160x128xf32, #tpu.memory_space<vmem>>, vector<16xf32>,
        %mul3A_964 = arith.mulf %get3A_963, %get3A_438 : vector<16xf32>
        %add3A_965 = arith.addf %mul3A_936, %mul3A_940 : vector<16xf32>
        %add3A_966 = arith.addf %mul3A_944, %mul3A_948 : vector<16xf32>
        %add3A_967 = arith.addf %mul3A_952, %mul3A_956 : vector<16xf32>
        %add3A_968 = arith.addf %mul3A_960, %mul3A_964 : vector<16xf32>
        %add3A_969 = arith.addf %add3A_965, %add3A_966 : vector<16xf32>
        %add3A_970 = arith.addf %add3A_967, %add3A_968 : vector<16xf32>
        %add3A_971 = arith.addf %add3A_969, %add3A_970 : vector<16xf32>
        %add3A_972 = arith.constant 1 : i32
        %add3A_973 = arith.addi %add3A_932, %add3A_972 : i32
        %get3A_974 = arith.index_cast %add3A_973 : i32 to index
        %get3A_975 = arith.constant 0 : index
        %get3A_976 = tpu.vector_load %arg14[%get3A_974, %get3A_975] {strides = array<i32>} : memref<160x128xf32, #tpu.memory_space<vmem>>, vector<16xf32>,
        %mul3A_977 = arith.mulf %get3A_976, %get3A_417 : vector<16xf32>
        %add3A_978 = arith.constant 1 : i32
        %add3A_979 = arith.addi %add3A_932, %add3A_978 : i32
        %get3A_980 = arith.index_cast %add3A_979 : i32 to index
        %get3A_981 = arith.constant 16 : index
        %get3A_982 = tpu.vector_load %arg14[%get3A_980, %get3A_981] {strides = array<i32>} : memref<160x128xf32, #tpu.memory_space<vmem>>, vector<16xf32>,
        %mul3A_983 = arith.mulf %get3A_982, %get3A_420 : vector<16xf32>
        %add3A_984 = arith.constant 1 : i32
        %add3A_985 = arith.addi %add3A_932, %add3A_984 : i32
        %get3A_986 = arith.index_cast %add3A_985 : i32 to index
        %get3A_987 = arith.constant 32 : index
        %get3A_988 = tpu.vector_load %arg14[%get3A_986, %get3A_987] {strides = array<i32>} : memref<160x128xf32, #tpu.memory_space<vmem>>, vector<16xf32>,
        %mul3A_989 = arith.mulf %get3A_988, %get3A_423 : vector<16xf32>
        %add3A_990 = arith.constant 1 : i32
        %add3A_991 = arith.addi %add3A_932, %add3A_990 : i32
        %get3A_992 = arith.index_cast %add3A_991 : i32 to index
        %get3A_993 = arith.constant 48 : index
        %get3A_994 = tpu.vector_load %arg14[%get3A_992, %get3A_993] {strides = array<i32>} : memref<160x128xf32, #tpu.memory_space<vmem>>, vector<16xf32>,
        %mul3A_995 = arith.mulf %get3A_994, %get3A_426 : vector<16xf32>
        %add3A_996 = arith.constant 1 : i32
        %add3A_997 = arith.addi %add3A_932, %add3A_996 : i32
        %get3A_998 = arith.index_cast %add3A_997 : i32 to index
        %get3A_999 = arith.constant 64 : index
        %get3A_1000 = tpu.vector_load %arg14[%get3A_998, %get3A_999] {strides = array<i32>} : memref<160x128xf32, #tpu.memory_space<vmem>>, vector<16xf32>,
        %mul3A_1001 = arith.mulf %get3A_1000, %get3A_429 : vector<16xf32>
        %add3A_1002 = arith.constant 1 : i32
        %add3A_1003 = arith.addi %add3A_932, %add3A_1002 : i32
        %get3A_1004 = arith.index_cast %add3A_1003 : i32 to index
        %get3A_1005 = arith.constant 80 : index
        %get3A_1006 = tpu.vector_load %arg14[%get3A_1004, %get3A_1005] {strides = array<i32>} : memref<160x128xf32, #tpu.memory_space<vmem>>, vector<16xf32>,
        %mul3A_1007 = arith.mulf %get3A_1006, %get3A_432 : vector<16xf32>
        %add3A_1008 = arith.constant 1 : i32
        %add3A_1009 = arith.addi %add3A_932, %add3A_1008 : i32
        %get3A_1010 = arith.index_cast %add3A_1009 : i32 to index
        %get3A_1011 = arith.constant 96 : index
        %get3A_1012 = tpu.vector_load %arg14[%get3A_1010, %get3A_1011] {strides = array<i32>} : memref<160x128xf32, #tpu.memory_space<vmem>>, vector<16xf32>,
        %mul3A_1013 = arith.mulf %get3A_1012, %get3A_435 : vector<16xf32>
        %add3A_1014 = arith.constant 1 : i32
        %add3A_1015 = arith.addi %add3A_932, %add3A_1014 : i32
        %get3A_1016 = arith.index_cast %add3A_1015 : i32 to index
        %get3A_1017 = arith.constant 112 : index
        %get3A_1018 = tpu.vector_load %arg14[%get3A_1016, %get3A_1017] {strides = array<i32>} : memref<160x128xf32, #tpu.memory_space<vmem>>, vector<16xf32>,
        %mul3A_1019 = arith.mulf %get3A_1018, %get3A_438 : vector<16xf32>
        %add3A_1020 = arith.addf %mul3A_977, %mul3A_983 : vector<16xf32>
        %add3A_1021 = arith.addf %mul3A_989, %mul3A_995 : vector<16xf32>
        %add3A_1022 = arith.addf %mul3A_1001, %mul3A_1007 : vector<16xf32>
        %add3A_1023 = arith.addf %mul3A_1013, %mul3A_1019 : vector<16xf32>
        %add3A_1024 = arith.addf %add3A_1020, %add3A_1021 : vector<16xf32>
        %add3A_1025 = arith.addf %add3A_1022, %add3A_1023 : vector<16xf32>
        %add3A_1026 = arith.addf %add3A_1024, %add3A_1025 : vector<16xf32>
        %rev3A_1027 = arith.constant 15 : i32
        %rev3A_1028 = vector.broadcast %rev3A_1027 : i32 to vector<16xi32>
        %rev3A_1029 = tpu.iota {dimensions = array<i32: 0>} : vector<16xi32>
        %rev3A_1030 = arith.subi %rev3A_1028, %rev3A_1029 : vector<16xi32>
        %rev3A_1031 = tpu.dynamic_gather %add3A_971[%rev3A_1030] in [0] : vector<16xf32>, vector<16xi32> -> vector<16xf32>
        %add3A_1032 = arith.addf %add3A_971, %rev3A_1031 : vector<16xf32>
        %rev3A_1033 = arith.constant 15 : i32
        %rev3A_1034 = vector.broadcast %rev3A_1033 : i32 to vector<16xi32>
        %rev3A_1035 = tpu.iota {dimensions = array<i32: 0>} : vector<16xi32>
        %rev3A_1036 = arith.subi %rev3A_1034, %rev3A_1035 : vector<16xi32>
        %rev3A_1037 = tpu.dynamic_gather %add3A_1026[%rev3A_1036] in [0] : vector<16xf32>, vector<16xi32> -> vector<16xf32>
        %add3A_1038 = arith.addf %add3A_1026, %rev3A_1037 : vector<16xf32>
        %select_n3A_1039 = arith.select %lt3A_53, %add3A_1032, %add3A_1038 : vector<16xi1>, vector<16xf32>
        %broadcast_in_dim3A_1040 = arith.constant true
        %broadcast_in_dim3A_1041 = vector.broadcast %broadcast_in_dim3A_1040 : i1 to vector<16xi1>
        %masked_cumsum3A_1042 = tpu.scan <sum>, %select_n3A_1039 masked %broadcast_in_dim3A_1041 : vector<16xf32>, vector<16xi1> -> vector<16xf32>
        %slice3A_1043 = vector.extract_strided_slice %masked_cumsum3A_1042 {offsets = [7], sizes = [1], strides = [1]} : vector<16xf32> to vector<1xf32>
        %squeeze3A_1044 = vector.extract %slice3A_1043[0] : f32 from vector<1xf32>
        %slice3A_1045 = vector.extract_strided_slice %masked_cumsum3A_1042 {offsets = [15], sizes = [1], strides = [1]} : vector<16xf32> to vector<1xf32>
        %squeeze3A_1046 = vector.extract %slice3A_1045[0] : f32 from vector<1xf32>
        %sub3A_1047 = arith.subf %squeeze3A_1046, %squeeze3A_1044 : f32
        %broadcast_in_dim3A_1048 = vector.broadcast %squeeze3A_1044 : f32 to vector<16xf32>
        %select_n3A_1049 = arith.select %eq3A_30, %broadcast_in_dim3A_1048, %select_n3A_928 : vector<16xi1>, vector<16xf32>
        %broadcast_in_dim3A_1050 = vector.broadcast %sub3A_1047 : f32 to vector<16xf32>
        %select_n3A_1051 = arith.select %eq3A_33, %broadcast_in_dim3A_1050, %select_n3A_1049 : vector<16xi1>, vector<16xf32>
        %mul3A_1052 = arith.constant 20 : i32
        %mul3A_1053 = arith.muli %add3A_412, %mul3A_1052 : i32
        %add3A_1054 = arith.constant 10 : i32
        %add3A_1055 = arith.addi %mul3A_1053, %add3A_1054 : i32
        %get3A_1056 = arith.index_cast %add3A_1055 : i32 to index
        %get3A_1057 = arith.constant 0 : index
        %get3A_1058 = tpu.vector_load %arg14[%get3A_1056, %get3A_1057] {strides = array<i32>} : memref<160x128xf32, #tpu.memory_space<vmem>>, vector<16xf32>,
        %mul3A_1059 = arith.mulf %get3A_1058, %get3A_417 : vector<16xf32>
        %get3A_1060 = arith.index_cast %add3A_1055 : i32 to index
        %get3A_1061 = arith.constant 16 : index
        %get3A_1062 = tpu.vector_load %arg14[%get3A_1060, %get3A_1061] {strides = array<i32>} : memref<160x128xf32, #tpu.memory_space<vmem>>, vector<16xf32>,
        %mul3A_1063 = arith.mulf %get3A_1062, %get3A_420 : vector<16xf32>
        %get3A_1064 = arith.index_cast %add3A_1055 : i32 to index
        %get3A_1065 = arith.constant 32 : index
        %get3A_1066 = tpu.vector_load %arg14[%get3A_1064, %get3A_1065] {strides = array<i32>} : memref<160x128xf32, #tpu.memory_space<vmem>>, vector<16xf32>,
        %mul3A_1067 = arith.mulf %get3A_1066, %get3A_423 : vector<16xf32>
        %get3A_1068 = arith.index_cast %add3A_1055 : i32 to index
        %get3A_1069 = arith.constant 48 : index
        %get3A_1070 = tpu.vector_load %arg14[%get3A_1068, %get3A_1069] {strides = array<i32>} : memref<160x128xf32, #tpu.memory_space<vmem>>, vector<16xf32>,
        %mul3A_1071 = arith.mulf %get3A_1070, %get3A_426 : vector<16xf32>
        %get3A_1072 = arith.index_cast %add3A_1055 : i32 to index
        %get3A_1073 = arith.constant 64 : index
        %get3A_1074 = tpu.vector_load %arg14[%get3A_1072, %get3A_1073] {strides = array<i32>} : memref<160x128xf32, #tpu.memory_space<vmem>>, vector<16xf32>,
        %mul3A_1075 = arith.mulf %get3A_1074, %get3A_429 : vector<16xf32>
        %get3A_1076 = arith.index_cast %add3A_1055 : i32 to index
        %get3A_1077 = arith.constant 80 : index
        %get3A_1078 = tpu.vector_load %arg14[%get3A_1076, %get3A_1077] {strides = array<i32>} : memref<160x128xf32, #tpu.memory_space<vmem>>, vector<16xf32>,
        %mul3A_1079 = arith.mulf %get3A_1078, %get3A_432 : vector<16xf32>
        %get3A_1080 = arith.index_cast %add3A_1055 : i32 to index
        %get3A_1081 = arith.constant 96 : index
        %get3A_1082 = tpu.vector_load %arg14[%get3A_1080, %get3A_1081] {strides = array<i32>} : memref<160x128xf32, #tpu.memory_space<vmem>>, vector<16xf32>,
        %mul3A_1083 = arith.mulf %get3A_1082, %get3A_435 : vector<16xf32>
        %get3A_1084 = arith.index_cast %add3A_1055 : i32 to index
        %get3A_1085 = arith.constant 112 : index
        %get3A_1086 = tpu.vector_load %arg14[%get3A_1084, %get3A_1085] {strides = array<i32>} : memref<160x128xf32, #tpu.memory_space<vmem>>, vector<16xf32>,
        %mul3A_1087 = arith.mulf %get3A_1086, %get3A_438 : vector<16xf32>
        %add3A_1088 = arith.addf %mul3A_1059, %mul3A_1063 : vector<16xf32>
        %add3A_1089 = arith.addf %mul3A_1067, %mul3A_1071 : vector<16xf32>
        %add3A_1090 = arith.addf %mul3A_1075, %mul3A_1079 : vector<16xf32>
        %add3A_1091 = arith.addf %mul3A_1083, %mul3A_1087 : vector<16xf32>
        %add3A_1092 = arith.addf %add3A_1088, %add3A_1089 : vector<16xf32>
        %add3A_1093 = arith.addf %add3A_1090, %add3A_1091 : vector<16xf32>
        %add3A_1094 = arith.addf %add3A_1092, %add3A_1093 : vector<16xf32>
        %add3A_1095 = arith.constant 1 : i32
        %add3A_1096 = arith.addi %add3A_1055, %add3A_1095 : i32
        %get3A_1097 = arith.index_cast %add3A_1096 : i32 to index
        %get3A_1098 = arith.constant 0 : index
        %get3A_1099 = tpu.vector_load %arg14[%get3A_1097, %get3A_1098] {strides = array<i32>} : memref<160x128xf32, #tpu.memory_space<vmem>>, vector<16xf32>,
        %mul3A_1100 = arith.mulf %get3A_1099, %get3A_417 : vector<16xf32>
        %add3A_1101 = arith.constant 1 : i32
        %add3A_1102 = arith.addi %add3A_1055, %add3A_1101 : i32
        %get3A_1103 = arith.index_cast %add3A_1102 : i32 to index
        %get3A_1104 = arith.constant 16 : index
        %get3A_1105 = tpu.vector_load %arg14[%get3A_1103, %get3A_1104] {strides = array<i32>} : memref<160x128xf32, #tpu.memory_space<vmem>>, vector<16xf32>,
        %mul3A_1106 = arith.mulf %get3A_1105, %get3A_420 : vector<16xf32>
        %add3A_1107 = arith.constant 1 : i32
        %add3A_1108 = arith.addi %add3A_1055, %add3A_1107 : i32
        %get3A_1109 = arith.index_cast %add3A_1108 : i32 to index
        %get3A_1110 = arith.constant 32 : index
        %get3A_1111 = tpu.vector_load %arg14[%get3A_1109, %get3A_1110] {strides = array<i32>} : memref<160x128xf32, #tpu.memory_space<vmem>>, vector<16xf32>,
        %mul3A_1112 = arith.mulf %get3A_1111, %get3A_423 : vector<16xf32>
        %add3A_1113 = arith.constant 1 : i32
        %add3A_1114 = arith.addi %add3A_1055, %add3A_1113 : i32
        %get3A_1115 = arith.index_cast %add3A_1114 : i32 to index
        %get3A_1116 = arith.constant 48 : index
        %get3A_1117 = tpu.vector_load %arg14[%get3A_1115, %get3A_1116] {strides = array<i32>} : memref<160x128xf32, #tpu.memory_space<vmem>>, vector<16xf32>,
        %mul3A_1118 = arith.mulf %get3A_1117, %get3A_426 : vector<16xf32>
        %add3A_1119 = arith.constant 1 : i32
        %add3A_1120 = arith.addi %add3A_1055, %add3A_1119 : i32
        %get3A_1121 = arith.index_cast %add3A_1120 : i32 to index
        %get3A_1122 = arith.constant 64 : index
        %get3A_1123 = tpu.vector_load %arg14[%get3A_1121, %get3A_1122] {strides = array<i32>} : memref<160x128xf32, #tpu.memory_space<vmem>>, vector<16xf32>,
        %mul3A_1124 = arith.mulf %get3A_1123, %get3A_429 : vector<16xf32>
        %add3A_1125 = arith.constant 1 : i32
        %add3A_1126 = arith.addi %add3A_1055, %add3A_1125 : i32
        %get3A_1127 = arith.index_cast %add3A_1126 : i32 to index
        %get3A_1128 = arith.constant 80 : index
        %get3A_1129 = tpu.vector_load %arg14[%get3A_1127, %get3A_1128] {strides = array<i32>} : memref<160x128xf32, #tpu.memory_space<vmem>>, vector<16xf32>,
        %mul3A_1130 = arith.mulf %get3A_1129, %get3A_432 : vector<16xf32>
        %add3A_1131 = arith.constant 1 : i32
        %add3A_1132 = arith.addi %add3A_1055, %add3A_1131 : i32
        %get3A_1133 = arith.index_cast %add3A_1132 : i32 to index
        %get3A_1134 = arith.constant 96 : index
        %get3A_1135 = tpu.vector_load %arg14[%get3A_1133, %get3A_1134] {strides = array<i32>} : memref<160x128xf32, #tpu.memory_space<vmem>>, vector<16xf32>,
        %mul3A_1136 = arith.mulf %get3A_1135, %get3A_435 : vector<16xf32>
        %add3A_1137 = arith.constant 1 : i32
        %add3A_1138 = arith.addi %add3A_1055, %add3A_1137 : i32
        %get3A_1139 = arith.index_cast %add3A_1138 : i32 to index
        %get3A_1140 = arith.constant 112 : index
        %get3A_1141 = tpu.vector_load %arg14[%get3A_1139, %get3A_1140] {strides = array<i32>} : memref<160x128xf32, #tpu.memory_space<vmem>>, vector<16xf32>,
        %mul3A_1142 = arith.mulf %get3A_1141, %get3A_438 : vector<16xf32>
        %add3A_1143 = arith.addf %mul3A_1100, %mul3A_1106 : vector<16xf32>
        %add3A_1144 = arith.addf %mul3A_1112, %mul3A_1118 : vector<16xf32>
        %add3A_1145 = arith.addf %mul3A_1124, %mul3A_1130 : vector<16xf32>
        %add3A_1146 = arith.addf %mul3A_1136, %mul3A_1142 : vector<16xf32>
        %add3A_1147 = arith.addf %add3A_1143, %add3A_1144 : vector<16xf32>
        %add3A_1148 = arith.addf %add3A_1145, %add3A_1146 : vector<16xf32>
        %add3A_1149 = arith.addf %add3A_1147, %add3A_1148 : vector<16xf32>
        %rev3A_1150 = arith.constant 15 : i32
        %rev3A_1151 = vector.broadcast %rev3A_1150 : i32 to vector<16xi32>
        %rev3A_1152 = tpu.iota {dimensions = array<i32: 0>} : vector<16xi32>
        %rev3A_1153 = arith.subi %rev3A_1151, %rev3A_1152 : vector<16xi32>
        %rev3A_1154 = tpu.dynamic_gather %add3A_1094[%rev3A_1153] in [0] : vector<16xf32>, vector<16xi32> -> vector<16xf32>
        %add3A_1155 = arith.addf %add3A_1094, %rev3A_1154 : vector<16xf32>
        %rev3A_1156 = arith.constant 15 : i32
        %rev3A_1157 = vector.broadcast %rev3A_1156 : i32 to vector<16xi32>
        %rev3A_1158 = tpu.iota {dimensions = array<i32: 0>} : vector<16xi32>
        %rev3A_1159 = arith.subi %rev3A_1157, %rev3A_1158 : vector<16xi32>
        %rev3A_1160 = tpu.dynamic_gather %add3A_1149[%rev3A_1159] in [0] : vector<16xf32>, vector<16xi32> -> vector<16xf32>
        %add3A_1161 = arith.addf %add3A_1149, %rev3A_1160 : vector<16xf32>
        %select_n3A_1162 = arith.select %lt3A_53, %add3A_1155, %add3A_1161 : vector<16xi1>, vector<16xf32>
        %broadcast_in_dim3A_1163 = arith.constant true
        %broadcast_in_dim3A_1164 = vector.broadcast %broadcast_in_dim3A_1163 : i1 to vector<16xi1>
        %masked_cumsum3A_1165 = tpu.scan <sum>, %select_n3A_1162 masked %broadcast_in_dim3A_1164 : vector<16xf32>, vector<16xi1> -> vector<16xf32>
        %slice3A_1166 = vector.extract_strided_slice %masked_cumsum3A_1165 {offsets = [7], sizes = [1], strides = [1]} : vector<16xf32> to vector<1xf32>
        %squeeze3A_1167 = vector.extract %slice3A_1166[0] : f32 from vector<1xf32>
        %slice3A_1168 = vector.extract_strided_slice %masked_cumsum3A_1165 {offsets = [15], sizes = [1], strides = [1]} : vector<16xf32> to vector<1xf32>
        %squeeze3A_1169 = vector.extract %slice3A_1168[0] : f32 from vector<1xf32>
        %sub3A_1170 = arith.subf %squeeze3A_1169, %squeeze3A_1167 : f32
        %broadcast_in_dim3A_1171 = vector.broadcast %squeeze3A_1167 : f32 to vector<16xf32>
        %select_n3A_1172 = arith.select %eq3A_36, %broadcast_in_dim3A_1171, %select_n3A_1051 : vector<16xi1>, vector<16xf32>
        %broadcast_in_dim3A_1173 = vector.broadcast %sub3A_1170 : f32 to vector<16xf32>
        %select_n3A_1174 = arith.select %eq3A_39, %broadcast_in_dim3A_1173, %select_n3A_1172 : vector<16xi1>, vector<16xf32>
        %mul3A_1175 = arith.constant 20 : i32
        %mul3A_1176 = arith.muli %add3A_412, %mul3A_1175 : i32
        %add3A_1177 = arith.constant 12 : i32
        %add3A_1178 = arith.addi %mul3A_1176, %add3A_1177 : i32
        %get3A_1179 = arith.index_cast %add3A_1178 : i32 to index
        %get3A_1180 = arith.constant 0 : index
        %get3A_1181 = tpu.vector_load %arg14[%get3A_1179, %get3A_1180] {strides = array<i32>} : memref<160x128xf32, #tpu.memory_space<vmem>>, vector<16xf32>,
        %mul3A_1182 = arith.mulf %get3A_1181, %get3A_417 : vector<16xf32>
        %get3A_1183 = arith.index_cast %add3A_1178 : i32 to index
        %get3A_1184 = arith.constant 16 : index
        %get3A_1185 = tpu.vector_load %arg14[%get3A_1183, %get3A_1184] {strides = array<i32>} : memref<160x128xf32, #tpu.memory_space<vmem>>, vector<16xf32>,
        %mul3A_1186 = arith.mulf %get3A_1185, %get3A_420 : vector<16xf32>
        %get3A_1187 = arith.index_cast %add3A_1178 : i32 to index
        %get3A_1188 = arith.constant 32 : index
        %get3A_1189 = tpu.vector_load %arg14[%get3A_1187, %get3A_1188] {strides = array<i32>} : memref<160x128xf32, #tpu.memory_space<vmem>>, vector<16xf32>,
        %mul3A_1190 = arith.mulf %get3A_1189, %get3A_423 : vector<16xf32>
        %get3A_1191 = arith.index_cast %add3A_1178 : i32 to index
        %get3A_1192 = arith.constant 48 : index
        %get3A_1193 = tpu.vector_load %arg14[%get3A_1191, %get3A_1192] {strides = array<i32>} : memref<160x128xf32, #tpu.memory_space<vmem>>, vector<16xf32>,
        %mul3A_1194 = arith.mulf %get3A_1193, %get3A_426 : vector<16xf32>
        %get3A_1195 = arith.index_cast %add3A_1178 : i32 to index
        %get3A_1196 = arith.constant 64 : index
        %get3A_1197 = tpu.vector_load %arg14[%get3A_1195, %get3A_1196] {strides = array<i32>} : memref<160x128xf32, #tpu.memory_space<vmem>>, vector<16xf32>,
        %mul3A_1198 = arith.mulf %get3A_1197, %get3A_429 : vector<16xf32>
        %get3A_1199 = arith.index_cast %add3A_1178 : i32 to index
        %get3A_1200 = arith.constant 80 : index
        %get3A_1201 = tpu.vector_load %arg14[%get3A_1199, %get3A_1200] {strides = array<i32>} : memref<160x128xf32, #tpu.memory_space<vmem>>, vector<16xf32>,
        %mul3A_1202 = arith.mulf %get3A_1201, %get3A_432 : vector<16xf32>
        %get3A_1203 = arith.index_cast %add3A_1178 : i32 to index
        %get3A_1204 = arith.constant 96 : index
        %get3A_1205 = tpu.vector_load %arg14[%get3A_1203, %get3A_1204] {strides = array<i32>} : memref<160x128xf32, #tpu.memory_space<vmem>>, vector<16xf32>,
        %mul3A_1206 = arith.mulf %get3A_1205, %get3A_435 : vector<16xf32>
        %get3A_1207 = arith.index_cast %add3A_1178 : i32 to index
        %get3A_1208 = arith.constant 112 : index
        %get3A_1209 = tpu.vector_load %arg14[%get3A_1207, %get3A_1208] {strides = array<i32>} : memref<160x128xf32, #tpu.memory_space<vmem>>, vector<16xf32>,
        %mul3A_1210 = arith.mulf %get3A_1209, %get3A_438 : vector<16xf32>
        %add3A_1211 = arith.addf %mul3A_1182, %mul3A_1186 : vector<16xf32>
        %add3A_1212 = arith.addf %mul3A_1190, %mul3A_1194 : vector<16xf32>
        %add3A_1213 = arith.addf %mul3A_1198, %mul3A_1202 : vector<16xf32>
        %add3A_1214 = arith.addf %mul3A_1206, %mul3A_1210 : vector<16xf32>
        %add3A_1215 = arith.addf %add3A_1211, %add3A_1212 : vector<16xf32>
        %add3A_1216 = arith.addf %add3A_1213, %add3A_1214 : vector<16xf32>
        %add3A_1217 = arith.addf %add3A_1215, %add3A_1216 : vector<16xf32>
        %add3A_1218 = arith.constant 1 : i32
        %add3A_1219 = arith.addi %add3A_1178, %add3A_1218 : i32
        %get3A_1220 = arith.index_cast %add3A_1219 : i32 to index
        %get3A_1221 = arith.constant 0 : index
        %get3A_1222 = tpu.vector_load %arg14[%get3A_1220, %get3A_1221] {strides = array<i32>} : memref<160x128xf32, #tpu.memory_space<vmem>>, vector<16xf32>,
        %mul3A_1223 = arith.mulf %get3A_1222, %get3A_417 : vector<16xf32>
        %add3A_1224 = arith.constant 1 : i32
        %add3A_1225 = arith.addi %add3A_1178, %add3A_1224 : i32
        %get3A_1226 = arith.index_cast %add3A_1225 : i32 to index
        %get3A_1227 = arith.constant 16 : index
        %get3A_1228 = tpu.vector_load %arg14[%get3A_1226, %get3A_1227] {strides = array<i32>} : memref<160x128xf32, #tpu.memory_space<vmem>>, vector<16xf32>,
        %mul3A_1229 = arith.mulf %get3A_1228, %get3A_420 : vector<16xf32>
        %add3A_1230 = arith.constant 1 : i32
        %add3A_1231 = arith.addi %add3A_1178, %add3A_1230 : i32
        %get3A_1232 = arith.index_cast %add3A_1231 : i32 to index
        %get3A_1233 = arith.constant 32 : index
        %get3A_1234 = tpu.vector_load %arg14[%get3A_1232, %get3A_1233] {strides = array<i32>} : memref<160x128xf32, #tpu.memory_space<vmem>>, vector<16xf32>,
        %mul3A_1235 = arith.mulf %get3A_1234, %get3A_423 : vector<16xf32>
        %add3A_1236 = arith.constant 1 : i32
        %add3A_1237 = arith.addi %add3A_1178, %add3A_1236 : i32
        %get3A_1238 = arith.index_cast %add3A_1237 : i32 to index
        %get3A_1239 = arith.constant 48 : index
        %get3A_1240 = tpu.vector_load %arg14[%get3A_1238, %get3A_1239] {strides = array<i32>} : memref<160x128xf32, #tpu.memory_space<vmem>>, vector<16xf32>,
        %mul3A_1241 = arith.mulf %get3A_1240, %get3A_426 : vector<16xf32>
        %add3A_1242 = arith.constant 1 : i32
        %add3A_1243 = arith.addi %add3A_1178, %add3A_1242 : i32
        %get3A_1244 = arith.index_cast %add3A_1243 : i32 to index
        %get3A_1245 = arith.constant 64 : index
        %get3A_1246 = tpu.vector_load %arg14[%get3A_1244, %get3A_1245] {strides = array<i32>} : memref<160x128xf32, #tpu.memory_space<vmem>>, vector<16xf32>,
        %mul3A_1247 = arith.mulf %get3A_1246, %get3A_429 : vector<16xf32>
        %add3A_1248 = arith.constant 1 : i32
        %add3A_1249 = arith.addi %add3A_1178, %add3A_1248 : i32
        %get3A_1250 = arith.index_cast %add3A_1249 : i32 to index
        %get3A_1251 = arith.constant 80 : index
        %get3A_1252 = tpu.vector_load %arg14[%get3A_1250, %get3A_1251] {strides = array<i32>} : memref<160x128xf32, #tpu.memory_space<vmem>>, vector<16xf32>,
        %mul3A_1253 = arith.mulf %get3A_1252, %get3A_432 : vector<16xf32>
        %add3A_1254 = arith.constant 1 : i32
        %add3A_1255 = arith.addi %add3A_1178, %add3A_1254 : i32
        %get3A_1256 = arith.index_cast %add3A_1255 : i32 to index
        %get3A_1257 = arith.constant 96 : index
        %get3A_1258 = tpu.vector_load %arg14[%get3A_1256, %get3A_1257] {strides = array<i32>} : memref<160x128xf32, #tpu.memory_space<vmem>>, vector<16xf32>,
        %mul3A_1259 = arith.mulf %get3A_1258, %get3A_435 : vector<16xf32>
        %add3A_1260 = arith.constant 1 : i32
        %add3A_1261 = arith.addi %add3A_1178, %add3A_1260 : i32
        %get3A_1262 = arith.index_cast %add3A_1261 : i32 to index
        %get3A_1263 = arith.constant 112 : index
        %get3A_1264 = tpu.vector_load %arg14[%get3A_1262, %get3A_1263] {strides = array<i32>} : memref<160x128xf32, #tpu.memory_space<vmem>>, vector<16xf32>,
        %mul3A_1265 = arith.mulf %get3A_1264, %get3A_438 : vector<16xf32>
        %add3A_1266 = arith.addf %mul3A_1223, %mul3A_1229 : vector<16xf32>
        %add3A_1267 = arith.addf %mul3A_1235, %mul3A_1241 : vector<16xf32>
        %add3A_1268 = arith.addf %mul3A_1247, %mul3A_1253 : vector<16xf32>
        %add3A_1269 = arith.addf %mul3A_1259, %mul3A_1265 : vector<16xf32>
        %add3A_1270 = arith.addf %add3A_1266, %add3A_1267 : vector<16xf32>
        %add3A_1271 = arith.addf %add3A_1268, %add3A_1269 : vector<16xf32>
        %add3A_1272 = arith.addf %add3A_1270, %add3A_1271 : vector<16xf32>
        %rev3A_1273 = arith.constant 15 : i32
        %rev3A_1274 = vector.broadcast %rev3A_1273 : i32 to vector<16xi32>
        %rev3A_1275 = tpu.iota {dimensions = array<i32: 0>} : vector<16xi32>
        %rev3A_1276 = arith.subi %rev3A_1274, %rev3A_1275 : vector<16xi32>
        %rev3A_1277 = tpu.dynamic_gather %add3A_1217[%rev3A_1276] in [0] : vector<16xf32>, vector<16xi32> -> vector<16xf32>
        %add3A_1278 = arith.addf %add3A_1217, %rev3A_1277 : vector<16xf32>
        %rev3A_1279 = arith.constant 15 : i32
        %rev3A_1280 = vector.broadcast %rev3A_1279 : i32 to vector<16xi32>
        %rev3A_1281 = tpu.iota {dimensions = array<i32: 0>} : vector<16xi32>
        %rev3A_1282 = arith.subi %rev3A_1280, %rev3A_1281 : vector<16xi32>
        %rev3A_1283 = tpu.dynamic_gather %add3A_1272[%rev3A_1282] in [0] : vector<16xf32>, vector<16xi32> -> vector<16xf32>
        %add3A_1284 = arith.addf %add3A_1272, %rev3A_1283 : vector<16xf32>
        %select_n3A_1285 = arith.select %lt3A_53, %add3A_1278, %add3A_1284 : vector<16xi1>, vector<16xf32>
        %broadcast_in_dim3A_1286 = arith.constant true
        %broadcast_in_dim3A_1287 = vector.broadcast %broadcast_in_dim3A_1286 : i1 to vector<16xi1>
        %masked_cumsum3A_1288 = tpu.scan <sum>, %select_n3A_1285 masked %broadcast_in_dim3A_1287 : vector<16xf32>, vector<16xi1> -> vector<16xf32>
        %slice3A_1289 = vector.extract_strided_slice %masked_cumsum3A_1288 {offsets = [7], sizes = [1], strides = [1]} : vector<16xf32> to vector<1xf32>
        %squeeze3A_1290 = vector.extract %slice3A_1289[0] : f32 from vector<1xf32>
        %slice3A_1291 = vector.extract_strided_slice %masked_cumsum3A_1288 {offsets = [15], sizes = [1], strides = [1]} : vector<16xf32> to vector<1xf32>
        %squeeze3A_1292 = vector.extract %slice3A_1291[0] : f32 from vector<1xf32>
        %sub3A_1293 = arith.subf %squeeze3A_1292, %squeeze3A_1290 : f32
        %broadcast_in_dim3A_1294 = vector.broadcast %squeeze3A_1290 : f32 to vector<16xf32>
        %select_n3A_1295 = arith.select %eq3A_42, %broadcast_in_dim3A_1294, %select_n3A_1174 : vector<16xi1>, vector<16xf32>
        %broadcast_in_dim3A_1296 = vector.broadcast %sub3A_1293 : f32 to vector<16xf32>
        %select_n3A_1297 = arith.select %eq3A_45, %broadcast_in_dim3A_1296, %select_n3A_1295 : vector<16xi1>, vector<16xf32>
        %mul3A_1298 = arith.constant 20 : i32
        %mul3A_1299 = arith.muli %add3A_412, %mul3A_1298 : i32
        %add3A_1300 = arith.constant 14 : i32
        %add3A_1301 = arith.addi %mul3A_1299, %add3A_1300 : i32
        %get3A_1302 = arith.index_cast %add3A_1301 : i32 to index
        %get3A_1303 = arith.constant 0 : index
        %get3A_1304 = tpu.vector_load %arg14[%get3A_1302, %get3A_1303] {strides = array<i32>} : memref<160x128xf32, #tpu.memory_space<vmem>>, vector<16xf32>,
        %mul3A_1305 = arith.mulf %get3A_1304, %get3A_417 : vector<16xf32>
        %get3A_1306 = arith.index_cast %add3A_1301 : i32 to index
        %get3A_1307 = arith.constant 16 : index
        %get3A_1308 = tpu.vector_load %arg14[%get3A_1306, %get3A_1307] {strides = array<i32>} : memref<160x128xf32, #tpu.memory_space<vmem>>, vector<16xf32>,
        %mul3A_1309 = arith.mulf %get3A_1308, %get3A_420 : vector<16xf32>
        %get3A_1310 = arith.index_cast %add3A_1301 : i32 to index
        %get3A_1311 = arith.constant 32 : index
        %get3A_1312 = tpu.vector_load %arg14[%get3A_1310, %get3A_1311] {strides = array<i32>} : memref<160x128xf32, #tpu.memory_space<vmem>>, vector<16xf32>,
        %mul3A_1313 = arith.mulf %get3A_1312, %get3A_423 : vector<16xf32>
        %get3A_1314 = arith.index_cast %add3A_1301 : i32 to index
        %get3A_1315 = arith.constant 48 : index
        %get3A_1316 = tpu.vector_load %arg14[%get3A_1314, %get3A_1315] {strides = array<i32>} : memref<160x128xf32, #tpu.memory_space<vmem>>, vector<16xf32>,
        %mul3A_1317 = arith.mulf %get3A_1316, %get3A_426 : vector<16xf32>
        %get3A_1318 = arith.index_cast %add3A_1301 : i32 to index
        %get3A_1319 = arith.constant 64 : index
        %get3A_1320 = tpu.vector_load %arg14[%get3A_1318, %get3A_1319] {strides = array<i32>} : memref<160x128xf32, #tpu.memory_space<vmem>>, vector<16xf32>,
        %mul3A_1321 = arith.mulf %get3A_1320, %get3A_429 : vector<16xf32>
        %get3A_1322 = arith.index_cast %add3A_1301 : i32 to index
        %get3A_1323 = arith.constant 80 : index
        %get3A_1324 = tpu.vector_load %arg14[%get3A_1322, %get3A_1323] {strides = array<i32>} : memref<160x128xf32, #tpu.memory_space<vmem>>, vector<16xf32>,
        %mul3A_1325 = arith.mulf %get3A_1324, %get3A_432 : vector<16xf32>
        %get3A_1326 = arith.index_cast %add3A_1301 : i32 to index
        %get3A_1327 = arith.constant 96 : index
        %get3A_1328 = tpu.vector_load %arg14[%get3A_1326, %get3A_1327] {strides = array<i32>} : memref<160x128xf32, #tpu.memory_space<vmem>>, vector<16xf32>,
        %mul3A_1329 = arith.mulf %get3A_1328, %get3A_435 : vector<16xf32>
        %get3A_1330 = arith.index_cast %add3A_1301 : i32 to index
        %get3A_1331 = arith.constant 112 : index
        %get3A_1332 = tpu.vector_load %arg14[%get3A_1330, %get3A_1331] {strides = array<i32>} : memref<160x128xf32, #tpu.memory_space<vmem>>, vector<16xf32>,
        %mul3A_1333 = arith.mulf %get3A_1332, %get3A_438 : vector<16xf32>
        %add3A_1334 = arith.addf %mul3A_1305, %mul3A_1309 : vector<16xf32>
        %add3A_1335 = arith.addf %mul3A_1313, %mul3A_1317 : vector<16xf32>
        %add3A_1336 = arith.addf %mul3A_1321, %mul3A_1325 : vector<16xf32>
        %add3A_1337 = arith.addf %mul3A_1329, %mul3A_1333 : vector<16xf32>
        %add3A_1338 = arith.addf %add3A_1334, %add3A_1335 : vector<16xf32>
        %add3A_1339 = arith.addf %add3A_1336, %add3A_1337 : vector<16xf32>
        %add3A_1340 = arith.addf %add3A_1338, %add3A_1339 : vector<16xf32>
        %add3A_1341 = arith.constant 1 : i32
        %add3A_1342 = arith.addi %add3A_1301, %add3A_1341 : i32
        %get3A_1343 = arith.index_cast %add3A_1342 : i32 to index
        %get3A_1344 = arith.constant 0 : index
        %get3A_1345 = tpu.vector_load %arg14[%get3A_1343, %get3A_1344] {strides = array<i32>} : memref<160x128xf32, #tpu.memory_space<vmem>>, vector<16xf32>,
        %mul3A_1346 = arith.mulf %get3A_1345, %get3A_417 : vector<16xf32>
        %add3A_1347 = arith.constant 1 : i32
        %add3A_1348 = arith.addi %add3A_1301, %add3A_1347 : i32
        %get3A_1349 = arith.index_cast %add3A_1348 : i32 to index
        %get3A_1350 = arith.constant 16 : index
        %get3A_1351 = tpu.vector_load %arg14[%get3A_1349, %get3A_1350] {strides = array<i32>} : memref<160x128xf32, #tpu.memory_space<vmem>>, vector<16xf32>,
        %mul3A_1352 = arith.mulf %get3A_1351, %get3A_420 : vector<16xf32>
        %add3A_1353 = arith.constant 1 : i32
        %add3A_1354 = arith.addi %add3A_1301, %add3A_1353 : i32
        %get3A_1355 = arith.index_cast %add3A_1354 : i32 to index
        %get3A_1356 = arith.constant 32 : index
        %get3A_1357 = tpu.vector_load %arg14[%get3A_1355, %get3A_1356] {strides = array<i32>} : memref<160x128xf32, #tpu.memory_space<vmem>>, vector<16xf32>,
        %mul3A_1358 = arith.mulf %get3A_1357, %get3A_423 : vector<16xf32>
        %add3A_1359 = arith.constant 1 : i32
        %add3A_1360 = arith.addi %add3A_1301, %add3A_1359 : i32
        %get3A_1361 = arith.index_cast %add3A_1360 : i32 to index
        %get3A_1362 = arith.constant 48 : index
        %get3A_1363 = tpu.vector_load %arg14[%get3A_1361, %get3A_1362] {strides = array<i32>} : memref<160x128xf32, #tpu.memory_space<vmem>>, vector<16xf32>,
        %mul3A_1364 = arith.mulf %get3A_1363, %get3A_426 : vector<16xf32>
        %add3A_1365 = arith.constant 1 : i32
        %add3A_1366 = arith.addi %add3A_1301, %add3A_1365 : i32
        %get3A_1367 = arith.index_cast %add3A_1366 : i32 to index
        %get3A_1368 = arith.constant 64 : index
        %get3A_1369 = tpu.vector_load %arg14[%get3A_1367, %get3A_1368] {strides = array<i32>} : memref<160x128xf32, #tpu.memory_space<vmem>>, vector<16xf32>,
        %mul3A_1370 = arith.mulf %get3A_1369, %get3A_429 : vector<16xf32>
        %add3A_1371 = arith.constant 1 : i32
        %add3A_1372 = arith.addi %add3A_1301, %add3A_1371 : i32
        %get3A_1373 = arith.index_cast %add3A_1372 : i32 to index
        %get3A_1374 = arith.constant 80 : index
        %get3A_1375 = tpu.vector_load %arg14[%get3A_1373, %get3A_1374] {strides = array<i32>} : memref<160x128xf32, #tpu.memory_space<vmem>>, vector<16xf32>,
        %mul3A_1376 = arith.mulf %get3A_1375, %get3A_432 : vector<16xf32>
        %add3A_1377 = arith.constant 1 : i32
        %add3A_1378 = arith.addi %add3A_1301, %add3A_1377 : i32
        %get3A_1379 = arith.index_cast %add3A_1378 : i32 to index
        %get3A_1380 = arith.constant 96 : index
        %get3A_1381 = tpu.vector_load %arg14[%get3A_1379, %get3A_1380] {strides = array<i32>} : memref<160x128xf32, #tpu.memory_space<vmem>>, vector<16xf32>,
        %mul3A_1382 = arith.mulf %get3A_1381, %get3A_435 : vector<16xf32>
        %add3A_1383 = arith.constant 1 : i32
        %add3A_1384 = arith.addi %add3A_1301, %add3A_1383 : i32
        %get3A_1385 = arith.index_cast %add3A_1384 : i32 to index
        %get3A_1386 = arith.constant 112 : index
        %get3A_1387 = tpu.vector_load %arg14[%get3A_1385, %get3A_1386] {strides = array<i32>} : memref<160x128xf32, #tpu.memory_space<vmem>>, vector<16xf32>,
        %mul3A_1388 = arith.mulf %get3A_1387, %get3A_438 : vector<16xf32>
        %add3A_1389 = arith.addf %mul3A_1346, %mul3A_1352 : vector<16xf32>
        %add3A_1390 = arith.addf %mul3A_1358, %mul3A_1364 : vector<16xf32>
        %add3A_1391 = arith.addf %mul3A_1370, %mul3A_1376 : vector<16xf32>
        %add3A_1392 = arith.addf %mul3A_1382, %mul3A_1388 : vector<16xf32>
        %add3A_1393 = arith.addf %add3A_1389, %add3A_1390 : vector<16xf32>
        %add3A_1394 = arith.addf %add3A_1391, %add3A_1392 : vector<16xf32>
        %add3A_1395 = arith.addf %add3A_1393, %add3A_1394 : vector<16xf32>
        %rev3A_1396 = arith.constant 15 : i32
        %rev3A_1397 = vector.broadcast %rev3A_1396 : i32 to vector<16xi32>
        %rev3A_1398 = tpu.iota {dimensions = array<i32: 0>} : vector<16xi32>
        %rev3A_1399 = arith.subi %rev3A_1397, %rev3A_1398 : vector<16xi32>
        %rev3A_1400 = tpu.dynamic_gather %add3A_1340[%rev3A_1399] in [0] : vector<16xf32>, vector<16xi32> -> vector<16xf32>
        %add3A_1401 = arith.addf %add3A_1340, %rev3A_1400 : vector<16xf32>
        %rev3A_1402 = arith.constant 15 : i32
        %rev3A_1403 = vector.broadcast %rev3A_1402 : i32 to vector<16xi32>
        %rev3A_1404 = tpu.iota {dimensions = array<i32: 0>} : vector<16xi32>
        %rev3A_1405 = arith.subi %rev3A_1403, %rev3A_1404 : vector<16xi32>
        %rev3A_1406 = tpu.dynamic_gather %add3A_1395[%rev3A_1405] in [0] : vector<16xf32>, vector<16xi32> -> vector<16xf32>
        %add3A_1407 = arith.addf %add3A_1395, %rev3A_1406 : vector<16xf32>
        %select_n3A_1408 = arith.select %lt3A_53, %add3A_1401, %add3A_1407 : vector<16xi1>, vector<16xf32>
        %broadcast_in_dim3A_1409 = arith.constant true
        %broadcast_in_dim3A_1410 = vector.broadcast %broadcast_in_dim3A_1409 : i1 to vector<16xi1>
        %masked_cumsum3A_1411 = tpu.scan <sum>, %select_n3A_1408 masked %broadcast_in_dim3A_1410 : vector<16xf32>, vector<16xi1> -> vector<16xf32>
        %slice3A_1412 = vector.extract_strided_slice %masked_cumsum3A_1411 {offsets = [7], sizes = [1], strides = [1]} : vector<16xf32> to vector<1xf32>
        %squeeze3A_1413 = vector.extract %slice3A_1412[0] : f32 from vector<1xf32>
        %slice3A_1414 = vector.extract_strided_slice %masked_cumsum3A_1411 {offsets = [15], sizes = [1], strides = [1]} : vector<16xf32> to vector<1xf32>
        %squeeze3A_1415 = vector.extract %slice3A_1414[0] : f32 from vector<1xf32>
        %sub3A_1416 = arith.subf %squeeze3A_1415, %squeeze3A_1413 : f32
        %broadcast_in_dim3A_1417 = vector.broadcast %squeeze3A_1413 : f32 to vector<16xf32>
        %select_n3A_1418 = arith.select %eq3A_48, %broadcast_in_dim3A_1417, %select_n3A_1297 : vector<16xi1>, vector<16xf32>
        %broadcast_in_dim3A_1419 = vector.broadcast %sub3A_1416 : f32 to vector<16xf32>
        %select_n3A_1420 = arith.select %eq3A_51, %broadcast_in_dim3A_1419, %select_n3A_1418 : vector<16xi1>, vector<16xf32>
        %mul3A_1421 = arith.constant 20 : i32
        %mul3A_1422 = arith.muli %add3A_412, %mul3A_1421 : i32
        %add3A_1423 = arith.constant 16 : i32
        %add3A_1424 = arith.addi %mul3A_1422, %add3A_1423 : i32
        %get3A_1425 = arith.index_cast %add3A_1424 : i32 to index
        %get3A_1426 = arith.constant 0 : index
        %get3A_1427 = tpu.vector_load %arg14[%get3A_1425, %get3A_1426] {strides = array<i32>} : memref<160x128xf32, #tpu.memory_space<vmem>>, vector<16xf32>,
        %mul3A_1428 = arith.mulf %get3A_1427, %get3A_417 : vector<16xf32>
        %get3A_1429 = arith.index_cast %add3A_1424 : i32 to index
        %get3A_1430 = arith.constant 16 : index
        %get3A_1431 = tpu.vector_load %arg14[%get3A_1429, %get3A_1430] {strides = array<i32>} : memref<160x128xf32, #tpu.memory_space<vmem>>, vector<16xf32>,
        %mul3A_1432 = arith.mulf %get3A_1431, %get3A_420 : vector<16xf32>
        %get3A_1433 = arith.index_cast %add3A_1424 : i32 to index
        %get3A_1434 = arith.constant 32 : index
        %get3A_1435 = tpu.vector_load %arg14[%get3A_1433, %get3A_1434] {strides = array<i32>} : memref<160x128xf32, #tpu.memory_space<vmem>>, vector<16xf32>,
        %mul3A_1436 = arith.mulf %get3A_1435, %get3A_423 : vector<16xf32>
        %get3A_1437 = arith.index_cast %add3A_1424 : i32 to index
        %get3A_1438 = arith.constant 48 : index
        %get3A_1439 = tpu.vector_load %arg14[%get3A_1437, %get3A_1438] {strides = array<i32>} : memref<160x128xf32, #tpu.memory_space<vmem>>, vector<16xf32>,
        %mul3A_1440 = arith.mulf %get3A_1439, %get3A_426 : vector<16xf32>
        %get3A_1441 = arith.index_cast %add3A_1424 : i32 to index
        %get3A_1442 = arith.constant 64 : index
        %get3A_1443 = tpu.vector_load %arg14[%get3A_1441, %get3A_1442] {strides = array<i32>} : memref<160x128xf32, #tpu.memory_space<vmem>>, vector<16xf32>,
        %mul3A_1444 = arith.mulf %get3A_1443, %get3A_429 : vector<16xf32>
        %get3A_1445 = arith.index_cast %add3A_1424 : i32 to index
        %get3A_1446 = arith.constant 80 : index
        %get3A_1447 = tpu.vector_load %arg14[%get3A_1445, %get3A_1446] {strides = array<i32>} : memref<160x128xf32, #tpu.memory_space<vmem>>, vector<16xf32>,
        %mul3A_1448 = arith.mulf %get3A_1447, %get3A_432 : vector<16xf32>
        %get3A_1449 = arith.index_cast %add3A_1424 : i32 to index
        %get3A_1450 = arith.constant 96 : index
        %get3A_1451 = tpu.vector_load %arg14[%get3A_1449, %get3A_1450] {strides = array<i32>} : memref<160x128xf32, #tpu.memory_space<vmem>>, vector<16xf32>,
        %mul3A_1452 = arith.mulf %get3A_1451, %get3A_435 : vector<16xf32>
        %get3A_1453 = arith.index_cast %add3A_1424 : i32 to index
        %get3A_1454 = arith.constant 112 : index
        %get3A_1455 = tpu.vector_load %arg14[%get3A_1453, %get3A_1454] {strides = array<i32>} : memref<160x128xf32, #tpu.memory_space<vmem>>, vector<16xf32>,
        %mul3A_1456 = arith.mulf %get3A_1455, %get3A_438 : vector<16xf32>
        %add3A_1457 = arith.addf %mul3A_1428, %mul3A_1432 : vector<16xf32>
        %add3A_1458 = arith.addf %mul3A_1436, %mul3A_1440 : vector<16xf32>
        %add3A_1459 = arith.addf %mul3A_1444, %mul3A_1448 : vector<16xf32>
        %add3A_1460 = arith.addf %mul3A_1452, %mul3A_1456 : vector<16xf32>
        %add3A_1461 = arith.addf %add3A_1457, %add3A_1458 : vector<16xf32>
        %add3A_1462 = arith.addf %add3A_1459, %add3A_1460 : vector<16xf32>
        %add3A_1463 = arith.addf %add3A_1461, %add3A_1462 : vector<16xf32>
        %add3A_1464 = arith.constant 1 : i32
        %add3A_1465 = arith.addi %add3A_1424, %add3A_1464 : i32
        %get3A_1466 = arith.index_cast %add3A_1465 : i32 to index
        %get3A_1467 = arith.constant 0 : index
        %get3A_1468 = tpu.vector_load %arg14[%get3A_1466, %get3A_1467] {strides = array<i32>} : memref<160x128xf32, #tpu.memory_space<vmem>>, vector<16xf32>,
        %mul3A_1469 = arith.mulf %get3A_1468, %get3A_417 : vector<16xf32>
        %add3A_1470 = arith.constant 1 : i32
        %add3A_1471 = arith.addi %add3A_1424, %add3A_1470 : i32
        %get3A_1472 = arith.index_cast %add3A_1471 : i32 to index
        %get3A_1473 = arith.constant 16 : index
        %get3A_1474 = tpu.vector_load %arg14[%get3A_1472, %get3A_1473] {strides = array<i32>} : memref<160x128xf32, #tpu.memory_space<vmem>>, vector<16xf32>,
        %mul3A_1475 = arith.mulf %get3A_1474, %get3A_420 : vector<16xf32>
        %add3A_1476 = arith.constant 1 : i32
        %add3A_1477 = arith.addi %add3A_1424, %add3A_1476 : i32
        %get3A_1478 = arith.index_cast %add3A_1477 : i32 to index
        %get3A_1479 = arith.constant 32 : index
        %get3A_1480 = tpu.vector_load %arg14[%get3A_1478, %get3A_1479] {strides = array<i32>} : memref<160x128xf32, #tpu.memory_space<vmem>>, vector<16xf32>,
        %mul3A_1481 = arith.mulf %get3A_1480, %get3A_423 : vector<16xf32>
        %add3A_1482 = arith.constant 1 : i32
        %add3A_1483 = arith.addi %add3A_1424, %add3A_1482 : i32
        %get3A_1484 = arith.index_cast %add3A_1483 : i32 to index
        %get3A_1485 = arith.constant 48 : index
        %get3A_1486 = tpu.vector_load %arg14[%get3A_1484, %get3A_1485] {strides = array<i32>} : memref<160x128xf32, #tpu.memory_space<vmem>>, vector<16xf32>,
        %mul3A_1487 = arith.mulf %get3A_1486, %get3A_426 : vector<16xf32>
        %add3A_1488 = arith.constant 1 : i32
        %add3A_1489 = arith.addi %add3A_1424, %add3A_1488 : i32
        %get3A_1490 = arith.index_cast %add3A_1489 : i32 to index
        %get3A_1491 = arith.constant 64 : index
        %get3A_1492 = tpu.vector_load %arg14[%get3A_1490, %get3A_1491] {strides = array<i32>} : memref<160x128xf32, #tpu.memory_space<vmem>>, vector<16xf32>,
        %mul3A_1493 = arith.mulf %get3A_1492, %get3A_429 : vector<16xf32>
        %add3A_1494 = arith.constant 1 : i32
        %add3A_1495 = arith.addi %add3A_1424, %add3A_1494 : i32
        %get3A_1496 = arith.index_cast %add3A_1495 : i32 to index
        %get3A_1497 = arith.constant 80 : index
        %get3A_1498 = tpu.vector_load %arg14[%get3A_1496, %get3A_1497] {strides = array<i32>} : memref<160x128xf32, #tpu.memory_space<vmem>>, vector<16xf32>,
        %mul3A_1499 = arith.mulf %get3A_1498, %get3A_432 : vector<16xf32>
        %add3A_1500 = arith.constant 1 : i32
        %add3A_1501 = arith.addi %add3A_1424, %add3A_1500 : i32
        %get3A_1502 = arith.index_cast %add3A_1501 : i32 to index
        %get3A_1503 = arith.constant 96 : index
        %get3A_1504 = tpu.vector_load %arg14[%get3A_1502, %get3A_1503] {strides = array<i32>} : memref<160x128xf32, #tpu.memory_space<vmem>>, vector<16xf32>,
        %mul3A_1505 = arith.mulf %get3A_1504, %get3A_435 : vector<16xf32>
        %add3A_1506 = arith.constant 1 : i32
        %add3A_1507 = arith.addi %add3A_1424, %add3A_1506 : i32
        %get3A_1508 = arith.index_cast %add3A_1507 : i32 to index
        %get3A_1509 = arith.constant 112 : index
        %get3A_1510 = tpu.vector_load %arg14[%get3A_1508, %get3A_1509] {strides = array<i32>} : memref<160x128xf32, #tpu.memory_space<vmem>>, vector<16xf32>,
        %mul3A_1511 = arith.mulf %get3A_1510, %get3A_438 : vector<16xf32>
        %add3A_1512 = arith.addf %mul3A_1469, %mul3A_1475 : vector<16xf32>
        %add3A_1513 = arith.addf %mul3A_1481, %mul3A_1487 : vector<16xf32>
        %add3A_1514 = arith.addf %mul3A_1493, %mul3A_1499 : vector<16xf32>
        %add3A_1515 = arith.addf %mul3A_1505, %mul3A_1511 : vector<16xf32>
        %add3A_1516 = arith.addf %add3A_1512, %add3A_1513 : vector<16xf32>
        %add3A_1517 = arith.addf %add3A_1514, %add3A_1515 : vector<16xf32>
        %add3A_1518 = arith.addf %add3A_1516, %add3A_1517 : vector<16xf32>
        %rev3A_1519 = arith.constant 15 : i32
        %rev3A_1520 = vector.broadcast %rev3A_1519 : i32 to vector<16xi32>
        %rev3A_1521 = tpu.iota {dimensions = array<i32: 0>} : vector<16xi32>
        %rev3A_1522 = arith.subi %rev3A_1520, %rev3A_1521 : vector<16xi32>
        %rev3A_1523 = tpu.dynamic_gather %add3A_1463[%rev3A_1522] in [0] : vector<16xf32>, vector<16xi32> -> vector<16xf32>
        %add3A_1524 = arith.addf %add3A_1463, %rev3A_1523 : vector<16xf32>
        %rev3A_1525 = arith.constant 15 : i32
        %rev3A_1526 = vector.broadcast %rev3A_1525 : i32 to vector<16xi32>
        %rev3A_1527 = tpu.iota {dimensions = array<i32: 0>} : vector<16xi32>
        %rev3A_1528 = arith.subi %rev3A_1526, %rev3A_1527 : vector<16xi32>
        %rev3A_1529 = tpu.dynamic_gather %add3A_1518[%rev3A_1528] in [0] : vector<16xf32>, vector<16xi32> -> vector<16xf32>
        %add3A_1530 = arith.addf %add3A_1518, %rev3A_1529 : vector<16xf32>
        %select_n3A_1531 = arith.select %lt3A_53, %add3A_1524, %add3A_1530 : vector<16xi1>, vector<16xf32>
        %broadcast_in_dim3A_1532 = arith.constant true
        %broadcast_in_dim3A_1533 = vector.broadcast %broadcast_in_dim3A_1532 : i1 to vector<16xi1>
        %masked_cumsum3A_1534 = tpu.scan <sum>, %select_n3A_1531 masked %broadcast_in_dim3A_1533 : vector<16xf32>, vector<16xi1> -> vector<16xf32>
        %slice3A_1535 = vector.extract_strided_slice %masked_cumsum3A_1534 {offsets = [7], sizes = [1], strides = [1]} : vector<16xf32> to vector<1xf32>
        %squeeze3A_1536 = vector.extract %slice3A_1535[0] : f32 from vector<1xf32>
        %slice3A_1537 = vector.extract_strided_slice %masked_cumsum3A_1534 {offsets = [15], sizes = [1], strides = [1]} : vector<16xf32> to vector<1xf32>
        %squeeze3A_1538 = vector.extract %slice3A_1537[0] : f32 from vector<1xf32>
        %sub3A_1539 = arith.subf %squeeze3A_1538, %squeeze3A_1536 : f32
        %broadcast_in_dim3A_1540 = vector.broadcast %squeeze3A_1536 : f32 to vector<16xf32>
        %select_n3A_1541 = arith.select %eq3A_6, %broadcast_in_dim3A_1540, %broadcast_in_dim3A_441 : vector<16xi1>, vector<16xf32>
        %broadcast_in_dim3A_1542 = vector.broadcast %sub3A_1539 : f32 to vector<16xf32>
        %select_n3A_1543 = arith.select %eq3A_9, %broadcast_in_dim3A_1542, %select_n3A_1541 : vector<16xi1>, vector<16xf32>
        %mul3A_1544 = arith.constant 20 : i32
        %mul3A_1545 = arith.muli %add3A_412, %mul3A_1544 : i32
        %add3A_1546 = arith.constant 18 : i32
        %add3A_1547 = arith.addi %mul3A_1545, %add3A_1546 : i32
        %get3A_1548 = arith.index_cast %add3A_1547 : i32 to index
        %get3A_1549 = arith.constant 0 : index
        %get3A_1550 = tpu.vector_load %arg14[%get3A_1548, %get3A_1549] {strides = array<i32>} : memref<160x128xf32, #tpu.memory_space<vmem>>, vector<16xf32>,
        %mul3A_1551 = arith.mulf %get3A_1550, %get3A_417 : vector<16xf32>
        %get3A_1552 = arith.index_cast %add3A_1547 : i32 to index
        %get3A_1553 = arith.constant 16 : index
        %get3A_1554 = tpu.vector_load %arg14[%get3A_1552, %get3A_1553] {strides = array<i32>} : memref<160x128xf32, #tpu.memory_space<vmem>>, vector<16xf32>,
        %mul3A_1555 = arith.mulf %get3A_1554, %get3A_420 : vector<16xf32>
        %get3A_1556 = arith.index_cast %add3A_1547 : i32 to index
        %get3A_1557 = arith.constant 32 : index
        %get3A_1558 = tpu.vector_load %arg14[%get3A_1556, %get3A_1557] {strides = array<i32>} : memref<160x128xf32, #tpu.memory_space<vmem>>, vector<16xf32>,
        %mul3A_1559 = arith.mulf %get3A_1558, %get3A_423 : vector<16xf32>
        %get3A_1560 = arith.index_cast %add3A_1547 : i32 to index
        %get3A_1561 = arith.constant 48 : index
        %get3A_1562 = tpu.vector_load %arg14[%get3A_1560, %get3A_1561] {strides = array<i32>} : memref<160x128xf32, #tpu.memory_space<vmem>>, vector<16xf32>,
        %mul3A_1563 = arith.mulf %get3A_1562, %get3A_426 : vector<16xf32>
        %get3A_1564 = arith.index_cast %add3A_1547 : i32 to index
        %get3A_1565 = arith.constant 64 : index
        %get3A_1566 = tpu.vector_load %arg14[%get3A_1564, %get3A_1565] {strides = array<i32>} : memref<160x128xf32, #tpu.memory_space<vmem>>, vector<16xf32>,
        %mul3A_1567 = arith.mulf %get3A_1566, %get3A_429 : vector<16xf32>
        %get3A_1568 = arith.index_cast %add3A_1547 : i32 to index
        %get3A_1569 = arith.constant 80 : index
        %get3A_1570 = tpu.vector_load %arg14[%get3A_1568, %get3A_1569] {strides = array<i32>} : memref<160x128xf32, #tpu.memory_space<vmem>>, vector<16xf32>,
        %mul3A_1571 = arith.mulf %get3A_1570, %get3A_432 : vector<16xf32>
        %get3A_1572 = arith.index_cast %add3A_1547 : i32 to index
        %get3A_1573 = arith.constant 96 : index
        %get3A_1574 = tpu.vector_load %arg14[%get3A_1572, %get3A_1573] {strides = array<i32>} : memref<160x128xf32, #tpu.memory_space<vmem>>, vector<16xf32>,
        %mul3A_1575 = arith.mulf %get3A_1574, %get3A_435 : vector<16xf32>
        %get3A_1576 = arith.index_cast %add3A_1547 : i32 to index
        %get3A_1577 = arith.constant 112 : index
        %get3A_1578 = tpu.vector_load %arg14[%get3A_1576, %get3A_1577] {strides = array<i32>} : memref<160x128xf32, #tpu.memory_space<vmem>>, vector<16xf32>,
        %mul3A_1579 = arith.mulf %get3A_1578, %get3A_438 : vector<16xf32>
        %add3A_1580 = arith.addf %mul3A_1551, %mul3A_1555 : vector<16xf32>
        %add3A_1581 = arith.addf %mul3A_1559, %mul3A_1563 : vector<16xf32>
        %add3A_1582 = arith.addf %mul3A_1567, %mul3A_1571 : vector<16xf32>
        %add3A_1583 = arith.addf %mul3A_1575, %mul3A_1579 : vector<16xf32>
        %add3A_1584 = arith.addf %add3A_1580, %add3A_1581 : vector<16xf32>
        %add3A_1585 = arith.addf %add3A_1582, %add3A_1583 : vector<16xf32>
        %add3A_1586 = arith.addf %add3A_1584, %add3A_1585 : vector<16xf32>
        %add3A_1587 = arith.constant 1 : i32
        %add3A_1588 = arith.addi %add3A_1547, %add3A_1587 : i32
        %get3A_1589 = arith.index_cast %add3A_1588 : i32 to index
        %get3A_1590 = arith.constant 0 : index
        %get3A_1591 = tpu.vector_load %arg14[%get3A_1589, %get3A_1590] {strides = array<i32>} : memref<160x128xf32, #tpu.memory_space<vmem>>, vector<16xf32>,
        %mul3A_1592 = arith.mulf %get3A_1591, %get3A_417 : vector<16xf32>
        %add3A_1593 = arith.constant 1 : i32
        %add3A_1594 = arith.addi %add3A_1547, %add3A_1593 : i32
        %get3A_1595 = arith.index_cast %add3A_1594 : i32 to index
        %get3A_1596 = arith.constant 16 : index
        %get3A_1597 = tpu.vector_load %arg14[%get3A_1595, %get3A_1596] {strides = array<i32>} : memref<160x128xf32, #tpu.memory_space<vmem>>, vector<16xf32>,
        %mul3A_1598 = arith.mulf %get3A_1597, %get3A_420 : vector<16xf32>
        %add3A_1599 = arith.constant 1 : i32
        %add3A_1600 = arith.addi %add3A_1547, %add3A_1599 : i32
        %get3A_1601 = arith.index_cast %add3A_1600 : i32 to index
        %get3A_1602 = arith.constant 32 : index
        %get3A_1603 = tpu.vector_load %arg14[%get3A_1601, %get3A_1602] {strides = array<i32>} : memref<160x128xf32, #tpu.memory_space<vmem>>, vector<16xf32>,
        %mul3A_1604 = arith.mulf %get3A_1603, %get3A_423 : vector<16xf32>
        %add3A_1605 = arith.constant 1 : i32
        %add3A_1606 = arith.addi %add3A_1547, %add3A_1605 : i32
        %get3A_1607 = arith.index_cast %add3A_1606 : i32 to index
        %get3A_1608 = arith.constant 48 : index
        %get3A_1609 = tpu.vector_load %arg14[%get3A_1607, %get3A_1608] {strides = array<i32>} : memref<160x128xf32, #tpu.memory_space<vmem>>, vector<16xf32>,
        %mul3A_1610 = arith.mulf %get3A_1609, %get3A_426 : vector<16xf32>
        %add3A_1611 = arith.constant 1 : i32
        %add3A_1612 = arith.addi %add3A_1547, %add3A_1611 : i32
        %get3A_1613 = arith.index_cast %add3A_1612 : i32 to index
        %get3A_1614 = arith.constant 64 : index
        %get3A_1615 = tpu.vector_load %arg14[%get3A_1613, %get3A_1614] {strides = array<i32>} : memref<160x128xf32, #tpu.memory_space<vmem>>, vector<16xf32>,
        %mul3A_1616 = arith.mulf %get3A_1615, %get3A_429 : vector<16xf32>
        %add3A_1617 = arith.constant 1 : i32
        %add3A_1618 = arith.addi %add3A_1547, %add3A_1617 : i32
        %get3A_1619 = arith.index_cast %add3A_1618 : i32 to index
        %get3A_1620 = arith.constant 80 : index
        %get3A_1621 = tpu.vector_load %arg14[%get3A_1619, %get3A_1620] {strides = array<i32>} : memref<160x128xf32, #tpu.memory_space<vmem>>, vector<16xf32>,
        %mul3A_1622 = arith.mulf %get3A_1621, %get3A_432 : vector<16xf32>
        %add3A_1623 = arith.constant 1 : i32
        %add3A_1624 = arith.addi %add3A_1547, %add3A_1623 : i32
        %get3A_1625 = arith.index_cast %add3A_1624 : i32 to index
        %get3A_1626 = arith.constant 96 : index
        %get3A_1627 = tpu.vector_load %arg14[%get3A_1625, %get3A_1626] {strides = array<i32>} : memref<160x128xf32, #tpu.memory_space<vmem>>, vector<16xf32>,
        %mul3A_1628 = arith.mulf %get3A_1627, %get3A_435 : vector<16xf32>
        %add3A_1629 = arith.constant 1 : i32
        %add3A_1630 = arith.addi %add3A_1547, %add3A_1629 : i32
        %get3A_1631 = arith.index_cast %add3A_1630 : i32 to index
        %get3A_1632 = arith.constant 112 : index
        %get3A_1633 = tpu.vector_load %arg14[%get3A_1631, %get3A_1632] {strides = array<i32>} : memref<160x128xf32, #tpu.memory_space<vmem>>, vector<16xf32>,
        %mul3A_1634 = arith.mulf %get3A_1633, %get3A_438 : vector<16xf32>
        %add3A_1635 = arith.addf %mul3A_1592, %mul3A_1598 : vector<16xf32>
        %add3A_1636 = arith.addf %mul3A_1604, %mul3A_1610 : vector<16xf32>
        %add3A_1637 = arith.addf %mul3A_1616, %mul3A_1622 : vector<16xf32>
        %add3A_1638 = arith.addf %mul3A_1628, %mul3A_1634 : vector<16xf32>
        %add3A_1639 = arith.addf %add3A_1635, %add3A_1636 : vector<16xf32>
        %add3A_1640 = arith.addf %add3A_1637, %add3A_1638 : vector<16xf32>
        %add3A_1641 = arith.addf %add3A_1639, %add3A_1640 : vector<16xf32>
        %rev3A_1642 = arith.constant 15 : i32
        %rev3A_1643 = vector.broadcast %rev3A_1642 : i32 to vector<16xi32>
        %rev3A_1644 = tpu.iota {dimensions = array<i32: 0>} : vector<16xi32>
        %rev3A_1645 = arith.subi %rev3A_1643, %rev3A_1644 : vector<16xi32>
        %rev3A_1646 = tpu.dynamic_gather %add3A_1586[%rev3A_1645] in [0] : vector<16xf32>, vector<16xi32> -> vector<16xf32>
        %add3A_1647 = arith.addf %add3A_1586, %rev3A_1646 : vector<16xf32>
        %rev3A_1648 = arith.constant 15 : i32
        %rev3A_1649 = vector.broadcast %rev3A_1648 : i32 to vector<16xi32>
        %rev3A_1650 = tpu.iota {dimensions = array<i32: 0>} : vector<16xi32>
        %rev3A_1651 = arith.subi %rev3A_1649, %rev3A_1650 : vector<16xi32>
        %rev3A_1652 = tpu.dynamic_gather %add3A_1641[%rev3A_1651] in [0] : vector<16xf32>, vector<16xi32> -> vector<16xf32>
        %add3A_1653 = arith.addf %add3A_1641, %rev3A_1652 : vector<16xf32>
        %select_n3A_1654 = arith.select %lt3A_53, %add3A_1647, %add3A_1653 : vector<16xi1>, vector<16xf32>
        %broadcast_in_dim3A_1655 = arith.constant true
        %broadcast_in_dim3A_1656 = vector.broadcast %broadcast_in_dim3A_1655 : i1 to vector<16xi1>
        %masked_cumsum3A_1657 = tpu.scan <sum>, %select_n3A_1654 masked %broadcast_in_dim3A_1656 : vector<16xf32>, vector<16xi1> -> vector<16xf32>
        %slice3A_1658 = vector.extract_strided_slice %masked_cumsum3A_1657 {offsets = [7], sizes = [1], strides = [1]} : vector<16xf32> to vector<1xf32>
        %squeeze3A_1659 = vector.extract %slice3A_1658[0] : f32 from vector<1xf32>
        %slice3A_1660 = vector.extract_strided_slice %masked_cumsum3A_1657 {offsets = [15], sizes = [1], strides = [1]} : vector<16xf32> to vector<1xf32>
        %squeeze3A_1661 = vector.extract %slice3A_1660[0] : f32 from vector<1xf32>
        %sub3A_1662 = arith.subf %squeeze3A_1661, %squeeze3A_1659 : f32
        %broadcast_in_dim3A_1663 = vector.broadcast %squeeze3A_1659 : f32 to vector<16xf32>
        %select_n3A_1664 = arith.select %eq3A_12, %broadcast_in_dim3A_1663, %select_n3A_1543 : vector<16xi1>, vector<16xf32>
        %broadcast_in_dim3A_1665 = vector.broadcast %sub3A_1662 : f32 to vector<16xf32>
        %select_n3A_1666 = arith.select %eq3A_15, %broadcast_in_dim3A_1665, %select_n3A_1664 : vector<16xi1>, vector<16xf32>
        %add3A_1667 = arith.constant 8 : i32
        %add3A_1668 = arith.addi %add3A_1667, %add3A_412 : i32
        %mul3A_1669 = arith.constant 21 : i32
        %mul3A_1670 = arith.muli %add3A_1668, %mul3A_1669 : i32
        %swap3A = arith.index_cast %mul3A_1670 : i32 to index
        %swap3A_1671 = tpu.vector_load %arg16[%swap3A] {strides = array<i32>} : memref<352xf32, #tpu.memory_space<vmem>>, vector<16xf32>,
        tpu.vector_store %arg16[%swap3A], %select_n3A_1420 {strides = array<i32>} : memref<352xf32, #tpu.memory_space<vmem>>, vector<16xf32>,
        %add3A_1672 = arith.constant 16 : i32
        %add3A_1673 = arith.addi %mul3A_1670, %add3A_1672 : i32
        %swap3A_1674 = arith.index_cast %add3A_1673 : i32 to index
        %swap3A_1675 = tpu.vector_load %arg16[%swap3A_1674] {strides = array<i32>} : memref<352xf32, #tpu.memory_space<vmem>>, vector<16xf32>,
        tpu.vector_store %arg16[%swap3A_1674], %select_n3A_1666 {strides = array<i32>} : memref<352xf32, #tpu.memory_space<vmem>>, vector<16xf32>,
      }
      %scan3A_164 = arith.constant 8 : i32
      %add3A_165 = arith.constant 0 : i32
      %add3A_166 = vector.broadcast %add3A_165 : i32 to vector<16xi32>
      %add3A_167 = arith.addi %mul3A_56, %add3A_166 : vector<16xi32>
      %gather3A = tpu.vector_load_idx %arg16[%add3A_167] : memref<352xf32, #tpu.memory_space<vmem>>[vector<16xi32>], vector<16xf32>,
      %add3A_168 = arith.constant 1 : i32
      %add3A_169 = vector.broadcast %add3A_168 : i32 to vector<16xi32>
      %add3A_170 = arith.addi %mul3A_56, %add3A_169 : vector<16xi32>
      %gather3A_171 = tpu.vector_load_idx %arg16[%add3A_170] : memref<352xf32, #tpu.memory_space<vmem>>[vector<16xi32>], vector<16xf32>,
      %add3A_172 = arith.constant 2 : i32
      %add3A_173 = vector.broadcast %add3A_172 : i32 to vector<16xi32>
      %add3A_174 = arith.addi %mul3A_56, %add3A_173 : vector<16xi32>
      %gather3A_175 = tpu.vector_load_idx %arg16[%add3A_174] : memref<352xf32, #tpu.memory_space<vmem>>[vector<16xi32>], vector<16xf32>,
      %add3A_176 = arith.constant 3 : i32
      %add3A_177 = vector.broadcast %add3A_176 : i32 to vector<16xi32>
      %add3A_178 = arith.addi %mul3A_56, %add3A_177 : vector<16xi32>
      %gather3A_179 = tpu.vector_load_idx %arg16[%add3A_178] : memref<352xf32, #tpu.memory_space<vmem>>[vector<16xi32>], vector<16xf32>,
      %add3A_180 = arith.constant 4 : i32
      %add3A_181 = vector.broadcast %add3A_180 : i32 to vector<16xi32>
      %add3A_182 = arith.addi %mul3A_56, %add3A_181 : vector<16xi32>
      %gather3A_183 = tpu.vector_load_idx %arg16[%add3A_182] : memref<352xf32, #tpu.memory_space<vmem>>[vector<16xi32>], vector<16xf32>,
      %add3A_184 = arith.constant 5 : i32
      %add3A_185 = vector.broadcast %add3A_184 : i32 to vector<16xi32>
      %add3A_186 = arith.addi %mul3A_56, %add3A_185 : vector<16xi32>
      %gather3A_187 = tpu.vector_load_idx %arg16[%add3A_186] : memref<352xf32, #tpu.memory_space<vmem>>[vector<16xi32>], vector<16xf32>,
      %add3A_188 = arith.constant 6 : i32
      %add3A_189 = vector.broadcast %add3A_188 : i32 to vector<16xi32>
      %add3A_190 = arith.addi %mul3A_56, %add3A_189 : vector<16xi32>
      %gather3A_191 = tpu.vector_load_idx %arg16[%add3A_190] : memref<352xf32, #tpu.memory_space<vmem>>[vector<16xi32>], vector<16xf32>,
      %add3A_192 = arith.constant 7 : i32
      %add3A_193 = vector.broadcast %add3A_192 : i32 to vector<16xi32>
      %add3A_194 = arith.addi %mul3A_56, %add3A_193 : vector<16xi32>
      %gather3A_195 = tpu.vector_load_idx %arg16[%add3A_194] : memref<352xf32, #tpu.memory_space<vmem>>[vector<16xi32>], vector<16xf32>,
      %add3A_196 = arith.constant 8 : i32
      %add3A_197 = vector.broadcast %add3A_196 : i32 to vector<16xi32>
      %add3A_198 = arith.addi %mul3A_56, %add3A_197 : vector<16xi32>
      %gather3A_199 = tpu.vector_load_idx %arg16[%add3A_198] : memref<352xf32, #tpu.memory_space<vmem>>[vector<16xi32>], vector<16xf32>,
      %add3A_200 = arith.constant 9 : i32
      %add3A_201 = vector.broadcast %add3A_200 : i32 to vector<16xi32>
      %add3A_202 = arith.addi %mul3A_56, %add3A_201 : vector<16xi32>
      %gather3A_203 = tpu.vector_load_idx %arg16[%add3A_202] : memref<352xf32, #tpu.memory_space<vmem>>[vector<16xi32>], vector<16xf32>,
      %add3A_204 = arith.constant 10 : i32
      %add3A_205 = vector.broadcast %add3A_204 : i32 to vector<16xi32>
      %add3A_206 = arith.addi %mul3A_56, %add3A_205 : vector<16xi32>
      %gather3A_207 = tpu.vector_load_idx %arg16[%add3A_206] : memref<352xf32, #tpu.memory_space<vmem>>[vector<16xi32>], vector<16xf32>,
      %add3A_208 = arith.constant 11 : i32
      %add3A_209 = vector.broadcast %add3A_208 : i32 to vector<16xi32>
      %add3A_210 = arith.addi %mul3A_56, %add3A_209 : vector<16xi32>
      %gather3A_211 = tpu.vector_load_idx %arg16[%add3A_210] : memref<352xf32, #tpu.memory_space<vmem>>[vector<16xi32>], vector<16xf32>,
      %add3A_212 = arith.constant 12 : i32
      %add3A_213 = vector.broadcast %add3A_212 : i32 to vector<16xi32>
      %add3A_214 = arith.addi %mul3A_56, %add3A_213 : vector<16xi32>
      %gather3A_215 = tpu.vector_load_idx %arg16[%add3A_214] : memref<352xf32, #tpu.memory_space<vmem>>[vector<16xi32>], vector<16xf32>,
      %add3A_216 = arith.constant 13 : i32
      %add3A_217 = vector.broadcast %add3A_216 : i32 to vector<16xi32>
      %add3A_218 = arith.addi %mul3A_56, %add3A_217 : vector<16xi32>
      %gather3A_219 = tpu.vector_load_idx %arg16[%add3A_218] : memref<352xf32, #tpu.memory_space<vmem>>[vector<16xi32>], vector<16xf32>,
      %add3A_220 = arith.constant 14 : i32
      %add3A_221 = vector.broadcast %add3A_220 : i32 to vector<16xi32>
      %add3A_222 = arith.addi %mul3A_56, %add3A_221 : vector<16xi32>
      %gather3A_223 = tpu.vector_load_idx %arg16[%add3A_222] : memref<352xf32, #tpu.memory_space<vmem>>[vector<16xi32>], vector<16xf32>,
      %add3A_224 = arith.constant 15 : i32
      %add3A_225 = vector.broadcast %add3A_224 : i32 to vector<16xi32>
      %add3A_226 = arith.addi %mul3A_56, %add3A_225 : vector<16xi32>
      %gather3A_227 = tpu.vector_load_idx %arg16[%add3A_226] : memref<352xf32, #tpu.memory_space<vmem>>[vector<16xi32>], vector<16xf32>,
      %add3A_228 = arith.constant 16 : i32
      %add3A_229 = vector.broadcast %add3A_228 : i32 to vector<16xi32>
      %add3A_230 = arith.addi %mul3A_56, %add3A_229 : vector<16xi32>
      %gather3A_231 = tpu.vector_load_idx %arg16[%add3A_230] : memref<352xf32, #tpu.memory_space<vmem>>[vector<16xi32>], vector<16xf32>,
      %add3A_232 = arith.constant 17 : i32
      %add3A_233 = vector.broadcast %add3A_232 : i32 to vector<16xi32>
      %add3A_234 = arith.addi %mul3A_56, %add3A_233 : vector<16xi32>
      %gather3A_235 = tpu.vector_load_idx %arg16[%add3A_234] : memref<352xf32, #tpu.memory_space<vmem>>[vector<16xi32>], vector<16xf32>,
      %add3A_236 = arith.constant 18 : i32
      %add3A_237 = vector.broadcast %add3A_236 : i32 to vector<16xi32>
      %add3A_238 = arith.addi %mul3A_56, %add3A_237 : vector<16xi32>
      %gather3A_239 = tpu.vector_load_idx %arg16[%add3A_238] : memref<352xf32, #tpu.memory_space<vmem>>[vector<16xi32>], vector<16xf32>,
      %add3A_240 = arith.constant 19 : i32
      %add3A_241 = vector.broadcast %add3A_240 : i32 to vector<16xi32>
      %add3A_242 = arith.addi %mul3A_56, %add3A_241 : vector<16xi32>
      %gather3A_243 = tpu.vector_load_idx %arg16[%add3A_242] : memref<352xf32, #tpu.memory_space<vmem>>[vector<16xi32>], vector<16xf32>,
      %exp3A = math.exp %gather3A : vector<16xf32>
      %exp3A_244 = math.exp %gather3A_171 : vector<16xf32>
      %exp3A_245 = math.exp %gather3A_175 : vector<16xf32>
      %exp3A_246 = math.exp %gather3A_179 : vector<16xf32>
      %exp3A_247 = math.exp %gather3A_183 : vector<16xf32>
      %exp3A_248 = math.exp %gather3A_187 : vector<16xf32>
      %exp3A_249 = math.exp %gather3A_191 : vector<16xf32>
      %exp3A_250 = math.exp %gather3A_195 : vector<16xf32>
      %exp3A_251 = math.exp %gather3A_199 : vector<16xf32>
      %exp3A_252 = math.exp %gather3A_203 : vector<16xf32>
      %exp3A_253 = math.exp %gather3A_207 : vector<16xf32>
      %exp3A_254 = math.exp %gather3A_211 : vector<16xf32>
      %exp3A_255 = math.exp %gather3A_215 : vector<16xf32>
      %exp3A_256 = math.exp %gather3A_219 : vector<16xf32>
      %exp3A_257 = math.exp %gather3A_223 : vector<16xf32>
      %exp3A_258 = math.exp %gather3A_227 : vector<16xf32>
      %exp3A_259 = math.exp %gather3A_231 : vector<16xf32>
      %exp3A_260 = math.exp %gather3A_235 : vector<16xf32>
      %exp3A_261 = math.exp %gather3A_239 : vector<16xf32>
      %exp3A_262 = math.exp %gather3A_243 : vector<16xf32>
      %add3A_263 = arith.addf %exp3A, %exp3A_244 : vector<16xf32>
      %add3A_264 = arith.addf %exp3A_245, %exp3A_246 : vector<16xf32>
      %add3A_265 = arith.addf %exp3A_247, %exp3A_248 : vector<16xf32>
      %add3A_266 = arith.addf %exp3A_249, %exp3A_250 : vector<16xf32>
      %add3A_267 = arith.addf %exp3A_251, %exp3A_252 : vector<16xf32>
      %add3A_268 = arith.addf %exp3A_253, %exp3A_254 : vector<16xf32>
      %add3A_269 = arith.addf %exp3A_255, %exp3A_256 : vector<16xf32>
      %add3A_270 = arith.addf %exp3A_257, %exp3A_258 : vector<16xf32>
      %add3A_271 = arith.addf %exp3A_259, %exp3A_260 : vector<16xf32>
      %add3A_272 = arith.addf %exp3A_261, %exp3A_262 : vector<16xf32>
      %add3A_273 = arith.addf %add3A_263, %add3A_264 : vector<16xf32>
      %add3A_274 = arith.addf %add3A_265, %add3A_266 : vector<16xf32>
      %add3A_275 = arith.addf %add3A_267, %add3A_268 : vector<16xf32>
      %add3A_276 = arith.addf %add3A_269, %add3A_270 : vector<16xf32>
      %add3A_277 = arith.addf %add3A_271, %add3A_272 : vector<16xf32>
      %add3A_278 = arith.addf %add3A_273, %add3A_274 : vector<16xf32>
      %add3A_279 = arith.addf %add3A_275, %add3A_276 : vector<16xf32>
      %add3A_280 = arith.addf %add3A_278, %add3A_279 : vector<16xf32>
      %add3A_281 = arith.addf %add3A_280, %add3A_277 : vector<16xf32>
      %bitcast_convert_type3A = tpu.bitcast %add3A_281 : vector<16xf32> -> vector<16xi32>
      %shift_right_arithmetic3A = arith.constant 23 : i32
      %shift_right_arithmetic3A_282 = vector.broadcast %shift_right_arithmetic3A : i32 to vector<16xi32>
      %shift_right_arithmetic3A_283 = arith.shrsi %bitcast_convert_type3A, %shift_right_arithmetic3A_282 : vector<16xi32>
      %sub3A = arith.constant 127 : i32
      %sub3A_284 = vector.broadcast %sub3A : i32 to vector<16xi32>
      %sub3A_285 = arith.subi %shift_right_arithmetic3A_283, %sub3A_284 : vector<16xi32>
      %and3A = arith.constant 8388607 : i32
      %and3A_286 = vector.broadcast %and3A : i32 to vector<16xi32>
      %and3A_287 = arith.andi %bitcast_convert_type3A, %and3A_286 : vector<16xi32>
      %or3A = arith.constant 1065353216 : i32
      %or3A_288 = vector.broadcast %or3A : i32 to vector<16xi32>
      %or3A_289 = arith.ori %and3A_287, %or3A_288 : vector<16xi32>
      %bitcast_convert_type3A_290 = tpu.bitcast %or3A_289 : vector<16xi32> -> vector<16xf32>
      %sub3A_291 = arith.constant 1.000000e+00 : f32
      %sub3A_292 = vector.broadcast %sub3A_291 : f32 to vector<16xf32>
      %sub3A_293 = arith.subf %bitcast_convert_type3A_290, %sub3A_292 : vector<16xf32>
      %add3A_294 = arith.constant 1.000000e+00 : f32
      %add3A_295 = vector.broadcast %add3A_294 : f32 to vector<16xf32>
      %add3A_296 = arith.addf %bitcast_convert_type3A_290, %add3A_295 : vector<16xf32>
      %div3A = arith.divf %sub3A_293, %add3A_296 : vector<16xf32>
      %mul3A_297 = arith.mulf %div3A, %div3A : vector<16xf32>
      %mul3A_298 = arith.constant 2.000000e+00 : f32
      %mul3A_299 = vector.broadcast %mul3A_298 : f32 to vector<16xf32>
      %mul3A_300 = arith.mulf %mul3A_299, %div3A : vector<16xf32>
      %mul3A_301 = arith.constant 0.142857149 : f32
      %mul3A_302 = vector.broadcast %mul3A_301 : f32 to vector<16xf32>
      %mul3A_303 = arith.mulf %mul3A_297, %mul3A_302 : vector<16xf32>
      %add3A_304 = arith.constant 2.000000e-01 : f32
      %add3A_305 = vector.broadcast %add3A_304 : f32 to vector<16xf32>
      %add3A_306 = arith.addf %add3A_305, %mul3A_303 : vector<16xf32>
      %mul3A_307 = arith.mulf %mul3A_297, %add3A_306 : vector<16xf32>
      %add3A_308 = arith.constant 0.333333343 : f32
      %add3A_309 = vector.broadcast %add3A_308 : f32 to vector<16xf32>
      %add3A_310 = arith.addf %add3A_309, %mul3A_307 : vector<16xf32>
      %mul3A_311 = arith.mulf %mul3A_297, %add3A_310 : vector<16xf32>
      %add3A_312 = arith.constant 1.000000e+00 : f32
      %add3A_313 = vector.broadcast %add3A_312 : f32 to vector<16xf32>
      %add3A_314 = arith.addf %add3A_313, %mul3A_311 : vector<16xf32>
      %mul3A_315 = arith.mulf %mul3A_300, %add3A_314 : vector<16xf32>
      %convert_element_type3A_316 = arith.sitofp %sub3A_285 : vector<16xi32> to vector<16xf32>
      %mul3A_317 = arith.constant 0.693147182 : f32
      %mul3A_318 = vector.broadcast %mul3A_317 : f32 to vector<16xf32>
      %mul3A_319 = arith.mulf %convert_element_type3A_316, %mul3A_318 : vector<16xf32>
      %add3A_320 = arith.addf %mul3A_319, %mul3A_315 : vector<16xf32>
      %mul3A_321 = arith.constant 16 : i32
      %mul3A_322 = arith.muli %add3A_97, %mul3A_321 : i32
      %add3A_323 = vector.broadcast %mul3A_322 : i32 to vector<16xi32>
      %add3A_324 = arith.addi %add3A_323, %iota3A : vector<16xi32>
      %mul3A_325 = arith.constant 20 : i32
      %mul3A_326 = vector.broadcast %mul3A_325 : i32 to vector<16xi32>
      %mul3A_327 = arith.muli %add3A_324, %mul3A_326 : vector<16xi32>
      %add3A_328 = arith.constant 0 : i32
      %add3A_329 = vector.broadcast %add3A_328 : i32 to vector<16xi32>
      %add3A_330 = arith.addi %mul3A_327, %add3A_329 : vector<16xi32>
      %sub3A_331 = arith.subf %gather3A, %add3A_320 : vector<16xf32>
      tpu.vector_store_idx %arg15[%add3A_330], %sub3A_331 : memref<2560xf32, #tpu.memory_space<vmem>>[vector<16xi32>], vector<16xf32>,
      %add3A_332 = arith.constant 1 : i32
      %add3A_333 = vector.broadcast %add3A_332 : i32 to vector<16xi32>
      %add3A_334 = arith.addi %mul3A_327, %add3A_333 : vector<16xi32>
      %sub3A_335 = arith.subf %gather3A_171, %add3A_320 : vector<16xf32>
      tpu.vector_store_idx %arg15[%add3A_334], %sub3A_335 : memref<2560xf32, #tpu.memory_space<vmem>>[vector<16xi32>], vector<16xf32>,
      %add3A_336 = arith.constant 2 : i32
      %add3A_337 = vector.broadcast %add3A_336 : i32 to vector<16xi32>
      %add3A_338 = arith.addi %mul3A_327, %add3A_337 : vector<16xi32>
      %sub3A_339 = arith.subf %gather3A_175, %add3A_320 : vector<16xf32>
      tpu.vector_store_idx %arg15[%add3A_338], %sub3A_339 : memref<2560xf32, #tpu.memory_space<vmem>>[vector<16xi32>], vector<16xf32>,
      %add3A_340 = arith.constant 3 : i32
      %add3A_341 = vector.broadcast %add3A_340 : i32 to vector<16xi32>
      %add3A_342 = arith.addi %mul3A_327, %add3A_341 : vector<16xi32>
      %sub3A_343 = arith.subf %gather3A_179, %add3A_320 : vector<16xf32>
      tpu.vector_store_idx %arg15[%add3A_342], %sub3A_343 : memref<2560xf32, #tpu.memory_space<vmem>>[vector<16xi32>], vector<16xf32>,
      %add3A_344 = arith.constant 4 : i32
      %add3A_345 = vector.broadcast %add3A_344 : i32 to vector<16xi32>
      %add3A_346 = arith.addi %mul3A_327, %add3A_345 : vector<16xi32>
      %sub3A_347 = arith.subf %gather3A_183, %add3A_320 : vector<16xf32>
      tpu.vector_store_idx %arg15[%add3A_346], %sub3A_347 : memref<2560xf32, #tpu.memory_space<vmem>>[vector<16xi32>], vector<16xf32>,
      %add3A_348 = arith.constant 5 : i32
      %add3A_349 = vector.broadcast %add3A_348 : i32 to vector<16xi32>
      %add3A_350 = arith.addi %mul3A_327, %add3A_349 : vector<16xi32>
      %sub3A_351 = arith.subf %gather3A_187, %add3A_320 : vector<16xf32>
      tpu.vector_store_idx %arg15[%add3A_350], %sub3A_351 : memref<2560xf32, #tpu.memory_space<vmem>>[vector<16xi32>], vector<16xf32>,
      %add3A_352 = arith.constant 6 : i32
      %add3A_353 = vector.broadcast %add3A_352 : i32 to vector<16xi32>
      %add3A_354 = arith.addi %mul3A_327, %add3A_353 : vector<16xi32>
      %sub3A_355 = arith.subf %gather3A_191, %add3A_320 : vector<16xf32>
      tpu.vector_store_idx %arg15[%add3A_354], %sub3A_355 : memref<2560xf32, #tpu.memory_space<vmem>>[vector<16xi32>], vector<16xf32>,
      %add3A_356 = arith.constant 7 : i32
      %add3A_357 = vector.broadcast %add3A_356 : i32 to vector<16xi32>
      %add3A_358 = arith.addi %mul3A_327, %add3A_357 : vector<16xi32>
      %sub3A_359 = arith.subf %gather3A_195, %add3A_320 : vector<16xf32>
      tpu.vector_store_idx %arg15[%add3A_358], %sub3A_359 : memref<2560xf32, #tpu.memory_space<vmem>>[vector<16xi32>], vector<16xf32>,
      %add3A_360 = arith.constant 8 : i32
      %add3A_361 = vector.broadcast %add3A_360 : i32 to vector<16xi32>
      %add3A_362 = arith.addi %mul3A_327, %add3A_361 : vector<16xi32>
      %sub3A_363 = arith.subf %gather3A_199, %add3A_320 : vector<16xf32>
      tpu.vector_store_idx %arg15[%add3A_362], %sub3A_363 : memref<2560xf32, #tpu.memory_space<vmem>>[vector<16xi32>], vector<16xf32>,
      %add3A_364 = arith.constant 9 : i32
      %add3A_365 = vector.broadcast %add3A_364 : i32 to vector<16xi32>
      %add3A_366 = arith.addi %mul3A_327, %add3A_365 : vector<16xi32>
      %sub3A_367 = arith.subf %gather3A_203, %add3A_320 : vector<16xf32>
      tpu.vector_store_idx %arg15[%add3A_366], %sub3A_367 : memref<2560xf32, #tpu.memory_space<vmem>>[vector<16xi32>], vector<16xf32>,
      %add3A_368 = arith.constant 10 : i32
      %add3A_369 = vector.broadcast %add3A_368 : i32 to vector<16xi32>
      %add3A_370 = arith.addi %mul3A_327, %add3A_369 : vector<16xi32>
      %sub3A_371 = arith.subf %gather3A_207, %add3A_320 : vector<16xf32>
      tpu.vector_store_idx %arg15[%add3A_370], %sub3A_371 : memref<2560xf32, #tpu.memory_space<vmem>>[vector<16xi32>], vector<16xf32>,
      %add3A_372 = arith.constant 11 : i32
      %add3A_373 = vector.broadcast %add3A_372 : i32 to vector<16xi32>
      %add3A_374 = arith.addi %mul3A_327, %add3A_373 : vector<16xi32>
      %sub3A_375 = arith.subf %gather3A_211, %add3A_320 : vector<16xf32>
      tpu.vector_store_idx %arg15[%add3A_374], %sub3A_375 : memref<2560xf32, #tpu.memory_space<vmem>>[vector<16xi32>], vector<16xf32>,
      %add3A_376 = arith.constant 12 : i32
      %add3A_377 = vector.broadcast %add3A_376 : i32 to vector<16xi32>
      %add3A_378 = arith.addi %mul3A_327, %add3A_377 : vector<16xi32>
      %sub3A_379 = arith.subf %gather3A_215, %add3A_320 : vector<16xf32>
      tpu.vector_store_idx %arg15[%add3A_378], %sub3A_379 : memref<2560xf32, #tpu.memory_space<vmem>>[vector<16xi32>], vector<16xf32>,
      %add3A_380 = arith.constant 13 : i32
      %add3A_381 = vector.broadcast %add3A_380 : i32 to vector<16xi32>
      %add3A_382 = arith.addi %mul3A_327, %add3A_381 : vector<16xi32>
      %sub3A_383 = arith.subf %gather3A_219, %add3A_320 : vector<16xf32>
      tpu.vector_store_idx %arg15[%add3A_382], %sub3A_383 : memref<2560xf32, #tpu.memory_space<vmem>>[vector<16xi32>], vector<16xf32>,
      %add3A_384 = arith.constant 14 : i32
      %add3A_385 = vector.broadcast %add3A_384 : i32 to vector<16xi32>
      %add3A_386 = arith.addi %mul3A_327, %add3A_385 : vector<16xi32>
      %sub3A_387 = arith.subf %gather3A_223, %add3A_320 : vector<16xf32>
      tpu.vector_store_idx %arg15[%add3A_386], %sub3A_387 : memref<2560xf32, #tpu.memory_space<vmem>>[vector<16xi32>], vector<16xf32>,
      %add3A_388 = arith.constant 15 : i32
      %add3A_389 = vector.broadcast %add3A_388 : i32 to vector<16xi32>
      %add3A_390 = arith.addi %mul3A_327, %add3A_389 : vector<16xi32>
      %sub3A_391 = arith.subf %gather3A_227, %add3A_320 : vector<16xf32>
      tpu.vector_store_idx %arg15[%add3A_390], %sub3A_391 : memref<2560xf32, #tpu.memory_space<vmem>>[vector<16xi32>], vector<16xf32>,
      %add3A_392 = arith.constant 16 : i32
      %add3A_393 = vector.broadcast %add3A_392 : i32 to vector<16xi32>
      %add3A_394 = arith.addi %mul3A_327, %add3A_393 : vector<16xi32>
      %sub3A_395 = arith.subf %gather3A_231, %add3A_320 : vector<16xf32>
      tpu.vector_store_idx %arg15[%add3A_394], %sub3A_395 : memref<2560xf32, #tpu.memory_space<vmem>>[vector<16xi32>], vector<16xf32>,
      %add3A_396 = arith.constant 17 : i32
      %add3A_397 = vector.broadcast %add3A_396 : i32 to vector<16xi32>
      %add3A_398 = arith.addi %mul3A_327, %add3A_397 : vector<16xi32>
      %sub3A_399 = arith.subf %gather3A_235, %add3A_320 : vector<16xf32>
      tpu.vector_store_idx %arg15[%add3A_398], %sub3A_399 : memref<2560xf32, #tpu.memory_space<vmem>>[vector<16xi32>], vector<16xf32>,
      %add3A_400 = arith.constant 18 : i32
      %add3A_401 = vector.broadcast %add3A_400 : i32 to vector<16xi32>
      %add3A_402 = arith.addi %mul3A_327, %add3A_401 : vector<16xi32>
      %sub3A_403 = arith.subf %gather3A_239, %add3A_320 : vector<16xf32>
      tpu.vector_store_idx %arg15[%add3A_402], %sub3A_403 : memref<2560xf32, #tpu.memory_space<vmem>>[vector<16xi32>], vector<16xf32>,
      %add3A_404 = arith.constant 19 : i32
      %add3A_405 = vector.broadcast %add3A_404 : i32 to vector<16xi32>
      %add3A_406 = arith.addi %mul3A_327, %add3A_405 : vector<16xi32>
      %sub3A_407 = arith.subf %gather3A_243, %add3A_320 : vector<16xf32>
      tpu.vector_store_idx %arg15[%add3A_406], %sub3A_407 : memref<2560xf32, #tpu.memory_space<vmem>>[vector<16xi32>], vector<16xf32>,
    }
    %scan3A_90 = arith.constant 8 : i32
    %mul3A_91 = arith.constant 20 : i32
    %mul3A_92 = arith.muli %mul3A_2, %mul3A_91 : i32
    "tpu.region"() ({
      %run_scoped3A = tpu.sem_alloc : memref<!tpu.dma_semaphore, #tpu.memory_space<semaphore_mem>>
      %dma_start3A_93 = arith.constant 0 : i32
      %dma_start3A_94 = tpu.memref_slice %arg15[%dma_start3A_93] : memref<2560xf32, #tpu.memory_space<vmem>> -> memref<2560xf32, #tpu.memory_space<vmem>>
      %dma_start3A_95 = tpu.memref_slice %arg6[%mul3A_92] : memref<81920xf32, #tpu.memory_space<hbm>> -> memref<2560xf32, #tpu.memory_space<hbm>>
      %dma_start3A_96 = tpu.memref_slice %arg6[%mul3A_92] : memref<81920xf32, #tpu.memory_space<hbm>> -> memref<2560xf32, #tpu.memory_space<hbm>>
      %dma_start3A_97 = arith.constant 0 : i32
      %dma_start3A_98 = tpu.memref_slice %arg15[%dma_start3A_97] : memref<2560xf32, #tpu.memory_space<vmem>> -> memref<2560xf32, #tpu.memory_space<vmem>>
      tpu.enqueue_dma source(%dma_start3A_98 : memref<2560xf32, #tpu.memory_space<vmem>>) target(%dma_start3A_96 : memref<2560xf32, #tpu.memory_space<hbm>>) target_semaphore(%run_scoped3A : memref<!tpu.dma_semaphore, #tpu.memory_space<semaphore_mem>>)
      %dma_wait3A_99 = arith.constant 0 : i32
      %dma_wait3A_100 = tpu.memref_slice %arg15[%dma_wait3A_99] : memref<2560xf32, #tpu.memory_space<vmem>> -> memref<2560xf32, #tpu.memory_space<vmem>>
      %dma_wait3A_101 = tpu.memref_slice %arg6[%mul3A_92] : memref<81920xf32, #tpu.memory_space<hbm>> -> memref<2560xf32, #tpu.memory_space<hbm>>
      %dma_wait3A_102 = tpu.memref_slice %arg6[%mul3A_92] : memref<81920xf32, #tpu.memory_space<hbm>> -> memref<2560xf32, #tpu.memory_space<hbm>>
      %dma_wait3A_103 = arith.constant 0 : i32
      %dma_wait3A_104 = tpu.memref_slice %arg15[%dma_wait3A_103] : memref<2560xf32, #tpu.memory_space<vmem>> -> memref<2560xf32, #tpu.memory_space<vmem>>
      tpu.wait_dma2 semaphore(%run_scoped3A : memref<!tpu.dma_semaphore, #tpu.memory_space<semaphore_mem>>) src(%dma_wait3A_104 : memref<2560xf32, #tpu.memory_space<vmem>>) dst(%dma_wait3A_102 : memref<2560xf32, #tpu.memory_space<hbm>>)
      tpu.yield
    }) : () -> ()
    return
  }
}

</mosaic_0001>

<sc_bundles>
// kernel: kernel.3.cloned.1.call-start
scs
__scs_entry_jumppad:
0x0: {  	(pc) =	sbr.rel $0x88, $3  }
0x1: {  	(tag) =	ssettag $0x0;
	lr =	simm.s32 $0x1  }
0x2: {  	[smem:$0x3F9D] =	sst lr;
	_ =	strace $0xD0000000  }
0x3: {  	_ = 	snop  }
0x4: {  	_ = 	snop  }
0x5: {  	_ = 	snop  }
0x6: {  	_ = 	snop  }
0x7: {  	_ = 	snop  }
__scs_overlays_trampoline_lowered:
0x8: {  	[smem:$0x3FAC] =	sst s0  }
0x9: {  	[smem:$0x3FAD] =	sst s1  }
0xa: {  	[smem:$0x3FAE] =	sst s2  }
0xb: {  	[smem:$0x3FAF] =	sst s3  }
0xc: {  	[smem:$0x3FB0] =	sst s4  }
0xd: {  	[smem:$0x3FB1] =	sst s5  }
0xe: {  	[smem:$0x3FB2] =	sst s6  }
0xf: {  	[smem:$0x3FB3] =	sst s7  }
0x10: {  	[smem:$0x3FB4] =	sst s8  }
0x11: {  	[smem:$0x3FB5] =	sst s9;
	s0 =	simm.s32 @!p0 $0x0  }
0x12: {  	s1 =	sld [smem:$0x3F9B];
	s0 =	simm.s32 @p0 $0x1  }
0x13: {  	[smem:$0x3FB6] =	sst s0;
	s0 =	simm.s32 @!p1 $0x0  }
0x14: {  	s2 =	sld [smem:$0x3F9A];
	s0 =	simm.s32 @p1 $0x1  }
0x15: {  	[smem:$0x3FB7] =	sst s0;
	s0 =	simm.s32 @!p2 $0x0  }
0x16: {  	s3 =	sld [smem:$0x3FDB];
	s0 =	simm.s32 @p2 $0x1  }
0x17: {  	s4 =	simm.s32 $0x1BF5;
	[smem:$0x3FB9] =	sst s0  }
0x18: {  	s0 =	sld [smem:$0x3F9C];
	_ =	swait.ge [sflag:s4], $0x0  }
0x19: {  	s7 =	sld [smem:$0x3F9D]  }
0x1a: {  	s8 =	sadd.s32 $0xFFFFE003, lr  }
0x1b: {  	s9 =	sadd.s32 $0xFFFFFEF7, lr;
	s5 =	simm.s32 $0xFFFFFFFF;
	p2 =	slt.u32 s8, $0xFFFFF086  }
0x1c: {  	p1 =	slt.u32 s9, $0xF7A;
	s5 =	simm.s32 @!p2 $0x0  }
0x1d: {  	s5 =	simm.s32 @p1 $0x1;
	p0 =	seq.s32 s7, s2  }
0x1e: {  	s7 =	smul.u32 @!p0 $0xF7A, s2;
	p2 =	seq.s32 @!p0 s5, $0x0  }
0x1f: {  	s9 =	smul.u32 $0xF7A, s1;
	s8 =	simm.s32 @!p0 $0x1BF5;
	p2 =	por !p2, p0  }
0x20: {  	[sflag:s8] =	ssyncset.s32 @!p0 $0xFFFFF086;
	s6 =	sadd.s32 @!p0 s3, s7;
	s7 =	simm.s32 @!p0 $0x108  }
0x21: {  	s3 =	sadd.s32 s3, s9;
	s6 =	sadd.s32 @!p0 $0x88, s6;
	s7 =	simm.s32 @p2 $0x1082  }
0x22: {  	[simem:s7], [sflag:s8] =	dma.local @!p0 [hbm:s6], $0xF7A  }
0x23: {  	s9 =	sor.u32 $0xD0000000, s2;
	s6 =	simm.s32 $0x108;
	_ =	swait.ge @!p0 [sflag:s8], $0x0  }
0x24: {  	s3 =	sadd.s32 $0x88, s3;
	s6 =	simm.s32 @!p1 $0x1082;
	[sflag:s4] =	ssyncset.s32 $0xFFFFF086  }
0x25: {  	[simem:s6], [sflag:s4] =	dma.local [hbm:s3], $0xF7A  }
0x26: {  	[smem:$0x3F9D] =	sst s1;
	(tag) =	ssettag s2;
	_ =	strace s9  }
0x27: {  	s1 =	sld [smem:$0x3FAD]  }
0x28: {  	s2 =	sld [smem:$0x3FAE]  }
0x29: {  	s4 =	sld [smem:$0x3FB0]  }
0x2a: {  	p0 =	seq.s32 s5, $0x0;
	s5 =	sld [smem:$0x3FB1]  }
0x2b: {  	s6 =	sld [smem:$0x3FB2]  }
0x2c: {  	s7 =	sld [smem:$0x3FB3]  }
0x2d: {  	s3 =	simm.s32 $0x108;
	s8 =	sld [smem:$0x3FB4]  }
0x2e: {  	s3 =	simm.s32 @!p0 $0x1082;
	s9 =	sld [smem:$0x3FB5]  }
0x2f: {  	lr =	sadd.s32 s0, s3;
	s0 =	sld [smem:$0x3FAC]  }
0x30: {  	s3 =	sld [smem:$0x3FAF]  }
0x31: {  	[smem:$0x3FB8] =	sst s10  }
0x32: {  	s10 =	sld [smem:$0x3FB6];
	_ =	sdelay $0x3  }
0x33: {  	p0 =	seq.s32 s10, $0x1;
	s10 =	sld [smem:$0x3FB8];
	_ =	sdelay $0x3  }
0x34: {  	[smem:$0x3FB8] =	sst s10  }
0x35: {  	s10 =	sld [smem:$0x3FB7];
	_ =	sdelay $0x3  }
0x36: {  	p1 =	seq.s32 s10, $0x1;
	s10 =	sld [smem:$0x3FB8];
	_ =	sdelay $0x3  }
0x37: {  	[smem:$0x3FB8] =	sst s10  }
0x38: {  	s10 =	sld [smem:$0x3FB9]  }
0x39: {  	_ = 	snop;
	(pc) =	sbr.ind lr, $3  }
0x3a: {  	_ = 	snop  }
0x3b: {  	_ = 	snop  }
0x3c: {  	p2 =	seq.s32 s10, $0x1;
	s10 =	sld [smem:$0x3FB8]  }
0x3d: {  	_ =	shalt  }
0x3e: {  	_ =	shalt  }
0x3f: {  	_ =	shalt  }
0x40: {  	_ =	shalt  }
0x41: {  	_ =	shalt  }
0x42: {  	_ =	shalt  }
0x43: {  	_ =	shalt  }
0x44: {  	_ =	shalt  }
0x45: {  	_ =	shalt  }
0x46: {  	_ =	shalt  }
0x47: {  	_ =	shalt  }
0x48: {  	_ =	shalt  }
0x49: {  	_ =	shalt  }
0x4a: {  	_ =	shalt  }
0x4b: {  	_ =	shalt  }
0x4c: {  	_ =	shalt  }
0x4d: {  	_ =	shalt  }
0x4e: {  	_ =	shalt  }
0x4f: {  	_ =	shalt  }
0x50: {  	_ =	shalt  }
0x51: {  	_ =	shalt  }
0x52: {  	_ =	shalt  }
0x53: {  	_ =	shalt  }
0x54: {  	_ =	shalt  }
0x55: {  	_ =	shalt  }
0x56: {  	_ =	shalt  }
0x57: {  	_ =	shalt  }
0x58: {  	_ =	shalt  }
0x59: {  	_ =	shalt  }
0x5a: {  	_ =	shalt  }
0x5b: {  	_ =	shalt  }
0x5c: {  	_ =	shalt  }
0x5d: {  	_ =	shalt  }
0x5e: {  	_ =	shalt  }
0x5f: {  	_ =	shalt  }
0x60: {  	_ =	shalt  }
0x61: {  	_ =	shalt  }
0x62: {  	_ =	shalt  }
0x63: {  	_ =	shalt  }
0x64: {  	_ =	shalt  }
0x65: {  	_ =	shalt  }
0x66: {  	_ =	shalt  }
0x67: {  	_ =	shalt  }
0x68: {  	_ =	shalt  }
0x69: {  	_ =	shalt  }
0x6a: {  	_ =	shalt  }
0x6b: {  	_ =	shalt  }
0x6c: {  	_ =	shalt  }
0x6d: {  	_ =	shalt  }
0x6e: {  	_ =	shalt  }
0x6f: {  	_ =	shalt  }
0x70: {  	_ =	shalt  }
0x71: {  	_ =	shalt  }
0x72: {  	_ =	shalt  }
0x73: {  	_ =	shalt  }
0x74: {  	_ =	shalt  }
0x75: {  	_ =	shalt  }
0x76: {  	_ =	shalt  }
0x77: {  	_ =	shalt  }
0x78: {  	_ =	shalt  }
0x79: {  	_ =	shalt  }
0x7a: {  	_ =	shalt  }
0x7b: {  	_ =	shalt  }
0x7c: {  	_ =	shalt  }
0x7d: {  	_ =	shalt  }
0x7e: {  	_ =	shalt  }
0x7f: {  	_ =	shalt  }
0x80: {  	_ =	shalt  }
0x81: {  	_ =	shalt  }
0x82: {  	_ =	shalt  }
0x83: {  	_ =	shalt  }
0x84: {  	_ =	shalt  }
0x85: {  	_ =	shalt  }
0x86: {  	_ =	shalt  }
0x87: {  	_ =	shalt  }
.Lfunc_end0:
.L_simem_size_0:
called_computation_lowered:
.L_overlay_start_0:
0x88: {  	s2 =	sld [smem:$0x3FD9]  }
0x89: {  	s3 =	sld [smem:$0x3FFE];
	_ =	sdelay $0x1  }
0x8a: {  	s1 =	srdreg.scid  }
0x8b: {  	s0 =	sand.u32 $0x1, s1  }
0x8c: {  	s17 =	sshll.u32 s0, $0xA;
	s2 =	sadd.s32 s3, s2  }
0x8d: {  	s2 =	sadd.s32 s2, s17  }
0x8e: {  	[smem:$0x3FC4] =	sst s2  }
0x8f: {  	_ = 	snop  }
0x90: {  	s2 =	sld [smem:$0x3FC9]  }
0x91: {  	s18 =	sld [smem:$0x3FC7]  }
0x92: {  	s4 =	sld [smem:$0x3FC6]  }
0x93: {  	s5 =	sld [smem:$0x3FD0];
	(tm) =	ssettm $0x1  }
0x94: {  	s6 =	sld [smem:$0x3FFB];
	_ =	sdelay $0x3  }
0x95: {  	_ =	strace s6  }
0x96: {  	s6 =	sld [smem:$0x3FFC];
	_ =	sdelay $0x3  }
0x97: {  	_ =	strace s6  }
0x98: {  	s6 =	sld [smem:$0x3FFD];
	_ =	sdelay $0x3  }
0x99: {  	_ =	strace s6  }
0x9a: {  	_ =	strace $0x8FFFFFFF  }
0x9b: {  	s19 =	sld [smem:$0x3FDB];
	_ =	sdelay $0x1  }
0x9c: {  	s7 =	simm.s32 $_scs_section_size  }
0x9d: {  	s8 =	simm.s32 $_size__tile_overlayer_lowered;
	s9 =	simm.s32 $_tile_overlayer_lowered  }
0x9e: {  	s22 =	simm.s32 $0x1BFF;
	s21 =	sshll.u32 s9, $0x1;
	s6 =	sadd.s32 s7, s19  }
0x9f: {  	s10 =	simm.s32 $0x0;
	s20 =	sshll.u32 s8, $0x1;
	s8 =	sadd.s32 s21, s6  }
0xa0: {  	[timem:s10], [sflag:s22] =	dma.local [hbm:s8], s20  }
0xa1: {  	_ =	swait.ge [sflag:s22], s20  }
0xa2: {  	s7 =	ssub.s32 $0x0, s20;
	[sflag:s22] =	ssyncset.done $0x0  }
0xa3: {  	[sflag:s22] =	ssyncadd.s32 s7;
	_ =	sdelay $0x1  }
0xa4: {  	s23 =	simm.s32 $0x1B8B  }
0xa5: {  	_ =	swait.ge [sflag:s23], $0x1  }
0xa6: {  	[sflag:s23] =	ssyncset.done $0x0  }
0xa7: {  	s25 =	simm.s32 $0x1B8E;
	s24 =	sld [smem:$0x3FFE];
	[sflag:s23] =	ssyncadd.s32 $0xFFFFFFFF  }
0xa8: {  	s26 =	simm.s32 $execute0_lowered;
	[smem:$0x3FD2] =	sst s25  }
0xa9: {  	s8 =	sshll.u32 s26, $0x1;
	_ =	strace $0x80000046;
	[dreg:$0x1] =	wrdreg $0xFFFFFFFF  }
0xaa: {  	s28 =	simm.s32 $_size_execute0_lowered;
	s6 =	sadd.s32 s6, s8;
	[dreg:$0x0] =	wrdreg $0x0  }
0xab: {  	s8 =	sshll.u32 s28, $0x1;
	[dreg:$0x2] =	wrdreg s6  }
0xac: {  	[dreg:$0x3] =	wrdreg s8  }
0xad: {  	[dreg:$0x4] =	wrdreg $0xC0  }
0xae: {  	_ =	task [dreg:s10], $0x5FFFF  }
0xaf: {  	[dreg:$0x1] =	wrdreg $0xFFFFFFFF  }
0xb0: {  	[dreg:$0x0] =	wrdreg $0x60  }
0xb1: {  	[dreg:$0x2] =	wrdreg s2  }
0xb2: {  	[dreg:$0x3] =	wrdreg s5  }
0xb3: {  	[dreg:$0x4] =	wrdreg s18  }
0xb4: {  	[dreg:$0x5] =	wrdreg s4  }
0xb5: {  	[dreg:$0x6] =	wrdreg s24  }
0xb6: {  	[dreg:$0x7] =	wrdreg $0x9  }
0xb7: {  	_ =	task.clear_ibuf [dreg:s10], $0x8FFFF;
	_ =	strace $0x90000046  }
0xb8: {  	s29 =	simm.s32 $0x9;
	_ =	strace $0x80000048  }
0xb9: {  	_ =	swait.ge [sflag:s29], $0x1  }
0xba: {  	[sflag:s29] =	ssyncadd.s32 $0xFFFFFFFF  }
0xbb: {  	_ =	strace $0x90000048  }
0xbc: {  	_ =	sfence  }
0xbd: {  	s30 =	sld [smem:$0x0];
	_ =	sdelay $0x2  }
0xbe: {  	s31 =	sshll.u32 s1, $0xD;
	s1 =	sshrl.u32 s1, $0x2  }
0xbf: {  	s3 =	sand.u32 $0x4000, s31;
	s1 =	sadd.s32 s1, s30  }
0xc0: {  	s0 =	sor.u32 s3, s0;
	s1 =	sshll.u32 s1, $0x11  }
0xc1: {  	s0 =	sor.u32 s1, s0  }
0xc2: {  	s0 =	sadd.s32 $0x8F2B, s0  }
0xc3: {  	[sflag:s0] =	ssyncadd.remote.s32 $0x1  }
0xc4: {  	_ =	sfence.sel $0xFFFF  }
0xc5: {  	[dreg:$0x0] =	wrdreg $0xFFFFFFFF;
	(pc) =	sbr.abs _section_cstart, $3  }
0xc6: {  	[dreg:$0x1] =	wrdreg $0xFFFFFFFF  }
0xc7: {  	_ =	task.clear_ibuf [dreg:s10], $0x2FFFF;
	_ =	strace $0x9FFFFFFF  }
0xc8: {  	(tm) =	ssettm $0x7FFFFFFF  }
0xc9: {  	_ =	shalt  }
tec
execute0_lowered:
.L_overlay_start_1:
0x0: {  	(tag) =	ssettag $0x1  }
0x1: {  	s0 =	rddreg [dreg:$0x0]  }
0x2: {  	s1 =	rddreg [dreg:$0x1]  }
0x3: {  	s2 =	srdreg.scid;
	s4 =	rddreg [dreg:$0x3]  }
0x4: {  	s3 =	stileid.u32;
	s6 =	rddreg [dreg:$0x4]  }
0x5: {  	s5 =	simm.s32 $0x0;
	s15 =	simm.s32 $0x6;
	s16 =	simm.s32 $0x80  }
0x6: {  	s19 =	simm.s32 $0x50;
	s28 =	simm.s32 $0xBA80;
	s29 =	simm.s32 $0x1  }
0x7: {  	s30 =	simm.s32 $0xEC80;
	s2 =	sand.u32 $0x1, s2;
	s3 =	sshll.u32 s3, $0x1  }
0x8: {  	[smem:$0x7FF] =	sst s5;
	s3 =	sor.u32 s2, s3;
	s2 =	ssub.s32 $0x2, s2  }
0x9: {  	s12 =	smul.u32 $0xA00, s3;
	s8 =	sshrl.u32 s2, $0x1;
	s3 =	sshll.u32 s3, $0x4  }
0xa: {  	_ =	strace $0x80000047;
	s2 =	ssub.s32 s2, s8;
	s0 =	sadd.s32 s0, s3  }
0xb: {  	s7 =	sshrl.u32 s12, $0x3;
	[dreg:$0x6] =	wrdreg s0;
	s26 =	smax.u32 s2, $0x1  }
0xc: {  	s31 =	simm.s32 $0xE280;
	s22 =	sadd.s32 s1, s7;
	[dreg:$0xc] =	wrdreg s26  }
0xd: {  	s3 =	simm.s32 $0x0;
	s23 =	sadd.s32 $0xA, s22;
	[dreg:$0x7] =	wrdreg s22  }
0xe: {  	s11 =	sor.u32 $0x140, s12;
	s24 =	sadd.s32 $0x14, s22;
	[dreg:$0x8] =	wrdreg s23  }
0xf: {  	v0 =	vlaneseq.u32;
	vm0 =	vmmov $0xff;
	vm1 =	vcmask $0xB08;
	s6 =	sadd.s32 s7, s6;
	s0 =	sadd.s32 $0x1E, s22;
	[dreg:$0x9] =	wrdreg s24  }
0x10: {  	vm2 =	vcmask $0x1310;
	vm3 =	vcmask $0x1B18;
	v1 =	vmul.u32 $0xFFFFFFFF, v0;
	s12 =	sor.u32 $0x1E0, s12;
	s25 =	sadd.s32 $0x400, s6;
	[dreg:$0xa] =	wrdreg s0  }
0x11: {  	vm4 =	vcmask $0x2320;
	vm5 =	vcmask $0x2B28;
	vm6 =	vcmask $0x3330;
	s26 =	simm.s32 $0x9280;
	s22 =	simm.s32 $0x180;
	[dreg:$0xb] =	wrdreg s25  }
0x12: {  	vm7 =	vcmask $0x3B38;
	vm8 =	vmmov $0x1;
	v1 =	vadd.s32 $0xF, v1;
	s23 =	simm.s32 $0x200;
	s24 =	simm.s32 $0x5;
	s25 =	simm.s32 $0x4  }
.LBB2_1:
0x13: {  	s0 =	rddreg [dreg:$0x6]  }
0x14: {  	[tilespmem:s5], [sflag:$0x6] =	stream.linear.gather [hbm4b:s0+s5], $0x80, $0x38;
	[tilespmem:$0xEE00] =	vst v63  }
0x15: {  	_ =	swait.ge [sflag:s15], $0x80  }
0x16: {  	[sflag:s15] =	ssyncset.done $0x0  }
0x17: {  	[sflag:s15] =	ssyncadd.s32 $0xFFFFFF80  }
0x18: {  	s2 =	simm.s32 $0x280;
	s9 =	rddreg [dreg:$0x2]  }
0x19: {  	[tilespmem:s2], [sflag:$0x5] =	stream.indirect.gather [hbm4b:s9+s16], $0x80, s5, s16, $0xb8;
	[tilespmem:$0xEE00] =	vst v63  }
0x1a: {  	s10 =	rddreg [dreg:$0x7]  }
0x1b: {  	[tilespmem:s16], [sflag:$0x6] =	stream.linear.gather [hbm4b:s10+s5], $0x50, $0x38;
	[tilespmem:$0xEE00] =	vst v63  }
0x1c: {  	_ =	swait.ge [sflag:s15], $0x50  }
0x1d: {  	[sflag:s15] =	ssyncset.done $0x0  }
0x1e: {  	s14 =	simm.s32 $0x100;
	s13 =	rddreg [dreg:$0x8];
	[sflag:s15] =	ssyncadd.s32 $0xFFFFFFB0  }
0x1f: {  	[tilespmem:s14], [sflag:$0x6] =	stream.linear.gather [hbm4b:s13+s5], $0x50, $0x38;
	[tilespmem:$0xEE00] =	vst v63  }
0x20: {  	_ =	swait.ge [sflag:s15], $0x50  }
0x21: {  	[sflag:s15] =	ssyncset.done $0x0  }
0x22: {  	s17 =	simm.s32 $0x4280;
	[sflag:s15] =	ssyncadd.s32 $0xFFFFFFB0  }
0x23: {  	[tilespmem:s17], [sflag:$0x1] =	stream.indirect.gather [hbm4b:s4+s19], $0x80, s16, s19, $0xb8;
	[tilespmem:$0xEE00] =	vst v63  }
0x24: {  	s18 =	simm.s32 $0x6A80  }
0x25: {  	[tilespmem:s18], [sflag:$0x1] =	stream.indirect.gather [hbm4b:s4+s19], $0x80, s14, s19, $0xb8;
	[tilespmem:$0xEE00] =	vst v63  }
0x26: {  	s20 =	rddreg [dreg:$0x9]  }
0x27: {  	[tilespmem:s22], [sflag:$0x4] =	stream.linear.gather [hbm4b:s20+s5], $0x50, $0x38;
	[tilespmem:$0xEE00] =	vst v63  }
0x28: {  	s21 =	rddreg [dreg:$0xa]  }
0x29: {  	[tilespmem:s23], [sflag:$0x4] =	stream.linear.gather [hbm4b:s21+s5], $0x50, $0x38;
	[tilespmem:$0xEE00] =	vst v63  }
0x2a: {  	_ =	swait.ge [sflag:s24], $0x4000  }
0x2b: {  	s6 =	simm.s32 $0x2C0;
	[sflag:s24] =	ssyncset.done $0x0  }
0x2c: {  	s2 =	simm.s32 $0x6F0;
	s17 =	simm.s32 $0x0;
	[sflag:s24] =	ssyncadd.s32 $0xFFFFC000  }
.LBB2_2:
0x2d: {  	_ =	swait.ge [sflag:s25], $0x50  }
0x2e: {  	[sflag:s25] =	ssyncset.done $0x0  }
0x2f: {  	[sflag:s25] =	ssyncadd.s32 $0xFFFFFFB0  }
0x30: {  	_ =	swait.ge [sflag:s25], $0x50  }
0x31: {  	[sflag:s25] =	ssyncset.done $0x0  }
0x32: {  	[sflag:s25] =	ssyncadd.s32 $0xFFFFFFB0  }
0x33: {  	[tilespmem:s26], [sflag:$0x2] =	stream.indirect.gather [hbm4b:s4+s19], $0x80, s22, s19, $0xb8;
	[tilespmem:$0xEE00] =	vst v63  }
0x34: {  	_ = 	snop  }
0x35: {  	[tilespmem:s28], [sflag:$0x2] =	stream.indirect.gather [hbm4b:s4+s19], $0x80, s23, s19, $0xb8;
	[tilespmem:$0xEE00] =	vst v63  }
0x36: {  	p0 =	seq.s32 s17, $0x7;
	_ =	swait.ge [sflag:s29], $0x2800  }
0x37: {  	s20 =	smul.u32 @!p0 $0x140, s17;
	[sflag:s29] =	ssyncset.done $0x0  }
0x38: {  	[sflag:s29] =	ssyncadd.s32 $0xFFFFD800  }
0x39: {  	s0 =	sadd.s32 @!p0 s20, s11;
	_ =	swait.ge [sflag:s29], $0x2800  }
0x3a: {  	s18 =	simm.s32 @!p0 $0x0;
	s0 =	sshrl.u32 @!p0 s0, $0x3;
	[sflag:s29] =	ssyncset.done $0x0  }
0x3b: {  	s21 =	simm.s32 @!p0 $0x80;
	s0 =	sadd.s32 @!p0 s1, s0;
	[sflag:s29] =	ssyncadd.s32 $0xFFFFD800  }
0x3c: {  	[tilespmem:s21], [sflag:$0x3] =	stream.linear.gather @!p0 [hbm4b:s0+s18], $0x50, $0x38;
	[tilespmem:$0xEE00] =	vst v63  }
0x3d: {  	s0 =	sadd.s32 @!p0 $0xA, s0;
	s21 =	simm.s32 @!p0 $0x100  }
0x3e: {  	[tilespmem:s21], [sflag:$0x3] =	stream.linear.gather @!p0 [hbm4b:s0+s18], $0x50, $0x38;
	[tilespmem:$0xEE00] =	vst v63  }
0x3f: {  	s21 =	simm.s32 $0x0;
	s18 =	simm.s32 $0x4780;
	s0 =	smov.u32 s6  }
.LBB2_3:
0x40: {  	v9 =	vld [tilespmem:s0+$0xFFFFFFC0]  }
0x41: {  	v7 =	vld [tilespmem:s0+$0xFFFFFFD0]  }
0x42: {  	v8 =	vld [tilespmem:s0+$0xFFFFFFE0]  }
0x43: {  	v3 =	vld [tilespmem:s0+$0xFFFFFFF0]  }
0x44: {  	v4 =	vld [tilespmem:s0+$0x0]  }
0x45: {  	v5 =	vld [tilespmem:s0+$0x10]  }
0x46: {  	v6 =	vld [tilespmem:s0+$0x20]  }
0x47: {  	v2 =	vld [tilespmem:s0+$0x30]  }
0x48: {  	v10 =	vld [tilespmem:s18+$0xFFFFFB00]  }
0x49: {  	v11 =	vld [tilespmem:s18+$0xFFFFFB10]  }
0x4a: {  	v12 =	vld [tilespmem:s18+$0xFFFFFB20]  }
0x4b: {  	v13 =	vld [tilespmem:s18+$0xFFFFFB30]  }
0x4c: {  	v14 =	vld [tilespmem:s18+$0xFFFFFB40]  }
0x4d: {  	v15 =	vld [tilespmem:s18+$0xFFFFFB50]  }
0x4e: {  	v16 =	vld [tilespmem:s18+$0xFFFFFB60]  }
0x4f: {  	v17 =	vld [tilespmem:s18+$0xFFFFFB70]  }
0x50: {  	v18 =	vld [tilespmem:s18+$0xFFFFFB80]  }
0x51: {  	v19 =	vld [tilespmem:s18+$0xFFFFFB90]  }
0x52: {  	v20 =	vld [tilespmem:s18+$0xFFFFFBA0]  }
0x53: {  	v21 =	vld [tilespmem:s18+$0xFFFFFBB0]  }
0x54: {  	v22 =	vld [tilespmem:s18+$0xFFFFFBC0]  }
0x55: {  	v23 =	vld [tilespmem:s18+$0xFFFFFBD0]  }
0x56: {  	v24 =	vld [tilespmem:s18+$0xFFFFFBE0]  }
0x57: {  	v25 =	vld [tilespmem:s18+$0xFFFFFBF0]  }
0x58: {  	v26 =	vld [tilespmem:s18+$0xFFFFFC00]  }
0x59: {  	v27 =	vld [tilespmem:s18+$0xFFFFFC10]  }
0x5a: {  	v28 =	vld [tilespmem:s18+$0xFFFFFC20]  }
0x5b: {  	v29 =	vld [tilespmem:s18+$0xFFFFFC30]  }
0x5c: {  	v30 =	vld [tilespmem:s18+$0xFFFFFC40]  }
0x5d: {  	v31 =	vld [tilespmem:s18+$0xFFFFFC50]  }
0x5e: {  	v32 =	vld [tilespmem:s18+$0xFFFFFC60]  }
0x5f: {  	v33 =	vld [tilespmem:s18+$0xFFFFFC70]  }
0x60: {  	v34 =	vld [tilespmem:s18+$0xFFFFFC80]  }
0x61: {  	v35 =	vld [tilespmem:s18+$0xFFFFFC90]  }
0x62: {  	v36 =	vld [tilespmem:s18+$0xFFFFFCA0]  }
0x63: {  	v37 =	vld [tilespmem:s18+$0xFFFFFCB0]  }
0x64: {  	v38 =	vld [tilespmem:s18+$0xFFFFFCC0]  }
0x65: {  	v39 =	vld [tilespmem:s18+$0xFFFFFCD0]  }
0x66: {  	v40 =	vld [tilespmem:s18+$0xFFFFFCE0]  }
0x67: {  	v41 =	vld [tilespmem:s18+$0xFFFFFCF0]  }
0x68: {  	v42 =	vld [tilespmem:s18+$0xFFFFFD00]  }
0x69: {  	v43 =	vld [tilespmem:s18+$0xFFFFFD10]  }
0x6a: {  	v44 =	vld [tilespmem:s18+$0xFFFFFD20]  }
0x6b: {  	v45 =	vld [tilespmem:s18+$0xFFFFFD30]  }
0x6c: {  	v46 =	vld [tilespmem:s18+$0xFFFFFD40]  }
0x6d: {  	v47 =	vld [tilespmem:s18+$0xFFFFFD50]  }
0x6e: {  	v48 =	vld [tilespmem:s18+$0xFFFFFD60]  }
0x6f: {  	v49 =	vld [tilespmem:s18+$0xFFFFFD70]  }
0x70: {  	v50 =	vld [tilespmem:s18+$0xFFFFFD80]  }
0x71: {  	v51 =	vld [tilespmem:s18+$0xFFFFFD90]  }
0x72: {  	v52 =	vld [tilespmem:s18+$0xFFFFFDA0]  }
0x73: {  	v53 =	vld [tilespmem:s18+$0xFFFFFDB0]  }
0x74: {  	v54 =	vld [tilespmem:s18+$0xFFFFFDC0];
	v10 =	vmul.f32 v10, v9  }
0x75: {  	v55 =	vld [tilespmem:s18+$0xFFFFFDD0];
	v11 =	vmul.f32 v11, v7;
	v12 =	vmul.f32 v12, v8  }
0x76: {  	v56 =	vld [tilespmem:s18+$0xFFFFFDE0];
	v13 =	vmul.f32 v13, v3;
	v14 =	vmul.f32 v14, v4  }
0x77: {  	v57 =	vld [tilespmem:s18+$0xFFFFFDF0];
	v15 =	vmul.f32 v15, v5;
	v16 =	vmul.f32 v16, v6  }
0x78: {  	v58 =	vld [tilespmem:s18+$0xFFFFFE00];
	v17 =	vmul.f32 v17, v2;
	v59 =	vmul.f32 v21, v3  }
0x79: {  	v21 =	vld [tilespmem:s18+$0xFFFFFE20];
	v60 =	vmul.f32 v22, v4;
	v61 =	vmul.f32 v23, v5  }
0x7a: {  	v23 =	vld [tilespmem:s18+$0xFFFFFE30];
	v62 =	vmul.f32 v24, v6;
	v63 =	vmul.f32 v25, v2  }
0x7b: {  	v25 =	vld [tilespmem:s18+$0xFFFFFE40];
	v30 =	vmul.f32 v30, v4;
	v31 =	vmul.f32 v31, v5  }
0x7c: {  	v10 =	vadd.f32 v11, v10;
	v11 =	vmul.f32 v18, v9;
	v18 =	vmul.f32 v19, v7;
	v19 =	vld [tilespmem:s18+$0xFFFFFE10]  }
0x7d: {  	v32 =	vmul.f32 v32, v6;
	v12 =	vadd.f32 v13, v12;
	v13 =	vmul.f32 v20, v8;
	v20 =	vld [tilespmem:s18+$0xFFFFFE60]  }
0x7e: {  	v16 =	vadd.f32 v17, v16;
	v17 =	vadd.f32 v63, v62;
	v63 =	vmul.f32 v27, v7;
	v27 =	vld [tilespmem:s18+$0xFFFFFED0]  }
0x7f: {  	v33 =	vmul.f32 v33, v2;
	v62 =	vmul.f32 v26, v9;
	v26 =	vld [tilespmem:s18+$0xFFFFFEF0]  }
0x80: {  	v30 =	vadd.f32 v31, v30;
	v31 =	vmul.f32 v34, v9;
	v34 =	vmul.f32 v35, v7;
	v35 =	vld [tilespmem:s18+$0xFFFFFF10]  }
0x81: {  	v14 =	vadd.f32 v15, v14;
	v32 =	vadd.f32 v33, v32;
	v33 =	vmul.f32 v36, v8;
	v36 =	vld [tilespmem:s18+$0xFFFFFF60]  }
0x82: {  	v15 =	vadd.f32 v61, v60;
	v11 =	vadd.f32 v18, v11;
	v18 =	vld [tilespmem:s18+$0xFFFFFE50]  }
0x83: {  	v24 =	vadd.f32 v16, v14;
	v14 =	vld [tilespmem:s18+$0xFFFFFE70]  }
0x84: {  	v13 =	vadd.f32 v59, v13;
	v59 =	vadd.f32 v17, v15;
	v15 =	vld [tilespmem:s18+$0xFFFFFE80]  }
0x85: {  	v10 =	vadd.f32 v12, v10;
	v12 =	vld [tilespmem:s18+$0xFFFFFE90]  }
0x86: {  	v17 =	vld [tilespmem:s18+$0xFFFFFEB0]  }
0x87: {  	v16 =	vadd.f32 v63, v62;
	v63 =	vmul.f32 v39, v5;
	v39 =	vld [tilespmem:s18+$0xFFFFFF30]  }
0x88: {  	v62 =	vmul.f32 v38, v4;
	v31 =	vadd.f32 v34, v31;
	v34 =	vld [tilespmem:s18+$0xFFFFFF50]  }
0x89: {  	v38 =	vmul.f32 v43, v7;
	v43 =	vld [tilespmem:s18+$0xFFFFFF80];
	v21 =	vmul.f32 v21, v8  }
0x8a: {  	v23 =	vmul.f32 v23, v3;
	v11 =	vadd.f32 v13, v11;
	v10 =	vadd.f32 v24, v10;
	v13 =	vld [tilespmem:s18+$0xFFFFFEA0]  }
0x8b: {  	v24 =	vld [tilespmem:s18+$0xFFFFFEC0];
	v20 =	vmul.f32 v20, v6  }
0x8c: {  	v21 =	vadd.f32 v23, v21;
	v23 =	vld [tilespmem:s18+$0x60];
	v11 =	vadd.f32 v59, v11;
	v60 =	vperm.xlane v10, v1  }
0x8d: {  	v59 =	vmul.f32 v28, v8;
	v28 =	vld [tilespmem:s18+$0xFFFFFF00];
	v14 =	vmul.f32 v14, v2  }
0x8e: {  	v61 =	vperm.xlane v11, v1;
	v10 =	vadd.f32 v60, v10;
	v60 =	vmul.f32 v29, v3;
	v29 =	vld [tilespmem:s18+$0xFFFFFEE0]  }
0x8f: {  	v25 =	vmul.f32 v25, v4;
	v18 =	vmul.f32 v18, v5;
	v14 =	vadd.f32 v14, v20;
	v20 =	vld [tilespmem:s18+$0xA0]  }
0x90: {  	v11 =	vadd.f32 v11, v61;
	v61 =	vmul.f32 v37, v3;
	v37 =	vld [tilespmem:s18+$0xFFFFFF20]  }
0x91: {  	v18 =	vadd.f32 v18, v25;
	v22 =	vadd.f32 v60, v59;
	v60 =	vmul.f32 v41, v2;
	v41 =	vld [tilespmem:s18+$0xFFFFFF40]  }
0x92: {  	v59 =	vmul.f32 v40, v6;
	v40 =	vld [tilespmem:s18+$0xFFFFFF70]  }
0x93: {  	v15 =	vmul.f32 v15, v9;
	v14 =	vadd.f32 v14, v18;
	v18 =	vld [tilespmem:s18+$0xB0]  }
0x94: {  	v12 =	vmul.f32 v12, v7;
	v33 =	vadd.f32 v61, v33;
	v61 =	vmul.f32 v45, v3;
	v45 =	vld [tilespmem:s18+$0xFFFFFF90]  }
0x95: {  	v16 =	vadd.f32 v22, v16;
	v22 =	vadd.f32 v63, v62;
	v63 =	vmul.f32 v47, v5;
	v47 =	vld [tilespmem:s18+$0xFFFFFFA0]  }
0x96: {  	v30 =	vadd.f32 v32, v30;
	v17 =	vmul.f32 v17, v3;
	v62 =	vmul.f32 v46, v4;
	v46 =	vld [tilespmem:s18+$0xFFFFFFD0]  }
0x97: {  	v34 =	vmul.f32 v34, v5;
	v32 =	vadd.f32 v60, v59;
	v60 =	vmul.f32 v49, v2;
	v49 =	vld [tilespmem:s18+$0xFFFFFFE0]  }
0x98: {  	v13 =	vmul.f32 v13, v8;
	v59 =	vmul.f32 v48, v6;
	v48 =	vld [tilespmem:s18+$0x0];
	v31 =	vadd.f32 v33, v31  }
0x99: {  	v33 =	vmul.f32 v42, v9;
	v22 =	vadd.f32 v32, v22;
	v32 =	vmul.f32 v44, v8;
	v42 =	vld [tilespmem:s18+$0xFFFFFFC0]  }
0x9a: {  	v16 =	vadd.f32 v30, v16;
	v30 =	vadd.f32 v63, v62;
	v62 =	vmul.f32 v51, v7;
	v44 =	vld [tilespmem:s18+$0xFFFFFFF0]  }
0x9b: {  	v63 =	vmul.f32 v53, v3;
	v53 =	vld [tilespmem:s18+$0x20];
	v20 =	vmul.f32 v20, v8;
	v22 =	vadd.f32 v22, v31  }
0x9c: {  	v51 =	vld [tilespmem:s18+$0x50];
	v41 =	vmul.f32 v41, v4;
	v33 =	vadd.f32 v38, v33;
	v32 =	vadd.f32 v61, v32  }
0x9d: {  	v38 =	vld [tilespmem:s18+$0xFFFFFFB0];
	v31 =	vadd.f32 v60, v59;
	v61 =	vmul.f32 v50, v9;
	v59 =	vmul.f32 v54, v4  }
0x9e: {  	v60 =	vmul.f32 v55, v5;
	v54 =	vld [tilespmem:s18+$0x10];
	v18 =	vmul.f32 v18, v3;
	v34 =	vadd.f32 v34, v41  }
0x9f: {  	v55 =	vld [tilespmem:s18+$0x90];
	v49 =	vmul.f32 v49, v6;
	v32 =	vadd.f32 v32, v33;
	v30 =	vadd.f32 v31, v30  }
0xa0: {  	v41 =	vld [tilespmem:s18+$0x1A0];
	v31 =	vmul.f32 v52, v8;
	v33 =	vadd.f32 v62, v61;
	v61 =	vmul.f32 v56, v6  }
0xa1: {  	v13 =	vadd.f32 v17, v13;
	v62 =	vmul.f32 v57, v2;
	v57 =	vmul.f32 v27, v5;
	v27 =	vld [tilespmem:s18+$0x70]  }
0xa2: {  	v56 =	vperm.xlane v22, v1;
	v18 =	vadd.f32 v18, v20;
	v20 =	vld [tilespmem:s18+$0x250];
	v44 =	vmul.f32 v44, v2  }
0xa3: {  	v31 =	vadd.f32 v63, v31;
	v63 =	vmul.f32 v58, v9;
	v58 =	vmul.f32 v29, v6;
	v29 =	vld [tilespmem:s18+$0x80]  }
0xa4: {  	v50 =	vadd.f32 v60, v59;
	v17 =	vadd.f32 v22, v56;
	v56 =	vmul.f32 v39, v3;
	v39 =	vld [tilespmem:s18+$0x120]  }
0xa5: {  	v52 =	vadd.f32 v62, v61;
	v22 =	vadd.f32 v44, v49;
	v49 =	vld [tilespmem:s18+$0x210]  }
0xa6: {  	v26 =	vmul.f32 v26, v2;
	v12 =	vadd.f32 v12, v15;
	v31 =	vadd.f32 v31, v33;
	v33 =	vld [tilespmem:s18+$0x30]  }
0xa7: {  	v19 =	vmul.f32 v19, v7;
	v24 =	vmul.f32 v24, v4;
	v50 =	vadd.f32 v52, v50;
	v52 =	vld [tilespmem:s18+$0x40]  }
0xa8: {  	v12 =	vadd.f32 v13, v12;
	v62 =	vperm.xlane v16, v1;
	v60 =	vadd.f32 v26, v58;
	v26 =	vld [tilespmem:s18+$0xD0]  }
0xa9: {  	v19 =	vadd.f32 v19, v63;
	v63 =	vadd.f32 v30, v32;
	v30 =	vld [tilespmem:s18+$0xE0]  }
0xaa: {  	v23 =	vmul.f32 v23, v6;
	v59 =	vadd.f32 v57, v24;
	v16 =	vadd.f32 v62, v16;
	v32 =	vld [tilespmem:s18+$0x100]  }
0xab: {  	v62 =	vmul.f32 v35, v7;
	v35 =	vld [tilespmem:s18+$0x110];
	v27 =	vmul.f32 v27, v2;
	v19 =	vadd.f32 v21, v19  }
0xac: {  	v61 =	vadd.f32 v60, v59;
	v21 =	vld [tilespmem:s18+$0xC0];
	v50 =	vadd.f32 v50, v31  }
0xad: {  	v57 =	vperm.xlane v63, v1;
	v31 =	vld [tilespmem:s18+$0xF0];
	v23 =	vadd.f32 v27, v23  }
0xae: {  	v27 =	vld [tilespmem:s18+$0x220];
	v14 =	vadd.f32 v14, v19;
	v19 =	vadd.f32 v61, v12;
	v58 =	vperm.xlane v50, v1  }
0xaf: {  	v12 =	vadd.f32 v57, v63;
	v63 =	vmul.f32 v37, v8;
	v57 =	vmul.f32 v36, v6;
	v36 =	vld [tilespmem:s18+$0x140]  }
0xb0: {  	v38 =	vmul.f32 v38, v3;
	v61 =	vmul.f32 v28, v9;
	v13 =	vadd.f32 v50, v58;
	v50 =	vld [tilespmem:s18+$0x130]  }
0xb1: {  	v20 =	vmul.f32 v20, v5;
	v25 =	vadd.f32 v56, v63;
	v63 =	vmul.f32 v46, v5;
	v46 =	vld [tilespmem:s18+$0x170]  }
0xb2: {  	v29 =	vmul.f32 v29, v9;
	v24 =	vadd.f32 v62, v61;
	v61 =	vmul.f32 v47, v8;
	v47 =	vld [tilespmem:s18+$0x180]  }
0xb3: {  	v59 =	vperm.xlane v14, v1;
	v58 =	vmul.f32 v40, v2;
	v40 =	vld [tilespmem:s18+$0x1D0]  }
0xb4: {  	v10 =	vsel vm0, v10, v11;
	v60 =	vperm.xlane v19, v1;
	v62 =	vmul.f32 v42, v4;
	v42 =	vld [tilespmem:s18+$0x1E0]  }
0xb5: {  	v33 =	vmul.f32 v33, v3;
	v14 =	vadd.f32 v59, v14;
	v59 =	vmul.f32 v43, v9;
	v43 =	vld [tilespmem:s18+$0x150]  }
0xb6: {  	v26 =	vmul.f32 v26, v5;
	v15 =	vadd.f32 v19, v60;
	v60 =	vmul.f32 v45, v7;
	v45 =	vld [tilespmem:s18+$0x160]  }
0xb7: {  	v30 =	vmul.f32 v30, v6;
	v21 =	vmul.f32 v21, v4;
	v37 =	vadd.f32 v38, v61;
	v38 =	vld [tilespmem:s18+$0x190]  }
0xb8: {  	v31 =	vmul.f32 v31, v2;
	v19 =	vadd.f32 v58, v57;
	v24 =	vadd.f32 v25, v24;
	v25 =	vld [tilespmem:s18+$0x1B0]  }
0xb9: {  	v56 =	vadd.f32 v63, v62;
	v57 =	vmul.f32 v48, v9;
	v58 =	vmul.f32 v54, v7;
	v62 =	vld [tilespmem:s18+$0x1F0]  }
0xba: {  	v16 =	vsel vm0, v16, v17;
	v61 =	vmul.f32 v51, v5;
	v51 =	vmul.f32 v32, v9;
	v32 =	vld [tilespmem:s18+$0x270]  }
0xbb: {  	v63 =	vmul.f32 v55, v7;
	v27 =	vmul.f32 v27, v8;
	v48 =	vadd.f32 v31, v30;
	v30 =	vld [tilespmem:s18+$0x260]  }
0xbc: {  	(xrf2) =	vadd.scan.msk.f32 $0xffff, v10;
	v10 =	vsel vm0, v12, v13;
	v21 =	vadd.f32 v26, v21;
	v55 =	vmul.f32 v36, v4;
	v36 =	vld [tilespmem:s18+$0x350]  }
0xbd: {  	v28 =	vadd.f32 v60, v59;
	v19 =	vadd.f32 v19, v34;
	v34 =	vld [tilespmem:s18+$0x1C0];
	v59 =	vmul.f32 v53, v8  }
0xbe: {  	v22 =	vadd.f32 v22, v56;
	v60 =	vmul.f32 v52, v4;
	v53 =	vmul.f32 v39, v8;
	v39 =	vld [tilespmem:s18+$0x280]  }
0xbf: {  	v29 =	vadd.f32 v63, v29;
	v52 =	vmul.f32 v35, v7;
	v63 =	vld [tilespmem:s18+$0x2F0];
	v14 =	vsel vm0, v14, v15  }
0xc0: {  	v19 =	vadd.f32 v19, v24;
	v24 =	vadd.f32 v58, v57;
	v58 =	vmul.f32 v46, v2;
	v46 =	vld [tilespmem:s18+$0x2A0]  }
0xc1: {  	v54 =	vmul.f32 v50, v3;
	v44 =	vadd.f32 v61, v60;
	v60 =	vmul.f32 v41, v8;
	v41 =	vld [tilespmem:s18+$0x2C0]  }
0xc2: {  	v21 =	vadd.f32 v48, v21;
	v42 =	vmul.f32 v42, v6;
	v61 =	vmul.f32 v40, v5;
	v40 =	vld [tilespmem:s18+$0x2D0]  }
0xc3: {  	v28 =	vadd.f32 v37, v28;
	v18 =	vadd.f32 v18, v29;
	v56 =	vmul.f32 v43, v5;
	v43 =	vld [tilespmem:s18+$0x290]  }
0xc4: {  	v29 =	vadd.f32 v52, v51;
	v57 =	vmul.f32 v45, v6;
	v37 =	vmul.f32 v62, v2;
	v62 =	vld [tilespmem:s18+$0x2E0]  }
0xc5: {  	v38 =	vmul.f32 v38, v7;
	v22 =	vadd.f32 v22, v28;
	v28 =	vadd.f32 v33, v59;
	v33 =	vld [tilespmem:s18+$0x200]  }
0xc6: {  	v26 =	vadd.f32 v54, v53;
	v25 =	vmul.f32 v25, v3;
	v23 =	vadd.f32 v23, v44;
	v44 =	vld [tilespmem:s18+$0x240]  }
0xc7: {  	v32 =	vmul.f32 v32, v2;
	v18 =	vadd.f32 v21, v18;
	v59 =	vmul.f32 v47, v9;
	v47 =	vld [tilespmem:s18+$0x2B0]  }
0xc8: {  	v50 =	vperm.xlane v19, v1;
	v30 =	vmul.f32 v30, v6;
	v42 =	vadd.f32 v37, v42;
	v37 =	vld [tilespmem:s18+$0x300]  }
0xc9: {  	v34 =	vmul.f32 v34, v4;
	v21 =	vadd.f32 v58, v57;
	v26 =	vadd.f32 v26, v29;
	v29 =	vld [tilespmem:s18+$0x340]  }
0xca: {  	v25 =	vadd.f32 v25, v60;
	v57 =	vmul.f32 v49, v7;
	v58 =	vld [tilespmem:s18+$0x380];
	v39 =	vmul.f32 v39, v9  }
0xcb: {  	v35 =	vmul.f32 v63, v2;
	v63 =	vld [tilespmem:s18+$0x3E0];
	v24 =	vadd.f32 v28, v24;
	v31 =	vadd.f32 v38, v59  }
0xcc: {  	v28 =	vld [tilespmem:s18+$0x230];
	v51 =	vperm.xlane v22, v1;
	v53 =	vperm.xlane v18, v1;
	v19 =	vadd.f32 v50, v19  }
0xcd: {  	v30 =	vadd.f32 v32, v30;
	v50 =	vld [tilespmem:s18+$0x3F0];
	v34 =	vadd.f32 v61, v34;
	v59 =	vmul.f32 v46, v8  }
0xce: {  	v61 =	vmul.f32 v41, v4;
	v41 =	vld [tilespmem:s18+$0x3D0];
	v23 =	vadd.f32 v23, v24;
	v24 =	vadd.f32 v56, v55  }
0xcf: {  	v40 =	vmul.f32 v40, v5;
	v46 =	vld [tilespmem:s18+$0x490];
	v25 =	vadd.f32 v25, v31;
	v22 =	vadd.f32 v22, v51  }
0xd0: {  	v31 =	vld [tilespmem:s18+$0x320];
	v38 =	vadd.f32 v18, v53;
	v43 =	vmul.f32 v43, v7;
	v62 =	vmul.f32 v62, v6  }
0xd1: {  	v48 =	vadd.f32 v42, v34;
	v56 =	vmul.f32 v33, v9;
	v34 =	vld [tilespmem:s18+$0x370];
	v44 =	vmul.f32 v44, v4  }
0xd2: {  	v33 =	vld [tilespmem:s18+$0x390];
	v60 =	vmul.f32 v47, v3;
	v51 =	vadd.f32 v40, v61;
	v21 =	vadd.f32 v21, v24  }
0xd3: {  	v47 =	vld [tilespmem:s18+$0x3C0];
	v52 =	vperm.xlane v23, v1;
	v49 =	vadd.f32 v43, v39;
	v53 =	vmul.f32 v37, v9  }
0xd4: {  	v40 =	vld [tilespmem:s18+$0x450];
	v58 =	vmul.f32 v58, v9;
	v25 =	vadd.f32 v48, v25;
	v28 =	vmul.f32 v28, v3  }
0xd5: {  	v42 =	vld [tilespmem:s18+$0x460];
	v20 =	vadd.f32 v20, v44;
	v32 =	vadd.f32 v60, v59;
	v39 =	vmul.f32 v50, v2  }
0xd6: {  	v24 =	vld [tilespmem:s18+$0x310];
	v50 =	vsel vm0, v19, v22;
	v21 =	vadd.f32 v21, v26;
	v23 =	vadd.f32 v52, v23  }
0xd7: {  	v37 =	vld [tilespmem:s18+$0x440];
	v52 =	vadd.f32 v35, v62;
	v41 =	vmul.f32 v41, v5;
	v62 =	vmul.f32 v63, v6  }
0xd8: {  	v48 =	vld [tilespmem:s18+$0x360];
	v55 =	vperm.xlane v25, v1;
	v27 =	vadd.f32 v28, v27;
	v20 =	vadd.f32 v30, v20  }
0xd9: {  	v44 =	vld [tilespmem:s18+$0x3B0];
	v11 =	vadd.f32 v32, v49;
	v54 =	vperm.xlane v21, v1;
	v34 =	vmul.f32 v34, v2  }
0xda: {  	v43 =	vld [tilespmem:s18+$0x470];
	v17 =	vadd.f32 v52, v51;
	v33 =	vmul.f32 v33, v7;
	v61 =	vmul.f32 v47, v4  }
0xdb: {  	v26 =	vld [tilespmem:s18+$0x330];
	v25 =	vadd.f32 v25, v55;
	v24 =	vmul.f32 v24, v7;
	v55 =	vmul.f32 v29, v4  }
0xdc: {  	v28 =	vld [tilespmem:s18+$0x3A0];
	v18 =	vadd.f32 v54, v21;
	v21 =	vadd.f32 v57, v56;
	v54 =	vmul.f32 v31, v8  }
0xdd: {  	v30 =	vld [tilespmem:s18+$0x400];
	v56 =	vmul.f32 v36, v5;
	v11 =	vadd.f32 v17, v11;
	v57 =	vmul.f32 v48, v6  }
0xde: {  	v63 =	vld [tilespmem:s18+$0x480];
	v60 =	vmul.f32 v44, v3;
	v33 =	vadd.f32 v33, v58;
	v47 =	vadd.f32 v41, v61  }
0xdf: {  	(xrf2) =	vadd.scan.msk.f32 $0xffff, v16;
	v35 =	vld [tilespmem:s18+$0x410];
	v48 =	vadd.f32 v39, v62;
	v62 =	vmul.f32 v40, v5;
	v40, _, _ =	vpop (xrf2);
	v24 =	vadd.f32 v24, v53  }
0xe0: {  	v49 =	vld [tilespmem:s18+$0x4A0];
	v26 =	vmul.f32 v26, v3;
	(v2sf) =	vpush v40, $0x7;
	v21 =	vadd.f32 v27, v21  }
0xe1: {  	v31 =	vld [tilespmem:s18+$0x420];
	v59 =	vmul.f32 v28, v8;
	v17 =	vadd.f32 v34, v57;
	v53 =	vadd.f32 v48, v47  }
0xe2: {  	v36 =	vld [tilespmem:s18+$0x430];
	v44 =	vperm.xlane v11, v1;
	v26 =	vadd.f32 v26, v54;
	v54 =	vmul.f32 v30, v9  }
0xe3: {  	v52 =	vld [tilespmem:s18+$0x4B0];
	v9 =	vmul.f32 v63, v9;
	v20 =	vadd.f32 v20, v21;
	v21 =	vadd.f32 v56, v55  }
0xe4: {  	v58 =	vld [tilespmem:s18+$0x4D0];
	v45 =	vadd.f32 v60, v59;
	v56 =	vmul.f32 v35, v7;
	v60 =	vmul.f32 v37, v4  }
0xe5: {  	v61 =	vld [tilespmem:s18+$0x4E0];
	(v2sf) =	vpush v40, $0xF;
	v37 =	vmul.f32 v43, v2;
	v7 =	vmul.f32 v46, v7  }
0xe6: {  	v63 =	vld [tilespmem:s18+$0x4F0];
	v47 =	vadd.f32 v11, v44;
	v51 =	vadd.f32 v26, v24;
	v57 =	vmul.f32 v31, v8  }
0xe7: {  	v55 =	vld [tilespmem:s18+$0x4C0];
	v59 =	vmul.f32 v36, v3;
	v36 =	vmul.f32 v42, v6;
	v17 =	vadd.f32 v17, v21  }
0xe8: {  	v8 =	vmul.f32 v49, v8;
	v12 =	vadd.f32 v45, v33;
	v15 =	vadd.f32 v56, v54  }
0xe9: {  	v3 =	vmul.f32 v52, v3;
	v42, _, _ =	vpop (xrf2);
	v19 =	vadd.f32 v62, v60;
	v7 =	vadd.f32 v7, v9  }
0xea: {  	(xrf2) =	vadd.scan.msk.f32 $0xffff, v10;
	v5 =	vmul.f32 v58, v5;
	(v2sf) =	vpush v42, $0x7;
	v13 =	vadd.f32 v59, v57  }
0xeb: {  	v6 =	vmul.f32 v61, v6;
	v39 =	vadd.f32 v37, v36;
	v3 =	vadd.f32 v3, v8  }
0xec: {  	(v2sf) =	vpush v42, $0xF;
	v2 =	vmul.f32 v63, v2;
	v4 =	vmul.f32 v55, v4  }
0xed: {  	(xrf2) =	vadd.scan.msk.f32 $0xffff, v14;
	v17 =	vadd.f32 v17, v51;
	v12 =	vadd.f32 v53, v12  }
0xee: {  	v2 =	vadd.f32 v2, v6;
	v4 =	vadd.f32 v5, v4  }
0xef: {  	(xrf2) =	vadd.scan.msk.f32 $0xffff, v50;
	v43 =	vperm.xlane v20, v1;
	v13 =	vadd.f32 v13, v15;
	v10 =	vadd.f32 v39, v19  }
0xf0: {  	v41 =	vsel vm0, v23, v38;
	v3 =	vadd.f32 v3, v7;
	v2 =	vadd.f32 v2, v4  }
0xf1: {  	(xrf2) =	vadd.scan.msk.f32 $0xffff, v41;
	v46 =	vadd.f32 v43, v20;
	v48 =	vperm.xlane v17, v1;
	v49 =	vperm.xlane v12, v1  }
0xf2: {  	v45 =	vsel vm0, v18, v25;
	v10 =	vadd.f32 v10, v13;
	v2 =	vadd.f32 v2, v3  }
0xf3: {  	(xrf2) =	vadd.scan.msk.f32 $0xffff, v45;
	v50 =	vadd.f32 v48, v17;
	v52 =	vadd.f32 v12, v49  }
0xf4: {  	v51, _, _ =	vpop (xrf2);
	v53 =	vperm.xlane v10, v1;
	v3 =	vsel vm0, v46, v47;
	v54 =	vperm.xlane v2, v1  }
0xf5: {  	(v2sf) =	vpush v51, $0x7;
	(xrf2) =	vadd.scan.msk.f32 $0xffff, v3  }
0xf6: {  	v55 =	vadd.f32 v53, v10;
	v3 =	vsel vm0, v50, v52;
	v2 =	vadd.f32 v2, v54  }
0xf7: {  	v56, _, _ =	vpop (xrf2);
	(v2sf) =	vpush v51, $0xF;
	(xrf2) =	vadd.scan.msk.f32 $0xffff, v3  }
0xf8: {  	(v2sf) =	vpush v56, $0x7;
	v2 =	vsel vm0, v55, v2  }
0xf9: {  	(v2sf) =	vpush v56, $0xF;
	v3, _, _ =	vpop (xrf2);
	(xrf2) =	vadd.scan.msk.f32 $0xffff, v2  }
0xfa: {  	(v2sf) =	vpush v3, $0x7  }
0xfb: {  	(v2sf) =	vpush v3, $0xF;
	v2, _, _ =	vpop (xrf2)  }
0xfc: {  	(v2sf) =	vpush v2, $0x7  }
0xfd: {  	v57, _, _ =	vpop (xrf2);
	(v2sf) =	vpush v2, $0xF  }
0xfe: {  	(v2sf) =	vpush v57, $0x7  }
0xff: {  	v58, _, _ =	vpop (xrf2);
	(v2sf) =	vpush v57, $0xF  }
0x100: {  	(v2sf) =	vpush v58, $0x7  }
0x101: {  	s8 =	spop (v2sf);
	v59, _, _ =	vpop (xrf2);
	(v2sf) =	vpush v58, $0xF  }
0x102: {  	s9 =	spop (v2sf);
	(v2sf) =	vpush v59, $0x7  }
0x103: {  	s10 =	spop (v2sf);
	(v2sf) =	vpush v59, $0xF;
	v60, _, _ =	vpop (xrf2)  }
0x104: {  	v9 =	vbroadcast v40, $0x7;
	s8 =	ssub.f32 s9, s8;
	s13 =	spop (v2sf);
	(v2sf) =	vpush v60, $0x7  }
0x105: {  	vm9 =	veq.s32 v0, $0x1;
	v5 =	vbroadcast v42, $0x7;
	s14 =	spop (v2sf);
	(v2sf) =	vpush v60, $0xF  }
0x106: {  	v9 =	vsel vm9, s8, v9;
	s10 =	ssub.f32 s13, s10;
	s7 =	spop (v2sf)  }
0x107: {  	vm10 =	veq.s32 v0, $0x3;
	v6 =	vbroadcast v51, $0x7;
	v5 =	vsel vm1, v5, v9;
	s9 =	spop (v2sf)  }
0x108: {  	v5 =	vsel vm10, s10, v5;
	s7 =	ssub.f32 s7, s14;
	s8 =	spop (v2sf)  }
0x109: {  	vm11 =	veq.s32 v0, $0x5;
	v61 =	vbroadcast v56, $0x7;
	v5 =	vsel vm2, v6, v5;
	s13 =	spop (v2sf)  }
0x10a: {  	v5 =	vsel vm11, s7, v5;
	s8 =	ssub.f32 s8, s9;
	s10 =	spop (v2sf)  }
0x10b: {  	v3 =	vbroadcast v3, $0x7;
	vm11 =	veq.s32 v0, $0x7;
	v5 =	vsel vm3, v61, v5;
	s14 =	spop (v2sf)  }
0x10c: {  	v5 =	vsel vm11, s8, v5;
	s10 =	ssub.f32 s10, s13;
	s7 =	spop (v2sf)  }
0x10d: {  	v2 =	vbroadcast v2, $0x7;
	vm11 =	veq.s32 v0, $0x9;
	v3 =	vsel vm4, v3, v5;
	s9 =	spop (v2sf)  }
0x10e: {  	v3 =	vsel vm11, s10, v3;
	s7 =	ssub.f32 s7, s14;
	s8 =	spop (v2sf)  }
0x10f: {  	vm11 =	veq.s32 v0, $0xB;
	v2 =	vsel vm5, v2, v3;
	v3 =	vbroadcast v57, $0x7;
	s13 =	spop (v2sf)  }
0x110: {  	v2 =	vsel vm11, s7, v2;
	s7 =	ssub.f32 s8, s9;
	s10 =	spop (v2sf)  }
0x111: {  	vm11 =	veq.s32 v0, $0xD;
	v2 =	vsel vm6, v3, v2;
	s14 =	spop (v2sf)  }
0x112: {  	v62 =	vbroadcast v59, $0x7;
	v2 =	vsel vm11, s7, v2;
	s7 =	ssub.f32 s10, s13;
	s9 =	spop (v2sf)  }
0x113: {  	p1 =	sne.s32 s21, $0x24C;
	v3 =	vbroadcast v58, $0x7;
	s8 =	ssub.f32 s9, s14;
	s9 =	spop (v2sf)  }
.Ltmp0:
0x114: {  	v4 =	vnsel vm8, $0x0, v62;
	v63 =	vbroadcast v60, $0x7;
	s14 =	spop (v2sf);
	(pc) =	sbr.rel @p1 .LBB2_3-.Ltmp0, $4  }
0x115: {  	v2 =	vsel vm7, v3, v2;
	v4 =	vsel vm9, s8, v4;
	s13 =	ssub.f32 s14, s9;
	vm9 =	veq.s32 v0, $0xF  }
0x116: {  	s14 =	sshra.s32 s21, $0x2;
	v2 =	vsel vm9, s7, v2;
	v3 =	vsel vm1, v63, v4  }
0x117: {  	v3 =	vsel vm10, s13, v3;
	[tilespmem:s14+$0xEC80] =	vst v2  }
0x118: {  	s0 =	sadd.s32 $0x80, s0;
	s18 =	sadd.s32 $0xA00, s18;
	s21 =	sadd.s32 $0x54, s21;
	[tilespmem:s14+$0xEC90] =	vst v3  }
0x119: {  	s0 =	simm.s32 @p0 $0x2  }
0x11a: {  	_ =	swait.ge @p0 [sflag:s0], $0x2800  }
0x11b: {  	[sflag:s0] =	ssyncset.done @p0 $0x0  }
0x11c: {  	[sflag:s0] =	ssyncadd.s32 @p0 $0xFFFFD800  }
0x11d: {  	_ =	swait.ge @p0 [sflag:s0], $0x2800  }
0x11e: {  	[sflag:s0] =	ssyncset.done @p0 $0x0  }
0x11f: {  	[sflag:s0] =	ssyncadd.s32 @p0 $0xFFFFD800;
	s0 =	simm.s32 @!p0 $0x3  }
0x120: {  	_ =	swait.ge @!p0 [sflag:s0], $0x50  }
0x121: {  	[sflag:s0] =	ssyncset.done @!p0 $0x0  }
0x122: {  	[sflag:s0] =	ssyncadd.s32 @!p0 $0xFFFFFFB0  }
0x123: {  	_ =	swait.ge @!p0 [sflag:s0], $0x50  }
0x124: {  	s7 =	simm.s32 @!p0 $0x80;
	[sflag:s0] =	ssyncset.done @!p0 $0x0  }
0x125: {  	s8 =	simm.s32 @!p0 $0x4280;
	[sflag:s0] =	ssyncadd.s32 @!p0 $0xFFFFFFB0;
	s0 =	simm.s32 @!p0 $0x50  }
0x126: {  	[tilespmem:s8], [sflag:$0x1] =	stream.indirect.gather @!p0 [hbm4b:s4+s0], $0x80, s7, s0, $0xb8;
	[tilespmem:$0xEE00] =	vst v63  }
0x127: {  	s7 =	simm.s32 @!p0 $0x100;
	s8 =	simm.s32 @!p0 $0x6A80  }
0x128: {  	[tilespmem:s8], [sflag:$0x1] =	stream.indirect.gather @!p0 [hbm4b:s4+s0], $0x80, s7, s0, $0xb8;
	[tilespmem:$0xEE00] =	vst v63  }
0x129: {  	s0 =	simm.s32 @!p0 $0x2  }
0x12a: {  	_ =	swait.ge @!p0 [sflag:s0], $0x2800  }
0x12b: {  	[sflag:s0] =	ssyncset.done @!p0 $0x0  }
0x12c: {  	[sflag:s0] =	ssyncadd.s32 @!p0 $0xFFFFD800  }
0x12d: {  	_ =	swait.ge @!p0 [sflag:s0], $0x2800  }
0x12e: {  	s7 =	sadd.s32 @!p0 s20, s12;
	[sflag:s0] =	ssyncset.done @!p0 $0x0  }
0x12f: {  	[sflag:s0] =	ssyncadd.s32 @!p0 $0xFFFFD800;
	s0 =	sshrl.u32 @!p0 s7, $0x3  }
0x130: {  	s8 =	simm.s32 @!p0 $0x180;
	s7 =	simm.s32 @!p0 $0x0;
	s0 =	sadd.s32 @!p0 s1, s0  }
0x131: {  	[tilespmem:s8], [sflag:$0x4] =	stream.linear.gather @!p0 [hbm4b:s0+s7], $0x50, $0x38;
	[tilespmem:$0xEE00] =	vst v63  }
0x132: {  	s0 =	sadd.s32 @!p0 $0xA, s0;
	s8 =	simm.s32 @!p0 $0x200  }
0x133: {  	[tilespmem:s8], [sflag:$0x4] =	stream.linear.gather @!p0 [hbm4b:s0+s7], $0x50, $0x38;
	[tilespmem:$0xEE00] =	vst v63  }
0x134: {  	s18 =	simm.s32 $0x9780;
	s20 =	simm.s32 $0x0;
	s0 =	smov.u32 s2  }
.LBB2_5:
0x135: {  	v9 =	vld [tilespmem:s0+$0xFFFFFF90]  }
0x136: {  	v7 =	vld [tilespmem:s0+$0xFFFFFFA0]  }
0x137: {  	v8 =	vld [tilespmem:s0+$0xFFFFFFB0]  }
0x138: {  	v3 =	vld [tilespmem:s0+$0xFFFFFFC0]  }
0x139: {  	v4 =	vld [tilespmem:s0+$0xFFFFFFD0]  }
0x13a: {  	v5 =	vld [tilespmem:s0+$0xFFFFFFE0]  }
0x13b: {  	v6 =	vld [tilespmem:s0+$0xFFFFFFF0]  }
0x13c: {  	v2 =	vld [tilespmem:s0+$0x0]  }
0x13d: {  	v10 =	vld [tilespmem:s18+$0xFFFFFB00]  }
0x13e: {  	v11 =	vld [tilespmem:s18+$0xFFFFFB10]  }
0x13f: {  	v12 =	vld [tilespmem:s18+$0xFFFFFB20]  }
0x140: {  	v13 =	vld [tilespmem:s18+$0xFFFFFB30]  }
0x141: {  	v14 =	vld [tilespmem:s18+$0xFFFFFB40]  }
0x142: {  	v15 =	vld [tilespmem:s18+$0xFFFFFB50]  }
0x143: {  	v16 =	vld [tilespmem:s18+$0xFFFFFB60]  }
0x144: {  	v17 =	vld [tilespmem:s18+$0xFFFFFB70]  }
0x145: {  	v18 =	vld [tilespmem:s18+$0xFFFFFB80]  }
0x146: {  	v19 =	vld [tilespmem:s18+$0xFFFFFB90]  }
0x147: {  	v20 =	vld [tilespmem:s18+$0xFFFFFBA0]  }
0x148: {  	v21 =	vld [tilespmem:s18+$0xFFFFFBB0]  }
0x149: {  	v22 =	vld [tilespmem:s18+$0xFFFFFBC0]  }
0x14a: {  	v23 =	vld [tilespmem:s18+$0xFFFFFBD0]  }
0x14b: {  	v24 =	vld [tilespmem:s18+$0xFFFFFBE0]  }
0x14c: {  	v25 =	vld [tilespmem:s18+$0xFFFFFBF0]  }
0x14d: {  	v26 =	vld [tilespmem:s18+$0xFFFFFC00]  }
0x14e: {  	v27 =	vld [tilespmem:s18+$0xFFFFFC10]  }
0x14f: {  	v28 =	vld [tilespmem:s18+$0xFFFFFC20]  }
0x150: {  	v29 =	vld [tilespmem:s18+$0xFFFFFC30]  }
0x151: {  	v30 =	vld [tilespmem:s18+$0xFFFFFC40]  }
0x152: {  	v31 =	vld [tilespmem:s18+$0xFFFFFC50]  }
0x153: {  	v32 =	vld [tilespmem:s18+$0xFFFFFC60]  }
0x154: {  	v33 =	vld [tilespmem:s18+$0xFFFFFC70]  }
0x155: {  	v34 =	vld [tilespmem:s18+$0xFFFFFC80]  }
0x156: {  	v35 =	vld [tilespmem:s18+$0xFFFFFC90]  }
0x157: {  	v36 =	vld [tilespmem:s18+$0xFFFFFCA0]  }
0x158: {  	v37 =	vld [tilespmem:s18+$0xFFFFFCB0]  }
0x159: {  	v38 =	vld [tilespmem:s18+$0xFFFFFCC0]  }
0x15a: {  	v39 =	vld [tilespmem:s18+$0xFFFFFCD0]  }
0x15b: {  	v40 =	vld [tilespmem:s18+$0xFFFFFCE0]  }
0x15c: {  	v41 =	vld [tilespmem:s18+$0xFFFFFCF0]  }
0x15d: {  	v42 =	vld [tilespmem:s18+$0xFFFFFD00]  }
0x15e: {  	v43 =	vld [tilespmem:s18+$0xFFFFFD10]  }
0x15f: {  	v44 =	vld [tilespmem:s18+$0xFFFFFD20]  }
0x160: {  	v45 =	vld [tilespmem:s18+$0xFFFFFD30]  }
0x161: {  	v46 =	vld [tilespmem:s18+$0xFFFFFD40]  }
0x162: {  	v47 =	vld [tilespmem:s18+$0xFFFFFD50]  }
0x163: {  	v48 =	vld [tilespmem:s18+$0xFFFFFD60]  }
0x164: {  	v49 =	vld [tilespmem:s18+$0xFFFFFD70]  }
0x165: {  	v50 =	vld [tilespmem:s18+$0xFFFFFD80]  }
0x166: {  	v51 =	vld [tilespmem:s18+$0xFFFFFD90]  }
0x167: {  	v52 =	vld [tilespmem:s18+$0xFFFFFDA0]  }
0x168: {  	v53 =	vld [tilespmem:s18+$0xFFFFFDB0]  }
0x169: {  	v54 =	vld [tilespmem:s18+$0xFFFFFDC0];
	v10 =	vmul.f32 v10, v9  }
0x16a: {  	v55 =	vld [tilespmem:s18+$0xFFFFFDD0];
	v11 =	vmul.f32 v11, v7;
	v12 =	vmul.f32 v12, v8  }
0x16b: {  	v56 =	vld [tilespmem:s18+$0xFFFFFDE0];
	v13 =	vmul.f32 v13, v3;
	v14 =	vmul.f32 v14, v4  }
0x16c: {  	v57 =	vld [tilespmem:s18+$0xFFFFFDF0];
	v15 =	vmul.f32 v15, v5;
	v16 =	vmul.f32 v16, v6  }
0x16d: {  	v58 =	vld [tilespmem:s18+$0xFFFFFE00];
	v17 =	vmul.f32 v17, v2;
	v59 =	vmul.f32 v21, v3  }
0x16e: {  	v21 =	vld [tilespmem:s18+$0xFFFFFE20];
	v60 =	vmul.f32 v22, v4;
	v61 =	vmul.f32 v23, v5  }
0x16f: {  	v23 =	vld [tilespmem:s18+$0xFFFFFE30];
	v62 =	vmul.f32 v24, v6;
	v63 =	vmul.f32 v25, v2  }
0x170: {  	v25 =	vld [tilespmem:s18+$0xFFFFFE40];
	v30 =	vmul.f32 v30, v4;
	v31 =	vmul.f32 v31, v5  }
0x171: {  	v10 =	vadd.f32 v11, v10;
	v11 =	vmul.f32 v18, v9;
	v18 =	vmul.f32 v19, v7;
	v19 =	vld [tilespmem:s18+$0xFFFFFE10]  }
0x172: {  	v32 =	vmul.f32 v32, v6;
	v12 =	vadd.f32 v13, v12;
	v13 =	vmul.f32 v20, v8;
	v20 =	vld [tilespmem:s18+$0xFFFFFE60]  }
0x173: {  	v16 =	vadd.f32 v17, v16;
	v17 =	vadd.f32 v63, v62;
	v63 =	vmul.f32 v27, v7;
	v27 =	vld [tilespmem:s18+$0xFFFFFED0]  }
0x174: {  	v33 =	vmul.f32 v33, v2;
	v62 =	vmul.f32 v26, v9;
	v26 =	vld [tilespmem:s18+$0xFFFFFEF0]  }
0x175: {  	v30 =	vadd.f32 v31, v30;
	v31 =	vmul.f32 v34, v9;
	v34 =	vmul.f32 v35, v7;
	v35 =	vld [tilespmem:s18+$0xFFFFFF10]  }
0x176: {  	v14 =	vadd.f32 v15, v14;
	v32 =	vadd.f32 v33, v32;
	v33 =	vmul.f32 v36, v8;
	v36 =	vld [tilespmem:s18+$0xFFFFFF60]  }
0x177: {  	v15 =	vadd.f32 v61, v60;
	v11 =	vadd.f32 v18, v11;
	v18 =	vld [tilespmem:s18+$0xFFFFFE50]  }
0x178: {  	v24 =	vadd.f32 v16, v14;
	v14 =	vld [tilespmem:s18+$0xFFFFFE70]  }
0x179: {  	v13 =	vadd.f32 v59, v13;
	v59 =	vadd.f32 v17, v15;
	v15 =	vld [tilespmem:s18+$0xFFFFFE80]  }
0x17a: {  	v10 =	vadd.f32 v12, v10;
	v12 =	vld [tilespmem:s18+$0xFFFFFE90]  }
0x17b: {  	v17 =	vld [tilespmem:s18+$0xFFFFFEB0]  }
0x17c: {  	v16 =	vadd.f32 v63, v62;
	v63 =	vmul.f32 v39, v5;
	v39 =	vld [tilespmem:s18+$0xFFFFFF30]  }
0x17d: {  	v62 =	vmul.f32 v38, v4;
	v31 =	vadd.f32 v34, v31;
	v34 =	vld [tilespmem:s18+$0xFFFFFF50]  }
0x17e: {  	v38 =	vmul.f32 v43, v7;
	v43 =	vld [tilespmem:s18+$0xFFFFFF80];
	v21 =	vmul.f32 v21, v8  }
0x17f: {  	v23 =	vmul.f32 v23, v3;
	v11 =	vadd.f32 v13, v11;
	v10 =	vadd.f32 v24, v10;
	v13 =	vld [tilespmem:s18+$0xFFFFFEA0]  }
0x180: {  	v24 =	vld [tilespmem:s18+$0xFFFFFEC0];
	v20 =	vmul.f32 v20, v6  }
0x181: {  	v21 =	vadd.f32 v23, v21;
	v23 =	vld [tilespmem:s18+$0x60];
	v11 =	vadd.f32 v59, v11;
	v60 =	vperm.xlane v10, v1  }
0x182: {  	v59 =	vmul.f32 v28, v8;
	v28 =	vld [tilespmem:s18+$0xFFFFFF00];
	v14 =	vmul.f32 v14, v2  }
0x183: {  	v61 =	vperm.xlane v11, v1;
	v10 =	vadd.f32 v60, v10;
	v60 =	vmul.f32 v29, v3;
	v29 =	vld [tilespmem:s18+$0xFFFFFEE0]  }
0x184: {  	v25 =	vmul.f32 v25, v4;
	v18 =	vmul.f32 v18, v5;
	v14 =	vadd.f32 v14, v20;
	v20 =	vld [tilespmem:s18+$0xA0]  }
0x185: {  	v11 =	vadd.f32 v11, v61;
	v61 =	vmul.f32 v37, v3;
	v37 =	vld [tilespmem:s18+$0xFFFFFF20]  }
0x186: {  	v18 =	vadd.f32 v18, v25;
	v22 =	vadd.f32 v60, v59;
	v60 =	vmul.f32 v41, v2;
	v41 =	vld [tilespmem:s18+$0xFFFFFF40]  }
0x187: {  	v59 =	vmul.f32 v40, v6;
	v40 =	vld [tilespmem:s18+$0xFFFFFF70]  }
0x188: {  	v15 =	vmul.f32 v15, v9;
	v14 =	vadd.f32 v14, v18;
	v18 =	vld [tilespmem:s18+$0xB0]  }
0x189: {  	v12 =	vmul.f32 v12, v7;
	v33 =	vadd.f32 v61, v33;
	v61 =	vmul.f32 v45, v3;
	v45 =	vld [tilespmem:s18+$0xFFFFFF90]  }
0x18a: {  	v16 =	vadd.f32 v22, v16;
	v22 =	vadd.f32 v63, v62;
	v63 =	vmul.f32 v47, v5;
	v47 =	vld [tilespmem:s18+$0xFFFFFFA0]  }
0x18b: {  	v30 =	vadd.f32 v32, v30;
	v17 =	vmul.f32 v17, v3;
	v62 =	vmul.f32 v46, v4;
	v46 =	vld [tilespmem:s18+$0xFFFFFFD0]  }
0x18c: {  	v34 =	vmul.f32 v34, v5;
	v32 =	vadd.f32 v60, v59;
	v60 =	vmul.f32 v49, v2;
	v49 =	vld [tilespmem:s18+$0xFFFFFFE0]  }
0x18d: {  	v13 =	vmul.f32 v13, v8;
	v59 =	vmul.f32 v48, v6;
	v48 =	vld [tilespmem:s18+$0x0];
	v31 =	vadd.f32 v33, v31  }
0x18e: {  	v33 =	vmul.f32 v42, v9;
	v22 =	vadd.f32 v32, v22;
	v32 =	vmul.f32 v44, v8;
	v42 =	vld [tilespmem:s18+$0xFFFFFFC0]  }
0x18f: {  	v16 =	vadd.f32 v30, v16;
	v30 =	vadd.f32 v63, v62;
	v62 =	vmul.f32 v51, v7;
	v44 =	vld [tilespmem:s18+$0xFFFFFFF0]  }
0x190: {  	v63 =	vmul.f32 v53, v3;
	v53 =	vld [tilespmem:s18+$0x20];
	v20 =	vmul.f32 v20, v8;
	v22 =	vadd.f32 v22, v31  }
0x191: {  	v51 =	vld [tilespmem:s18+$0x50];
	v41 =	vmul.f32 v41, v4;
	v33 =	vadd.f32 v38, v33;
	v32 =	vadd.f32 v61, v32  }
0x192: {  	v38 =	vld [tilespmem:s18+$0xFFFFFFB0];
	v31 =	vadd.f32 v60, v59;
	v61 =	vmul.f32 v50, v9;
	v59 =	vmul.f32 v54, v4  }
0x193: {  	v60 =	vmul.f32 v55, v5;
	v54 =	vld [tilespmem:s18+$0x10];
	v18 =	vmul.f32 v18, v3;
	v34 =	vadd.f32 v34, v41  }
0x194: {  	v55 =	vld [tilespmem:s18+$0x90];
	v49 =	vmul.f32 v49, v6;
	v32 =	vadd.f32 v32, v33;
	v30 =	vadd.f32 v31, v30  }
0x195: {  	v41 =	vld [tilespmem:s18+$0x1A0];
	v31 =	vmul.f32 v52, v8;
	v33 =	vadd.f32 v62, v61;
	v61 =	vmul.f32 v56, v6  }
0x196: {  	v13 =	vadd.f32 v17, v13;
	v62 =	vmul.f32 v57, v2;
	v57 =	vmul.f32 v27, v5;
	v27 =	vld [tilespmem:s18+$0x70]  }
0x197: {  	v56 =	vperm.xlane v22, v1;
	v18 =	vadd.f32 v18, v20;
	v20 =	vld [tilespmem:s18+$0x250];
	v44 =	vmul.f32 v44, v2  }
0x198: {  	v31 =	vadd.f32 v63, v31;
	v63 =	vmul.f32 v58, v9;
	v58 =	vmul.f32 v29, v6;
	v29 =	vld [tilespmem:s18+$0x80]  }
0x199: {  	v50 =	vadd.f32 v60, v59;
	v17 =	vadd.f32 v22, v56;
	v56 =	vmul.f32 v39, v3;
	v39 =	vld [tilespmem:s18+$0x120]  }
0x19a: {  	v52 =	vadd.f32 v62, v61;
	v22 =	vadd.f32 v44, v49;
	v49 =	vld [tilespmem:s18+$0x210]  }
0x19b: {  	v26 =	vmul.f32 v26, v2;
	v12 =	vadd.f32 v12, v15;
	v31 =	vadd.f32 v31, v33;
	v33 =	vld [tilespmem:s18+$0x30]  }
0x19c: {  	v19 =	vmul.f32 v19, v7;
	v24 =	vmul.f32 v24, v4;
	v50 =	vadd.f32 v52, v50;
	v52 =	vld [tilespmem:s18+$0x40]  }
0x19d: {  	v12 =	vadd.f32 v13, v12;
	v62 =	vperm.xlane v16, v1;
	v60 =	vadd.f32 v26, v58;
	v26 =	vld [tilespmem:s18+$0xD0]  }
0x19e: {  	v19 =	vadd.f32 v19, v63;
	v63 =	vadd.f32 v30, v32;
	v30 =	vld [tilespmem:s18+$0xE0]  }
0x19f: {  	v23 =	vmul.f32 v23, v6;
	v59 =	vadd.f32 v57, v24;
	v16 =	vadd.f32 v62, v16;
	v32 =	vld [tilespmem:s18+$0x100]  }
0x1a0: {  	v62 =	vmul.f32 v35, v7;
	v35 =	vld [tilespmem:s18+$0x110];
	v27 =	vmul.f32 v27, v2;
	v19 =	vadd.f32 v21, v19  }
0x1a1: {  	v61 =	vadd.f32 v60, v59;
	v21 =	vld [tilespmem:s18+$0xC0];
	v50 =	vadd.f32 v50, v31  }
0x1a2: {  	v57 =	vperm.xlane v63, v1;
	v31 =	vld [tilespmem:s18+$0xF0];
	v23 =	vadd.f32 v27, v23  }
0x1a3: {  	v27 =	vld [tilespmem:s18+$0x220];
	v14 =	vadd.f32 v14, v19;
	v19 =	vadd.f32 v61, v12;
	v58 =	vperm.xlane v50, v1  }
0x1a4: {  	v12 =	vadd.f32 v57, v63;
	v63 =	vmul.f32 v37, v8;
	v57 =	vmul.f32 v36, v6;
	v36 =	vld [tilespmem:s18+$0x140]  }
0x1a5: {  	v38 =	vmul.f32 v38, v3;
	v61 =	vmul.f32 v28, v9;
	v13 =	vadd.f32 v50, v58;
	v50 =	vld [tilespmem:s18+$0x130]  }
0x1a6: {  	v20 =	vmul.f32 v20, v5;
	v25 =	vadd.f32 v56, v63;
	v63 =	vmul.f32 v46, v5;
	v46 =	vld [tilespmem:s18+$0x170]  }
0x1a7: {  	v29 =	vmul.f32 v29, v9;
	v24 =	vadd.f32 v62, v61;
	v61 =	vmul.f32 v47, v8;
	v47 =	vld [tilespmem:s18+$0x180]  }
0x1a8: {  	v59 =	vperm.xlane v14, v1;
	v58 =	vmul.f32 v40, v2;
	v40 =	vld [tilespmem:s18+$0x1D0]  }
0x1a9: {  	v10 =	vsel vm0, v10, v11;
	v60 =	vperm.xlane v19, v1;
	v62 =	vmul.f32 v42, v4;
	v42 =	vld [tilespmem:s18+$0x1E0]  }
0x1aa: {  	v33 =	vmul.f32 v33, v3;
	v14 =	vadd.f32 v59, v14;
	v59 =	vmul.f32 v43, v9;
	v43 =	vld [tilespmem:s18+$0x150]  }
0x1ab: {  	v26 =	vmul.f32 v26, v5;
	v15 =	vadd.f32 v19, v60;
	v60 =	vmul.f32 v45, v7;
	v45 =	vld [tilespmem:s18+$0x160]  }
0x1ac: {  	v30 =	vmul.f32 v30, v6;
	v21 =	vmul.f32 v21, v4;
	v37 =	vadd.f32 v38, v61;
	v38 =	vld [tilespmem:s18+$0x190]  }
0x1ad: {  	v31 =	vmul.f32 v31, v2;
	v19 =	vadd.f32 v58, v57;
	v24 =	vadd.f32 v25, v24;
	v25 =	vld [tilespmem:s18+$0x1B0]  }
0x1ae: {  	v56 =	vadd.f32 v63, v62;
	v57 =	vmul.f32 v48, v9;
	v58 =	vmul.f32 v54, v7;
	v62 =	vld [tilespmem:s18+$0x1F0]  }
0x1af: {  	v16 =	vsel vm0, v16, v17;
	v61 =	vmul.f32 v51, v5;
	v51 =	vmul.f32 v32, v9;
	v32 =	vld [tilespmem:s18+$0x270]  }
0x1b0: {  	v63 =	vmul.f32 v55, v7;
	v27 =	vmul.f32 v27, v8;
	v48 =	vadd.f32 v31, v30;
	v30 =	vld [tilespmem:s18+$0x260]  }
0x1b1: {  	(xrf2) =	vadd.scan.msk.f32 $0xffff, v10;
	v10 =	vsel vm0, v12, v13;
	v21 =	vadd.f32 v26, v21;
	v55 =	vmul.f32 v36, v4;
	v36 =	vld [tilespmem:s18+$0x350]  }
0x1b2: {  	v28 =	vadd.f32 v60, v59;
	v19 =	vadd.f32 v19, v34;
	v34 =	vld [tilespmem:s18+$0x1C0];
	v59 =	vmul.f32 v53, v8  }
0x1b3: {  	v22 =	vadd.f32 v22, v56;
	v60 =	vmul.f32 v52, v4;
	v53 =	vmul.f32 v39, v8;
	v39 =	vld [tilespmem:s18+$0x280]  }
0x1b4: {  	v29 =	vadd.f32 v63, v29;
	v52 =	vmul.f32 v35, v7;
	v63 =	vld [tilespmem:s18+$0x2F0];
	v14 =	vsel vm0, v14, v15  }
0x1b5: {  	v19 =	vadd.f32 v19, v24;
	v24 =	vadd.f32 v58, v57;
	v58 =	vmul.f32 v46, v2;
	v46 =	vld [tilespmem:s18+$0x2A0]  }
0x1b6: {  	v54 =	vmul.f32 v50, v3;
	v44 =	vadd.f32 v61, v60;
	v60 =	vmul.f32 v41, v8;
	v41 =	vld [tilespmem:s18+$0x2C0]  }
0x1b7: {  	v21 =	vadd.f32 v48, v21;
	v42 =	vmul.f32 v42, v6;
	v61 =	vmul.f32 v40, v5;
	v40 =	vld [tilespmem:s18+$0x2D0]  }
0x1b8: {  	v28 =	vadd.f32 v37, v28;
	v18 =	vadd.f32 v18, v29;
	v56 =	vmul.f32 v43, v5;
	v43 =	vld [tilespmem:s18+$0x290]  }
0x1b9: {  	v29 =	vadd.f32 v52, v51;
	v57 =	vmul.f32 v45, v6;
	v37 =	vmul.f32 v62, v2;
	v62 =	vld [tilespmem:s18+$0x2E0]  }
0x1ba: {  	v38 =	vmul.f32 v38, v7;
	v22 =	vadd.f32 v22, v28;
	v28 =	vadd.f32 v33, v59;
	v33 =	vld [tilespmem:s18+$0x200]  }
0x1bb: {  	v26 =	vadd.f32 v54, v53;
	v25 =	vmul.f32 v25, v3;
	v23 =	vadd.f32 v23, v44;
	v44 =	vld [tilespmem:s18+$0x240]  }
0x1bc: {  	v32 =	vmul.f32 v32, v2;
	v18 =	vadd.f32 v21, v18;
	v59 =	vmul.f32 v47, v9;
	v47 =	vld [tilespmem:s18+$0x2B0]  }
0x1bd: {  	v50 =	vperm.xlane v19, v1;
	v30 =	vmul.f32 v30, v6;
	v42 =	vadd.f32 v37, v42;
	v37 =	vld [tilespmem:s18+$0x300]  }
0x1be: {  	v34 =	vmul.f32 v34, v4;
	v21 =	vadd.f32 v58, v57;
	v26 =	vadd.f32 v26, v29;
	v29 =	vld [tilespmem:s18+$0x340]  }
0x1bf: {  	v25 =	vadd.f32 v25, v60;
	v57 =	vmul.f32 v49, v7;
	v58 =	vld [tilespmem:s18+$0x380];
	v39 =	vmul.f32 v39, v9  }
0x1c0: {  	v35 =	vmul.f32 v63, v2;
	v63 =	vld [tilespmem:s18+$0x3E0];
	v24 =	vadd.f32 v28, v24;
	v31 =	vadd.f32 v38, v59  }
0x1c1: {  	v28 =	vld [tilespmem:s18+$0x230];
	v51 =	vperm.xlane v22, v1;
	v53 =	vperm.xlane v18, v1;
	v19 =	vadd.f32 v50, v19  }
0x1c2: {  	v30 =	vadd.f32 v32, v30;
	v50 =	vld [tilespmem:s18+$0x3F0];
	v34 =	vadd.f32 v61, v34;
	v59 =	vmul.f32 v46, v8  }
0x1c3: {  	v61 =	vmul.f32 v41, v4;
	v41 =	vld [tilespmem:s18+$0x3D0];
	v23 =	vadd.f32 v23, v24;
	v24 =	vadd.f32 v56, v55  }
0x1c4: {  	v40 =	vmul.f32 v40, v5;
	v46 =	vld [tilespmem:s18+$0x490];
	v25 =	vadd.f32 v25, v31;
	v22 =	vadd.f32 v22, v51  }
0x1c5: {  	v31 =	vld [tilespmem:s18+$0x320];
	v38 =	vadd.f32 v18, v53;
	v43 =	vmul.f32 v43, v7;
	v62 =	vmul.f32 v62, v6  }
0x1c6: {  	v48 =	vadd.f32 v42, v34;
	v56 =	vmul.f32 v33, v9;
	v34 =	vld [tilespmem:s18+$0x370];
	v44 =	vmul.f32 v44, v4  }
0x1c7: {  	v33 =	vld [tilespmem:s18+$0x390];
	v60 =	vmul.f32 v47, v3;
	v51 =	vadd.f32 v40, v61;
	v21 =	vadd.f32 v21, v24  }
0x1c8: {  	v47 =	vld [tilespmem:s18+$0x3C0];
	v52 =	vperm.xlane v23, v1;
	v49 =	vadd.f32 v43, v39;
	v53 =	vmul.f32 v37, v9  }
0x1c9: {  	v40 =	vld [tilespmem:s18+$0x450];
	v58 =	vmul.f32 v58, v9;
	v25 =	vadd.f32 v48, v25;
	v28 =	vmul.f32 v28, v3  }
0x1ca: {  	v42 =	vld [tilespmem:s18+$0x460];
	v20 =	vadd.f32 v20, v44;
	v32 =	vadd.f32 v60, v59;
	v39 =	vmul.f32 v50, v2  }
0x1cb: {  	v24 =	vld [tilespmem:s18+$0x310];
	v50 =	vsel vm0, v19, v22;
	v21 =	vadd.f32 v21, v26;
	v23 =	vadd.f32 v52, v23  }
0x1cc: {  	v37 =	vld [tilespmem:s18+$0x440];
	v52 =	vadd.f32 v35, v62;
	v41 =	vmul.f32 v41, v5;
	v62 =	vmul.f32 v63, v6  }
0x1cd: {  	v48 =	vld [tilespmem:s18+$0x360];
	v55 =	vperm.xlane v25, v1;
	v27 =	vadd.f32 v28, v27;
	v20 =	vadd.f32 v30, v20  }
0x1ce: {  	v44 =	vld [tilespmem:s18+$0x3B0];
	v11 =	vadd.f32 v32, v49;
	v54 =	vperm.xlane v21, v1;
	v34 =	vmul.f32 v34, v2  }
0x1cf: {  	v43 =	vld [tilespmem:s18+$0x470];
	v17 =	vadd.f32 v52, v51;
	v33 =	vmul.f32 v33, v7;
	v61 =	vmul.f32 v47, v4  }
0x1d0: {  	v26 =	vld [tilespmem:s18+$0x330];
	v25 =	vadd.f32 v25, v55;
	v24 =	vmul.f32 v24, v7;
	v55 =	vmul.f32 v29, v4  }
0x1d1: {  	v28 =	vld [tilespmem:s18+$0x3A0];
	v18 =	vadd.f32 v54, v21;
	v21 =	vadd.f32 v57, v56;
	v54 =	vmul.f32 v31, v8  }
0x1d2: {  	v30 =	vld [tilespmem:s18+$0x400];
	v56 =	vmul.f32 v36, v5;
	v11 =	vadd.f32 v17, v11;
	v57 =	vmul.f32 v48, v6  }
0x1d3: {  	v63 =	vld [tilespmem:s18+$0x480];
	v60 =	vmul.f32 v44, v3;
	v33 =	vadd.f32 v33, v58;
	v47 =	vadd.f32 v41, v61  }
0x1d4: {  	(xrf2) =	vadd.scan.msk.f32 $0xffff, v16;
	v35 =	vld [tilespmem:s18+$0x410];
	v48 =	vadd.f32 v39, v62;
	v62 =	vmul.f32 v40, v5;
	v40, _, _ =	vpop (xrf2);
	v24 =	vadd.f32 v24, v53  }
0x1d5: {  	v49 =	vld [tilespmem:s18+$0x4A0];
	v26 =	vmul.f32 v26, v3;
	(v2sf) =	vpush v40, $0x7;
	v21 =	vadd.f32 v27, v21  }
0x1d6: {  	v31 =	vld [tilespmem:s18+$0x420];
	v59 =	vmul.f32 v28, v8;
	v17 =	vadd.f32 v34, v57;
	v53 =	vadd.f32 v48, v47  }
0x1d7: {  	v36 =	vld [tilespmem:s18+$0x430];
	v44 =	vperm.xlane v11, v1;
	v26 =	vadd.f32 v26, v54;
	v54 =	vmul.f32 v30, v9  }
0x1d8: {  	v52 =	vld [tilespmem:s18+$0x4B0];
	v9 =	vmul.f32 v63, v9;
	v20 =	vadd.f32 v20, v21;
	v21 =	vadd.f32 v56, v55  }
0x1d9: {  	v58 =	vld [tilespmem:s18+$0x4D0];
	v45 =	vadd.f32 v60, v59;
	v56 =	vmul.f32 v35, v7;
	v60 =	vmul.f32 v37, v4  }
0x1da: {  	v61 =	vld [tilespmem:s18+$0x4E0];
	(v2sf) =	vpush v40, $0xF;
	v37 =	vmul.f32 v43, v2;
	v7 =	vmul.f32 v46, v7  }
0x1db: {  	v63 =	vld [tilespmem:s18+$0x4F0];
	v47 =	vadd.f32 v11, v44;
	v51 =	vadd.f32 v26, v24;
	v57 =	vmul.f32 v31, v8  }
0x1dc: {  	v55 =	vld [tilespmem:s18+$0x4C0];
	v59 =	vmul.f32 v36, v3;
	v36 =	vmul.f32 v42, v6;
	v17 =	vadd.f32 v17, v21  }
0x1dd: {  	v8 =	vmul.f32 v49, v8;
	v12 =	vadd.f32 v45, v33;
	v15 =	vadd.f32 v56, v54  }
0x1de: {  	v3 =	vmul.f32 v52, v3;
	v42, _, _ =	vpop (xrf2);
	v19 =	vadd.f32 v62, v60;
	v7 =	vadd.f32 v7, v9  }
0x1df: {  	(xrf2) =	vadd.scan.msk.f32 $0xffff, v10;
	v5 =	vmul.f32 v58, v5;
	(v2sf) =	vpush v42, $0x7;
	v13 =	vadd.f32 v59, v57  }
0x1e0: {  	v6 =	vmul.f32 v61, v6;
	v39 =	vadd.f32 v37, v36;
	v3 =	vadd.f32 v3, v8  }
0x1e1: {  	(v2sf) =	vpush v42, $0xF;
	v2 =	vmul.f32 v63, v2;
	v4 =	vmul.f32 v55, v4  }
0x1e2: {  	(xrf2) =	vadd.scan.msk.f32 $0xffff, v14;
	v17 =	vadd.f32 v17, v51;
	v12 =	vadd.f32 v53, v12  }
0x1e3: {  	v2 =	vadd.f32 v2, v6;
	v4 =	vadd.f32 v5, v4  }
0x1e4: {  	(xrf2) =	vadd.scan.msk.f32 $0xffff, v50;
	v43 =	vperm.xlane v20, v1;
	v13 =	vadd.f32 v13, v15;
	v10 =	vadd.f32 v39, v19  }
0x1e5: {  	v41 =	vsel vm0, v23, v38;
	v3 =	vadd.f32 v3, v7;
	v2 =	vadd.f32 v2, v4  }
0x1e6: {  	(xrf2) =	vadd.scan.msk.f32 $0xffff, v41;
	v46 =	vadd.f32 v43, v20;
	v48 =	vperm.xlane v17, v1;
	v49 =	vperm.xlane v12, v1  }
0x1e7: {  	v45 =	vsel vm0, v18, v25;
	v10 =	vadd.f32 v10, v13;
	v2 =	vadd.f32 v2, v3  }
0x1e8: {  	(xrf2) =	vadd.scan.msk.f32 $0xffff, v45;
	v50 =	vadd.f32 v48, v17;
	v52 =	vadd.f32 v12, v49  }
0x1e9: {  	v51, _, _ =	vpop (xrf2);
	v53 =	vperm.xlane v10, v1;
	v3 =	vsel vm0, v46, v47;
	v54 =	vperm.xlane v2, v1  }
0x1ea: {  	(v2sf) =	vpush v51, $0x7;
	(xrf2) =	vadd.scan.msk.f32 $0xffff, v3  }
0x1eb: {  	v55 =	vadd.f32 v53, v10;
	v3 =	vsel vm0, v50, v52;
	v2 =	vadd.f32 v2, v54  }
0x1ec: {  	v56, _, _ =	vpop (xrf2);
	(v2sf) =	vpush v51, $0xF;
	(xrf2) =	vadd.scan.msk.f32 $0xffff, v3  }
0x1ed: {  	(v2sf) =	vpush v56, $0x7;
	v2 =	vsel vm0, v55, v2  }
0x1ee: {  	(v2sf) =	vpush v56, $0xF;
	v3, _, _ =	vpop (xrf2)  }
0x1ef: {  	(v2sf) =	vpush v3, $0x7;
	(xrf2) =	vadd.scan.msk.f32 $0xffff, v2  }
0x1f0: {  	(v2sf) =	vpush v3, $0xF;
	v2, _, _ =	vpop (xrf2)  }
0x1f1: {  	(v2sf) =	vpush v2, $0x7  }
0x1f2: {  	v57, _, _ =	vpop (xrf2);
	(v2sf) =	vpush v2, $0xF  }
0x1f3: {  	(v2sf) =	vpush v57, $0x7  }
0x1f4: {  	v58, _, _ =	vpop (xrf2);
	(v2sf) =	vpush v57, $0xF  }
0x1f5: {  	(v2sf) =	vpush v58, $0x7  }
0x1f6: {  	s7 =	spop (v2sf);
	v59, _, _ =	vpop (xrf2);
	(v2sf) =	vpush v58, $0xF  }
0x1f7: {  	s8 =	spop (v2sf);
	(v2sf) =	vpush v59, $0x7  }
0x1f8: {  	s9 =	spop (v2sf);
	(v2sf) =	vpush v59, $0xF  }
0x1f9: {  	s10 =	spop (v2sf);
	v60, _, _ =	vpop (xrf2)  }
0x1fa: {  	s13 =	spop (v2sf);
	(v2sf) =	vpush v60, $0x7  }
0x1fb: {  	v9 =	vbroadcast v40, $0x7;
	s7 =	ssub.f32 s8, s7;
	s14 =	spop (v2sf);
	(v2sf) =	vpush v60, $0xF  }
0x1fc: {  	vm9 =	veq.s32 v0, $0x1;
	v5 =	vbroadcast v42, $0x7;
	s8 =	spop (v2sf)  }
0x1fd: {  	v9 =	vsel vm9, s7, v9;
	s9 =	ssub.f32 s10, s9;
	s7 =	spop (v2sf)  }
0x1fe: {  	vm10 =	veq.s32 v0, $0x3;
	v6 =	vbroadcast v51, $0x7;
	v5 =	vsel vm1, v5, v9;
	s10 =	spop (v2sf)  }
0x1ff: {  	v5 =	vsel vm10, s9, v5;
	s13 =	ssub.f32 s14, s13;
	s9 =	spop (v2sf)  }
0x200: {  	vm11 =	veq.s32 v0, $0x5;
	v61 =	vbroadcast v56, $0x7;
	v5 =	vsel vm2, v6, v5;
	s14 =	spop (v2sf)  }
0x201: {  	v5 =	vsel vm11, s13, v5;
	s7 =	ssub.f32 s7, s8;
	s21 =	spop (v2sf)  }
0x202: {  	v3 =	vbroadcast v3, $0x7;
	vm11 =	veq.s32 v0, $0x7;
	v5 =	vsel vm3, v61, v5;
	s8 =	spop (v2sf)  }
0x203: {  	v5 =	vsel vm11, s7, v5;
	s9 =	ssub.f32 s9, s10;
	s7 =	spop (v2sf)  }
0x204: {  	v2 =	vbroadcast v2, $0x7;
	vm11 =	veq.s32 v0, $0x9;
	v3 =	vsel vm4, v3, v5;
	s10 =	spop (v2sf)  }
0x205: {  	v3 =	vsel vm11, s9, v3;
	s13 =	ssub.f32 s21, s14;
	s9 =	spop (v2sf)  }
0x206: {  	vm11 =	veq.s32 v0, $0xB;
	v2 =	vsel vm5, v2, v3;
	s21 =	spop (v2sf)  }
0x207: {  	v3 =	vbroadcast v57, $0x7;
	v2 =	vsel vm11, s13, v2;
	s7 =	ssub.f32 s7, s8;
	s13 =	spop (v2sf)  }
0x208: {  	v62 =	vbroadcast v59, $0x7;
	s8 =	ssub.f32 s13, s21  }
0x209: {  	p0 =	sne.s32 s20, $0x24C;
	vm11 =	veq.s32 v0, $0xD;
	v2 =	vsel vm6, v3, v2;
	v3 =	vbroadcast v58, $0x7;
	s14 =	spop (v2sf);
	s21 =	ssub.f32 s9, s10  }
.Ltmp1:
0x20a: {  	v4 =	vnsel vm8, $0x0, v62;
	v63 =	vbroadcast v60, $0x7;
	v2 =	vsel vm11, s7, v2;
	s10 =	spop (v2sf);
	(pc) =	sbr.rel @p0 .LBB2_5-.Ltmp1, $4  }
0x20b: {  	v2 =	vsel vm7, v3, v2;
	v4 =	vsel vm9, s8, v4;
	s14 =	ssub.f32 s10, s14;
	vm9 =	veq.s32 v0, $0xF  }
0x20c: {  	v2 =	vsel vm9, s21, v2;
	v3 =	vsel vm1, v63, v4;
	s21 =	sshra.s32 s20, $0x2  }
0x20d: {  	v3 =	vsel vm10, s14, v3;
	[tilespmem:s21+$0xED28] =	vst v2  }
0x20e: {  	s0 =	sadd.s32 $0x80, s0;
	s18 =	sadd.s32 $0xA00, s18;
	s20 =	sadd.s32 $0x54, s20;
	[tilespmem:s21+$0xED38] =	vst v3  }
0x20f: {  	v2 =	vmul.u32 $0x15, v0;
	_ =	sdelay $0x1  }
0x210: {  	v3 =	vadd.s32 $0x1, v2  }
0x211: {  	v4 =	vadd.s32 $0x2, v2  }
0x212: {  	v5 =	vadd.s32 $0x3, v2  }
0x213: {  	v6 =	vadd.s32 $0x4, v2  }
0x214: {  	v7 =	vadd.s32 $0x5, v2;
	v21 =	vld.idx.msk [tilespmem:v2+s30+$0x0], $0xffff  }
0x215: {  	v20 =	vld.idx.msk [tilespmem:v3+s30+$0x0], $0xffff;
	v3 =	vadd.s32 $0x6, v2  }
0x216: {  	v39 =	vadd.s32 $0x7, v2;
	v19 =	vld.idx.msk [tilespmem:v4+s30+$0x0], $0xffff  }
0x217: {  	v40 =	vadd.s32 $0x8, v2;
	v18 =	vld.idx.msk [tilespmem:v5+s30+$0x0], $0xffff  }
0x218: {  	v41 =	vadd.s32 $0x9, v2;
	v16 =	vld.idx.msk [tilespmem:v6+s30+$0x0], $0xffff  }
0x219: {  	v42 =	vadd.s32 $0xA, v2;
	v14 =	vld.idx.msk [tilespmem:v7+s30+$0x0], $0xffff;
	v8 =	vmul.f32 $1.442695020e+00, v21  }
0x21a: {  	v9 =	vadd.s32 $0xB, v2;
	v13 =	vld.idx.msk [tilespmem:v3+s30+$0x0], $0xffff;
	v10 =	vmul.f32 $1.442695020e+00, v20  }
0x21b: {  	v11 =	vadd.s32 $0xC, v2;
	v3 =	vld.idx.msk [tilespmem:v39+s30+$0x0], $0xffff;
	v43 =	vmul.f32 $1.442695020e+00, v19;
	(erf) = vpow2.f32 v8  }
0x21c: {  	v12 =	vadd.s32 $0xD, v2;
	v4 =	vld.idx.msk [tilespmem:v40+s30+$0x0], $0xffff;
	v44 =	vmul.f32 $1.442695020e+00, v18;
	(erf) = vpow2.f32 v10  }
0x21d: {  	v15 =	vadd.s32 $0xE, v2;
	v5 =	vld.idx.msk [tilespmem:v41+s30+$0x0], $0xffff;
	v45 =	vmul.f32 $1.442695020e+00, v16;
	(erf) = vpow2.f32 v43  }
0x21e: {  	v17 =	vadd.s32 $0xF, v2;
	v6 =	vld.idx.msk [tilespmem:v42+s30+$0x0], $0xffff;
	v46 =	vmul.f32 $1.442695020e+00, v14;
	(erf) = vpow2.f32 v44  }
0x21f: {  	v22 =	vadd.s32 $0x10, v2;
	v7 =	vld.idx.msk [tilespmem:v9+s30+$0x0], $0xffff;
	(erf) = vpow2.f32 v45;
	v23 =	vmul.f32 $1.442695020e+00, v13  }
0x220: {  	v24 =	vadd.s32 $0x11, v2;
	v8 =	vld.idx.msk [tilespmem:v11+s30+$0x0], $0xffff;
	v47 =	vmul.f32 $1.442695020e+00, v3;
	(erf) = vpow2.f32 v46  }
0x221: {  	v25 =	vadd.s32 $0x12, v2;
	v9 =	vld.idx.msk [tilespmem:v12+s30+$0x0], $0xffff;
	v48 =	vmul.f32 $1.442695020e+00, v4;
	(erf) = vpow2.f32 v23  }
0x222: {  	v49 =	vadd.s32 $0x13, v2;
	v50 =	vmul.f32 $1.442695020e+00, v5;
	v10 =	vld.idx.msk [tilespmem:v15+s30+$0x0], $0xffff;
	(erf) = vpow2.f32 v47  }
0x223: {  	v51 =	vmul.f32 $1.442695020e+00, v6;
	v11 =	vld.idx.msk [tilespmem:v17+s30+$0x0], $0xffff;
	(erf) = vpow2.f32 v48  }
0x224: {  	v2 =	vld.idx.msk [tilespmem:v22+s30+$0x0], $0xffff;
	v26 =	vmul.f32 $1.442695020e+00, v7;
	v52 =	vpop (erf);
	(erf) = vpow2.f32 v50  }
0x225: {  	v12 =	vld.idx.msk [tilespmem:v24+s30+$0x0], $0xffff;
	v27 =	vmul.f32 $1.442695020e+00, v8;
	v53 =	vpop (erf);
	(erf) = vpow2.f32 v51  }
0x226: {  	v55 =	vmul.f32 $1.442695020e+00, v9;
	v15 =	vld.idx.msk [tilespmem:v25+s30+$0x0], $0xffff;
	v54 =	vpop (erf);
	(erf) = vpow2.f32 v26  }
0x227: {  	v17 =	vld.idx.msk [tilespmem:v49+s30+$0x0], $0xffff;
	v57 =	vmul.f32 $1.442695020e+00, v10;
	v56 =	vpop (erf);
	(erf) = vpow2.f32 v27  }
0x228: {  	v58 =	vmul.f32 $1.442695020e+00, v11;
	v28 =	vpop (erf);
	(erf) = vpow2.f32 v55  }
0x229: {  	v59 =	vmul.f32 $1.442695020e+00, v2;
	v29 =	vpop (erf);
	(erf) = vpow2.f32 v57  }
0x22a: {  	v60 =	vmul.f32 $1.442695020e+00, v12;
	v30 =	vpop (erf);
	(erf) = vpow2.f32 v58  }
0x22b: {  	v61 =	vmul.f32 $1.442695020e+00, v15;
	v31 =	vpop (erf);
	(erf) = vpow2.f32 v59  }
0x22c: {  	v62 =	vmul.f32 $1.442695020e+00, v17;
	v32 =	vpop (erf);
	(erf) = vpow2.f32 v60  }
0x22d: {  	v33 =	vpop (erf);
	(erf) = vpow2.f32 v61  }
0x22e: {  	v63 =	vpop (erf);
	(erf) = vpow2.f32 v62  }
0x22f: {  	v40 =	vpop (erf)  }
0x230: {  	v34 =	vpop (erf)  }
0x231: {  	v22 =	vadd.f32 v53, v52;
	v23 =	vadd.f32 v56, v54;
	v35 =	vpop (erf)  }
0x232: {  	v42 =	vadd.f32 v29, v28;
	v43 =	vadd.f32 v31, v30;
	v36 =	vpop (erf)  }
0x233: {  	v45 =	vadd.f32 v33, v32;
	v26 =	vadd.f32 v40, v63;
	v41 =	vpop (erf)  }
0x234: {  	v47 =	vadd.f32 v35, v34;
	v44 =	vpop (erf);
	v24 =	vadd.f32 v41, v36  }
0x235: {  	v22 =	vadd.f32 v23, v22;
	v49 =	vadd.f32 v43, v42;
	v46 =	vpop (erf)  }
0x236: {  	v26 =	vadd.f32 v26, v45;
	v48 =	vpop (erf);
	v24 =	vadd.f32 v24, v47  }
0x237: {  	v22 =	vadd.f32 v49, v22;
	v27 =	vadd.f32 v46, v44;
	v50 =	vpop (erf)  }
0x238: {  	v25 =	vadd.f32 v50, v48;
	v51 =	vadd.f32 v24, v26;
	_ =	sdelay $0x1  }
0x239: {  	v52 =	vadd.f32 v25, v27;
	v22 =	vadd.f32 v51, v22;
	_ =	sdelay $0x1  }
0x23a: {  	v22 =	vadd.f32 v52, v22;
	_ =	sdelay $0x1  }
0x23b: {  	v53 =	vand.u32 $0x7FFFFF, v22  }
0x23c: {  	v23 =	vor.u32 $0x3F800000, v53  }
0x23d: {  	v54 =	vadd.f32 $1.000000000e+00, v23;
	_ =	sdelay $0x1  }
0x23e: {  	(erf) = vrcp.f32 v54;
	_ =	sdelay $0x7  }
0x23f: {  	v23 =	vadd.f32 $-1.000000000e+00, v23  }
0x240: {  	v24 =	vpop (erf)  }
0x241: {  	v23 =	vmul.f32 v24, v23;
	_ =	sdelay $0x1  }
0x242: {  	v24 =	vmul.f32 v23, v23;
	_ =	sdelay $0x1  }
0x243: {  	v55 =	vmul.f32 $1.428571490e-01, v24;
	_ =	sdelay $0x1  }
0x244: {  	v25 =	vadd.f32 $2.000000030e-01, v55;
	_ =	sdelay $0x1  }
0x245: {  	v25 =	vmul.f32 v25, v24;
	_ =	sdelay $0x1  }
0x246: {  	v25 =	vadd.f32 $3.333333430e-01, v25  }
0x247: {  	s0 =	sshll.u32 s17, $0x4  }
0x248: {  	v56 =	vmov s0;
	v22 =	vshra.s32 v22, $0x17;
	v24 =	vmul.f32 v25, v24  }
0x249: {  	v22 =	vadd.s32 $0xFFFFFF81, v22;
	v25 =	vmul.u32 $0x14, v56  }
0x24a: {  	v22 =	vcvt.s32.f32 v22;
	v23 =	vadd.f32 v23, v23;
	v24 =	vadd.f32 $1.000000000e+00, v24  }
0x24b: {  	v26 =	vmul.u32 $0x14, v0;
	v25 =	vbroadcast v25, $0x0  }
0x24c: {  	v22 =	vmul.f32 $6.931471820e-01, v22;
	v23 =	vmul.f32 v24, v23  }
0x24d: {  	v58 =	vor.u32 $0x1, v26;
	v57 =	vadd.s32 v26, v25  }
0x24e: {  	v60 =	vor.u32 $0x2, v26;
	v59 =	vadd.s32 v58, v25;
	v22 =	vadd.f32 v23, v22  }
0x24f: {  	v61 =	vor.u32 $0x3, v26;
	v27 =	vadd.s32 v60, v25  }
0x250: {  	v62 =	vadd.s32 $0x4, v26;
	v28 =	vadd.s32 v61, v25;
	v21 =	vsub.f32 v21, v22  }
0x251: {  	v63 =	vadd.s32 $0x5, v26;
	v29 =	vadd.s32 v62, v25;
	v20 =	vsub.f32 v20, v22  }
0x252: {  	v33 =	vadd.s32 $0x6, v26;
	v32 =	vadd.s32 v63, v25;
	v19 =	vsub.f32 v19, v22;
	[tilespmem:v57+s31+$0x0] =	vst.idx.msk $0xffff, v21  }
0x253: {  	v35 =	vadd.s32 $0x7, v26;
	v34 =	vadd.s32 v33, v25;
	v18 =	vsub.f32 v18, v22;
	[tilespmem:v59+s31+$0x0] =	vst.idx.msk $0xffff, v20  }
0x254: {  	v37 =	vadd.s32 $0x8, v26;
	v36 =	vadd.s32 v35, v25;
	v16 =	vsub.f32 v16, v22;
	[tilespmem:v27+s31+$0x0] =	vst.idx.msk $0xffff, v19  }
0x255: {  	v39 =	vadd.s32 $0x9, v26;
	v38 =	vadd.s32 v37, v25;
	v14 =	vsub.f32 v14, v22;
	[tilespmem:v28+s31+$0x0] =	vst.idx.msk $0xffff, v18  }
0x256: {  	v41 =	vadd.s32 $0xA, v26;
	v40 =	vadd.s32 v39, v25;
	v13 =	vsub.f32 v13, v22;
	[tilespmem:v29+s31+$0x0] =	vst.idx.msk $0xffff, v16  }
0x257: {  	v43 =	vadd.s32 $0xB, v26;
	v42 =	vadd.s32 v41, v25;
	v3 =	vsub.f32 v3, v22;
	[tilespmem:v32+s31+$0x0] =	vst.idx.msk $0xffff, v14  }
0x258: {  	v45 =	vadd.s32 $0xC, v26;
	v44 =	vadd.s32 v43, v25;
	v4 =	vsub.f32 v4, v22;
	[tilespmem:v34+s31+$0x0] =	vst.idx.msk $0xffff, v13  }
0x259: {  	v47 =	vadd.s32 $0xD, v26;
	v46 =	vadd.s32 v45, v25;
	[tilespmem:v36+s31+$0x0] =	vst.idx.msk $0xffff, v3;
	v3 =	vsub.f32 v5, v22  }
0x25a: {  	v50 =	vadd.s32 $0xE, v26;
	v49 =	vadd.s32 v47, v25;
	v48 =	vsub.f32 v6, v22;
	[tilespmem:v38+s31+$0x0] =	vst.idx.msk $0xffff, v4  }
0x25b: {  	v52 =	vadd.s32 $0xF, v26;
	v51 =	vadd.s32 v50, v25;
	[tilespmem:v40+s31+$0x0] =	vst.idx.msk $0xffff, v3;
	v3 =	vsub.f32 v7, v22  }
0x25c: {  	v55 =	vadd.s32 $0x10, v26;
	v54 =	vadd.s32 v52, v25;
	v53 =	vsub.f32 v8, v22;
	[tilespmem:v42+s31+$0x0] =	vst.idx.msk $0xffff, v48  }
0x25d: {  	v56 =	vadd.s32 v55, v25;
	v57 =	vadd.s32 $0x11, v26;
	[tilespmem:v44+s31+$0x0] =	vst.idx.msk $0xffff, v3;
	v3 =	vsub.f32 v9, v22  }
0x25e: {  	v60 =	vadd.s32 $0x12, v26;
	v58 =	vsub.f32 v10, v22;
	v59 =	vadd.s32 v57, v25;
	[tilespmem:v46+s31+$0x0] =	vst.idx.msk $0xffff, v53  }
0x25f: {  	s17 =	sadd.s32 $0x1, s17;
	v62 =	vadd.s32 $0x13, v26;
	v61 =	vadd.s32 v60, v25;
	[tilespmem:v49+s31+$0x0] =	vst.idx.msk $0xffff, v3;
	v3 =	vsub.f32 v11, v22  }
0x260: {  	p0 =	sne.s32 s17, $0x8;
	v63 =	vadd.s32 v62, v25;
	v2 =	vsub.f32 v2, v22;
	[tilespmem:v51+s31+$0x0] =	vst.idx.msk $0xffff, v58  }
.Ltmp2:
0x261: {  	[tilespmem:v54+s31+$0x0] =	vst.idx.msk $0xffff, v3;
	v3 =	vsub.f32 v12, v22;
	(pc) =	sbr.rel @p0 .LBB2_2-.Ltmp2, $4  }
0x262: {  	[tilespmem:v56+s31+$0x0] =	vst.idx.msk $0xffff, v2;
	v2 =	vsub.f32 v15, v22  }
0x263: {  	[tilespmem:v59+s31+$0x0] =	vst.idx.msk $0xffff, v3;
	v3 =	vsub.f32 v17, v22  }
0x264: {  	[tilespmem:v61+s31+$0x0] =	vst.idx.msk $0xffff, v2  }
0x265: {  	s6 =	sadd.s32 $0x800, s6;
	s2 =	sadd.s32 $0x800, s2;
	[tilespmem:v63+s31+$0x0] =	vst.idx.msk $0xffff, v3  }
0x266: {  	s0 =	rddreg [dreg:$0xb]  }
0x267: {  	[hbm4b:s0+s5] =	stream.linear.scatter [tilespmem:s31], [sflag:$0x6], $0xA00, $0x38;
	[tilespmem:$0xEE00] =	vst v63  }
0x268: {  	_ =	swait.ge [sflag:s15], $0xA00  }
0x269: {  	s3 =	sadd.s32 $0x1, s3;
	s21 =	rddreg [dreg:$0xc]  }
0x26a: {  	p0 =	sne.s32 s3, s21  }
.Ltmp3:
0x26b: {  	_ = 	snop;
	(pc) =	sbr.rel @p0 .LBB2_1-.Ltmp3, $3  }
0x26c: {  	_ =	sdelay $0x1  }
0x26d: {  	[sflag:s15] =	ssyncset.done $0x0  }
0x26e: {  	[sflag:s15] =	ssyncadd.s32 $0xFFFFF600  }
0x26f: {  	_ =	sfence.sel $0x180000  }
0x270: {  	[bflag:$0x0] =	sbarrier.arrive $0xFFFF  }
0x271: {  	_ =	strace $0x90000047  }
0x272: {  	s0 =	stileid.u32;
	[bflag:$0x2] =	sbarrier.arrive $0xFFFF  }
0x273: {  	p0 =	sne.s32 s0, $0x0;
	s0 =	rddreg [dreg:$0x5]  }
0x274: {  	s0 =	sadd.s32 @!p0 $0x100000, s0  }
0x275: {  	[sflag:s0] =	ssyncadd.tile.s32 @!p0 $0x1;
	_ =	shalt  }
.Lfunc_end2:
_tile_overlayer_lowered:
.L_overlay_start_2:
0x276: {  	(tag) =	ssettag $0x2  }
0x277: {  	s0 =	rddreg [dreg:$0x0];
	s2 =	stileid.u32  }
0x278: {  	s1 =	rddreg [dreg:$0x1];
	p0 =	sne.s32 s2, $0x0  }
0x279: {  	s3 =	rddreg [dreg:$0x2];
	[bflag:$0x3] =	sbarrier.arrive $0xFFFF;
	s2 =	simm.s32 @!p0 $0x1C06  }
0x27a: {  	[timem:s3], [sflag:s2] =	dma.local @!p0 [hbm:s0], s1  }
0x27b: {  	s0 =	simm.s32 @!p0 $0x6  }
0x27c: {  	_ =	swait.ge @!p0 [sflag:s0], s1  }
0x27d: {  	s1 =	ssub.s32 @!p0 $0x0, s1;
	[sflag:s0] =	ssyncset.done @!p0 $0x0  }
0x27e: {  	[sflag:s0] =	ssyncadd.s32 @!p0 s1  }
0x27f: {  	[bflag:$0x3] =	sbarrier.arrive $0xFFFF  }
0x280: {  	_ =	shalt  }

</sc_bundles>
